<compile_context>
chip_gen: v7x
topology: tpu7x:2x2x1
jax: 0.10.2.dev20260603
libtpu: 0.0.44.dev20260713+nightly
codegen_flags: <defaults>
</compile_context>

<pallas_src>
import functools

import jax
import jax.numpy as jnp
from jax import lax
from jax.experimental import pallas as pl
from jax.experimental.pallas import tpu as pltpu
from jax.experimental.pallas import tpu_sc as plsc

B, S = 4096, 50
D = 300
DT = 38
BT = 32

NC, NS = 2, 16
NW = NC * NS
CB = 64

_mesh = plsc.VectorSubcoreMesh(core_axis_name="c", subcore_axis_name="s")


@functools.partial(
    pl.kernel,
    mesh=_mesh,
    out_type=jax.ShapeDtypeStruct((S * DT * BT * 8, 128), jnp.float32),
    scratch_types=[
        pltpu.VMEM((S, 128), jnp.int32),
        pltpu.VMEM((CB, D), jnp.float32),
        pltpu.VMEM((CB, D), jnp.float32),
        pltpu.VMEM((DT * 8, 128), jnp.float32),
        pltpu.SemaphoreType.DMA,
        pltpu.SemaphoreType.DMA,
        pltpu.SemaphoreType.DMA,
    ],
    compiler_params=pltpu.CompilerParams(needs_layout_passes=False),
)
def _emb_gather(idx_hbm, table_hbm, out_hbm, idx_v, bufa, bufb, tbuf,
                gsem0, gsem1, wsem):
    w = lax.axis_index("s") * NC + lax.axis_index("c")
    pltpu.sync_copy(idx_hbm.at[pl.ds(0, S), pl.ds(w * 128, 128)], idx_v)

    bufs = (bufa, bufb)
    gsems = (gsem0, gsem1)
    iota = jax.lax.iota(jnp.int32, 16)
    bio = [iota + 16 * g for g in range(CB // 16)]
    diag = [lax.bitwise_and(iota + k, 15) for k in range(16)]

    def fire_gathers(s, h, buf, gsem):
        def grp_body(g, carry):
            v = idx_v[s, pl.ds(h * CB + g * 16, 16)]
            for j in range(16):
                i = v[j]
                pltpu.async_copy(table_hbm.at[pl.ds(i, 1)],
                                 buf.at[pl.ds(g * 16 + j, 1)], gsem)
            return carry
        lax.fori_loop(0, CB // 16, grp_body, 0)

    def drain_gathers(buf, gsem):
        pltpu.make_async_copy(table_hbm.at[pl.ds(0, CB)], buf, gsem).wait()

    def transpose(buf, h):
        lanes = [bio[g] + h * CB for g in range(CB // 16)]

        def d0_body(dblk, carry):
            d0 = dblk * 16
            for g in range(CB // 16):
                for k in range(16):
                    dcol = d0 + diag[k]
                    col = plsc.load_gather(buf, [bio[g], dcol])
                    plsc.store_scatter(tbuf, [dcol, lanes[g]], col)
            return carry
        lax.fori_loop(0, (DT * 8) // 16, d0_body, 0)

    def fire_write(s):
        base = s * (DT * BT * 8) + w * 8
        for dt in range(DT):
            pltpu.async_copy(tbuf.at[pl.ds(dt * 8, 8)],
                             out_hbm.at[pl.ds(base + dt * BT * 8, 8)], wsem)

    def drain_write():
        pltpu.make_async_copy(tbuf, out_hbm.at[pl.ds(0, DT * 8)], wsem).wait()

    fire_gathers(0, 0, bufa, gsem0)
    fire_gathers(0, 1, bufb, gsem1)

    def main_body(s, carry):
        drain_gathers(bufa, gsem0)

        @pl.when(s >= 1)
        def _():
            drain_write()
        transpose(bufa, 0)

        @pl.when(s <= S - 2)
        def _():
            fire_gathers(s + 1, 0, bufa, gsem0)
        drain_gathers(bufb, gsem1)
        transpose(bufb, 1)
        fire_write(s)

        @pl.when(s <= S - 2)
        def _():
            fire_gathers(s + 1, 1, bufb, gsem1)
        return carry

    lax.fori_loop(0, S, main_body, 0)
    drain_write()


def kernel(input, table):
    idx_t = input.astype(jnp.int32).T
    z2 = _emb_gather(idx_t, table)
    z5 = z2.reshape(S, DT, BT, 8, 128)
    t = jnp.transpose(z5, (2, 4, 0, 1, 3))
    return t.reshape(B, S, DT * 8)[:, :, :D]

# --- scband reference (transcript-rebuilt; emitter-appended) ---
"""Pipeline reference for scband-emb-14705968022343 (READ-ONLY COPY).

The authoritative reference and input builder live on the scoring server;
editing this copy changes nothing except your own understanding.
"""

import jax, jax.numpy as jnp
import numpy as np

INPUT_SIZE = 55585
HIDDEN_SIZE = 300
PADDING_IDX = INPUT_SIZE - 1


def setup_inputs(seed: int = 0) -> dict:
    key = jax.random.key(seed)
    k_idx, k_tab = jax.random.split(key)
    indices = jax.random.randint(k_idx, (4096, 50), 0, INPUT_SIZE, dtype=jnp.int64)
    # Embedding table; nn.Embedding zero-initializes the padding_idx row.
    table = jax.random.normal(k_tab, (INPUT_SIZE, HIDDEN_SIZE), dtype=jnp.float32)
    table = table.at[PADDING_IDX].set(0.0)
    return {"input": indices, "table": table}


def reference(input, table):
    # Faithful translation of nn.Embedding forward: a row gather from the table.
    # padding_idx only affects init (zero row) and backward (zero grad for that row);
    # the forward pass is a plain gather.
    return jnp.take(table, input, axis=0)

if __name__ == "__main__":
    import jax
    _d = setup_inputs()
    print(jax.jit(kernel)(*tuple(_d.values())))

</pallas_src>

<mosaic_0001>
#map = affine_map<(d0, d1) -> (0, 0)>
module attributes {stable_mosaic.version = 14 : i64} {
  func.func @_emb_gather(%arg0: i32, %arg1: i32, %arg2: memref<50x4096xi32, #tpu.memory_space<hbm>>, %arg3: memref<55585x300xf32, #tpu.memory_space<hbm>>, %arg4: memref<486400x128xf32, #tpu.memory_space<hbm>>, %arg5: memref<50x128xi32, #tpu.memory_space<vmem>>, %arg6: memref<64x300xf32, #tpu.memory_space<vmem>>, %arg7: memref<64x300xf32, #tpu.memory_space<vmem>>, %arg8: memref<304x128xf32, #tpu.memory_space<vmem>>, %arg9: memref<!tpu.dma_semaphore, #tpu.memory_space<semaphore_mem>>, %arg10: memref<!tpu.dma_semaphore, #tpu.memory_space<semaphore_mem>>, %arg11: memref<!tpu.dma_semaphore, #tpu.memory_space<semaphore_mem>>) attributes {dimension_semantics = [#tpu.dimension_semantics<core_parallel>, #tpu.dimension_semantics<subcore_parallel>], iteration_bounds = array<i64: 2, 16>, scalar_prefetch = 0 : i64, scratch_operands = 7 : i64, tpu.core_type = #tpu.core_type<sc_vector_subcore>, window_params = [{transform_indices = #map}, {transform_indices = #map}, {transform_indices = #map}]} {
    %mul3A = arith.constant 2 : i32
    %mul3A_0 = arith.muli %arg1, %mul3A : i32
    %add3A = arith.addi %mul3A_0, %arg0 : i32
    %mul3A_1 = arith.constant 128 : i32
    %mul3A_2 = arith.muli %add3A, %mul3A_1 : i32
    "tpu.region"() ({
      %run_scoped3A = tpu.sem_alloc : memref<!tpu.dma_semaphore, #tpu.memory_space<semaphore_mem>>
      %dma_start3A = arith.constant 0 : i32
      %dma_start3A_132 = tpu.memref_slice %arg2[%dma_start3A, %mul3A_2] : memref<50x4096xi32, #tpu.memory_space<hbm>> -> memref<50x128xi32, #tpu.memory_space<hbm>>
      %dma_start3A_133 = arith.constant 0 : i32
      %dma_start3A_134 = tpu.memref_slice %arg2[%dma_start3A_133, %mul3A_2] : memref<50x4096xi32, #tpu.memory_space<hbm>> -> memref<50x128xi32, #tpu.memory_space<hbm>>
      tpu.enqueue_dma source(%dma_start3A_134 : memref<50x128xi32, #tpu.memory_space<hbm>>) target(%arg5 : memref<50x128xi32, #tpu.memory_space<vmem>>) target_semaphore(%run_scoped3A : memref<!tpu.dma_semaphore, #tpu.memory_space<semaphore_mem>>)
      %dma_wait3A_135 = arith.constant 0 : i32
      %dma_wait3A_136 = tpu.memref_slice %arg2[%dma_wait3A_135, %mul3A_2] : memref<50x4096xi32, #tpu.memory_space<hbm>> -> memref<50x128xi32, #tpu.memory_space<hbm>>
      %dma_wait3A_137 = arith.constant 0 : i32
      %dma_wait3A_138 = tpu.memref_slice %arg2[%dma_wait3A_137, %mul3A_2] : memref<50x4096xi32, #tpu.memory_space<hbm>> -> memref<50x128xi32, #tpu.memory_space<hbm>>
      tpu.wait_dma2 semaphore(%run_scoped3A : memref<!tpu.dma_semaphore, #tpu.memory_space<semaphore_mem>>) src(%dma_wait3A_138 : memref<50x128xi32, #tpu.memory_space<hbm>>) dst(%arg5 : memref<50x128xi32, #tpu.memory_space<vmem>>)
      tpu.yield
    }) : () -> ()
    %iota3A = tpu.iota {dimensions = array<i32: 0>} : vector<16xi32>
    %add3A_3 = arith.constant 0 : i32
    %add3A_4 = vector.broadcast %add3A_3 : i32 to vector<16xi32>
    %add3A_5 = arith.addi %iota3A, %add3A_4 : vector<16xi32>
    %add3A_6 = arith.constant 16 : i32
    %add3A_7 = vector.broadcast %add3A_6 : i32 to vector<16xi32>
    %add3A_8 = arith.addi %iota3A, %add3A_7 : vector<16xi32>
    %add3A_9 = arith.constant 32 : i32
    %add3A_10 = vector.broadcast %add3A_9 : i32 to vector<16xi32>
    %add3A_11 = arith.addi %iota3A, %add3A_10 : vector<16xi32>
    %add3A_12 = arith.constant 48 : i32
    %add3A_13 = vector.broadcast %add3A_12 : i32 to vector<16xi32>
    %add3A_14 = arith.addi %iota3A, %add3A_13 : vector<16xi32>
    %add3A_15 = arith.constant 0 : i32
    %add3A_16 = vector.broadcast %add3A_15 : i32 to vector<16xi32>
    %add3A_17 = arith.addi %iota3A, %add3A_16 : vector<16xi32>
    %and3A = arith.constant 15 : i32
    %and3A_18 = vector.broadcast %and3A : i32 to vector<16xi32>
    %and3A_19 = arith.andi %add3A_17, %and3A_18 : vector<16xi32>
    %add3A_20 = arith.constant 1 : i32
    %add3A_21 = vector.broadcast %add3A_20 : i32 to vector<16xi32>
    %add3A_22 = arith.addi %iota3A, %add3A_21 : vector<16xi32>
    %and3A_23 = arith.constant 15 : i32
    %and3A_24 = vector.broadcast %and3A_23 : i32 to vector<16xi32>
    %and3A_25 = arith.andi %add3A_22, %and3A_24 : vector<16xi32>
    %add3A_26 = arith.constant 2 : i32
    %add3A_27 = vector.broadcast %add3A_26 : i32 to vector<16xi32>
    %add3A_28 = arith.addi %iota3A, %add3A_27 : vector<16xi32>
    %and3A_29 = arith.constant 15 : i32
    %and3A_30 = vector.broadcast %and3A_29 : i32 to vector<16xi32>
    %and3A_31 = arith.andi %add3A_28, %and3A_30 : vector<16xi32>
    %add3A_32 = arith.constant 3 : i32
    %add3A_33 = vector.broadcast %add3A_32 : i32 to vector<16xi32>
    %add3A_34 = arith.addi %iota3A, %add3A_33 : vector<16xi32>
    %and3A_35 = arith.constant 15 : i32
    %and3A_36 = vector.broadcast %and3A_35 : i32 to vector<16xi32>
    %and3A_37 = arith.andi %add3A_34, %and3A_36 : vector<16xi32>
    %add3A_38 = arith.constant 4 : i32
    %add3A_39 = vector.broadcast %add3A_38 : i32 to vector<16xi32>
    %add3A_40 = arith.addi %iota3A, %add3A_39 : vector<16xi32>
    %and3A_41 = arith.constant 15 : i32
    %and3A_42 = vector.broadcast %and3A_41 : i32 to vector<16xi32>
    %and3A_43 = arith.andi %add3A_40, %and3A_42 : vector<16xi32>
    %add3A_44 = arith.constant 5 : i32
    %add3A_45 = vector.broadcast %add3A_44 : i32 to vector<16xi32>
    %add3A_46 = arith.addi %iota3A, %add3A_45 : vector<16xi32>
    %and3A_47 = arith.constant 15 : i32
    %and3A_48 = vector.broadcast %and3A_47 : i32 to vector<16xi32>
    %and3A_49 = arith.andi %add3A_46, %and3A_48 : vector<16xi32>
    %add3A_50 = arith.constant 6 : i32
    %add3A_51 = vector.broadcast %add3A_50 : i32 to vector<16xi32>
    %add3A_52 = arith.addi %iota3A, %add3A_51 : vector<16xi32>
    %and3A_53 = arith.constant 15 : i32
    %and3A_54 = vector.broadcast %and3A_53 : i32 to vector<16xi32>
    %and3A_55 = arith.andi %add3A_52, %and3A_54 : vector<16xi32>
    %add3A_56 = arith.constant 7 : i32
    %add3A_57 = vector.broadcast %add3A_56 : i32 to vector<16xi32>
    %add3A_58 = arith.addi %iota3A, %add3A_57 : vector<16xi32>
    %and3A_59 = arith.constant 15 : i32
    %and3A_60 = vector.broadcast %and3A_59 : i32 to vector<16xi32>
    %and3A_61 = arith.andi %add3A_58, %and3A_60 : vector<16xi32>
    %add3A_62 = arith.constant 8 : i32
    %add3A_63 = vector.broadcast %add3A_62 : i32 to vector<16xi32>
    %add3A_64 = arith.addi %iota3A, %add3A_63 : vector<16xi32>
    %and3A_65 = arith.constant 15 : i32
    %and3A_66 = vector.broadcast %and3A_65 : i32 to vector<16xi32>
    %and3A_67 = arith.andi %add3A_64, %and3A_66 : vector<16xi32>
    %add3A_68 = arith.constant 9 : i32
    %add3A_69 = vector.broadcast %add3A_68 : i32 to vector<16xi32>
    %add3A_70 = arith.addi %iota3A, %add3A_69 : vector<16xi32>
    %and3A_71 = arith.constant 15 : i32
    %and3A_72 = vector.broadcast %and3A_71 : i32 to vector<16xi32>
    %and3A_73 = arith.andi %add3A_70, %and3A_72 : vector<16xi32>
    %add3A_74 = arith.constant 10 : i32
    %add3A_75 = vector.broadcast %add3A_74 : i32 to vector<16xi32>
    %add3A_76 = arith.addi %iota3A, %add3A_75 : vector<16xi32>
    %and3A_77 = arith.constant 15 : i32
    %and3A_78 = vector.broadcast %and3A_77 : i32 to vector<16xi32>
    %and3A_79 = arith.andi %add3A_76, %and3A_78 : vector<16xi32>
    %add3A_80 = arith.constant 11 : i32
    %add3A_81 = vector.broadcast %add3A_80 : i32 to vector<16xi32>
    %add3A_82 = arith.addi %iota3A, %add3A_81 : vector<16xi32>
    %and3A_83 = arith.constant 15 : i32
    %and3A_84 = vector.broadcast %and3A_83 : i32 to vector<16xi32>
    %and3A_85 = arith.andi %add3A_82, %and3A_84 : vector<16xi32>
    %add3A_86 = arith.constant 12 : i32
    %add3A_87 = vector.broadcast %add3A_86 : i32 to vector<16xi32>
    %add3A_88 = arith.addi %iota3A, %add3A_87 : vector<16xi32>
    %and3A_89 = arith.constant 15 : i32
    %and3A_90 = vector.broadcast %and3A_89 : i32 to vector<16xi32>
    %and3A_91 = arith.andi %add3A_88, %and3A_90 : vector<16xi32>
    %add3A_92 = arith.constant 13 : i32
    %add3A_93 = vector.broadcast %add3A_92 : i32 to vector<16xi32>
    %add3A_94 = arith.addi %iota3A, %add3A_93 : vector<16xi32>
    %and3A_95 = arith.constant 15 : i32
    %and3A_96 = vector.broadcast %and3A_95 : i32 to vector<16xi32>
    %and3A_97 = arith.andi %add3A_94, %and3A_96 : vector<16xi32>
    %add3A_98 = arith.constant 14 : i32
    %add3A_99 = vector.broadcast %add3A_98 : i32 to vector<16xi32>
    %add3A_100 = arith.addi %iota3A, %add3A_99 : vector<16xi32>
    %and3A_101 = arith.constant 15 : i32
    %and3A_102 = vector.broadcast %and3A_101 : i32 to vector<16xi32>
    %and3A_103 = arith.andi %add3A_100, %and3A_102 : vector<16xi32>
    %add3A_104 = arith.constant 15 : i32
    %add3A_105 = vector.broadcast %add3A_104 : i32 to vector<16xi32>
    %add3A_106 = arith.addi %iota3A, %add3A_105 : vector<16xi32>
    %and3A_107 = arith.constant 15 : i32
    %and3A_108 = vector.broadcast %and3A_107 : i32 to vector<16xi32>
    %and3A_109 = arith.andi %add3A_106, %and3A_108 : vector<16xi32>
    %scan3A = arith.constant 0 : i32
    %scan3A_110 = arith.constant 0 : i32
    %scan3A_111 = arith.constant 4 : i32
    %scan3A_112 = arith.addi %scan3A_110, %scan3A_111 : i32
    %scan3A_113 = arith.constant 1 : i32
    scf.for %scan3A_132 = %scan3A_110 to %scan3A_112 step %scan3A_113  : i32 {
      %mul3A_133 = arith.constant 16 : i32
      %mul3A_134 = arith.muli %scan3A_132, %mul3A_133 : i32
      %add3A_135 = arith.constant 0 : i32
      %add3A_136 = arith.addi %add3A_135, %mul3A_134 : i32
      %get3A = arith.constant 0 : i32
      %get3A_137 = arith.index_cast %get3A : i32 to index
      %get3A_138 = arith.index_cast %add3A_136 : i32 to index
      %get3A_139 = tpu.vector_load %arg5[%get3A_137, %get3A_138] {strides = array<i32>} : memref<50x128xi32, #tpu.memory_space<vmem>>, vector<16xi32>,
      %slice3A = vector.extract_strided_slice %get3A_139 {offsets = [0], sizes = [1], strides = [1]} : vector<16xi32> to vector<1xi32>
      %squeeze3A = vector.extract %slice3A[0] : i32 from vector<1xi32>
      %mul3A_140 = arith.constant 16 : i32
      %mul3A_141 = arith.muli %scan3A_132, %mul3A_140 : i32
      %add3A_142 = arith.constant 0 : i32
      %add3A_143 = arith.addi %mul3A_141, %add3A_142 : i32
      %dma_start3A = arith.constant 0 : i32
      %dma_start3A_144 = tpu.memref_slice %arg6[%add3A_143, %dma_start3A] : memref<64x300xf32, #tpu.memory_space<vmem>> -> memref<1x300xf32, #tpu.memory_space<vmem>>
      %dma_start3A_145 = arith.constant 0 : i32
      %dma_start3A_146 = tpu.memref_slice %arg3[%squeeze3A, %dma_start3A_145] : memref<55585x300xf32, #tpu.memory_space<hbm>> -> memref<1x300xf32, #tpu.memory_space<hbm>>
      %dma_start3A_147 = arith.constant 0 : i32
      %dma_start3A_148 = tpu.memref_slice %arg6[%add3A_143, %dma_start3A_147] : memref<64x300xf32, #tpu.memory_space<vmem>> -> memref<1x300xf32, #tpu.memory_space<vmem>>
      %dma_start3A_149 = arith.constant 0 : i32
      %dma_start3A_150 = tpu.memref_slice %arg3[%squeeze3A, %dma_start3A_149] : memref<55585x300xf32, #tpu.memory_space<hbm>> -> memref<1x300xf32, #tpu.memory_space<hbm>>
      tpu.enqueue_dma source(%dma_start3A_150 : memref<1x300xf32, #tpu.memory_space<hbm>>) target(%dma_start3A_148 : memref<1x300xf32, #tpu.memory_space<vmem>>) target_semaphore(%arg9 : memref<!tpu.dma_semaphore, #tpu.memory_space<semaphore_mem>>)
      %slice3A_151 = vector.extract_strided_slice %get3A_139 {offsets = [1], sizes = [1], strides = [1]} : vector<16xi32> to vector<1xi32>
      %squeeze3A_152 = vector.extract %slice3A_151[0] : i32 from vector<1xi32>
      %mul3A_153 = arith.constant 16 : i32
      %mul3A_154 = arith.muli %scan3A_132, %mul3A_153 : i32
      %add3A_155 = arith.constant 1 : i32
      %add3A_156 = arith.addi %mul3A_154, %add3A_155 : i32
      %dma_start3A_157 = arith.constant 0 : i32
      %dma_start3A_158 = tpu.memref_slice %arg6[%add3A_156, %dma_start3A_157] : memref<64x300xf32, #tpu.memory_space<vmem>> -> memref<1x300xf32, #tpu.memory_space<vmem>>
      %dma_start3A_159 = arith.constant 0 : i32
      %dma_start3A_160 = tpu.memref_slice %arg3[%squeeze3A_152, %dma_start3A_159] : memref<55585x300xf32, #tpu.memory_space<hbm>> -> memref<1x300xf32, #tpu.memory_space<hbm>>
      %dma_start3A_161 = arith.constant 0 : i32
      %dma_start3A_162 = tpu.memref_slice %arg6[%add3A_156, %dma_start3A_161] : memref<64x300xf32, #tpu.memory_space<vmem>> -> memref<1x300xf32, #tpu.memory_space<vmem>>
      %dma_start3A_163 = arith.constant 0 : i32
      %dma_start3A_164 = tpu.memref_slice %arg3[%squeeze3A_152, %dma_start3A_163] : memref<55585x300xf32, #tpu.memory_space<hbm>> -> memref<1x300xf32, #tpu.memory_space<hbm>>
      tpu.enqueue_dma source(%dma_start3A_164 : memref<1x300xf32, #tpu.memory_space<hbm>>) target(%dma_start3A_162 : memref<1x300xf32, #tpu.memory_space<vmem>>) target_semaphore(%arg9 : memref<!tpu.dma_semaphore, #tpu.memory_space<semaphore_mem>>)
      %slice3A_165 = vector.extract_strided_slice %get3A_139 {offsets = [2], sizes = [1], strides = [1]} : vector<16xi32> to vector<1xi32>
      %squeeze3A_166 = vector.extract %slice3A_165[0] : i32 from vector<1xi32>
      %mul3A_167 = arith.constant 16 : i32
      %mul3A_168 = arith.muli %scan3A_132, %mul3A_167 : i32
      %add3A_169 = arith.constant 2 : i32
      %add3A_170 = arith.addi %mul3A_168, %add3A_169 : i32
      %dma_start3A_171 = arith.constant 0 : i32
      %dma_start3A_172 = tpu.memref_slice %arg6[%add3A_170, %dma_start3A_171] : memref<64x300xf32, #tpu.memory_space<vmem>> -> memref<1x300xf32, #tpu.memory_space<vmem>>
      %dma_start3A_173 = arith.constant 0 : i32
      %dma_start3A_174 = tpu.memref_slice %arg3[%squeeze3A_166, %dma_start3A_173] : memref<55585x300xf32, #tpu.memory_space<hbm>> -> memref<1x300xf32, #tpu.memory_space<hbm>>
      %dma_start3A_175 = arith.constant 0 : i32
      %dma_start3A_176 = tpu.memref_slice %arg6[%add3A_170, %dma_start3A_175] : memref<64x300xf32, #tpu.memory_space<vmem>> -> memref<1x300xf32, #tpu.memory_space<vmem>>
      %dma_start3A_177 = arith.constant 0 : i32
      %dma_start3A_178 = tpu.memref_slice %arg3[%squeeze3A_166, %dma_start3A_177] : memref<55585x300xf32, #tpu.memory_space<hbm>> -> memref<1x300xf32, #tpu.memory_space<hbm>>
      tpu.enqueue_dma source(%dma_start3A_178 : memref<1x300xf32, #tpu.memory_space<hbm>>) target(%dma_start3A_176 : memref<1x300xf32, #tpu.memory_space<vmem>>) target_semaphore(%arg9 : memref<!tpu.dma_semaphore, #tpu.memory_space<semaphore_mem>>)
      %slice3A_179 = vector.extract_strided_slice %get3A_139 {offsets = [3], sizes = [1], strides = [1]} : vector<16xi32> to vector<1xi32>
      %squeeze3A_180 = vector.extract %slice3A_179[0] : i32 from vector<1xi32>
      %mul3A_181 = arith.constant 16 : i32
      %mul3A_182 = arith.muli %scan3A_132, %mul3A_181 : i32
      %add3A_183 = arith.constant 3 : i32
      %add3A_184 = arith.addi %mul3A_182, %add3A_183 : i32
      %dma_start3A_185 = arith.constant 0 : i32
      %dma_start3A_186 = tpu.memref_slice %arg6[%add3A_184, %dma_start3A_185] : memref<64x300xf32, #tpu.memory_space<vmem>> -> memref<1x300xf32, #tpu.memory_space<vmem>>
      %dma_start3A_187 = arith.constant 0 : i32
      %dma_start3A_188 = tpu.memref_slice %arg3[%squeeze3A_180, %dma_start3A_187] : memref<55585x300xf32, #tpu.memory_space<hbm>> -> memref<1x300xf32, #tpu.memory_space<hbm>>
      %dma_start3A_189 = arith.constant 0 : i32
      %dma_start3A_190 = tpu.memref_slice %arg6[%add3A_184, %dma_start3A_189] : memref<64x300xf32, #tpu.memory_space<vmem>> -> memref<1x300xf32, #tpu.memory_space<vmem>>
      %dma_start3A_191 = arith.constant 0 : i32
      %dma_start3A_192 = tpu.memref_slice %arg3[%squeeze3A_180, %dma_start3A_191] : memref<55585x300xf32, #tpu.memory_space<hbm>> -> memref<1x300xf32, #tpu.memory_space<hbm>>
      tpu.enqueue_dma source(%dma_start3A_192 : memref<1x300xf32, #tpu.memory_space<hbm>>) target(%dma_start3A_190 : memref<1x300xf32, #tpu.memory_space<vmem>>) target_semaphore(%arg9 : memref<!tpu.dma_semaphore, #tpu.memory_space<semaphore_mem>>)
      %slice3A_193 = vector.extract_strided_slice %get3A_139 {offsets = [4], sizes = [1], strides = [1]} : vector<16xi32> to vector<1xi32>
      %squeeze3A_194 = vector.extract %slice3A_193[0] : i32 from vector<1xi32>
      %mul3A_195 = arith.constant 16 : i32
      %mul3A_196 = arith.muli %scan3A_132, %mul3A_195 : i32
      %add3A_197 = arith.constant 4 : i32
      %add3A_198 = arith.addi %mul3A_196, %add3A_197 : i32
      %dma_start3A_199 = arith.constant 0 : i32
      %dma_start3A_200 = tpu.memref_slice %arg6[%add3A_198, %dma_start3A_199] : memref<64x300xf32, #tpu.memory_space<vmem>> -> memref<1x300xf32, #tpu.memory_space<vmem>>
      %dma_start3A_201 = arith.constant 0 : i32
      %dma_start3A_202 = tpu.memref_slice %arg3[%squeeze3A_194, %dma_start3A_201] : memref<55585x300xf32, #tpu.memory_space<hbm>> -> memref<1x300xf32, #tpu.memory_space<hbm>>
      %dma_start3A_203 = arith.constant 0 : i32
      %dma_start3A_204 = tpu.memref_slice %arg6[%add3A_198, %dma_start3A_203] : memref<64x300xf32, #tpu.memory_space<vmem>> -> memref<1x300xf32, #tpu.memory_space<vmem>>
      %dma_start3A_205 = arith.constant 0 : i32
      %dma_start3A_206 = tpu.memref_slice %arg3[%squeeze3A_194, %dma_start3A_205] : memref<55585x300xf32, #tpu.memory_space<hbm>> -> memref<1x300xf32, #tpu.memory_space<hbm>>
      tpu.enqueue_dma source(%dma_start3A_206 : memref<1x300xf32, #tpu.memory_space<hbm>>) target(%dma_start3A_204 : memref<1x300xf32, #tpu.memory_space<vmem>>) target_semaphore(%arg9 : memref<!tpu.dma_semaphore, #tpu.memory_space<semaphore_mem>>)
      %slice3A_207 = vector.extract_strided_slice %get3A_139 {offsets = [5], sizes = [1], strides = [1]} : vector<16xi32> to vector<1xi32>
      %squeeze3A_208 = vector.extract %slice3A_207[0] : i32 from vector<1xi32>
      %mul3A_209 = arith.constant 16 : i32
      %mul3A_210 = arith.muli %scan3A_132, %mul3A_209 : i32
      %add3A_211 = arith.constant 5 : i32
      %add3A_212 = arith.addi %mul3A_210, %add3A_211 : i32
      %dma_start3A_213 = arith.constant 0 : i32
      %dma_start3A_214 = tpu.memref_slice %arg6[%add3A_212, %dma_start3A_213] : memref<64x300xf32, #tpu.memory_space<vmem>> -> memref<1x300xf32, #tpu.memory_space<vmem>>
      %dma_start3A_215 = arith.constant 0 : i32
      %dma_start3A_216 = tpu.memref_slice %arg3[%squeeze3A_208, %dma_start3A_215] : memref<55585x300xf32, #tpu.memory_space<hbm>> -> memref<1x300xf32, #tpu.memory_space<hbm>>
      %dma_start3A_217 = arith.constant 0 : i32
      %dma_start3A_218 = tpu.memref_slice %arg6[%add3A_212, %dma_start3A_217] : memref<64x300xf32, #tpu.memory_space<vmem>> -> memref<1x300xf32, #tpu.memory_space<vmem>>
      %dma_start3A_219 = arith.constant 0 : i32
      %dma_start3A_220 = tpu.memref_slice %arg3[%squeeze3A_208, %dma_start3A_219] : memref<55585x300xf32, #tpu.memory_space<hbm>> -> memref<1x300xf32, #tpu.memory_space<hbm>>
      tpu.enqueue_dma source(%dma_start3A_220 : memref<1x300xf32, #tpu.memory_space<hbm>>) target(%dma_start3A_218 : memref<1x300xf32, #tpu.memory_space<vmem>>) target_semaphore(%arg9 : memref<!tpu.dma_semaphore, #tpu.memory_space<semaphore_mem>>)
      %slice3A_221 = vector.extract_strided_slice %get3A_139 {offsets = [6], sizes = [1], strides = [1]} : vector<16xi32> to vector<1xi32>
      %squeeze3A_222 = vector.extract %slice3A_221[0] : i32 from vector<1xi32>
      %mul3A_223 = arith.constant 16 : i32
      %mul3A_224 = arith.muli %scan3A_132, %mul3A_223 : i32
      %add3A_225 = arith.constant 6 : i32
      %add3A_226 = arith.addi %mul3A_224, %add3A_225 : i32
      %dma_start3A_227 = arith.constant 0 : i32
      %dma_start3A_228 = tpu.memref_slice %arg6[%add3A_226, %dma_start3A_227] : memref<64x300xf32, #tpu.memory_space<vmem>> -> memref<1x300xf32, #tpu.memory_space<vmem>>
      %dma_start3A_229 = arith.constant 0 : i32
      %dma_start3A_230 = tpu.memref_slice %arg3[%squeeze3A_222, %dma_start3A_229] : memref<55585x300xf32, #tpu.memory_space<hbm>> -> memref<1x300xf32, #tpu.memory_space<hbm>>
      %dma_start3A_231 = arith.constant 0 : i32
      %dma_start3A_232 = tpu.memref_slice %arg6[%add3A_226, %dma_start3A_231] : memref<64x300xf32, #tpu.memory_space<vmem>> -> memref<1x300xf32, #tpu.memory_space<vmem>>
      %dma_start3A_233 = arith.constant 0 : i32
      %dma_start3A_234 = tpu.memref_slice %arg3[%squeeze3A_222, %dma_start3A_233] : memref<55585x300xf32, #tpu.memory_space<hbm>> -> memref<1x300xf32, #tpu.memory_space<hbm>>
      tpu.enqueue_dma source(%dma_start3A_234 : memref<1x300xf32, #tpu.memory_space<hbm>>) target(%dma_start3A_232 : memref<1x300xf32, #tpu.memory_space<vmem>>) target_semaphore(%arg9 : memref<!tpu.dma_semaphore, #tpu.memory_space<semaphore_mem>>)
      %slice3A_235 = vector.extract_strided_slice %get3A_139 {offsets = [7], sizes = [1], strides = [1]} : vector<16xi32> to vector<1xi32>
      %squeeze3A_236 = vector.extract %slice3A_235[0] : i32 from vector<1xi32>
      %mul3A_237 = arith.constant 16 : i32
      %mul3A_238 = arith.muli %scan3A_132, %mul3A_237 : i32
      %add3A_239 = arith.constant 7 : i32
      %add3A_240 = arith.addi %mul3A_238, %add3A_239 : i32
      %dma_start3A_241 = arith.constant 0 : i32
      %dma_start3A_242 = tpu.memref_slice %arg6[%add3A_240, %dma_start3A_241] : memref<64x300xf32, #tpu.memory_space<vmem>> -> memref<1x300xf32, #tpu.memory_space<vmem>>
      %dma_start3A_243 = arith.constant 0 : i32
      %dma_start3A_244 = tpu.memref_slice %arg3[%squeeze3A_236, %dma_start3A_243] : memref<55585x300xf32, #tpu.memory_space<hbm>> -> memref<1x300xf32, #tpu.memory_space<hbm>>
      %dma_start3A_245 = arith.constant 0 : i32
      %dma_start3A_246 = tpu.memref_slice %arg6[%add3A_240, %dma_start3A_245] : memref<64x300xf32, #tpu.memory_space<vmem>> -> memref<1x300xf32, #tpu.memory_space<vmem>>
      %dma_start3A_247 = arith.constant 0 : i32
      %dma_start3A_248 = tpu.memref_slice %arg3[%squeeze3A_236, %dma_start3A_247] : memref<55585x300xf32, #tpu.memory_space<hbm>> -> memref<1x300xf32, #tpu.memory_space<hbm>>
      tpu.enqueue_dma source(%dma_start3A_248 : memref<1x300xf32, #tpu.memory_space<hbm>>) target(%dma_start3A_246 : memref<1x300xf32, #tpu.memory_space<vmem>>) target_semaphore(%arg9 : memref<!tpu.dma_semaphore, #tpu.memory_space<semaphore_mem>>)
      %slice3A_249 = vector.extract_strided_slice %get3A_139 {offsets = [8], sizes = [1], strides = [1]} : vector<16xi32> to vector<1xi32>
      %squeeze3A_250 = vector.extract %slice3A_249[0] : i32 from vector<1xi32>
      %mul3A_251 = arith.constant 16 : i32
      %mul3A_252 = arith.muli %scan3A_132, %mul3A_251 : i32
      %add3A_253 = arith.constant 8 : i32
      %add3A_254 = arith.addi %mul3A_252, %add3A_253 : i32
      %dma_start3A_255 = arith.constant 0 : i32
      %dma_start3A_256 = tpu.memref_slice %arg6[%add3A_254, %dma_start3A_255] : memref<64x300xf32, #tpu.memory_space<vmem>> -> memref<1x300xf32, #tpu.memory_space<vmem>>
      %dma_start3A_257 = arith.constant 0 : i32
      %dma_start3A_258 = tpu.memref_slice %arg3[%squeeze3A_250, %dma_start3A_257] : memref<55585x300xf32, #tpu.memory_space<hbm>> -> memref<1x300xf32, #tpu.memory_space<hbm>>
      %dma_start3A_259 = arith.constant 0 : i32
      %dma_start3A_260 = tpu.memref_slice %arg6[%add3A_254, %dma_start3A_259] : memref<64x300xf32, #tpu.memory_space<vmem>> -> memref<1x300xf32, #tpu.memory_space<vmem>>
      %dma_start3A_261 = arith.constant 0 : i32
      %dma_start3A_262 = tpu.memref_slice %arg3[%squeeze3A_250, %dma_start3A_261] : memref<55585x300xf32, #tpu.memory_space<hbm>> -> memref<1x300xf32, #tpu.memory_space<hbm>>
      tpu.enqueue_dma source(%dma_start3A_262 : memref<1x300xf32, #tpu.memory_space<hbm>>) target(%dma_start3A_260 : memref<1x300xf32, #tpu.memory_space<vmem>>) target_semaphore(%arg9 : memref<!tpu.dma_semaphore, #tpu.memory_space<semaphore_mem>>)
      %slice3A_263 = vector.extract_strided_slice %get3A_139 {offsets = [9], sizes = [1], strides = [1]} : vector<16xi32> to vector<1xi32>
      %squeeze3A_264 = vector.extract %slice3A_263[0] : i32 from vector<1xi32>
      %mul3A_265 = arith.constant 16 : i32
      %mul3A_266 = arith.muli %scan3A_132, %mul3A_265 : i32
      %add3A_267 = arith.constant 9 : i32
      %add3A_268 = arith.addi %mul3A_266, %add3A_267 : i32
      %dma_start3A_269 = arith.constant 0 : i32
      %dma_start3A_270 = tpu.memref_slice %arg6[%add3A_268, %dma_start3A_269] : memref<64x300xf32, #tpu.memory_space<vmem>> -> memref<1x300xf32, #tpu.memory_space<vmem>>
      %dma_start3A_271 = arith.constant 0 : i32
      %dma_start3A_272 = tpu.memref_slice %arg3[%squeeze3A_264, %dma_start3A_271] : memref<55585x300xf32, #tpu.memory_space<hbm>> -> memref<1x300xf32, #tpu.memory_space<hbm>>
      %dma_start3A_273 = arith.constant 0 : i32
      %dma_start3A_274 = tpu.memref_slice %arg6[%add3A_268, %dma_start3A_273] : memref<64x300xf32, #tpu.memory_space<vmem>> -> memref<1x300xf32, #tpu.memory_space<vmem>>
      %dma_start3A_275 = arith.constant 0 : i32
      %dma_start3A_276 = tpu.memref_slice %arg3[%squeeze3A_264, %dma_start3A_275] : memref<55585x300xf32, #tpu.memory_space<hbm>> -> memref<1x300xf32, #tpu.memory_space<hbm>>
      tpu.enqueue_dma source(%dma_start3A_276 : memref<1x300xf32, #tpu.memory_space<hbm>>) target(%dma_start3A_274 : memref<1x300xf32, #tpu.memory_space<vmem>>) target_semaphore(%arg9 : memref<!tpu.dma_semaphore, #tpu.memory_space<semaphore_mem>>)
      %slice3A_277 = vector.extract_strided_slice %get3A_139 {offsets = [10], sizes = [1], strides = [1]} : vector<16xi32> to vector<1xi32>
      %squeeze3A_278 = vector.extract %slice3A_277[0] : i32 from vector<1xi32>
      %mul3A_279 = arith.constant 16 : i32
      %mul3A_280 = arith.muli %scan3A_132, %mul3A_279 : i32
      %add3A_281 = arith.constant 10 : i32
      %add3A_282 = arith.addi %mul3A_280, %add3A_281 : i32
      %dma_start3A_283 = arith.constant 0 : i32
      %dma_start3A_284 = tpu.memref_slice %arg6[%add3A_282, %dma_start3A_283] : memref<64x300xf32, #tpu.memory_space<vmem>> -> memref<1x300xf32, #tpu.memory_space<vmem>>
      %dma_start3A_285 = arith.constant 0 : i32
      %dma_start3A_286 = tpu.memref_slice %arg3[%squeeze3A_278, %dma_start3A_285] : memref<55585x300xf32, #tpu.memory_space<hbm>> -> memref<1x300xf32, #tpu.memory_space<hbm>>
      %dma_start3A_287 = arith.constant 0 : i32
      %dma_start3A_288 = tpu.memref_slice %arg6[%add3A_282, %dma_start3A_287] : memref<64x300xf32, #tpu.memory_space<vmem>> -> memref<1x300xf32, #tpu.memory_space<vmem>>
      %dma_start3A_289 = arith.constant 0 : i32
      %dma_start3A_290 = tpu.memref_slice %arg3[%squeeze3A_278, %dma_start3A_289] : memref<55585x300xf32, #tpu.memory_space<hbm>> -> memref<1x300xf32, #tpu.memory_space<hbm>>
      tpu.enqueue_dma source(%dma_start3A_290 : memref<1x300xf32, #tpu.memory_space<hbm>>) target(%dma_start3A_288 : memref<1x300xf32, #tpu.memory_space<vmem>>) target_semaphore(%arg9 : memref<!tpu.dma_semaphore, #tpu.memory_space<semaphore_mem>>)
      %slice3A_291 = vector.extract_strided_slice %get3A_139 {offsets = [11], sizes = [1], strides = [1]} : vector<16xi32> to vector<1xi32>
      %squeeze3A_292 = vector.extract %slice3A_291[0] : i32 from vector<1xi32>
      %mul3A_293 = arith.constant 16 : i32
      %mul3A_294 = arith.muli %scan3A_132, %mul3A_293 : i32
      %add3A_295 = arith.constant 11 : i32
      %add3A_296 = arith.addi %mul3A_294, %add3A_295 : i32
      %dma_start3A_297 = arith.constant 0 : i32
      %dma_start3A_298 = tpu.memref_slice %arg6[%add3A_296, %dma_start3A_297] : memref<64x300xf32, #tpu.memory_space<vmem>> -> memref<1x300xf32, #tpu.memory_space<vmem>>
      %dma_start3A_299 = arith.constant 0 : i32
      %dma_start3A_300 = tpu.memref_slice %arg3[%squeeze3A_292, %dma_start3A_299] : memref<55585x300xf32, #tpu.memory_space<hbm>> -> memref<1x300xf32, #tpu.memory_space<hbm>>
      %dma_start3A_301 = arith.constant 0 : i32
      %dma_start3A_302 = tpu.memref_slice %arg6[%add3A_296, %dma_start3A_301] : memref<64x300xf32, #tpu.memory_space<vmem>> -> memref<1x300xf32, #tpu.memory_space<vmem>>
      %dma_start3A_303 = arith.constant 0 : i32
      %dma_start3A_304 = tpu.memref_slice %arg3[%squeeze3A_292, %dma_start3A_303] : memref<55585x300xf32, #tpu.memory_space<hbm>> -> memref<1x300xf32, #tpu.memory_space<hbm>>
      tpu.enqueue_dma source(%dma_start3A_304 : memref<1x300xf32, #tpu.memory_space<hbm>>) target(%dma_start3A_302 : memref<1x300xf32, #tpu.memory_space<vmem>>) target_semaphore(%arg9 : memref<!tpu.dma_semaphore, #tpu.memory_space<semaphore_mem>>)
      %slice3A_305 = vector.extract_strided_slice %get3A_139 {offsets = [12], sizes = [1], strides = [1]} : vector<16xi32> to vector<1xi32>
      %squeeze3A_306 = vector.extract %slice3A_305[0] : i32 from vector<1xi32>
      %mul3A_307 = arith.constant 16 : i32
      %mul3A_308 = arith.muli %scan3A_132, %mul3A_307 : i32
      %add3A_309 = arith.constant 12 : i32
      %add3A_310 = arith.addi %mul3A_308, %add3A_309 : i32
      %dma_start3A_311 = arith.constant 0 : i32
      %dma_start3A_312 = tpu.memref_slice %arg6[%add3A_310, %dma_start3A_311] : memref<64x300xf32, #tpu.memory_space<vmem>> -> memref<1x300xf32, #tpu.memory_space<vmem>>
      %dma_start3A_313 = arith.constant 0 : i32
      %dma_start3A_314 = tpu.memref_slice %arg3[%squeeze3A_306, %dma_start3A_313] : memref<55585x300xf32, #tpu.memory_space<hbm>> -> memref<1x300xf32, #tpu.memory_space<hbm>>
      %dma_start3A_315 = arith.constant 0 : i32
      %dma_start3A_316 = tpu.memref_slice %arg6[%add3A_310, %dma_start3A_315] : memref<64x300xf32, #tpu.memory_space<vmem>> -> memref<1x300xf32, #tpu.memory_space<vmem>>
      %dma_start3A_317 = arith.constant 0 : i32
      %dma_start3A_318 = tpu.memref_slice %arg3[%squeeze3A_306, %dma_start3A_317] : memref<55585x300xf32, #tpu.memory_space<hbm>> -> memref<1x300xf32, #tpu.memory_space<hbm>>
      tpu.enqueue_dma source(%dma_start3A_318 : memref<1x300xf32, #tpu.memory_space<hbm>>) target(%dma_start3A_316 : memref<1x300xf32, #tpu.memory_space<vmem>>) target_semaphore(%arg9 : memref<!tpu.dma_semaphore, #tpu.memory_space<semaphore_mem>>)
      %slice3A_319 = vector.extract_strided_slice %get3A_139 {offsets = [13], sizes = [1], strides = [1]} : vector<16xi32> to vector<1xi32>
      %squeeze3A_320 = vector.extract %slice3A_319[0] : i32 from vector<1xi32>
      %mul3A_321 = arith.constant 16 : i32
      %mul3A_322 = arith.muli %scan3A_132, %mul3A_321 : i32
      %add3A_323 = arith.constant 13 : i32
      %add3A_324 = arith.addi %mul3A_322, %add3A_323 : i32
      %dma_start3A_325 = arith.constant 0 : i32
      %dma_start3A_326 = tpu.memref_slice %arg6[%add3A_324, %dma_start3A_325] : memref<64x300xf32, #tpu.memory_space<vmem>> -> memref<1x300xf32, #tpu.memory_space<vmem>>
      %dma_start3A_327 = arith.constant 0 : i32
      %dma_start3A_328 = tpu.memref_slice %arg3[%squeeze3A_320, %dma_start3A_327] : memref<55585x300xf32, #tpu.memory_space<hbm>> -> memref<1x300xf32, #tpu.memory_space<hbm>>
      %dma_start3A_329 = arith.constant 0 : i32
      %dma_start3A_330 = tpu.memref_slice %arg6[%add3A_324, %dma_start3A_329] : memref<64x300xf32, #tpu.memory_space<vmem>> -> memref<1x300xf32, #tpu.memory_space<vmem>>
      %dma_start3A_331 = arith.constant 0 : i32
      %dma_start3A_332 = tpu.memref_slice %arg3[%squeeze3A_320, %dma_start3A_331] : memref<55585x300xf32, #tpu.memory_space<hbm>> -> memref<1x300xf32, #tpu.memory_space<hbm>>
      tpu.enqueue_dma source(%dma_start3A_332 : memref<1x300xf32, #tpu.memory_space<hbm>>) target(%dma_start3A_330 : memref<1x300xf32, #tpu.memory_space<vmem>>) target_semaphore(%arg9 : memref<!tpu.dma_semaphore, #tpu.memory_space<semaphore_mem>>)
      %slice3A_333 = vector.extract_strided_slice %get3A_139 {offsets = [14], sizes = [1], strides = [1]} : vector<16xi32> to vector<1xi32>
      %squeeze3A_334 = vector.extract %slice3A_333[0] : i32 from vector<1xi32>
      %mul3A_335 = arith.constant 16 : i32
      %mul3A_336 = arith.muli %scan3A_132, %mul3A_335 : i32
      %add3A_337 = arith.constant 14 : i32
      %add3A_338 = arith.addi %mul3A_336, %add3A_337 : i32
      %dma_start3A_339 = arith.constant 0 : i32
      %dma_start3A_340 = tpu.memref_slice %arg6[%add3A_338, %dma_start3A_339] : memref<64x300xf32, #tpu.memory_space<vmem>> -> memref<1x300xf32, #tpu.memory_space<vmem>>
      %dma_start3A_341 = arith.constant 0 : i32
      %dma_start3A_342 = tpu.memref_slice %arg3[%squeeze3A_334, %dma_start3A_341] : memref<55585x300xf32, #tpu.memory_space<hbm>> -> memref<1x300xf32, #tpu.memory_space<hbm>>
      %dma_start3A_343 = arith.constant 0 : i32
      %dma_start3A_344 = tpu.memref_slice %arg6[%add3A_338, %dma_start3A_343] : memref<64x300xf32, #tpu.memory_space<vmem>> -> memref<1x300xf32, #tpu.memory_space<vmem>>
      %dma_start3A_345 = arith.constant 0 : i32
      %dma_start3A_346 = tpu.memref_slice %arg3[%squeeze3A_334, %dma_start3A_345] : memref<55585x300xf32, #tpu.memory_space<hbm>> -> memref<1x300xf32, #tpu.memory_space<hbm>>
      tpu.enqueue_dma source(%dma_start3A_346 : memref<1x300xf32, #tpu.memory_space<hbm>>) target(%dma_start3A_344 : memref<1x300xf32, #tpu.memory_space<vmem>>) target_semaphore(%arg9 : memref<!tpu.dma_semaphore, #tpu.memory_space<semaphore_mem>>)
      %slice3A_347 = vector.extract_strided_slice %get3A_139 {offsets = [15], sizes = [1], strides = [1]} : vector<16xi32> to vector<1xi32>
      %squeeze3A_348 = vector.extract %slice3A_347[0] : i32 from vector<1xi32>
      %mul3A_349 = arith.constant 16 : i32
      %mul3A_350 = arith.muli %scan3A_132, %mul3A_349 : i32
      %add3A_351 = arith.constant 15 : i32
      %add3A_352 = arith.addi %mul3A_350, %add3A_351 : i32
      %dma_start3A_353 = arith.constant 0 : i32
      %dma_start3A_354 = tpu.memref_slice %arg6[%add3A_352, %dma_start3A_353] : memref<64x300xf32, #tpu.memory_space<vmem>> -> memref<1x300xf32, #tpu.memory_space<vmem>>
      %dma_start3A_355 = arith.constant 0 : i32
      %dma_start3A_356 = tpu.memref_slice %arg3[%squeeze3A_348, %dma_start3A_355] : memref<55585x300xf32, #tpu.memory_space<hbm>> -> memref<1x300xf32, #tpu.memory_space<hbm>>
      %dma_start3A_357 = arith.constant 0 : i32
      %dma_start3A_358 = tpu.memref_slice %arg6[%add3A_352, %dma_start3A_357] : memref<64x300xf32, #tpu.memory_space<vmem>> -> memref<1x300xf32, #tpu.memory_space<vmem>>
      %dma_start3A_359 = arith.constant 0 : i32
      %dma_start3A_360 = tpu.memref_slice %arg3[%squeeze3A_348, %dma_start3A_359] : memref<55585x300xf32, #tpu.memory_space<hbm>> -> memref<1x300xf32, #tpu.memory_space<hbm>>
      tpu.enqueue_dma source(%dma_start3A_360 : memref<1x300xf32, #tpu.memory_space<hbm>>) target(%dma_start3A_358 : memref<1x300xf32, #tpu.memory_space<vmem>>) target_semaphore(%arg9 : memref<!tpu.dma_semaphore, #tpu.memory_space<semaphore_mem>>)
    }
    %scan3A_114 = arith.constant 4 : i32
    %scan3A_115 = arith.constant 0 : i32
    %scan3A_116 = arith.constant 0 : i32
    %scan3A_117 = arith.constant 4 : i32
    %scan3A_118 = arith.addi %scan3A_116, %scan3A_117 : i32
    %scan3A_119 = arith.constant 1 : i32
    scf.for %scan3A_132 = %scan3A_116 to %scan3A_118 step %scan3A_119  : i32 {
      %mul3A_133 = arith.constant 16 : i32
      %mul3A_134 = arith.muli %scan3A_132, %mul3A_133 : i32
      %add3A_135 = arith.constant 64 : i32
      %add3A_136 = arith.addi %add3A_135, %mul3A_134 : i32
      %get3A = arith.constant 0 : i32
      %get3A_137 = arith.index_cast %get3A : i32 to index
      %get3A_138 = arith.index_cast %add3A_136 : i32 to index
      %get3A_139 = tpu.vector_load %arg5[%get3A_137, %get3A_138] {strides = array<i32>} : memref<50x128xi32, #tpu.memory_space<vmem>>, vector<16xi32>,
      %slice3A = vector.extract_strided_slice %get3A_139 {offsets = [0], sizes = [1], strides = [1]} : vector<16xi32> to vector<1xi32>
      %squeeze3A = vector.extract %slice3A[0] : i32 from vector<1xi32>
      %mul3A_140 = arith.constant 16 : i32
      %mul3A_141 = arith.muli %scan3A_132, %mul3A_140 : i32
      %add3A_142 = arith.constant 0 : i32
      %add3A_143 = arith.addi %mul3A_141, %add3A_142 : i32
      %dma_start3A = arith.constant 0 : i32
      %dma_start3A_144 = tpu.memref_slice %arg7[%add3A_143, %dma_start3A] : memref<64x300xf32, #tpu.memory_space<vmem>> -> memref<1x300xf32, #tpu.memory_space<vmem>>
      %dma_start3A_145 = arith.constant 0 : i32
      %dma_start3A_146 = tpu.memref_slice %arg3[%squeeze3A, %dma_start3A_145] : memref<55585x300xf32, #tpu.memory_space<hbm>> -> memref<1x300xf32, #tpu.memory_space<hbm>>
      %dma_start3A_147 = arith.constant 0 : i32
      %dma_start3A_148 = tpu.memref_slice %arg7[%add3A_143, %dma_start3A_147] : memref<64x300xf32, #tpu.memory_space<vmem>> -> memref<1x300xf32, #tpu.memory_space<vmem>>
      %dma_start3A_149 = arith.constant 0 : i32
      %dma_start3A_150 = tpu.memref_slice %arg3[%squeeze3A, %dma_start3A_149] : memref<55585x300xf32, #tpu.memory_space<hbm>> -> memref<1x300xf32, #tpu.memory_space<hbm>>
      tpu.enqueue_dma source(%dma_start3A_150 : memref<1x300xf32, #tpu.memory_space<hbm>>) target(%dma_start3A_148 : memref<1x300xf32, #tpu.memory_space<vmem>>) target_semaphore(%arg10 : memref<!tpu.dma_semaphore, #tpu.memory_space<semaphore_mem>>)
      %slice3A_151 = vector.extract_strided_slice %get3A_139 {offsets = [1], sizes = [1], strides = [1]} : vector<16xi32> to vector<1xi32>
      %squeeze3A_152 = vector.extract %slice3A_151[0] : i32 from vector<1xi32>
      %mul3A_153 = arith.constant 16 : i32
      %mul3A_154 = arith.muli %scan3A_132, %mul3A_153 : i32
      %add3A_155 = arith.constant 1 : i32
      %add3A_156 = arith.addi %mul3A_154, %add3A_155 : i32
      %dma_start3A_157 = arith.constant 0 : i32
      %dma_start3A_158 = tpu.memref_slice %arg7[%add3A_156, %dma_start3A_157] : memref<64x300xf32, #tpu.memory_space<vmem>> -> memref<1x300xf32, #tpu.memory_space<vmem>>
      %dma_start3A_159 = arith.constant 0 : i32
      %dma_start3A_160 = tpu.memref_slice %arg3[%squeeze3A_152, %dma_start3A_159] : memref<55585x300xf32, #tpu.memory_space<hbm>> -> memref<1x300xf32, #tpu.memory_space<hbm>>
      %dma_start3A_161 = arith.constant 0 : i32
      %dma_start3A_162 = tpu.memref_slice %arg7[%add3A_156, %dma_start3A_161] : memref<64x300xf32, #tpu.memory_space<vmem>> -> memref<1x300xf32, #tpu.memory_space<vmem>>
      %dma_start3A_163 = arith.constant 0 : i32
      %dma_start3A_164 = tpu.memref_slice %arg3[%squeeze3A_152, %dma_start3A_163] : memref<55585x300xf32, #tpu.memory_space<hbm>> -> memref<1x300xf32, #tpu.memory_space<hbm>>
      tpu.enqueue_dma source(%dma_start3A_164 : memref<1x300xf32, #tpu.memory_space<hbm>>) target(%dma_start3A_162 : memref<1x300xf32, #tpu.memory_space<vmem>>) target_semaphore(%arg10 : memref<!tpu.dma_semaphore, #tpu.memory_space<semaphore_mem>>)
      %slice3A_165 = vector.extract_strided_slice %get3A_139 {offsets = [2], sizes = [1], strides = [1]} : vector<16xi32> to vector<1xi32>
      %squeeze3A_166 = vector.extract %slice3A_165[0] : i32 from vector<1xi32>
      %mul3A_167 = arith.constant 16 : i32
      %mul3A_168 = arith.muli %scan3A_132, %mul3A_167 : i32
      %add3A_169 = arith.constant 2 : i32
      %add3A_170 = arith.addi %mul3A_168, %add3A_169 : i32
      %dma_start3A_171 = arith.constant 0 : i32
      %dma_start3A_172 = tpu.memref_slice %arg7[%add3A_170, %dma_start3A_171] : memref<64x300xf32, #tpu.memory_space<vmem>> -> memref<1x300xf32, #tpu.memory_space<vmem>>
      %dma_start3A_173 = arith.constant 0 : i32
      %dma_start3A_174 = tpu.memref_slice %arg3[%squeeze3A_166, %dma_start3A_173] : memref<55585x300xf32, #tpu.memory_space<hbm>> -> memref<1x300xf32, #tpu.memory_space<hbm>>
      %dma_start3A_175 = arith.constant 0 : i32
      %dma_start3A_176 = tpu.memref_slice %arg7[%add3A_170, %dma_start3A_175] : memref<64x300xf32, #tpu.memory_space<vmem>> -> memref<1x300xf32, #tpu.memory_space<vmem>>
      %dma_start3A_177 = arith.constant 0 : i32
      %dma_start3A_178 = tpu.memref_slice %arg3[%squeeze3A_166, %dma_start3A_177] : memref<55585x300xf32, #tpu.memory_space<hbm>> -> memref<1x300xf32, #tpu.memory_space<hbm>>
      tpu.enqueue_dma source(%dma_start3A_178 : memref<1x300xf32, #tpu.memory_space<hbm>>) target(%dma_start3A_176 : memref<1x300xf32, #tpu.memory_space<vmem>>) target_semaphore(%arg10 : memref<!tpu.dma_semaphore, #tpu.memory_space<semaphore_mem>>)
      %slice3A_179 = vector.extract_strided_slice %get3A_139 {offsets = [3], sizes = [1], strides = [1]} : vector<16xi32> to vector<1xi32>
      %squeeze3A_180 = vector.extract %slice3A_179[0] : i32 from vector<1xi32>
      %mul3A_181 = arith.constant 16 : i32
      %mul3A_182 = arith.muli %scan3A_132, %mul3A_181 : i32
      %add3A_183 = arith.constant 3 : i32
      %add3A_184 = arith.addi %mul3A_182, %add3A_183 : i32
      %dma_start3A_185 = arith.constant 0 : i32
      %dma_start3A_186 = tpu.memref_slice %arg7[%add3A_184, %dma_start3A_185] : memref<64x300xf32, #tpu.memory_space<vmem>> -> memref<1x300xf32, #tpu.memory_space<vmem>>
      %dma_start3A_187 = arith.constant 0 : i32
      %dma_start3A_188 = tpu.memref_slice %arg3[%squeeze3A_180, %dma_start3A_187] : memref<55585x300xf32, #tpu.memory_space<hbm>> -> memref<1x300xf32, #tpu.memory_space<hbm>>
      %dma_start3A_189 = arith.constant 0 : i32
      %dma_start3A_190 = tpu.memref_slice %arg7[%add3A_184, %dma_start3A_189] : memref<64x300xf32, #tpu.memory_space<vmem>> -> memref<1x300xf32, #tpu.memory_space<vmem>>
      %dma_start3A_191 = arith.constant 0 : i32
      %dma_start3A_192 = tpu.memref_slice %arg3[%squeeze3A_180, %dma_start3A_191] : memref<55585x300xf32, #tpu.memory_space<hbm>> -> memref<1x300xf32, #tpu.memory_space<hbm>>
      tpu.enqueue_dma source(%dma_start3A_192 : memref<1x300xf32, #tpu.memory_space<hbm>>) target(%dma_start3A_190 : memref<1x300xf32, #tpu.memory_space<vmem>>) target_semaphore(%arg10 : memref<!tpu.dma_semaphore, #tpu.memory_space<semaphore_mem>>)
      %slice3A_193 = vector.extract_strided_slice %get3A_139 {offsets = [4], sizes = [1], strides = [1]} : vector<16xi32> to vector<1xi32>
      %squeeze3A_194 = vector.extract %slice3A_193[0] : i32 from vector<1xi32>
      %mul3A_195 = arith.constant 16 : i32
      %mul3A_196 = arith.muli %scan3A_132, %mul3A_195 : i32
      %add3A_197 = arith.constant 4 : i32
      %add3A_198 = arith.addi %mul3A_196, %add3A_197 : i32
      %dma_start3A_199 = arith.constant 0 : i32
      %dma_start3A_200 = tpu.memref_slice %arg7[%add3A_198, %dma_start3A_199] : memref<64x300xf32, #tpu.memory_space<vmem>> -> memref<1x300xf32, #tpu.memory_space<vmem>>
      %dma_start3A_201 = arith.constant 0 : i32
      %dma_start3A_202 = tpu.memref_slice %arg3[%squeeze3A_194, %dma_start3A_201] : memref<55585x300xf32, #tpu.memory_space<hbm>> -> memref<1x300xf32, #tpu.memory_space<hbm>>
      %dma_start3A_203 = arith.constant 0 : i32
      %dma_start3A_204 = tpu.memref_slice %arg7[%add3A_198, %dma_start3A_203] : memref<64x300xf32, #tpu.memory_space<vmem>> -> memref<1x300xf32, #tpu.memory_space<vmem>>
      %dma_start3A_205 = arith.constant 0 : i32
      %dma_start3A_206 = tpu.memref_slice %arg3[%squeeze3A_194, %dma_start3A_205] : memref<55585x300xf32, #tpu.memory_space<hbm>> -> memref<1x300xf32, #tpu.memory_space<hbm>>
      tpu.enqueue_dma source(%dma_start3A_206 : memref<1x300xf32, #tpu.memory_space<hbm>>) target(%dma_start3A_204 : memref<1x300xf32, #tpu.memory_space<vmem>>) target_semaphore(%arg10 : memref<!tpu.dma_semaphore, #tpu.memory_space<semaphore_mem>>)
      %slice3A_207 = vector.extract_strided_slice %get3A_139 {offsets = [5], sizes = [1], strides = [1]} : vector<16xi32> to vector<1xi32>
      %squeeze3A_208 = vector.extract %slice3A_207[0] : i32 from vector<1xi32>
      %mul3A_209 = arith.constant 16 : i32
      %mul3A_210 = arith.muli %scan3A_132, %mul3A_209 : i32
      %add3A_211 = arith.constant 5 : i32
      %add3A_212 = arith.addi %mul3A_210, %add3A_211 : i32
      %dma_start3A_213 = arith.constant 0 : i32
      %dma_start3A_214 = tpu.memref_slice %arg7[%add3A_212, %dma_start3A_213] : memref<64x300xf32, #tpu.memory_space<vmem>> -> memref<1x300xf32, #tpu.memory_space<vmem>>
      %dma_start3A_215 = arith.constant 0 : i32
      %dma_start3A_216 = tpu.memref_slice %arg3[%squeeze3A_208, %dma_start3A_215] : memref<55585x300xf32, #tpu.memory_space<hbm>> -> memref<1x300xf32, #tpu.memory_space<hbm>>
      %dma_start3A_217 = arith.constant 0 : i32
      %dma_start3A_218 = tpu.memref_slice %arg7[%add3A_212, %dma_start3A_217] : memref<64x300xf32, #tpu.memory_space<vmem>> -> memref<1x300xf32, #tpu.memory_space<vmem>>
      %dma_start3A_219 = arith.constant 0 : i32
      %dma_start3A_220 = tpu.memref_slice %arg3[%squeeze3A_208, %dma_start3A_219] : memref<55585x300xf32, #tpu.memory_space<hbm>> -> memref<1x300xf32, #tpu.memory_space<hbm>>
      tpu.enqueue_dma source(%dma_start3A_220 : memref<1x300xf32, #tpu.memory_space<hbm>>) target(%dma_start3A_218 : memref<1x300xf32, #tpu.memory_space<vmem>>) target_semaphore(%arg10 : memref<!tpu.dma_semaphore, #tpu.memory_space<semaphore_mem>>)
      %slice3A_221 = vector.extract_strided_slice %get3A_139 {offsets = [6], sizes = [1], strides = [1]} : vector<16xi32> to vector<1xi32>
      %squeeze3A_222 = vector.extract %slice3A_221[0] : i32 from vector<1xi32>
      %mul3A_223 = arith.constant 16 : i32
      %mul3A_224 = arith.muli %scan3A_132, %mul3A_223 : i32
      %add3A_225 = arith.constant 6 : i32
      %add3A_226 = arith.addi %mul3A_224, %add3A_225 : i32
      %dma_start3A_227 = arith.constant 0 : i32
      %dma_start3A_228 = tpu.memref_slice %arg7[%add3A_226, %dma_start3A_227] : memref<64x300xf32, #tpu.memory_space<vmem>> -> memref<1x300xf32, #tpu.memory_space<vmem>>
      %dma_start3A_229 = arith.constant 0 : i32
      %dma_start3A_230 = tpu.memref_slice %arg3[%squeeze3A_222, %dma_start3A_229] : memref<55585x300xf32, #tpu.memory_space<hbm>> -> memref<1x300xf32, #tpu.memory_space<hbm>>
      %dma_start3A_231 = arith.constant 0 : i32
      %dma_start3A_232 = tpu.memref_slice %arg7[%add3A_226, %dma_start3A_231] : memref<64x300xf32, #tpu.memory_space<vmem>> -> memref<1x300xf32, #tpu.memory_space<vmem>>
      %dma_start3A_233 = arith.constant 0 : i32
      %dma_start3A_234 = tpu.memref_slice %arg3[%squeeze3A_222, %dma_start3A_233] : memref<55585x300xf32, #tpu.memory_space<hbm>> -> memref<1x300xf32, #tpu.memory_space<hbm>>
      tpu.enqueue_dma source(%dma_start3A_234 : memref<1x300xf32, #tpu.memory_space<hbm>>) target(%dma_start3A_232 : memref<1x300xf32, #tpu.memory_space<vmem>>) target_semaphore(%arg10 : memref<!tpu.dma_semaphore, #tpu.memory_space<semaphore_mem>>)
      %slice3A_235 = vector.extract_strided_slice %get3A_139 {offsets = [7], sizes = [1], strides = [1]} : vector<16xi32> to vector<1xi32>
      %squeeze3A_236 = vector.extract %slice3A_235[0] : i32 from vector<1xi32>
      %mul3A_237 = arith.constant 16 : i32
      %mul3A_238 = arith.muli %scan3A_132, %mul3A_237 : i32
      %add3A_239 = arith.constant 7 : i32
      %add3A_240 = arith.addi %mul3A_238, %add3A_239 : i32
      %dma_start3A_241 = arith.constant 0 : i32
      %dma_start3A_242 = tpu.memref_slice %arg7[%add3A_240, %dma_start3A_241] : memref<64x300xf32, #tpu.memory_space<vmem>> -> memref<1x300xf32, #tpu.memory_space<vmem>>
      %dma_start3A_243 = arith.constant 0 : i32
      %dma_start3A_244 = tpu.memref_slice %arg3[%squeeze3A_236, %dma_start3A_243] : memref<55585x300xf32, #tpu.memory_space<hbm>> -> memref<1x300xf32, #tpu.memory_space<hbm>>
      %dma_start3A_245 = arith.constant 0 : i32
      %dma_start3A_246 = tpu.memref_slice %arg7[%add3A_240, %dma_start3A_245] : memref<64x300xf32, #tpu.memory_space<vmem>> -> memref<1x300xf32, #tpu.memory_space<vmem>>
      %dma_start3A_247 = arith.constant 0 : i32
      %dma_start3A_248 = tpu.memref_slice %arg3[%squeeze3A_236, %dma_start3A_247] : memref<55585x300xf32, #tpu.memory_space<hbm>> -> memref<1x300xf32, #tpu.memory_space<hbm>>
      tpu.enqueue_dma source(%dma_start3A_248 : memref<1x300xf32, #tpu.memory_space<hbm>>) target(%dma_start3A_246 : memref<1x300xf32, #tpu.memory_space<vmem>>) target_semaphore(%arg10 : memref<!tpu.dma_semaphore, #tpu.memory_space<semaphore_mem>>)
      %slice3A_249 = vector.extract_strided_slice %get3A_139 {offsets = [8], sizes = [1], strides = [1]} : vector<16xi32> to vector<1xi32>
      %squeeze3A_250 = vector.extract %slice3A_249[0] : i32 from vector<1xi32>
      %mul3A_251 = arith.constant 16 : i32
      %mul3A_252 = arith.muli %scan3A_132, %mul3A_251 : i32
      %add3A_253 = arith.constant 8 : i32
      %add3A_254 = arith.addi %mul3A_252, %add3A_253 : i32
      %dma_start3A_255 = arith.constant 0 : i32
      %dma_start3A_256 = tpu.memref_slice %arg7[%add3A_254, %dma_start3A_255] : memref<64x300xf32, #tpu.memory_space<vmem>> -> memref<1x300xf32, #tpu.memory_space<vmem>>
      %dma_start3A_257 = arith.constant 0 : i32
      %dma_start3A_258 = tpu.memref_slice %arg3[%squeeze3A_250, %dma_start3A_257] : memref<55585x300xf32, #tpu.memory_space<hbm>> -> memref<1x300xf32, #tpu.memory_space<hbm>>
      %dma_start3A_259 = arith.constant 0 : i32
      %dma_start3A_260 = tpu.memref_slice %arg7[%add3A_254, %dma_start3A_259] : memref<64x300xf32, #tpu.memory_space<vmem>> -> memref<1x300xf32, #tpu.memory_space<vmem>>
      %dma_start3A_261 = arith.constant 0 : i32
      %dma_start3A_262 = tpu.memref_slice %arg3[%squeeze3A_250, %dma_start3A_261] : memref<55585x300xf32, #tpu.memory_space<hbm>> -> memref<1x300xf32, #tpu.memory_space<hbm>>
      tpu.enqueue_dma source(%dma_start3A_262 : memref<1x300xf32, #tpu.memory_space<hbm>>) target(%dma_start3A_260 : memref<1x300xf32, #tpu.memory_space<vmem>>) target_semaphore(%arg10 : memref<!tpu.dma_semaphore, #tpu.memory_space<semaphore_mem>>)
      %slice3A_263 = vector.extract_strided_slice %get3A_139 {offsets = [9], sizes = [1], strides = [1]} : vector<16xi32> to vector<1xi32>
      %squeeze3A_264 = vector.extract %slice3A_263[0] : i32 from vector<1xi32>
      %mul3A_265 = arith.constant 16 : i32
      %mul3A_266 = arith.muli %scan3A_132, %mul3A_265 : i32
      %add3A_267 = arith.constant 9 : i32
      %add3A_268 = arith.addi %mul3A_266, %add3A_267 : i32
      %dma_start3A_269 = arith.constant 0 : i32
      %dma_start3A_270 = tpu.memref_slice %arg7[%add3A_268, %dma_start3A_269] : memref<64x300xf32, #tpu.memory_space<vmem>> -> memref<1x300xf32, #tpu.memory_space<vmem>>
      %dma_start3A_271 = arith.constant 0 : i32
      %dma_start3A_272 = tpu.memref_slice %arg3[%squeeze3A_264, %dma_start3A_271] : memref<55585x300xf32, #tpu.memory_space<hbm>> -> memref<1x300xf32, #tpu.memory_space<hbm>>
      %dma_start3A_273 = arith.constant 0 : i32
      %dma_start3A_274 = tpu.memref_slice %arg7[%add3A_268, %dma_start3A_273] : memref<64x300xf32, #tpu.memory_space<vmem>> -> memref<1x300xf32, #tpu.memory_space<vmem>>
      %dma_start3A_275 = arith.constant 0 : i32
      %dma_start3A_276 = tpu.memref_slice %arg3[%squeeze3A_264, %dma_start3A_275] : memref<55585x300xf32, #tpu.memory_space<hbm>> -> memref<1x300xf32, #tpu.memory_space<hbm>>
      tpu.enqueue_dma source(%dma_start3A_276 : memref<1x300xf32, #tpu.memory_space<hbm>>) target(%dma_start3A_274 : memref<1x300xf32, #tpu.memory_space<vmem>>) target_semaphore(%arg10 : memref<!tpu.dma_semaphore, #tpu.memory_space<semaphore_mem>>)
      %slice3A_277 = vector.extract_strided_slice %get3A_139 {offsets = [10], sizes = [1], strides = [1]} : vector<16xi32> to vector<1xi32>
      %squeeze3A_278 = vector.extract %slice3A_277[0] : i32 from vector<1xi32>
      %mul3A_279 = arith.constant 16 : i32
      %mul3A_280 = arith.muli %scan3A_132, %mul3A_279 : i32
      %add3A_281 = arith.constant 10 : i32
      %add3A_282 = arith.addi %mul3A_280, %add3A_281 : i32
      %dma_start3A_283 = arith.constant 0 : i32
      %dma_start3A_284 = tpu.memref_slice %arg7[%add3A_282, %dma_start3A_283] : memref<64x300xf32, #tpu.memory_space<vmem>> -> memref<1x300xf32, #tpu.memory_space<vmem>>
      %dma_start3A_285 = arith.constant 0 : i32
      %dma_start3A_286 = tpu.memref_slice %arg3[%squeeze3A_278, %dma_start3A_285] : memref<55585x300xf32, #tpu.memory_space<hbm>> -> memref<1x300xf32, #tpu.memory_space<hbm>>
      %dma_start3A_287 = arith.constant 0 : i32
      %dma_start3A_288 = tpu.memref_slice %arg7[%add3A_282, %dma_start3A_287] : memref<64x300xf32, #tpu.memory_space<vmem>> -> memref<1x300xf32, #tpu.memory_space<vmem>>
      %dma_start3A_289 = arith.constant 0 : i32
      %dma_start3A_290 = tpu.memref_slice %arg3[%squeeze3A_278, %dma_start3A_289] : memref<55585x300xf32, #tpu.memory_space<hbm>> -> memref<1x300xf32, #tpu.memory_space<hbm>>
      tpu.enqueue_dma source(%dma_start3A_290 : memref<1x300xf32, #tpu.memory_space<hbm>>) target(%dma_start3A_288 : memref<1x300xf32, #tpu.memory_space<vmem>>) target_semaphore(%arg10 : memref<!tpu.dma_semaphore, #tpu.memory_space<semaphore_mem>>)
      %slice3A_291 = vector.extract_strided_slice %get3A_139 {offsets = [11], sizes = [1], strides = [1]} : vector<16xi32> to vector<1xi32>
      %squeeze3A_292 = vector.extract %slice3A_291[0] : i32 from vector<1xi32>
      %mul3A_293 = arith.constant 16 : i32
      %mul3A_294 = arith.muli %scan3A_132, %mul3A_293 : i32
      %add3A_295 = arith.constant 11 : i32
      %add3A_296 = arith.addi %mul3A_294, %add3A_295 : i32
      %dma_start3A_297 = arith.constant 0 : i32
      %dma_start3A_298 = tpu.memref_slice %arg7[%add3A_296, %dma_start3A_297] : memref<64x300xf32, #tpu.memory_space<vmem>> -> memref<1x300xf32, #tpu.memory_space<vmem>>
      %dma_start3A_299 = arith.constant 0 : i32
      %dma_start3A_300 = tpu.memref_slice %arg3[%squeeze3A_292, %dma_start3A_299] : memref<55585x300xf32, #tpu.memory_space<hbm>> -> memref<1x300xf32, #tpu.memory_space<hbm>>
      %dma_start3A_301 = arith.constant 0 : i32
      %dma_start3A_302 = tpu.memref_slice %arg7[%add3A_296, %dma_start3A_301] : memref<64x300xf32, #tpu.memory_space<vmem>> -> memref<1x300xf32, #tpu.memory_space<vmem>>
      %dma_start3A_303 = arith.constant 0 : i32
      %dma_start3A_304 = tpu.memref_slice %arg3[%squeeze3A_292, %dma_start3A_303] : memref<55585x300xf32, #tpu.memory_space<hbm>> -> memref<1x300xf32, #tpu.memory_space<hbm>>
      tpu.enqueue_dma source(%dma_start3A_304 : memref<1x300xf32, #tpu.memory_space<hbm>>) target(%dma_start3A_302 : memref<1x300xf32, #tpu.memory_space<vmem>>) target_semaphore(%arg10 : memref<!tpu.dma_semaphore, #tpu.memory_space<semaphore_mem>>)
      %slice3A_305 = vector.extract_strided_slice %get3A_139 {offsets = [12], sizes = [1], strides = [1]} : vector<16xi32> to vector<1xi32>
      %squeeze3A_306 = vector.extract %slice3A_305[0] : i32 from vector<1xi32>
      %mul3A_307 = arith.constant 16 : i32
      %mul3A_308 = arith.muli %scan3A_132, %mul3A_307 : i32
      %add3A_309 = arith.constant 12 : i32
      %add3A_310 = arith.addi %mul3A_308, %add3A_309 : i32
      %dma_start3A_311 = arith.constant 0 : i32
      %dma_start3A_312 = tpu.memref_slice %arg7[%add3A_310, %dma_start3A_311] : memref<64x300xf32, #tpu.memory_space<vmem>> -> memref<1x300xf32, #tpu.memory_space<vmem>>
      %dma_start3A_313 = arith.constant 0 : i32
      %dma_start3A_314 = tpu.memref_slice %arg3[%squeeze3A_306, %dma_start3A_313] : memref<55585x300xf32, #tpu.memory_space<hbm>> -> memref<1x300xf32, #tpu.memory_space<hbm>>
      %dma_start3A_315 = arith.constant 0 : i32
      %dma_start3A_316 = tpu.memref_slice %arg7[%add3A_310, %dma_start3A_315] : memref<64x300xf32, #tpu.memory_space<vmem>> -> memref<1x300xf32, #tpu.memory_space<vmem>>
      %dma_start3A_317 = arith.constant 0 : i32
      %dma_start3A_318 = tpu.memref_slice %arg3[%squeeze3A_306, %dma_start3A_317] : memref<55585x300xf32, #tpu.memory_space<hbm>> -> memref<1x300xf32, #tpu.memory_space<hbm>>
      tpu.enqueue_dma source(%dma_start3A_318 : memref<1x300xf32, #tpu.memory_space<hbm>>) target(%dma_start3A_316 : memref<1x300xf32, #tpu.memory_space<vmem>>) target_semaphore(%arg10 : memref<!tpu.dma_semaphore, #tpu.memory_space<semaphore_mem>>)
      %slice3A_319 = vector.extract_strided_slice %get3A_139 {offsets = [13], sizes = [1], strides = [1]} : vector<16xi32> to vector<1xi32>
      %squeeze3A_320 = vector.extract %slice3A_319[0] : i32 from vector<1xi32>
      %mul3A_321 = arith.constant 16 : i32
      %mul3A_322 = arith.muli %scan3A_132, %mul3A_321 : i32
      %add3A_323 = arith.constant 13 : i32
      %add3A_324 = arith.addi %mul3A_322, %add3A_323 : i32
      %dma_start3A_325 = arith.constant 0 : i32
      %dma_start3A_326 = tpu.memref_slice %arg7[%add3A_324, %dma_start3A_325] : memref<64x300xf32, #tpu.memory_space<vmem>> -> memref<1x300xf32, #tpu.memory_space<vmem>>
      %dma_start3A_327 = arith.constant 0 : i32
      %dma_start3A_328 = tpu.memref_slice %arg3[%squeeze3A_320, %dma_start3A_327] : memref<55585x300xf32, #tpu.memory_space<hbm>> -> memref<1x300xf32, #tpu.memory_space<hbm>>
      %dma_start3A_329 = arith.constant 0 : i32
      %dma_start3A_330 = tpu.memref_slice %arg7[%add3A_324, %dma_start3A_329] : memref<64x300xf32, #tpu.memory_space<vmem>> -> memref<1x300xf32, #tpu.memory_space<vmem>>
      %dma_start3A_331 = arith.constant 0 : i32
      %dma_start3A_332 = tpu.memref_slice %arg3[%squeeze3A_320, %dma_start3A_331] : memref<55585x300xf32, #tpu.memory_space<hbm>> -> memref<1x300xf32, #tpu.memory_space<hbm>>
      tpu.enqueue_dma source(%dma_start3A_332 : memref<1x300xf32, #tpu.memory_space<hbm>>) target(%dma_start3A_330 : memref<1x300xf32, #tpu.memory_space<vmem>>) target_semaphore(%arg10 : memref<!tpu.dma_semaphore, #tpu.memory_space<semaphore_mem>>)
      %slice3A_333 = vector.extract_strided_slice %get3A_139 {offsets = [14], sizes = [1], strides = [1]} : vector<16xi32> to vector<1xi32>
      %squeeze3A_334 = vector.extract %slice3A_333[0] : i32 from vector<1xi32>
      %mul3A_335 = arith.constant 16 : i32
      %mul3A_336 = arith.muli %scan3A_132, %mul3A_335 : i32
      %add3A_337 = arith.constant 14 : i32
      %add3A_338 = arith.addi %mul3A_336, %add3A_337 : i32
      %dma_start3A_339 = arith.constant 0 : i32
      %dma_start3A_340 = tpu.memref_slice %arg7[%add3A_338, %dma_start3A_339] : memref<64x300xf32, #tpu.memory_space<vmem>> -> memref<1x300xf32, #tpu.memory_space<vmem>>
      %dma_start3A_341 = arith.constant 0 : i32
      %dma_start3A_342 = tpu.memref_slice %arg3[%squeeze3A_334, %dma_start3A_341] : memref<55585x300xf32, #tpu.memory_space<hbm>> -> memref<1x300xf32, #tpu.memory_space<hbm>>
      %dma_start3A_343 = arith.constant 0 : i32
      %dma_start3A_344 = tpu.memref_slice %arg7[%add3A_338, %dma_start3A_343] : memref<64x300xf32, #tpu.memory_space<vmem>> -> memref<1x300xf32, #tpu.memory_space<vmem>>
      %dma_start3A_345 = arith.constant 0 : i32
      %dma_start3A_346 = tpu.memref_slice %arg3[%squeeze3A_334, %dma_start3A_345] : memref<55585x300xf32, #tpu.memory_space<hbm>> -> memref<1x300xf32, #tpu.memory_space<hbm>>
      tpu.enqueue_dma source(%dma_start3A_346 : memref<1x300xf32, #tpu.memory_space<hbm>>) target(%dma_start3A_344 : memref<1x300xf32, #tpu.memory_space<vmem>>) target_semaphore(%arg10 : memref<!tpu.dma_semaphore, #tpu.memory_space<semaphore_mem>>)
      %slice3A_347 = vector.extract_strided_slice %get3A_139 {offsets = [15], sizes = [1], strides = [1]} : vector<16xi32> to vector<1xi32>
      %squeeze3A_348 = vector.extract %slice3A_347[0] : i32 from vector<1xi32>
      %mul3A_349 = arith.constant 16 : i32
      %mul3A_350 = arith.muli %scan3A_132, %mul3A_349 : i32
      %add3A_351 = arith.constant 15 : i32
      %add3A_352 = arith.addi %mul3A_350, %add3A_351 : i32
      %dma_start3A_353 = arith.constant 0 : i32
      %dma_start3A_354 = tpu.memref_slice %arg7[%add3A_352, %dma_start3A_353] : memref<64x300xf32, #tpu.memory_space<vmem>> -> memref<1x300xf32, #tpu.memory_space<vmem>>
      %dma_start3A_355 = arith.constant 0 : i32
      %dma_start3A_356 = tpu.memref_slice %arg3[%squeeze3A_348, %dma_start3A_355] : memref<55585x300xf32, #tpu.memory_space<hbm>> -> memref<1x300xf32, #tpu.memory_space<hbm>>
      %dma_start3A_357 = arith.constant 0 : i32
      %dma_start3A_358 = tpu.memref_slice %arg7[%add3A_352, %dma_start3A_357] : memref<64x300xf32, #tpu.memory_space<vmem>> -> memref<1x300xf32, #tpu.memory_space<vmem>>
      %dma_start3A_359 = arith.constant 0 : i32
      %dma_start3A_360 = tpu.memref_slice %arg3[%squeeze3A_348, %dma_start3A_359] : memref<55585x300xf32, #tpu.memory_space<hbm>> -> memref<1x300xf32, #tpu.memory_space<hbm>>
      tpu.enqueue_dma source(%dma_start3A_360 : memref<1x300xf32, #tpu.memory_space<hbm>>) target(%dma_start3A_358 : memref<1x300xf32, #tpu.memory_space<vmem>>) target_semaphore(%arg10 : memref<!tpu.dma_semaphore, #tpu.memory_space<semaphore_mem>>)
    }
    %scan3A_120 = arith.constant 4 : i32
    %scan3A_121 = arith.constant 0 : i32
    %scan3A_122 = arith.constant 0 : i32
    %scan3A_123 = arith.constant 50 : i32
    %scan3A_124 = arith.addi %scan3A_122, %scan3A_123 : i32
    %scan3A_125 = arith.constant 1 : i32
    scf.for %scan3A_132 = %scan3A_122 to %scan3A_124 step %scan3A_125  : i32 {
      %dma_wait3A_133 = arith.constant 0 : i32
      %dma_wait3A_134 = arith.constant 0 : i32
      %dma_wait3A_135 = tpu.memref_slice %arg3[%dma_wait3A_133, %dma_wait3A_134] : memref<55585x300xf32, #tpu.memory_space<hbm>> -> memref<64x300xf32, #tpu.memory_space<hbm>>
      %dma_wait3A_136 = arith.constant 0 : i32
      %dma_wait3A_137 = arith.constant 0 : i32
      %dma_wait3A_138 = tpu.memref_slice %arg3[%dma_wait3A_136, %dma_wait3A_137] : memref<55585x300xf32, #tpu.memory_space<hbm>> -> memref<64x300xf32, #tpu.memory_space<hbm>>
      tpu.wait_dma2 semaphore(%arg9 : memref<!tpu.dma_semaphore, #tpu.memory_space<semaphore_mem>>) src(%dma_wait3A_138 : memref<64x300xf32, #tpu.memory_space<hbm>>) dst(%arg6 : memref<64x300xf32, #tpu.memory_space<vmem>>)
      %ge3A = arith.constant 1 : i32
      %ge3A_139 = arith.cmpi sge, %scan3A_132, %ge3A : i32
      %convert_element_type3A = arith.extui %ge3A_139 : i1 to i32
      %cond3A = arith.constant 0 : i32
      %cond3A_140 = arith.cmpi ne, %convert_element_type3A, %cond3A : i32
      scf.if %cond3A_140 {
        %dma_wait3A_652 = arith.constant 0 : i32
        %dma_wait3A_653 = arith.constant 0 : i32
        %dma_wait3A_654 = tpu.memref_slice %arg4[%dma_wait3A_652, %dma_wait3A_653] : memref<486400x128xf32, #tpu.memory_space<hbm>> -> memref<304x128xf32, #tpu.memory_space<hbm>>
        %dma_wait3A_655 = arith.constant 0 : i32
        %dma_wait3A_656 = arith.constant 0 : i32
        %dma_wait3A_657 = tpu.memref_slice %arg4[%dma_wait3A_655, %dma_wait3A_656] : memref<486400x128xf32, #tpu.memory_space<hbm>> -> memref<304x128xf32, #tpu.memory_space<hbm>>
        tpu.wait_dma2 semaphore(%arg11 : memref<!tpu.dma_semaphore, #tpu.memory_space<semaphore_mem>>) src(%arg8 : memref<304x128xf32, #tpu.memory_space<vmem>>) dst(%dma_wait3A_657 : memref<304x128xf32, #tpu.memory_space<hbm>>)
      } else {
      }
      %add3A_141 = arith.constant 0 : i32
      %add3A_142 = vector.broadcast %add3A_141 : i32 to vector<16xi32>
      %add3A_143 = arith.addi %add3A_5, %add3A_142 : vector<16xi32>
      %add3A_144 = arith.constant 0 : i32
      %add3A_145 = vector.broadcast %add3A_144 : i32 to vector<16xi32>
      %add3A_146 = arith.addi %add3A_8, %add3A_145 : vector<16xi32>
      %add3A_147 = arith.constant 0 : i32
      %add3A_148 = vector.broadcast %add3A_147 : i32 to vector<16xi32>
      %add3A_149 = arith.addi %add3A_11, %add3A_148 : vector<16xi32>
      %add3A_150 = arith.constant 0 : i32
      %add3A_151 = vector.broadcast %add3A_150 : i32 to vector<16xi32>
      %add3A_152 = arith.addi %add3A_14, %add3A_151 : vector<16xi32>
      %scan3A_153 = arith.constant 0 : i32
      %scan3A_154 = arith.constant 0 : i32
      %scan3A_155 = arith.constant 19 : i32
      %scan3A_156 = arith.addi %scan3A_154, %scan3A_155 : i32
      %scan3A_157 = arith.constant 1 : i32
      scf.for %scan3A_652 = %scan3A_154 to %scan3A_156 step %scan3A_157  : i32 {
        %mul3A_653 = arith.constant 16 : i32
        %mul3A_654 = arith.muli %scan3A_652, %mul3A_653 : i32
        %add3A_655 = vector.broadcast %mul3A_654 : i32 to vector<16xi32>
        %add3A_656 = arith.addi %add3A_655, %and3A_19 : vector<16xi32>
        %gather3A = tpu.vector_load_idx %arg6[%add3A_5, %add3A_656] : memref<64x300xf32, #tpu.memory_space<vmem>>[vector<16xi32>, vector<16xi32>], vector<16xf32>,
        tpu.vector_store_idx %arg8[%add3A_656, %add3A_143], %gather3A : memref<304x128xf32, #tpu.memory_space<vmem>>[vector<16xi32>, vector<16xi32>], vector<16xf32>,
        %add3A_657 = vector.broadcast %mul3A_654 : i32 to vector<16xi32>
        %add3A_658 = arith.addi %add3A_657, %and3A_25 : vector<16xi32>
        %gather3A_659 = tpu.vector_load_idx %arg6[%add3A_5, %add3A_658] : memref<64x300xf32, #tpu.memory_space<vmem>>[vector<16xi32>, vector<16xi32>], vector<16xf32>,
        tpu.vector_store_idx %arg8[%add3A_658, %add3A_143], %gather3A_659 : memref<304x128xf32, #tpu.memory_space<vmem>>[vector<16xi32>, vector<16xi32>], vector<16xf32>,
        %add3A_660 = vector.broadcast %mul3A_654 : i32 to vector<16xi32>
        %add3A_661 = arith.addi %add3A_660, %and3A_31 : vector<16xi32>
        %gather3A_662 = tpu.vector_load_idx %arg6[%add3A_5, %add3A_661] : memref<64x300xf32, #tpu.memory_space<vmem>>[vector<16xi32>, vector<16xi32>], vector<16xf32>,
        tpu.vector_store_idx %arg8[%add3A_661, %add3A_143], %gather3A_662 : memref<304x128xf32, #tpu.memory_space<vmem>>[vector<16xi32>, vector<16xi32>], vector<16xf32>,
        %add3A_663 = vector.broadcast %mul3A_654 : i32 to vector<16xi32>
        %add3A_664 = arith.addi %add3A_663, %and3A_37 : vector<16xi32>
        %gather3A_665 = tpu.vector_load_idx %arg6[%add3A_5, %add3A_664] : memref<64x300xf32, #tpu.memory_space<vmem>>[vector<16xi32>, vector<16xi32>], vector<16xf32>,
        tpu.vector_store_idx %arg8[%add3A_664, %add3A_143], %gather3A_665 : memref<304x128xf32, #tpu.memory_space<vmem>>[vector<16xi32>, vector<16xi32>], vector<16xf32>,
        %add3A_666 = vector.broadcast %mul3A_654 : i32 to vector<16xi32>
        %add3A_667 = arith.addi %add3A_666, %and3A_43 : vector<16xi32>
        %gather3A_668 = tpu.vector_load_idx %arg6[%add3A_5, %add3A_667] : memref<64x300xf32, #tpu.memory_space<vmem>>[vector<16xi32>, vector<16xi32>], vector<16xf32>,
        tpu.vector_store_idx %arg8[%add3A_667, %add3A_143], %gather3A_668 : memref<304x128xf32, #tpu.memory_space<vmem>>[vector<16xi32>, vector<16xi32>], vector<16xf32>,
        %add3A_669 = vector.broadcast %mul3A_654 : i32 to vector<16xi32>
        %add3A_670 = arith.addi %add3A_669, %and3A_49 : vector<16xi32>
        %gather3A_671 = tpu.vector_load_idx %arg6[%add3A_5, %add3A_670] : memref<64x300xf32, #tpu.memory_space<vmem>>[vector<16xi32>, vector<16xi32>], vector<16xf32>,
        tpu.vector_store_idx %arg8[%add3A_670, %add3A_143], %gather3A_671 : memref<304x128xf32, #tpu.memory_space<vmem>>[vector<16xi32>, vector<16xi32>], vector<16xf32>,
        %add3A_672 = vector.broadcast %mul3A_654 : i32 to vector<16xi32>
        %add3A_673 = arith.addi %add3A_672, %and3A_55 : vector<16xi32>
        %gather3A_674 = tpu.vector_load_idx %arg6[%add3A_5, %add3A_673] : memref<64x300xf32, #tpu.memory_space<vmem>>[vector<16xi32>, vector<16xi32>], vector<16xf32>,
        tpu.vector_store_idx %arg8[%add3A_673, %add3A_143], %gather3A_674 : memref<304x128xf32, #tpu.memory_space<vmem>>[vector<16xi32>, vector<16xi32>], vector<16xf32>,
        %add3A_675 = vector.broadcast %mul3A_654 : i32 to vector<16xi32>
        %add3A_676 = arith.addi %add3A_675, %and3A_61 : vector<16xi32>
        %gather3A_677 = tpu.vector_load_idx %arg6[%add3A_5, %add3A_676] : memref<64x300xf32, #tpu.memory_space<vmem>>[vector<16xi32>, vector<16xi32>], vector<16xf32>,
        tpu.vector_store_idx %arg8[%add3A_676, %add3A_143], %gather3A_677 : memref<304x128xf32, #tpu.memory_space<vmem>>[vector<16xi32>, vector<16xi32>], vector<16xf32>,
        %add3A_678 = vector.broadcast %mul3A_654 : i32 to vector<16xi32>
        %add3A_679 = arith.addi %add3A_678, %and3A_67 : vector<16xi32>
        %gather3A_680 = tpu.vector_load_idx %arg6[%add3A_5, %add3A_679] : memref<64x300xf32, #tpu.memory_space<vmem>>[vector<16xi32>, vector<16xi32>], vector<16xf32>,
        tpu.vector_store_idx %arg8[%add3A_679, %add3A_143], %gather3A_680 : memref<304x128xf32, #tpu.memory_space<vmem>>[vector<16xi32>, vector<16xi32>], vector<16xf32>,
        %add3A_681 = vector.broadcast %mul3A_654 : i32 to vector<16xi32>
        %add3A_682 = arith.addi %add3A_681, %and3A_73 : vector<16xi32>
        %gather3A_683 = tpu.vector_load_idx %arg6[%add3A_5, %add3A_682] : memref<64x300xf32, #tpu.memory_space<vmem>>[vector<16xi32>, vector<16xi32>], vector<16xf32>,
        tpu.vector_store_idx %arg8[%add3A_682, %add3A_143], %gather3A_683 : memref<304x128xf32, #tpu.memory_space<vmem>>[vector<16xi32>, vector<16xi32>], vector<16xf32>,
        %add3A_684 = vector.broadcast %mul3A_654 : i32 to vector<16xi32>
        %add3A_685 = arith.addi %add3A_684, %and3A_79 : vector<16xi32>
        %gather3A_686 = tpu.vector_load_idx %arg6[%add3A_5, %add3A_685] : memref<64x300xf32, #tpu.memory_space<vmem>>[vector<16xi32>, vector<16xi32>], vector<16xf32>,
        tpu.vector_store_idx %arg8[%add3A_685, %add3A_143], %gather3A_686 : memref<304x128xf32, #tpu.memory_space<vmem>>[vector<16xi32>, vector<16xi32>], vector<16xf32>,
        %add3A_687 = vector.broadcast %mul3A_654 : i32 to vector<16xi32>
        %add3A_688 = arith.addi %add3A_687, %and3A_85 : vector<16xi32>
        %gather3A_689 = tpu.vector_load_idx %arg6[%add3A_5, %add3A_688] : memref<64x300xf32, #tpu.memory_space<vmem>>[vector<16xi32>, vector<16xi32>], vector<16xf32>,
        tpu.vector_store_idx %arg8[%add3A_688, %add3A_143], %gather3A_689 : memref<304x128xf32, #tpu.memory_space<vmem>>[vector<16xi32>, vector<16xi32>], vector<16xf32>,
        %add3A_690 = vector.broadcast %mul3A_654 : i32 to vector<16xi32>
        %add3A_691 = arith.addi %add3A_690, %and3A_91 : vector<16xi32>
        %gather3A_692 = tpu.vector_load_idx %arg6[%add3A_5, %add3A_691] : memref<64x300xf32, #tpu.memory_space<vmem>>[vector<16xi32>, vector<16xi32>], vector<16xf32>,
        tpu.vector_store_idx %arg8[%add3A_691, %add3A_143], %gather3A_692 : memref<304x128xf32, #tpu.memory_space<vmem>>[vector<16xi32>, vector<16xi32>], vector<16xf32>,
        %add3A_693 = vector.broadcast %mul3A_654 : i32 to vector<16xi32>
        %add3A_694 = arith.addi %add3A_693, %and3A_97 : vector<16xi32>
        %gather3A_695 = tpu.vector_load_idx %arg6[%add3A_5, %add3A_694] : memref<64x300xf32, #tpu.memory_space<vmem>>[vector<16xi32>, vector<16xi32>], vector<16xf32>,
        tpu.vector_store_idx %arg8[%add3A_694, %add3A_143], %gather3A_695 : memref<304x128xf32, #tpu.memory_space<vmem>>[vector<16xi32>, vector<16xi32>], vector<16xf32>,
        %add3A_696 = vector.broadcast %mul3A_654 : i32 to vector<16xi32>
        %add3A_697 = arith.addi %add3A_696, %and3A_103 : vector<16xi32>
        %gather3A_698 = tpu.vector_load_idx %arg6[%add3A_5, %add3A_697] : memref<64x300xf32, #tpu.memory_space<vmem>>[vector<16xi32>, vector<16xi32>], vector<16xf32>,
        tpu.vector_store_idx %arg8[%add3A_697, %add3A_143], %gather3A_698 : memref<304x128xf32, #tpu.memory_space<vmem>>[vector<16xi32>, vector<16xi32>], vector<16xf32>,
        %add3A_699 = vector.broadcast %mul3A_654 : i32 to vector<16xi32>
        %add3A_700 = arith.addi %add3A_699, %and3A_109 : vector<16xi32>
        %gather3A_701 = tpu.vector_load_idx %arg6[%add3A_5, %add3A_700] : memref<64x300xf32, #tpu.memory_space<vmem>>[vector<16xi32>, vector<16xi32>], vector<16xf32>,
        tpu.vector_store_idx %arg8[%add3A_700, %add3A_143], %gather3A_701 : memref<304x128xf32, #tpu.memory_space<vmem>>[vector<16xi32>, vector<16xi32>], vector<16xf32>,
        %add3A_702 = vector.broadcast %mul3A_654 : i32 to vector<16xi32>
        %add3A_703 = arith.addi %add3A_702, %and3A_19 : vector<16xi32>
        %gather3A_704 = tpu.vector_load_idx %arg6[%add3A_8, %add3A_703] : memref<64x300xf32, #tpu.memory_space<vmem>>[vector<16xi32>, vector<16xi32>], vector<16xf32>,
        tpu.vector_store_idx %arg8[%add3A_703, %add3A_146], %gather3A_704 : memref<304x128xf32, #tpu.memory_space<vmem>>[vector<16xi32>, vector<16xi32>], vector<16xf32>,
        %add3A_705 = vector.broadcast %mul3A_654 : i32 to vector<16xi32>
        %add3A_706 = arith.addi %add3A_705, %and3A_25 : vector<16xi32>
        %gather3A_707 = tpu.vector_load_idx %arg6[%add3A_8, %add3A_706] : memref<64x300xf32, #tpu.memory_space<vmem>>[vector<16xi32>, vector<16xi32>], vector<16xf32>,
        tpu.vector_store_idx %arg8[%add3A_706, %add3A_146], %gather3A_707 : memref<304x128xf32, #tpu.memory_space<vmem>>[vector<16xi32>, vector<16xi32>], vector<16xf32>,
        %add3A_708 = vector.broadcast %mul3A_654 : i32 to vector<16xi32>
        %add3A_709 = arith.addi %add3A_708, %and3A_31 : vector<16xi32>
        %gather3A_710 = tpu.vector_load_idx %arg6[%add3A_8, %add3A_709] : memref<64x300xf32, #tpu.memory_space<vmem>>[vector<16xi32>, vector<16xi32>], vector<16xf32>,
        tpu.vector_store_idx %arg8[%add3A_709, %add3A_146], %gather3A_710 : memref<304x128xf32, #tpu.memory_space<vmem>>[vector<16xi32>, vector<16xi32>], vector<16xf32>,
        %add3A_711 = vector.broadcast %mul3A_654 : i32 to vector<16xi32>
        %add3A_712 = arith.addi %add3A_711, %and3A_37 : vector<16xi32>
        %gather3A_713 = tpu.vector_load_idx %arg6[%add3A_8, %add3A_712] : memref<64x300xf32, #tpu.memory_space<vmem>>[vector<16xi32>, vector<16xi32>], vector<16xf32>,
        tpu.vector_store_idx %arg8[%add3A_712, %add3A_146], %gather3A_713 : memref<304x128xf32, #tpu.memory_space<vmem>>[vector<16xi32>, vector<16xi32>], vector<16xf32>,
        %add3A_714 = vector.broadcast %mul3A_654 : i32 to vector<16xi32>
        %add3A_715 = arith.addi %add3A_714, %and3A_43 : vector<16xi32>
        %gather3A_716 = tpu.vector_load_idx %arg6[%add3A_8, %add3A_715] : memref<64x300xf32, #tpu.memory_space<vmem>>[vector<16xi32>, vector<16xi32>], vector<16xf32>,
        tpu.vector_store_idx %arg8[%add3A_715, %add3A_146], %gather3A_716 : memref<304x128xf32, #tpu.memory_space<vmem>>[vector<16xi32>, vector<16xi32>], vector<16xf32>,
        %add3A_717 = vector.broadcast %mul3A_654 : i32 to vector<16xi32>
        %add3A_718 = arith.addi %add3A_717, %and3A_49 : vector<16xi32>
        %gather3A_719 = tpu.vector_load_idx %arg6[%add3A_8, %add3A_718] : memref<64x300xf32, #tpu.memory_space<vmem>>[vector<16xi32>, vector<16xi32>], vector<16xf32>,
        tpu.vector_store_idx %arg8[%add3A_718, %add3A_146], %gather3A_719 : memref<304x128xf32, #tpu.memory_space<vmem>>[vector<16xi32>, vector<16xi32>], vector<16xf32>,
        %add3A_720 = vector.broadcast %mul3A_654 : i32 to vector<16xi32>
        %add3A_721 = arith.addi %add3A_720, %and3A_55 : vector<16xi32>
        %gather3A_722 = tpu.vector_load_idx %arg6[%add3A_8, %add3A_721] : memref<64x300xf32, #tpu.memory_space<vmem>>[vector<16xi32>, vector<16xi32>], vector<16xf32>,
        tpu.vector_store_idx %arg8[%add3A_721, %add3A_146], %gather3A_722 : memref<304x128xf32, #tpu.memory_space<vmem>>[vector<16xi32>, vector<16xi32>], vector<16xf32>,
        %add3A_723 = vector.broadcast %mul3A_654 : i32 to vector<16xi32>
        %add3A_724 = arith.addi %add3A_723, %and3A_61 : vector<16xi32>
        %gather3A_725 = tpu.vector_load_idx %arg6[%add3A_8, %add3A_724] : memref<64x300xf32, #tpu.memory_space<vmem>>[vector<16xi32>, vector<16xi32>], vector<16xf32>,
        tpu.vector_store_idx %arg8[%add3A_724, %add3A_146], %gather3A_725 : memref<304x128xf32, #tpu.memory_space<vmem>>[vector<16xi32>, vector<16xi32>], vector<16xf32>,
        %add3A_726 = vector.broadcast %mul3A_654 : i32 to vector<16xi32>
        %add3A_727 = arith.addi %add3A_726, %and3A_67 : vector<16xi32>
        %gather3A_728 = tpu.vector_load_idx %arg6[%add3A_8, %add3A_727] : memref<64x300xf32, #tpu.memory_space<vmem>>[vector<16xi32>, vector<16xi32>], vector<16xf32>,
        tpu.vector_store_idx %arg8[%add3A_727, %add3A_146], %gather3A_728 : memref<304x128xf32, #tpu.memory_space<vmem>>[vector<16xi32>, vector<16xi32>], vector<16xf32>,
        %add3A_729 = vector.broadcast %mul3A_654 : i32 to vector<16xi32>
        %add3A_730 = arith.addi %add3A_729, %and3A_73 : vector<16xi32>
        %gather3A_731 = tpu.vector_load_idx %arg6[%add3A_8, %add3A_730] : memref<64x300xf32, #tpu.memory_space<vmem>>[vector<16xi32>, vector<16xi32>], vector<16xf32>,
        tpu.vector_store_idx %arg8[%add3A_730, %add3A_146], %gather3A_731 : memref<304x128xf32, #tpu.memory_space<vmem>>[vector<16xi32>, vector<16xi32>], vector<16xf32>,
        %add3A_732 = vector.broadcast %mul3A_654 : i32 to vector<16xi32>
        %add3A_733 = arith.addi %add3A_732, %and3A_79 : vector<16xi32>
        %gather3A_734 = tpu.vector_load_idx %arg6[%add3A_8, %add3A_733] : memref<64x300xf32, #tpu.memory_space<vmem>>[vector<16xi32>, vector<16xi32>], vector<16xf32>,
        tpu.vector_store_idx %arg8[%add3A_733, %add3A_146], %gather3A_734 : memref<304x128xf32, #tpu.memory_space<vmem>>[vector<16xi32>, vector<16xi32>], vector<16xf32>,
        %add3A_735 = vector.broadcast %mul3A_654 : i32 to vector<16xi32>
        %add3A_736 = arith.addi %add3A_735, %and3A_85 : vector<16xi32>
        %gather3A_737 = tpu.vector_load_idx %arg6[%add3A_8, %add3A_736] : memref<64x300xf32, #tpu.memory_space<vmem>>[vector<16xi32>, vector<16xi32>], vector<16xf32>,
        tpu.vector_store_idx %arg8[%add3A_736, %add3A_146], %gather3A_737 : memref<304x128xf32, #tpu.memory_space<vmem>>[vector<16xi32>, vector<16xi32>], vector<16xf32>,
        %add3A_738 = vector.broadcast %mul3A_654 : i32 to vector<16xi32>
        %add3A_739 = arith.addi %add3A_738, %and3A_91 : vector<16xi32>
        %gather3A_740 = tpu.vector_load_idx %arg6[%add3A_8, %add3A_739] : memref<64x300xf32, #tpu.memory_space<vmem>>[vector<16xi32>, vector<16xi32>], vector<16xf32>,
        tpu.vector_store_idx %arg8[%add3A_739, %add3A_146], %gather3A_740 : memref<304x128xf32, #tpu.memory_space<vmem>>[vector<16xi32>, vector<16xi32>], vector<16xf32>,
        %add3A_741 = vector.broadcast %mul3A_654 : i32 to vector<16xi32>
        %add3A_742 = arith.addi %add3A_741, %and3A_97 : vector<16xi32>
        %gather3A_743 = tpu.vector_load_idx %arg6[%add3A_8, %add3A_742] : memref<64x300xf32, #tpu.memory_space<vmem>>[vector<16xi32>, vector<16xi32>], vector<16xf32>,
        tpu.vector_store_idx %arg8[%add3A_742, %add3A_146], %gather3A_743 : memref<304x128xf32, #tpu.memory_space<vmem>>[vector<16xi32>, vector<16xi32>], vector<16xf32>,
        %add3A_744 = vector.broadcast %mul3A_654 : i32 to vector<16xi32>
        %add3A_745 = arith.addi %add3A_744, %and3A_103 : vector<16xi32>
        %gather3A_746 = tpu.vector_load_idx %arg6[%add3A_8, %add3A_745] : memref<64x300xf32, #tpu.memory_space<vmem>>[vector<16xi32>, vector<16xi32>], vector<16xf32>,
        tpu.vector_store_idx %arg8[%add3A_745, %add3A_146], %gather3A_746 : memref<304x128xf32, #tpu.memory_space<vmem>>[vector<16xi32>, vector<16xi32>], vector<16xf32>,
        %add3A_747 = vector.broadcast %mul3A_654 : i32 to vector<16xi32>
        %add3A_748 = arith.addi %add3A_747, %and3A_109 : vector<16xi32>
        %gather3A_749 = tpu.vector_load_idx %arg6[%add3A_8, %add3A_748] : memref<64x300xf32, #tpu.memory_space<vmem>>[vector<16xi32>, vector<16xi32>], vector<16xf32>,
        tpu.vector_store_idx %arg8[%add3A_748, %add3A_146], %gather3A_749 : memref<304x128xf32, #tpu.memory_space<vmem>>[vector<16xi32>, vector<16xi32>], vector<16xf32>,
        %add3A_750 = vector.broadcast %mul3A_654 : i32 to vector<16xi32>
        %add3A_751 = arith.addi %add3A_750, %and3A_19 : vector<16xi32>
        %gather3A_752 = tpu.vector_load_idx %arg6[%add3A_11, %add3A_751] : memref<64x300xf32, #tpu.memory_space<vmem>>[vector<16xi32>, vector<16xi32>], vector<16xf32>,
        tpu.vector_store_idx %arg8[%add3A_751, %add3A_149], %gather3A_752 : memref<304x128xf32, #tpu.memory_space<vmem>>[vector<16xi32>, vector<16xi32>], vector<16xf32>,
        %add3A_753 = vector.broadcast %mul3A_654 : i32 to vector<16xi32>
        %add3A_754 = arith.addi %add3A_753, %and3A_25 : vector<16xi32>
        %gather3A_755 = tpu.vector_load_idx %arg6[%add3A_11, %add3A_754] : memref<64x300xf32, #tpu.memory_space<vmem>>[vector<16xi32>, vector<16xi32>], vector<16xf32>,
        tpu.vector_store_idx %arg8[%add3A_754, %add3A_149], %gather3A_755 : memref<304x128xf32, #tpu.memory_space<vmem>>[vector<16xi32>, vector<16xi32>], vector<16xf32>,
        %add3A_756 = vector.broadcast %mul3A_654 : i32 to vector<16xi32>
        %add3A_757 = arith.addi %add3A_756, %and3A_31 : vector<16xi32>
        %gather3A_758 = tpu.vector_load_idx %arg6[%add3A_11, %add3A_757] : memref<64x300xf32, #tpu.memory_space<vmem>>[vector<16xi32>, vector<16xi32>], vector<16xf32>,
        tpu.vector_store_idx %arg8[%add3A_757, %add3A_149], %gather3A_758 : memref<304x128xf32, #tpu.memory_space<vmem>>[vector<16xi32>, vector<16xi32>], vector<16xf32>,
        %add3A_759 = vector.broadcast %mul3A_654 : i32 to vector<16xi32>
        %add3A_760 = arith.addi %add3A_759, %and3A_37 : vector<16xi32>
        %gather3A_761 = tpu.vector_load_idx %arg6[%add3A_11, %add3A_760] : memref<64x300xf32, #tpu.memory_space<vmem>>[vector<16xi32>, vector<16xi32>], vector<16xf32>,
        tpu.vector_store_idx %arg8[%add3A_760, %add3A_149], %gather3A_761 : memref<304x128xf32, #tpu.memory_space<vmem>>[vector<16xi32>, vector<16xi32>], vector<16xf32>,
        %add3A_762 = vector.broadcast %mul3A_654 : i32 to vector<16xi32>
        %add3A_763 = arith.addi %add3A_762, %and3A_43 : vector<16xi32>
        %gather3A_764 = tpu.vector_load_idx %arg6[%add3A_11, %add3A_763] : memref<64x300xf32, #tpu.memory_space<vmem>>[vector<16xi32>, vector<16xi32>], vector<16xf32>,
        tpu.vector_store_idx %arg8[%add3A_763, %add3A_149], %gather3A_764 : memref<304x128xf32, #tpu.memory_space<vmem>>[vector<16xi32>, vector<16xi32>], vector<16xf32>,
        %add3A_765 = vector.broadcast %mul3A_654 : i32 to vector<16xi32>
        %add3A_766 = arith.addi %add3A_765, %and3A_49 : vector<16xi32>
        %gather3A_767 = tpu.vector_load_idx %arg6[%add3A_11, %add3A_766] : memref<64x300xf32, #tpu.memory_space<vmem>>[vector<16xi32>, vector<16xi32>], vector<16xf32>,
        tpu.vector_store_idx %arg8[%add3A_766, %add3A_149], %gather3A_767 : memref<304x128xf32, #tpu.memory_space<vmem>>[vector<16xi32>, vector<16xi32>], vector<16xf32>,
        %add3A_768 = vector.broadcast %mul3A_654 : i32 to vector<16xi32>
        %add3A_769 = arith.addi %add3A_768, %and3A_55 : vector<16xi32>
        %gather3A_770 = tpu.vector_load_idx %arg6[%add3A_11, %add3A_769] : memref<64x300xf32, #tpu.memory_space<vmem>>[vector<16xi32>, vector<16xi32>], vector<16xf32>,
        tpu.vector_store_idx %arg8[%add3A_769, %add3A_149], %gather3A_770 : memref<304x128xf32, #tpu.memory_space<vmem>>[vector<16xi32>, vector<16xi32>], vector<16xf32>,
        %add3A_771 = vector.broadcast %mul3A_654 : i32 to vector<16xi32>
        %add3A_772 = arith.addi %add3A_771, %and3A_61 : vector<16xi32>
        %gather3A_773 = tpu.vector_load_idx %arg6[%add3A_11, %add3A_772] : memref<64x300xf32, #tpu.memory_space<vmem>>[vector<16xi32>, vector<16xi32>], vector<16xf32>,
        tpu.vector_store_idx %arg8[%add3A_772, %add3A_149], %gather3A_773 : memref<304x128xf32, #tpu.memory_space<vmem>>[vector<16xi32>, vector<16xi32>], vector<16xf32>,
        %add3A_774 = vector.broadcast %mul3A_654 : i32 to vector<16xi32>
        %add3A_775 = arith.addi %add3A_774, %and3A_67 : vector<16xi32>
        %gather3A_776 = tpu.vector_load_idx %arg6[%add3A_11, %add3A_775] : memref<64x300xf32, #tpu.memory_space<vmem>>[vector<16xi32>, vector<16xi32>], vector<16xf32>,
        tpu.vector_store_idx %arg8[%add3A_775, %add3A_149], %gather3A_776 : memref<304x128xf32, #tpu.memory_space<vmem>>[vector<16xi32>, vector<16xi32>], vector<16xf32>,
        %add3A_777 = vector.broadcast %mul3A_654 : i32 to vector<16xi32>
        %add3A_778 = arith.addi %add3A_777, %and3A_73 : vector<16xi32>
        %gather3A_779 = tpu.vector_load_idx %arg6[%add3A_11, %add3A_778] : memref<64x300xf32, #tpu.memory_space<vmem>>[vector<16xi32>, vector<16xi32>], vector<16xf32>,
        tpu.vector_store_idx %arg8[%add3A_778, %add3A_149], %gather3A_779 : memref<304x128xf32, #tpu.memory_space<vmem>>[vector<16xi32>, vector<16xi32>], vector<16xf32>,
        %add3A_780 = vector.broadcast %mul3A_654 : i32 to vector<16xi32>
        %add3A_781 = arith.addi %add3A_780, %and3A_79 : vector<16xi32>
        %gather3A_782 = tpu.vector_load_idx %arg6[%add3A_11, %add3A_781] : memref<64x300xf32, #tpu.memory_space<vmem>>[vector<16xi32>, vector<16xi32>], vector<16xf32>,
        tpu.vector_store_idx %arg8[%add3A_781, %add3A_149], %gather3A_782 : memref<304x128xf32, #tpu.memory_space<vmem>>[vector<16xi32>, vector<16xi32>], vector<16xf32>,
        %add3A_783 = vector.broadcast %mul3A_654 : i32 to vector<16xi32>
        %add3A_784 = arith.addi %add3A_783, %and3A_85 : vector<16xi32>
        %gather3A_785 = tpu.vector_load_idx %arg6[%add3A_11, %add3A_784] : memref<64x300xf32, #tpu.memory_space<vmem>>[vector<16xi32>, vector<16xi32>], vector<16xf32>,
        tpu.vector_store_idx %arg8[%add3A_784, %add3A_149], %gather3A_785 : memref<304x128xf32, #tpu.memory_space<vmem>>[vector<16xi32>, vector<16xi32>], vector<16xf32>,
        %add3A_786 = vector.broadcast %mul3A_654 : i32 to vector<16xi32>
        %add3A_787 = arith.addi %add3A_786, %and3A_91 : vector<16xi32>
        %gather3A_788 = tpu.vector_load_idx %arg6[%add3A_11, %add3A_787] : memref<64x300xf32, #tpu.memory_space<vmem>>[vector<16xi32>, vector<16xi32>], vector<16xf32>,
        tpu.vector_store_idx %arg8[%add3A_787, %add3A_149], %gather3A_788 : memref<304x128xf32, #tpu.memory_space<vmem>>[vector<16xi32>, vector<16xi32>], vector<16xf32>,
        %add3A_789 = vector.broadcast %mul3A_654 : i32 to vector<16xi32>
        %add3A_790 = arith.addi %add3A_789, %and3A_97 : vector<16xi32>
        %gather3A_791 = tpu.vector_load_idx %arg6[%add3A_11, %add3A_790] : memref<64x300xf32, #tpu.memory_space<vmem>>[vector<16xi32>, vector<16xi32>], vector<16xf32>,
        tpu.vector_store_idx %arg8[%add3A_790, %add3A_149], %gather3A_791 : memref<304x128xf32, #tpu.memory_space<vmem>>[vector<16xi32>, vector<16xi32>], vector<16xf32>,
        %add3A_792 = vector.broadcast %mul3A_654 : i32 to vector<16xi32>
        %add3A_793 = arith.addi %add3A_792, %and3A_103 : vector<16xi32>
        %gather3A_794 = tpu.vector_load_idx %arg6[%add3A_11, %add3A_793] : memref<64x300xf32, #tpu.memory_space<vmem>>[vector<16xi32>, vector<16xi32>], vector<16xf32>,
        tpu.vector_store_idx %arg8[%add3A_793, %add3A_149], %gather3A_794 : memref<304x128xf32, #tpu.memory_space<vmem>>[vector<16xi32>, vector<16xi32>], vector<16xf32>,
        %add3A_795 = vector.broadcast %mul3A_654 : i32 to vector<16xi32>
        %add3A_796 = arith.addi %add3A_795, %and3A_109 : vector<16xi32>
        %gather3A_797 = tpu.vector_load_idx %arg6[%add3A_11, %add3A_796] : memref<64x300xf32, #tpu.memory_space<vmem>>[vector<16xi32>, vector<16xi32>], vector<16xf32>,
        tpu.vector_store_idx %arg8[%add3A_796, %add3A_149], %gather3A_797 : memref<304x128xf32, #tpu.memory_space<vmem>>[vector<16xi32>, vector<16xi32>], vector<16xf32>,
        %add3A_798 = vector.broadcast %mul3A_654 : i32 to vector<16xi32>
        %add3A_799 = arith.addi %add3A_798, %and3A_19 : vector<16xi32>
        %gather3A_800 = tpu.vector_load_idx %arg6[%add3A_14, %add3A_799] : memref<64x300xf32, #tpu.memory_space<vmem>>[vector<16xi32>, vector<16xi32>], vector<16xf32>,
        tpu.vector_store_idx %arg8[%add3A_799, %add3A_152], %gather3A_800 : memref<304x128xf32, #tpu.memory_space<vmem>>[vector<16xi32>, vector<16xi32>], vector<16xf32>,
        %add3A_801 = vector.broadcast %mul3A_654 : i32 to vector<16xi32>
        %add3A_802 = arith.addi %add3A_801, %and3A_25 : vector<16xi32>
        %gather3A_803 = tpu.vector_load_idx %arg6[%add3A_14, %add3A_802] : memref<64x300xf32, #tpu.memory_space<vmem>>[vector<16xi32>, vector<16xi32>], vector<16xf32>,
        tpu.vector_store_idx %arg8[%add3A_802, %add3A_152], %gather3A_803 : memref<304x128xf32, #tpu.memory_space<vmem>>[vector<16xi32>, vector<16xi32>], vector<16xf32>,
        %add3A_804 = vector.broadcast %mul3A_654 : i32 to vector<16xi32>
        %add3A_805 = arith.addi %add3A_804, %and3A_31 : vector<16xi32>
        %gather3A_806 = tpu.vector_load_idx %arg6[%add3A_14, %add3A_805] : memref<64x300xf32, #tpu.memory_space<vmem>>[vector<16xi32>, vector<16xi32>], vector<16xf32>,
        tpu.vector_store_idx %arg8[%add3A_805, %add3A_152], %gather3A_806 : memref<304x128xf32, #tpu.memory_space<vmem>>[vector<16xi32>, vector<16xi32>], vector<16xf32>,
        %add3A_807 = vector.broadcast %mul3A_654 : i32 to vector<16xi32>
        %add3A_808 = arith.addi %add3A_807, %and3A_37 : vector<16xi32>
        %gather3A_809 = tpu.vector_load_idx %arg6[%add3A_14, %add3A_808] : memref<64x300xf32, #tpu.memory_space<vmem>>[vector<16xi32>, vector<16xi32>], vector<16xf32>,
        tpu.vector_store_idx %arg8[%add3A_808, %add3A_152], %gather3A_809 : memref<304x128xf32, #tpu.memory_space<vmem>>[vector<16xi32>, vector<16xi32>], vector<16xf32>,
        %add3A_810 = vector.broadcast %mul3A_654 : i32 to vector<16xi32>
        %add3A_811 = arith.addi %add3A_810, %and3A_43 : vector<16xi32>
        %gather3A_812 = tpu.vector_load_idx %arg6[%add3A_14, %add3A_811] : memref<64x300xf32, #tpu.memory_space<vmem>>[vector<16xi32>, vector<16xi32>], vector<16xf32>,
        tpu.vector_store_idx %arg8[%add3A_811, %add3A_152], %gather3A_812 : memref<304x128xf32, #tpu.memory_space<vmem>>[vector<16xi32>, vector<16xi32>], vector<16xf32>,
        %add3A_813 = vector.broadcast %mul3A_654 : i32 to vector<16xi32>
        %add3A_814 = arith.addi %add3A_813, %and3A_49 : vector<16xi32>
        %gather3A_815 = tpu.vector_load_idx %arg6[%add3A_14, %add3A_814] : memref<64x300xf32, #tpu.memory_space<vmem>>[vector<16xi32>, vector<16xi32>], vector<16xf32>,
        tpu.vector_store_idx %arg8[%add3A_814, %add3A_152], %gather3A_815 : memref<304x128xf32, #tpu.memory_space<vmem>>[vector<16xi32>, vector<16xi32>], vector<16xf32>,
        %add3A_816 = vector.broadcast %mul3A_654 : i32 to vector<16xi32>
        %add3A_817 = arith.addi %add3A_816, %and3A_55 : vector<16xi32>
        %gather3A_818 = tpu.vector_load_idx %arg6[%add3A_14, %add3A_817] : memref<64x300xf32, #tpu.memory_space<vmem>>[vector<16xi32>, vector<16xi32>], vector<16xf32>,
        tpu.vector_store_idx %arg8[%add3A_817, %add3A_152], %gather3A_818 : memref<304x128xf32, #tpu.memory_space<vmem>>[vector<16xi32>, vector<16xi32>], vector<16xf32>,
        %add3A_819 = vector.broadcast %mul3A_654 : i32 to vector<16xi32>
        %add3A_820 = arith.addi %add3A_819, %and3A_61 : vector<16xi32>
        %gather3A_821 = tpu.vector_load_idx %arg6[%add3A_14, %add3A_820] : memref<64x300xf32, #tpu.memory_space<vmem>>[vector<16xi32>, vector<16xi32>], vector<16xf32>,
        tpu.vector_store_idx %arg8[%add3A_820, %add3A_152], %gather3A_821 : memref<304x128xf32, #tpu.memory_space<vmem>>[vector<16xi32>, vector<16xi32>], vector<16xf32>,
        %add3A_822 = vector.broadcast %mul3A_654 : i32 to vector<16xi32>
        %add3A_823 = arith.addi %add3A_822, %and3A_67 : vector<16xi32>
        %gather3A_824 = tpu.vector_load_idx %arg6[%add3A_14, %add3A_823] : memref<64x300xf32, #tpu.memory_space<vmem>>[vector<16xi32>, vector<16xi32>], vector<16xf32>,
        tpu.vector_store_idx %arg8[%add3A_823, %add3A_152], %gather3A_824 : memref<304x128xf32, #tpu.memory_space<vmem>>[vector<16xi32>, vector<16xi32>], vector<16xf32>,
        %add3A_825 = vector.broadcast %mul3A_654 : i32 to vector<16xi32>
        %add3A_826 = arith.addi %add3A_825, %and3A_73 : vector<16xi32>
        %gather3A_827 = tpu.vector_load_idx %arg6[%add3A_14, %add3A_826] : memref<64x300xf32, #tpu.memory_space<vmem>>[vector<16xi32>, vector<16xi32>], vector<16xf32>,
        tpu.vector_store_idx %arg8[%add3A_826, %add3A_152], %gather3A_827 : memref<304x128xf32, #tpu.memory_space<vmem>>[vector<16xi32>, vector<16xi32>], vector<16xf32>,
        %add3A_828 = vector.broadcast %mul3A_654 : i32 to vector<16xi32>
        %add3A_829 = arith.addi %add3A_828, %and3A_79 : vector<16xi32>
        %gather3A_830 = tpu.vector_load_idx %arg6[%add3A_14, %add3A_829] : memref<64x300xf32, #tpu.memory_space<vmem>>[vector<16xi32>, vector<16xi32>], vector<16xf32>,
        tpu.vector_store_idx %arg8[%add3A_829, %add3A_152], %gather3A_830 : memref<304x128xf32, #tpu.memory_space<vmem>>[vector<16xi32>, vector<16xi32>], vector<16xf32>,
        %add3A_831 = vector.broadcast %mul3A_654 : i32 to vector<16xi32>
        %add3A_832 = arith.addi %add3A_831, %and3A_85 : vector<16xi32>
        %gather3A_833 = tpu.vector_load_idx %arg6[%add3A_14, %add3A_832] : memref<64x300xf32, #tpu.memory_space<vmem>>[vector<16xi32>, vector<16xi32>], vector<16xf32>,
        tpu.vector_store_idx %arg8[%add3A_832, %add3A_152], %gather3A_833 : memref<304x128xf32, #tpu.memory_space<vmem>>[vector<16xi32>, vector<16xi32>], vector<16xf32>,
        %add3A_834 = vector.broadcast %mul3A_654 : i32 to vector<16xi32>
        %add3A_835 = arith.addi %add3A_834, %and3A_91 : vector<16xi32>
        %gather3A_836 = tpu.vector_load_idx %arg6[%add3A_14, %add3A_835] : memref<64x300xf32, #tpu.memory_space<vmem>>[vector<16xi32>, vector<16xi32>], vector<16xf32>,
        tpu.vector_store_idx %arg8[%add3A_835, %add3A_152], %gather3A_836 : memref<304x128xf32, #tpu.memory_space<vmem>>[vector<16xi32>, vector<16xi32>], vector<16xf32>,
        %add3A_837 = vector.broadcast %mul3A_654 : i32 to vector<16xi32>
        %add3A_838 = arith.addi %add3A_837, %and3A_97 : vector<16xi32>
        %gather3A_839 = tpu.vector_load_idx %arg6[%add3A_14, %add3A_838] : memref<64x300xf32, #tpu.memory_space<vmem>>[vector<16xi32>, vector<16xi32>], vector<16xf32>,
        tpu.vector_store_idx %arg8[%add3A_838, %add3A_152], %gather3A_839 : memref<304x128xf32, #tpu.memory_space<vmem>>[vector<16xi32>, vector<16xi32>], vector<16xf32>,
        %add3A_840 = vector.broadcast %mul3A_654 : i32 to vector<16xi32>
        %add3A_841 = arith.addi %add3A_840, %and3A_103 : vector<16xi32>
        %gather3A_842 = tpu.vector_load_idx %arg6[%add3A_14, %add3A_841] : memref<64x300xf32, #tpu.memory_space<vmem>>[vector<16xi32>, vector<16xi32>], vector<16xf32>,
        tpu.vector_store_idx %arg8[%add3A_841, %add3A_152], %gather3A_842 : memref<304x128xf32, #tpu.memory_space<vmem>>[vector<16xi32>, vector<16xi32>], vector<16xf32>,
        %add3A_843 = vector.broadcast %mul3A_654 : i32 to vector<16xi32>
        %add3A_844 = arith.addi %add3A_843, %and3A_109 : vector<16xi32>
        %gather3A_845 = tpu.vector_load_idx %arg6[%add3A_14, %add3A_844] : memref<64x300xf32, #tpu.memory_space<vmem>>[vector<16xi32>, vector<16xi32>], vector<16xf32>,
        tpu.vector_store_idx %arg8[%add3A_844, %add3A_152], %gather3A_845 : memref<304x128xf32, #tpu.memory_space<vmem>>[vector<16xi32>, vector<16xi32>], vector<16xf32>,
      }
      %scan3A_158 = arith.constant 19 : i32
      %le3A = arith.constant 48 : i32
      %le3A_159 = arith.cmpi sle, %scan3A_132, %le3A : i32
      %convert_element_type3A_160 = arith.extui %le3A_159 : i1 to i32
      %cond3A_161 = arith.constant 0 : i32
      %cond3A_162 = arith.cmpi ne, %convert_element_type3A_160, %cond3A_161 : i32
      scf.if %cond3A_162 {
        %add3A_652 = arith.constant 1 : i32
        %add3A_653 = arith.addi %scan3A_132, %add3A_652 : i32
        %scan3A_654 = arith.constant 0 : i32
        %scan3A_655 = arith.constant 0 : i32
        %scan3A_656 = arith.constant 4 : i32
        %scan3A_657 = arith.addi %scan3A_655, %scan3A_656 : i32
        %scan3A_658 = arith.constant 1 : i32
        scf.for %scan3A_660 = %scan3A_655 to %scan3A_657 step %scan3A_658  : i32 {
          %mul3A_661 = arith.constant 16 : i32
          %mul3A_662 = arith.muli %scan3A_660, %mul3A_661 : i32
          %add3A_663 = arith.constant 0 : i32
          %add3A_664 = arith.addi %add3A_663, %mul3A_662 : i32
          %get3A = arith.index_cast %add3A_653 : i32 to index
          %get3A_665 = arith.index_cast %add3A_664 : i32 to index
          %get3A_666 = tpu.vector_load %arg5[%get3A, %get3A_665] {strides = array<i32>} : memref<50x128xi32, #tpu.memory_space<vmem>>, vector<16xi32>,
          %slice3A = vector.extract_strided_slice %get3A_666 {offsets = [0], sizes = [1], strides = [1]} : vector<16xi32> to vector<1xi32>
          %squeeze3A = vector.extract %slice3A[0] : i32 from vector<1xi32>
          %mul3A_667 = arith.constant 16 : i32
          %mul3A_668 = arith.muli %scan3A_660, %mul3A_667 : i32
          %add3A_669 = arith.constant 0 : i32
          %add3A_670 = arith.addi %mul3A_668, %add3A_669 : i32
          %dma_start3A_671 = arith.constant 0 : i32
          %dma_start3A_672 = tpu.memref_slice %arg6[%add3A_670, %dma_start3A_671] : memref<64x300xf32, #tpu.memory_space<vmem>> -> memref<1x300xf32, #tpu.memory_space<vmem>>
          %dma_start3A_673 = arith.constant 0 : i32
          %dma_start3A_674 = tpu.memref_slice %arg3[%squeeze3A, %dma_start3A_673] : memref<55585x300xf32, #tpu.memory_space<hbm>> -> memref<1x300xf32, #tpu.memory_space<hbm>>
          %dma_start3A_675 = arith.constant 0 : i32
          %dma_start3A_676 = tpu.memref_slice %arg6[%add3A_670, %dma_start3A_675] : memref<64x300xf32, #tpu.memory_space<vmem>> -> memref<1x300xf32, #tpu.memory_space<vmem>>
          %dma_start3A_677 = arith.constant 0 : i32
          %dma_start3A_678 = tpu.memref_slice %arg3[%squeeze3A, %dma_start3A_677] : memref<55585x300xf32, #tpu.memory_space<hbm>> -> memref<1x300xf32, #tpu.memory_space<hbm>>
          tpu.enqueue_dma source(%dma_start3A_678 : memref<1x300xf32, #tpu.memory_space<hbm>>) target(%dma_start3A_676 : memref<1x300xf32, #tpu.memory_space<vmem>>) target_semaphore(%arg9 : memref<!tpu.dma_semaphore, #tpu.memory_space<semaphore_mem>>)
          %slice3A_679 = vector.extract_strided_slice %get3A_666 {offsets = [1], sizes = [1], strides = [1]} : vector<16xi32> to vector<1xi32>
          %squeeze3A_680 = vector.extract %slice3A_679[0] : i32 from vector<1xi32>
          %mul3A_681 = arith.constant 16 : i32
          %mul3A_682 = arith.muli %scan3A_660, %mul3A_681 : i32
          %add3A_683 = arith.constant 1 : i32
          %add3A_684 = arith.addi %mul3A_682, %add3A_683 : i32
          %dma_start3A_685 = arith.constant 0 : i32
          %dma_start3A_686 = tpu.memref_slice %arg6[%add3A_684, %dma_start3A_685] : memref<64x300xf32, #tpu.memory_space<vmem>> -> memref<1x300xf32, #tpu.memory_space<vmem>>
          %dma_start3A_687 = arith.constant 0 : i32
          %dma_start3A_688 = tpu.memref_slice %arg3[%squeeze3A_680, %dma_start3A_687] : memref<55585x300xf32, #tpu.memory_space<hbm>> -> memref<1x300xf32, #tpu.memory_space<hbm>>
          %dma_start3A_689 = arith.constant 0 : i32
          %dma_start3A_690 = tpu.memref_slice %arg6[%add3A_684, %dma_start3A_689] : memref<64x300xf32, #tpu.memory_space<vmem>> -> memref<1x300xf32, #tpu.memory_space<vmem>>
          %dma_start3A_691 = arith.constant 0 : i32
          %dma_start3A_692 = tpu.memref_slice %arg3[%squeeze3A_680, %dma_start3A_691] : memref<55585x300xf32, #tpu.memory_space<hbm>> -> memref<1x300xf32, #tpu.memory_space<hbm>>
          tpu.enqueue_dma source(%dma_start3A_692 : memref<1x300xf32, #tpu.memory_space<hbm>>) target(%dma_start3A_690 : memref<1x300xf32, #tpu.memory_space<vmem>>) target_semaphore(%arg9 : memref<!tpu.dma_semaphore, #tpu.memory_space<semaphore_mem>>)
          %slice3A_693 = vector.extract_strided_slice %get3A_666 {offsets = [2], sizes = [1], strides = [1]} : vector<16xi32> to vector<1xi32>
          %squeeze3A_694 = vector.extract %slice3A_693[0] : i32 from vector<1xi32>
          %mul3A_695 = arith.constant 16 : i32
          %mul3A_696 = arith.muli %scan3A_660, %mul3A_695 : i32
          %add3A_697 = arith.constant 2 : i32
          %add3A_698 = arith.addi %mul3A_696, %add3A_697 : i32
          %dma_start3A_699 = arith.constant 0 : i32
          %dma_start3A_700 = tpu.memref_slice %arg6[%add3A_698, %dma_start3A_699] : memref<64x300xf32, #tpu.memory_space<vmem>> -> memref<1x300xf32, #tpu.memory_space<vmem>>
          %dma_start3A_701 = arith.constant 0 : i32
          %dma_start3A_702 = tpu.memref_slice %arg3[%squeeze3A_694, %dma_start3A_701] : memref<55585x300xf32, #tpu.memory_space<hbm>> -> memref<1x300xf32, #tpu.memory_space<hbm>>
          %dma_start3A_703 = arith.constant 0 : i32
          %dma_start3A_704 = tpu.memref_slice %arg6[%add3A_698, %dma_start3A_703] : memref<64x300xf32, #tpu.memory_space<vmem>> -> memref<1x300xf32, #tpu.memory_space<vmem>>
          %dma_start3A_705 = arith.constant 0 : i32
          %dma_start3A_706 = tpu.memref_slice %arg3[%squeeze3A_694, %dma_start3A_705] : memref<55585x300xf32, #tpu.memory_space<hbm>> -> memref<1x300xf32, #tpu.memory_space<hbm>>
          tpu.enqueue_dma source(%dma_start3A_706 : memref<1x300xf32, #tpu.memory_space<hbm>>) target(%dma_start3A_704 : memref<1x300xf32, #tpu.memory_space<vmem>>) target_semaphore(%arg9 : memref<!tpu.dma_semaphore, #tpu.memory_space<semaphore_mem>>)
          %slice3A_707 = vector.extract_strided_slice %get3A_666 {offsets = [3], sizes = [1], strides = [1]} : vector<16xi32> to vector<1xi32>
          %squeeze3A_708 = vector.extract %slice3A_707[0] : i32 from vector<1xi32>
          %mul3A_709 = arith.constant 16 : i32
          %mul3A_710 = arith.muli %scan3A_660, %mul3A_709 : i32
          %add3A_711 = arith.constant 3 : i32
          %add3A_712 = arith.addi %mul3A_710, %add3A_711 : i32
          %dma_start3A_713 = arith.constant 0 : i32
          %dma_start3A_714 = tpu.memref_slice %arg6[%add3A_712, %dma_start3A_713] : memref<64x300xf32, #tpu.memory_space<vmem>> -> memref<1x300xf32, #tpu.memory_space<vmem>>
          %dma_start3A_715 = arith.constant 0 : i32
          %dma_start3A_716 = tpu.memref_slice %arg3[%squeeze3A_708, %dma_start3A_715] : memref<55585x300xf32, #tpu.memory_space<hbm>> -> memref<1x300xf32, #tpu.memory_space<hbm>>
          %dma_start3A_717 = arith.constant 0 : i32
          %dma_start3A_718 = tpu.memref_slice %arg6[%add3A_712, %dma_start3A_717] : memref<64x300xf32, #tpu.memory_space<vmem>> -> memref<1x300xf32, #tpu.memory_space<vmem>>
          %dma_start3A_719 = arith.constant 0 : i32
          %dma_start3A_720 = tpu.memref_slice %arg3[%squeeze3A_708, %dma_start3A_719] : memref<55585x300xf32, #tpu.memory_space<hbm>> -> memref<1x300xf32, #tpu.memory_space<hbm>>
          tpu.enqueue_dma source(%dma_start3A_720 : memref<1x300xf32, #tpu.memory_space<hbm>>) target(%dma_start3A_718 : memref<1x300xf32, #tpu.memory_space<vmem>>) target_semaphore(%arg9 : memref<!tpu.dma_semaphore, #tpu.memory_space<semaphore_mem>>)
          %slice3A_721 = vector.extract_strided_slice %get3A_666 {offsets = [4], sizes = [1], strides = [1]} : vector<16xi32> to vector<1xi32>
          %squeeze3A_722 = vector.extract %slice3A_721[0] : i32 from vector<1xi32>
          %mul3A_723 = arith.constant 16 : i32
          %mul3A_724 = arith.muli %scan3A_660, %mul3A_723 : i32
          %add3A_725 = arith.constant 4 : i32
          %add3A_726 = arith.addi %mul3A_724, %add3A_725 : i32
          %dma_start3A_727 = arith.constant 0 : i32
          %dma_start3A_728 = tpu.memref_slice %arg6[%add3A_726, %dma_start3A_727] : memref<64x300xf32, #tpu.memory_space<vmem>> -> memref<1x300xf32, #tpu.memory_space<vmem>>
          %dma_start3A_729 = arith.constant 0 : i32
          %dma_start3A_730 = tpu.memref_slice %arg3[%squeeze3A_722, %dma_start3A_729] : memref<55585x300xf32, #tpu.memory_space<hbm>> -> memref<1x300xf32, #tpu.memory_space<hbm>>
          %dma_start3A_731 = arith.constant 0 : i32
          %dma_start3A_732 = tpu.memref_slice %arg6[%add3A_726, %dma_start3A_731] : memref<64x300xf32, #tpu.memory_space<vmem>> -> memref<1x300xf32, #tpu.memory_space<vmem>>
          %dma_start3A_733 = arith.constant 0 : i32
          %dma_start3A_734 = tpu.memref_slice %arg3[%squeeze3A_722, %dma_start3A_733] : memref<55585x300xf32, #tpu.memory_space<hbm>> -> memref<1x300xf32, #tpu.memory_space<hbm>>
          tpu.enqueue_dma source(%dma_start3A_734 : memref<1x300xf32, #tpu.memory_space<hbm>>) target(%dma_start3A_732 : memref<1x300xf32, #tpu.memory_space<vmem>>) target_semaphore(%arg9 : memref<!tpu.dma_semaphore, #tpu.memory_space<semaphore_mem>>)
          %slice3A_735 = vector.extract_strided_slice %get3A_666 {offsets = [5], sizes = [1], strides = [1]} : vector<16xi32> to vector<1xi32>
          %squeeze3A_736 = vector.extract %slice3A_735[0] : i32 from vector<1xi32>
          %mul3A_737 = arith.constant 16 : i32
          %mul3A_738 = arith.muli %scan3A_660, %mul3A_737 : i32
          %add3A_739 = arith.constant 5 : i32
          %add3A_740 = arith.addi %mul3A_738, %add3A_739 : i32
          %dma_start3A_741 = arith.constant 0 : i32
          %dma_start3A_742 = tpu.memref_slice %arg6[%add3A_740, %dma_start3A_741] : memref<64x300xf32, #tpu.memory_space<vmem>> -> memref<1x300xf32, #tpu.memory_space<vmem>>
          %dma_start3A_743 = arith.constant 0 : i32
          %dma_start3A_744 = tpu.memref_slice %arg3[%squeeze3A_736, %dma_start3A_743] : memref<55585x300xf32, #tpu.memory_space<hbm>> -> memref<1x300xf32, #tpu.memory_space<hbm>>
          %dma_start3A_745 = arith.constant 0 : i32
          %dma_start3A_746 = tpu.memref_slice %arg6[%add3A_740, %dma_start3A_745] : memref<64x300xf32, #tpu.memory_space<vmem>> -> memref<1x300xf32, #tpu.memory_space<vmem>>
          %dma_start3A_747 = arith.constant 0 : i32
          %dma_start3A_748 = tpu.memref_slice %arg3[%squeeze3A_736, %dma_start3A_747] : memref<55585x300xf32, #tpu.memory_space<hbm>> -> memref<1x300xf32, #tpu.memory_space<hbm>>
          tpu.enqueue_dma source(%dma_start3A_748 : memref<1x300xf32, #tpu.memory_space<hbm>>) target(%dma_start3A_746 : memref<1x300xf32, #tpu.memory_space<vmem>>) target_semaphore(%arg9 : memref<!tpu.dma_semaphore, #tpu.memory_space<semaphore_mem>>)
          %slice3A_749 = vector.extract_strided_slice %get3A_666 {offsets = [6], sizes = [1], strides = [1]} : vector<16xi32> to vector<1xi32>
          %squeeze3A_750 = vector.extract %slice3A_749[0] : i32 from vector<1xi32>
          %mul3A_751 = arith.constant 16 : i32
          %mul3A_752 = arith.muli %scan3A_660, %mul3A_751 : i32
          %add3A_753 = arith.constant 6 : i32
          %add3A_754 = arith.addi %mul3A_752, %add3A_753 : i32
          %dma_start3A_755 = arith.constant 0 : i32
          %dma_start3A_756 = tpu.memref_slice %arg6[%add3A_754, %dma_start3A_755] : memref<64x300xf32, #tpu.memory_space<vmem>> -> memref<1x300xf32, #tpu.memory_space<vmem>>
          %dma_start3A_757 = arith.constant 0 : i32
          %dma_start3A_758 = tpu.memref_slice %arg3[%squeeze3A_750, %dma_start3A_757] : memref<55585x300xf32, #tpu.memory_space<hbm>> -> memref<1x300xf32, #tpu.memory_space<hbm>>
          %dma_start3A_759 = arith.constant 0 : i32
          %dma_start3A_760 = tpu.memref_slice %arg6[%add3A_754, %dma_start3A_759] : memref<64x300xf32, #tpu.memory_space<vmem>> -> memref<1x300xf32, #tpu.memory_space<vmem>>
          %dma_start3A_761 = arith.constant 0 : i32
          %dma_start3A_762 = tpu.memref_slice %arg3[%squeeze3A_750, %dma_start3A_761] : memref<55585x300xf32, #tpu.memory_space<hbm>> -> memref<1x300xf32, #tpu.memory_space<hbm>>
          tpu.enqueue_dma source(%dma_start3A_762 : memref<1x300xf32, #tpu.memory_space<hbm>>) target(%dma_start3A_760 : memref<1x300xf32, #tpu.memory_space<vmem>>) target_semaphore(%arg9 : memref<!tpu.dma_semaphore, #tpu.memory_space<semaphore_mem>>)
          %slice3A_763 = vector.extract_strided_slice %get3A_666 {offsets = [7], sizes = [1], strides = [1]} : vector<16xi32> to vector<1xi32>
          %squeeze3A_764 = vector.extract %slice3A_763[0] : i32 from vector<1xi32>
          %mul3A_765 = arith.constant 16 : i32
          %mul3A_766 = arith.muli %scan3A_660, %mul3A_765 : i32
          %add3A_767 = arith.constant 7 : i32
          %add3A_768 = arith.addi %mul3A_766, %add3A_767 : i32
          %dma_start3A_769 = arith.constant 0 : i32
          %dma_start3A_770 = tpu.memref_slice %arg6[%add3A_768, %dma_start3A_769] : memref<64x300xf32, #tpu.memory_space<vmem>> -> memref<1x300xf32, #tpu.memory_space<vmem>>
          %dma_start3A_771 = arith.constant 0 : i32
          %dma_start3A_772 = tpu.memref_slice %arg3[%squeeze3A_764, %dma_start3A_771] : memref<55585x300xf32, #tpu.memory_space<hbm>> -> memref<1x300xf32, #tpu.memory_space<hbm>>
          %dma_start3A_773 = arith.constant 0 : i32
          %dma_start3A_774 = tpu.memref_slice %arg6[%add3A_768, %dma_start3A_773] : memref<64x300xf32, #tpu.memory_space<vmem>> -> memref<1x300xf32, #tpu.memory_space<vmem>>
          %dma_start3A_775 = arith.constant 0 : i32
          %dma_start3A_776 = tpu.memref_slice %arg3[%squeeze3A_764, %dma_start3A_775] : memref<55585x300xf32, #tpu.memory_space<hbm>> -> memref<1x300xf32, #tpu.memory_space<hbm>>
          tpu.enqueue_dma source(%dma_start3A_776 : memref<1x300xf32, #tpu.memory_space<hbm>>) target(%dma_start3A_774 : memref<1x300xf32, #tpu.memory_space<vmem>>) target_semaphore(%arg9 : memref<!tpu.dma_semaphore, #tpu.memory_space<semaphore_mem>>)
          %slice3A_777 = vector.extract_strided_slice %get3A_666 {offsets = [8], sizes = [1], strides = [1]} : vector<16xi32> to vector<1xi32>
          %squeeze3A_778 = vector.extract %slice3A_777[0] : i32 from vector<1xi32>
          %mul3A_779 = arith.constant 16 : i32
          %mul3A_780 = arith.muli %scan3A_660, %mul3A_779 : i32
          %add3A_781 = arith.constant 8 : i32
          %add3A_782 = arith.addi %mul3A_780, %add3A_781 : i32
          %dma_start3A_783 = arith.constant 0 : i32
          %dma_start3A_784 = tpu.memref_slice %arg6[%add3A_782, %dma_start3A_783] : memref<64x300xf32, #tpu.memory_space<vmem>> -> memref<1x300xf32, #tpu.memory_space<vmem>>
          %dma_start3A_785 = arith.constant 0 : i32
          %dma_start3A_786 = tpu.memref_slice %arg3[%squeeze3A_778, %dma_start3A_785] : memref<55585x300xf32, #tpu.memory_space<hbm>> -> memref<1x300xf32, #tpu.memory_space<hbm>>
          %dma_start3A_787 = arith.constant 0 : i32
          %dma_start3A_788 = tpu.memref_slice %arg6[%add3A_782, %dma_start3A_787] : memref<64x300xf32, #tpu.memory_space<vmem>> -> memref<1x300xf32, #tpu.memory_space<vmem>>
          %dma_start3A_789 = arith.constant 0 : i32
          %dma_start3A_790 = tpu.memref_slice %arg3[%squeeze3A_778, %dma_start3A_789] : memref<55585x300xf32, #tpu.memory_space<hbm>> -> memref<1x300xf32, #tpu.memory_space<hbm>>
          tpu.enqueue_dma source(%dma_start3A_790 : memref<1x300xf32, #tpu.memory_space<hbm>>) target(%dma_start3A_788 : memref<1x300xf32, #tpu.memory_space<vmem>>) target_semaphore(%arg9 : memref<!tpu.dma_semaphore, #tpu.memory_space<semaphore_mem>>)
          %slice3A_791 = vector.extract_strided_slice %get3A_666 {offsets = [9], sizes = [1], strides = [1]} : vector<16xi32> to vector<1xi32>
          %squeeze3A_792 = vector.extract %slice3A_791[0] : i32 from vector<1xi32>
          %mul3A_793 = arith.constant 16 : i32
          %mul3A_794 = arith.muli %scan3A_660, %mul3A_793 : i32
          %add3A_795 = arith.constant 9 : i32
          %add3A_796 = arith.addi %mul3A_794, %add3A_795 : i32
          %dma_start3A_797 = arith.constant 0 : i32
          %dma_start3A_798 = tpu.memref_slice %arg6[%add3A_796, %dma_start3A_797] : memref<64x300xf32, #tpu.memory_space<vmem>> -> memref<1x300xf32, #tpu.memory_space<vmem>>
          %dma_start3A_799 = arith.constant 0 : i32
          %dma_start3A_800 = tpu.memref_slice %arg3[%squeeze3A_792, %dma_start3A_799] : memref<55585x300xf32, #tpu.memory_space<hbm>> -> memref<1x300xf32, #tpu.memory_space<hbm>>
          %dma_start3A_801 = arith.constant 0 : i32
          %dma_start3A_802 = tpu.memref_slice %arg6[%add3A_796, %dma_start3A_801] : memref<64x300xf32, #tpu.memory_space<vmem>> -> memref<1x300xf32, #tpu.memory_space<vmem>>
          %dma_start3A_803 = arith.constant 0 : i32
          %dma_start3A_804 = tpu.memref_slice %arg3[%squeeze3A_792, %dma_start3A_803] : memref<55585x300xf32, #tpu.memory_space<hbm>> -> memref<1x300xf32, #tpu.memory_space<hbm>>
          tpu.enqueue_dma source(%dma_start3A_804 : memref<1x300xf32, #tpu.memory_space<hbm>>) target(%dma_start3A_802 : memref<1x300xf32, #tpu.memory_space<vmem>>) target_semaphore(%arg9 : memref<!tpu.dma_semaphore, #tpu.memory_space<semaphore_mem>>)
          %slice3A_805 = vector.extract_strided_slice %get3A_666 {offsets = [10], sizes = [1], strides = [1]} : vector<16xi32> to vector<1xi32>
          %squeeze3A_806 = vector.extract %slice3A_805[0] : i32 from vector<1xi32>
          %mul3A_807 = arith.constant 16 : i32
          %mul3A_808 = arith.muli %scan3A_660, %mul3A_807 : i32
          %add3A_809 = arith.constant 10 : i32
          %add3A_810 = arith.addi %mul3A_808, %add3A_809 : i32
          %dma_start3A_811 = arith.constant 0 : i32
          %dma_start3A_812 = tpu.memref_slice %arg6[%add3A_810, %dma_start3A_811] : memref<64x300xf32, #tpu.memory_space<vmem>> -> memref<1x300xf32, #tpu.memory_space<vmem>>
          %dma_start3A_813 = arith.constant 0 : i32
          %dma_start3A_814 = tpu.memref_slice %arg3[%squeeze3A_806, %dma_start3A_813] : memref<55585x300xf32, #tpu.memory_space<hbm>> -> memref<1x300xf32, #tpu.memory_space<hbm>>
          %dma_start3A_815 = arith.constant 0 : i32
          %dma_start3A_816 = tpu.memref_slice %arg6[%add3A_810, %dma_start3A_815] : memref<64x300xf32, #tpu.memory_space<vmem>> -> memref<1x300xf32, #tpu.memory_space<vmem>>
          %dma_start3A_817 = arith.constant 0 : i32
          %dma_start3A_818 = tpu.memref_slice %arg3[%squeeze3A_806, %dma_start3A_817] : memref<55585x300xf32, #tpu.memory_space<hbm>> -> memref<1x300xf32, #tpu.memory_space<hbm>>
          tpu.enqueue_dma source(%dma_start3A_818 : memref<1x300xf32, #tpu.memory_space<hbm>>) target(%dma_start3A_816 : memref<1x300xf32, #tpu.memory_space<vmem>>) target_semaphore(%arg9 : memref<!tpu.dma_semaphore, #tpu.memory_space<semaphore_mem>>)
          %slice3A_819 = vector.extract_strided_slice %get3A_666 {offsets = [11], sizes = [1], strides = [1]} : vector<16xi32> to vector<1xi32>
          %squeeze3A_820 = vector.extract %slice3A_819[0] : i32 from vector<1xi32>
          %mul3A_821 = arith.constant 16 : i32
          %mul3A_822 = arith.muli %scan3A_660, %mul3A_821 : i32
          %add3A_823 = arith.constant 11 : i32
          %add3A_824 = arith.addi %mul3A_822, %add3A_823 : i32
          %dma_start3A_825 = arith.constant 0 : i32
          %dma_start3A_826 = tpu.memref_slice %arg6[%add3A_824, %dma_start3A_825] : memref<64x300xf32, #tpu.memory_space<vmem>> -> memref<1x300xf32, #tpu.memory_space<vmem>>
          %dma_start3A_827 = arith.constant 0 : i32
          %dma_start3A_828 = tpu.memref_slice %arg3[%squeeze3A_820, %dma_start3A_827] : memref<55585x300xf32, #tpu.memory_space<hbm>> -> memref<1x300xf32, #tpu.memory_space<hbm>>
          %dma_start3A_829 = arith.constant 0 : i32
          %dma_start3A_830 = tpu.memref_slice %arg6[%add3A_824, %dma_start3A_829] : memref<64x300xf32, #tpu.memory_space<vmem>> -> memref<1x300xf32, #tpu.memory_space<vmem>>
          %dma_start3A_831 = arith.constant 0 : i32
          %dma_start3A_832 = tpu.memref_slice %arg3[%squeeze3A_820, %dma_start3A_831] : memref<55585x300xf32, #tpu.memory_space<hbm>> -> memref<1x300xf32, #tpu.memory_space<hbm>>
          tpu.enqueue_dma source(%dma_start3A_832 : memref<1x300xf32, #tpu.memory_space<hbm>>) target(%dma_start3A_830 : memref<1x300xf32, #tpu.memory_space<vmem>>) target_semaphore(%arg9 : memref<!tpu.dma_semaphore, #tpu.memory_space<semaphore_mem>>)
          %slice3A_833 = vector.extract_strided_slice %get3A_666 {offsets = [12], sizes = [1], strides = [1]} : vector<16xi32> to vector<1xi32>
          %squeeze3A_834 = vector.extract %slice3A_833[0] : i32 from vector<1xi32>
          %mul3A_835 = arith.constant 16 : i32
          %mul3A_836 = arith.muli %scan3A_660, %mul3A_835 : i32
          %add3A_837 = arith.constant 12 : i32
          %add3A_838 = arith.addi %mul3A_836, %add3A_837 : i32
          %dma_start3A_839 = arith.constant 0 : i32
          %dma_start3A_840 = tpu.memref_slice %arg6[%add3A_838, %dma_start3A_839] : memref<64x300xf32, #tpu.memory_space<vmem>> -> memref<1x300xf32, #tpu.memory_space<vmem>>
          %dma_start3A_841 = arith.constant 0 : i32
          %dma_start3A_842 = tpu.memref_slice %arg3[%squeeze3A_834, %dma_start3A_841] : memref<55585x300xf32, #tpu.memory_space<hbm>> -> memref<1x300xf32, #tpu.memory_space<hbm>>
          %dma_start3A_843 = arith.constant 0 : i32
          %dma_start3A_844 = tpu.memref_slice %arg6[%add3A_838, %dma_start3A_843] : memref<64x300xf32, #tpu.memory_space<vmem>> -> memref<1x300xf32, #tpu.memory_space<vmem>>
          %dma_start3A_845 = arith.constant 0 : i32
          %dma_start3A_846 = tpu.memref_slice %arg3[%squeeze3A_834, %dma_start3A_845] : memref<55585x300xf32, #tpu.memory_space<hbm>> -> memref<1x300xf32, #tpu.memory_space<hbm>>
          tpu.enqueue_dma source(%dma_start3A_846 : memref<1x300xf32, #tpu.memory_space<hbm>>) target(%dma_start3A_844 : memref<1x300xf32, #tpu.memory_space<vmem>>) target_semaphore(%arg9 : memref<!tpu.dma_semaphore, #tpu.memory_space<semaphore_mem>>)
          %slice3A_847 = vector.extract_strided_slice %get3A_666 {offsets = [13], sizes = [1], strides = [1]} : vector<16xi32> to vector<1xi32>
          %squeeze3A_848 = vector.extract %slice3A_847[0] : i32 from vector<1xi32>
          %mul3A_849 = arith.constant 16 : i32
          %mul3A_850 = arith.muli %scan3A_660, %mul3A_849 : i32
          %add3A_851 = arith.constant 13 : i32
          %add3A_852 = arith.addi %mul3A_850, %add3A_851 : i32
          %dma_start3A_853 = arith.constant 0 : i32
          %dma_start3A_854 = tpu.memref_slice %arg6[%add3A_852, %dma_start3A_853] : memref<64x300xf32, #tpu.memory_space<vmem>> -> memref<1x300xf32, #tpu.memory_space<vmem>>
          %dma_start3A_855 = arith.constant 0 : i32
          %dma_start3A_856 = tpu.memref_slice %arg3[%squeeze3A_848, %dma_start3A_855] : memref<55585x300xf32, #tpu.memory_space<hbm>> -> memref<1x300xf32, #tpu.memory_space<hbm>>
          %dma_start3A_857 = arith.constant 0 : i32
          %dma_start3A_858 = tpu.memref_slice %arg6[%add3A_852, %dma_start3A_857] : memref<64x300xf32, #tpu.memory_space<vmem>> -> memref<1x300xf32, #tpu.memory_space<vmem>>
          %dma_start3A_859 = arith.constant 0 : i32
          %dma_start3A_860 = tpu.memref_slice %arg3[%squeeze3A_848, %dma_start3A_859] : memref<55585x300xf32, #tpu.memory_space<hbm>> -> memref<1x300xf32, #tpu.memory_space<hbm>>
          tpu.enqueue_dma source(%dma_start3A_860 : memref<1x300xf32, #tpu.memory_space<hbm>>) target(%dma_start3A_858 : memref<1x300xf32, #tpu.memory_space<vmem>>) target_semaphore(%arg9 : memref<!tpu.dma_semaphore, #tpu.memory_space<semaphore_mem>>)
          %slice3A_861 = vector.extract_strided_slice %get3A_666 {offsets = [14], sizes = [1], strides = [1]} : vector<16xi32> to vector<1xi32>
          %squeeze3A_862 = vector.extract %slice3A_861[0] : i32 from vector<1xi32>
          %mul3A_863 = arith.constant 16 : i32
          %mul3A_864 = arith.muli %scan3A_660, %mul3A_863 : i32
          %add3A_865 = arith.constant 14 : i32
          %add3A_866 = arith.addi %mul3A_864, %add3A_865 : i32
          %dma_start3A_867 = arith.constant 0 : i32
          %dma_start3A_868 = tpu.memref_slice %arg6[%add3A_866, %dma_start3A_867] : memref<64x300xf32, #tpu.memory_space<vmem>> -> memref<1x300xf32, #tpu.memory_space<vmem>>
          %dma_start3A_869 = arith.constant 0 : i32
          %dma_start3A_870 = tpu.memref_slice %arg3[%squeeze3A_862, %dma_start3A_869] : memref<55585x300xf32, #tpu.memory_space<hbm>> -> memref<1x300xf32, #tpu.memory_space<hbm>>
          %dma_start3A_871 = arith.constant 0 : i32
          %dma_start3A_872 = tpu.memref_slice %arg6[%add3A_866, %dma_start3A_871] : memref<64x300xf32, #tpu.memory_space<vmem>> -> memref<1x300xf32, #tpu.memory_space<vmem>>
          %dma_start3A_873 = arith.constant 0 : i32
          %dma_start3A_874 = tpu.memref_slice %arg3[%squeeze3A_862, %dma_start3A_873] : memref<55585x300xf32, #tpu.memory_space<hbm>> -> memref<1x300xf32, #tpu.memory_space<hbm>>
          tpu.enqueue_dma source(%dma_start3A_874 : memref<1x300xf32, #tpu.memory_space<hbm>>) target(%dma_start3A_872 : memref<1x300xf32, #tpu.memory_space<vmem>>) target_semaphore(%arg9 : memref<!tpu.dma_semaphore, #tpu.memory_space<semaphore_mem>>)
          %slice3A_875 = vector.extract_strided_slice %get3A_666 {offsets = [15], sizes = [1], strides = [1]} : vector<16xi32> to vector<1xi32>
          %squeeze3A_876 = vector.extract %slice3A_875[0] : i32 from vector<1xi32>
          %mul3A_877 = arith.constant 16 : i32
          %mul3A_878 = arith.muli %scan3A_660, %mul3A_877 : i32
          %add3A_879 = arith.constant 15 : i32
          %add3A_880 = arith.addi %mul3A_878, %add3A_879 : i32
          %dma_start3A_881 = arith.constant 0 : i32
          %dma_start3A_882 = tpu.memref_slice %arg6[%add3A_880, %dma_start3A_881] : memref<64x300xf32, #tpu.memory_space<vmem>> -> memref<1x300xf32, #tpu.memory_space<vmem>>
          %dma_start3A_883 = arith.constant 0 : i32
          %dma_start3A_884 = tpu.memref_slice %arg3[%squeeze3A_876, %dma_start3A_883] : memref<55585x300xf32, #tpu.memory_space<hbm>> -> memref<1x300xf32, #tpu.memory_space<hbm>>
          %dma_start3A_885 = arith.constant 0 : i32
          %dma_start3A_886 = tpu.memref_slice %arg6[%add3A_880, %dma_start3A_885] : memref<64x300xf32, #tpu.memory_space<vmem>> -> memref<1x300xf32, #tpu.memory_space<vmem>>
          %dma_start3A_887 = arith.constant 0 : i32
          %dma_start3A_888 = tpu.memref_slice %arg3[%squeeze3A_876, %dma_start3A_887] : memref<55585x300xf32, #tpu.memory_space<hbm>> -> memref<1x300xf32, #tpu.memory_space<hbm>>
          tpu.enqueue_dma source(%dma_start3A_888 : memref<1x300xf32, #tpu.memory_space<hbm>>) target(%dma_start3A_886 : memref<1x300xf32, #tpu.memory_space<vmem>>) target_semaphore(%arg9 : memref<!tpu.dma_semaphore, #tpu.memory_space<semaphore_mem>>)
        }
        %scan3A_659 = arith.constant 4 : i32
      } else {
      }
      %dma_wait3A_163 = arith.constant 0 : i32
      %dma_wait3A_164 = arith.constant 0 : i32
      %dma_wait3A_165 = tpu.memref_slice %arg3[%dma_wait3A_163, %dma_wait3A_164] : memref<55585x300xf32, #tpu.memory_space<hbm>> -> memref<64x300xf32, #tpu.memory_space<hbm>>
      %dma_wait3A_166 = arith.constant 0 : i32
      %dma_wait3A_167 = arith.constant 0 : i32
      %dma_wait3A_168 = tpu.memref_slice %arg3[%dma_wait3A_166, %dma_wait3A_167] : memref<55585x300xf32, #tpu.memory_space<hbm>> -> memref<64x300xf32, #tpu.memory_space<hbm>>
      tpu.wait_dma2 semaphore(%arg10 : memref<!tpu.dma_semaphore, #tpu.memory_space<semaphore_mem>>) src(%dma_wait3A_168 : memref<64x300xf32, #tpu.memory_space<hbm>>) dst(%arg7 : memref<64x300xf32, #tpu.memory_space<vmem>>)
      %add3A_169 = arith.constant 64 : i32
      %add3A_170 = vector.broadcast %add3A_169 : i32 to vector<16xi32>
      %add3A_171 = arith.addi %add3A_5, %add3A_170 : vector<16xi32>
      %add3A_172 = arith.constant 64 : i32
      %add3A_173 = vector.broadcast %add3A_172 : i32 to vector<16xi32>
      %add3A_174 = arith.addi %add3A_8, %add3A_173 : vector<16xi32>
      %add3A_175 = arith.constant 64 : i32
      %add3A_176 = vector.broadcast %add3A_175 : i32 to vector<16xi32>
      %add3A_177 = arith.addi %add3A_11, %add3A_176 : vector<16xi32>
      %add3A_178 = arith.constant 64 : i32
      %add3A_179 = vector.broadcast %add3A_178 : i32 to vector<16xi32>
      %add3A_180 = arith.addi %add3A_14, %add3A_179 : vector<16xi32>
      %scan3A_181 = arith.constant 0 : i32
      %scan3A_182 = arith.constant 0 : i32
      %scan3A_183 = arith.constant 19 : i32
      %scan3A_184 = arith.addi %scan3A_182, %scan3A_183 : i32
      %scan3A_185 = arith.constant 1 : i32
      scf.for %scan3A_652 = %scan3A_182 to %scan3A_184 step %scan3A_185  : i32 {
        %mul3A_653 = arith.constant 16 : i32
        %mul3A_654 = arith.muli %scan3A_652, %mul3A_653 : i32
        %add3A_655 = vector.broadcast %mul3A_654 : i32 to vector<16xi32>
        %add3A_656 = arith.addi %add3A_655, %and3A_19 : vector<16xi32>
        %gather3A = tpu.vector_load_idx %arg7[%add3A_5, %add3A_656] : memref<64x300xf32, #tpu.memory_space<vmem>>[vector<16xi32>, vector<16xi32>], vector<16xf32>,
        tpu.vector_store_idx %arg8[%add3A_656, %add3A_171], %gather3A : memref<304x128xf32, #tpu.memory_space<vmem>>[vector<16xi32>, vector<16xi32>], vector<16xf32>,
        %add3A_657 = vector.broadcast %mul3A_654 : i32 to vector<16xi32>
        %add3A_658 = arith.addi %add3A_657, %and3A_25 : vector<16xi32>
        %gather3A_659 = tpu.vector_load_idx %arg7[%add3A_5, %add3A_658] : memref<64x300xf32, #tpu.memory_space<vmem>>[vector<16xi32>, vector<16xi32>], vector<16xf32>,
        tpu.vector_store_idx %arg8[%add3A_658, %add3A_171], %gather3A_659 : memref<304x128xf32, #tpu.memory_space<vmem>>[vector<16xi32>, vector<16xi32>], vector<16xf32>,
        %add3A_660 = vector.broadcast %mul3A_654 : i32 to vector<16xi32>
        %add3A_661 = arith.addi %add3A_660, %and3A_31 : vector<16xi32>
        %gather3A_662 = tpu.vector_load_idx %arg7[%add3A_5, %add3A_661] : memref<64x300xf32, #tpu.memory_space<vmem>>[vector<16xi32>, vector<16xi32>], vector<16xf32>,
        tpu.vector_store_idx %arg8[%add3A_661, %add3A_171], %gather3A_662 : memref<304x128xf32, #tpu.memory_space<vmem>>[vector<16xi32>, vector<16xi32>], vector<16xf32>,
        %add3A_663 = vector.broadcast %mul3A_654 : i32 to vector<16xi32>
        %add3A_664 = arith.addi %add3A_663, %and3A_37 : vector<16xi32>
        %gather3A_665 = tpu.vector_load_idx %arg7[%add3A_5, %add3A_664] : memref<64x300xf32, #tpu.memory_space<vmem>>[vector<16xi32>, vector<16xi32>], vector<16xf32>,
        tpu.vector_store_idx %arg8[%add3A_664, %add3A_171], %gather3A_665 : memref<304x128xf32, #tpu.memory_space<vmem>>[vector<16xi32>, vector<16xi32>], vector<16xf32>,
        %add3A_666 = vector.broadcast %mul3A_654 : i32 to vector<16xi32>
        %add3A_667 = arith.addi %add3A_666, %and3A_43 : vector<16xi32>
        %gather3A_668 = tpu.vector_load_idx %arg7[%add3A_5, %add3A_667] : memref<64x300xf32, #tpu.memory_space<vmem>>[vector<16xi32>, vector<16xi32>], vector<16xf32>,
        tpu.vector_store_idx %arg8[%add3A_667, %add3A_171], %gather3A_668 : memref<304x128xf32, #tpu.memory_space<vmem>>[vector<16xi32>, vector<16xi32>], vector<16xf32>,
        %add3A_669 = vector.broadcast %mul3A_654 : i32 to vector<16xi32>
        %add3A_670 = arith.addi %add3A_669, %and3A_49 : vector<16xi32>
        %gather3A_671 = tpu.vector_load_idx %arg7[%add3A_5, %add3A_670] : memref<64x300xf32, #tpu.memory_space<vmem>>[vector<16xi32>, vector<16xi32>], vector<16xf32>,
        tpu.vector_store_idx %arg8[%add3A_670, %add3A_171], %gather3A_671 : memref<304x128xf32, #tpu.memory_space<vmem>>[vector<16xi32>, vector<16xi32>], vector<16xf32>,
        %add3A_672 = vector.broadcast %mul3A_654 : i32 to vector<16xi32>
        %add3A_673 = arith.addi %add3A_672, %and3A_55 : vector<16xi32>
        %gather3A_674 = tpu.vector_load_idx %arg7[%add3A_5, %add3A_673] : memref<64x300xf32, #tpu.memory_space<vmem>>[vector<16xi32>, vector<16xi32>], vector<16xf32>,
        tpu.vector_store_idx %arg8[%add3A_673, %add3A_171], %gather3A_674 : memref<304x128xf32, #tpu.memory_space<vmem>>[vector<16xi32>, vector<16xi32>], vector<16xf32>,
        %add3A_675 = vector.broadcast %mul3A_654 : i32 to vector<16xi32>
        %add3A_676 = arith.addi %add3A_675, %and3A_61 : vector<16xi32>
        %gather3A_677 = tpu.vector_load_idx %arg7[%add3A_5, %add3A_676] : memref<64x300xf32, #tpu.memory_space<vmem>>[vector<16xi32>, vector<16xi32>], vector<16xf32>,
        tpu.vector_store_idx %arg8[%add3A_676, %add3A_171], %gather3A_677 : memref<304x128xf32, #tpu.memory_space<vmem>>[vector<16xi32>, vector<16xi32>], vector<16xf32>,
        %add3A_678 = vector.broadcast %mul3A_654 : i32 to vector<16xi32>
        %add3A_679 = arith.addi %add3A_678, %and3A_67 : vector<16xi32>
        %gather3A_680 = tpu.vector_load_idx %arg7[%add3A_5, %add3A_679] : memref<64x300xf32, #tpu.memory_space<vmem>>[vector<16xi32>, vector<16xi32>], vector<16xf32>,
        tpu.vector_store_idx %arg8[%add3A_679, %add3A_171], %gather3A_680 : memref<304x128xf32, #tpu.memory_space<vmem>>[vector<16xi32>, vector<16xi32>], vector<16xf32>,
        %add3A_681 = vector.broadcast %mul3A_654 : i32 to vector<16xi32>
        %add3A_682 = arith.addi %add3A_681, %and3A_73 : vector<16xi32>
        %gather3A_683 = tpu.vector_load_idx %arg7[%add3A_5, %add3A_682] : memref<64x300xf32, #tpu.memory_space<vmem>>[vector<16xi32>, vector<16xi32>], vector<16xf32>,
        tpu.vector_store_idx %arg8[%add3A_682, %add3A_171], %gather3A_683 : memref<304x128xf32, #tpu.memory_space<vmem>>[vector<16xi32>, vector<16xi32>], vector<16xf32>,
        %add3A_684 = vector.broadcast %mul3A_654 : i32 to vector<16xi32>
        %add3A_685 = arith.addi %add3A_684, %and3A_79 : vector<16xi32>
        %gather3A_686 = tpu.vector_load_idx %arg7[%add3A_5, %add3A_685] : memref<64x300xf32, #tpu.memory_space<vmem>>[vector<16xi32>, vector<16xi32>], vector<16xf32>,
        tpu.vector_store_idx %arg8[%add3A_685, %add3A_171], %gather3A_686 : memref<304x128xf32, #tpu.memory_space<vmem>>[vector<16xi32>, vector<16xi32>], vector<16xf32>,
        %add3A_687 = vector.broadcast %mul3A_654 : i32 to vector<16xi32>
        %add3A_688 = arith.addi %add3A_687, %and3A_85 : vector<16xi32>
        %gather3A_689 = tpu.vector_load_idx %arg7[%add3A_5, %add3A_688] : memref<64x300xf32, #tpu.memory_space<vmem>>[vector<16xi32>, vector<16xi32>], vector<16xf32>,
        tpu.vector_store_idx %arg8[%add3A_688, %add3A_171], %gather3A_689 : memref<304x128xf32, #tpu.memory_space<vmem>>[vector<16xi32>, vector<16xi32>], vector<16xf32>,
        %add3A_690 = vector.broadcast %mul3A_654 : i32 to vector<16xi32>
        %add3A_691 = arith.addi %add3A_690, %and3A_91 : vector<16xi32>
        %gather3A_692 = tpu.vector_load_idx %arg7[%add3A_5, %add3A_691] : memref<64x300xf32, #tpu.memory_space<vmem>>[vector<16xi32>, vector<16xi32>], vector<16xf32>,
        tpu.vector_store_idx %arg8[%add3A_691, %add3A_171], %gather3A_692 : memref<304x128xf32, #tpu.memory_space<vmem>>[vector<16xi32>, vector<16xi32>], vector<16xf32>,
        %add3A_693 = vector.broadcast %mul3A_654 : i32 to vector<16xi32>
        %add3A_694 = arith.addi %add3A_693, %and3A_97 : vector<16xi32>
        %gather3A_695 = tpu.vector_load_idx %arg7[%add3A_5, %add3A_694] : memref<64x300xf32, #tpu.memory_space<vmem>>[vector<16xi32>, vector<16xi32>], vector<16xf32>,
        tpu.vector_store_idx %arg8[%add3A_694, %add3A_171], %gather3A_695 : memref<304x128xf32, #tpu.memory_space<vmem>>[vector<16xi32>, vector<16xi32>], vector<16xf32>,
        %add3A_696 = vector.broadcast %mul3A_654 : i32 to vector<16xi32>
        %add3A_697 = arith.addi %add3A_696, %and3A_103 : vector<16xi32>
        %gather3A_698 = tpu.vector_load_idx %arg7[%add3A_5, %add3A_697] : memref<64x300xf32, #tpu.memory_space<vmem>>[vector<16xi32>, vector<16xi32>], vector<16xf32>,
        tpu.vector_store_idx %arg8[%add3A_697, %add3A_171], %gather3A_698 : memref<304x128xf32, #tpu.memory_space<vmem>>[vector<16xi32>, vector<16xi32>], vector<16xf32>,
        %add3A_699 = vector.broadcast %mul3A_654 : i32 to vector<16xi32>
        %add3A_700 = arith.addi %add3A_699, %and3A_109 : vector<16xi32>
        %gather3A_701 = tpu.vector_load_idx %arg7[%add3A_5, %add3A_700] : memref<64x300xf32, #tpu.memory_space<vmem>>[vector<16xi32>, vector<16xi32>], vector<16xf32>,
        tpu.vector_store_idx %arg8[%add3A_700, %add3A_171], %gather3A_701 : memref<304x128xf32, #tpu.memory_space<vmem>>[vector<16xi32>, vector<16xi32>], vector<16xf32>,
        %add3A_702 = vector.broadcast %mul3A_654 : i32 to vector<16xi32>
        %add3A_703 = arith.addi %add3A_702, %and3A_19 : vector<16xi32>
        %gather3A_704 = tpu.vector_load_idx %arg7[%add3A_8, %add3A_703] : memref<64x300xf32, #tpu.memory_space<vmem>>[vector<16xi32>, vector<16xi32>], vector<16xf32>,
        tpu.vector_store_idx %arg8[%add3A_703, %add3A_174], %gather3A_704 : memref<304x128xf32, #tpu.memory_space<vmem>>[vector<16xi32>, vector<16xi32>], vector<16xf32>,
        %add3A_705 = vector.broadcast %mul3A_654 : i32 to vector<16xi32>
        %add3A_706 = arith.addi %add3A_705, %and3A_25 : vector<16xi32>
        %gather3A_707 = tpu.vector_load_idx %arg7[%add3A_8, %add3A_706] : memref<64x300xf32, #tpu.memory_space<vmem>>[vector<16xi32>, vector<16xi32>], vector<16xf32>,
        tpu.vector_store_idx %arg8[%add3A_706, %add3A_174], %gather3A_707 : memref<304x128xf32, #tpu.memory_space<vmem>>[vector<16xi32>, vector<16xi32>], vector<16xf32>,
        %add3A_708 = vector.broadcast %mul3A_654 : i32 to vector<16xi32>
        %add3A_709 = arith.addi %add3A_708, %and3A_31 : vector<16xi32>
        %gather3A_710 = tpu.vector_load_idx %arg7[%add3A_8, %add3A_709] : memref<64x300xf32, #tpu.memory_space<vmem>>[vector<16xi32>, vector<16xi32>], vector<16xf32>,
        tpu.vector_store_idx %arg8[%add3A_709, %add3A_174], %gather3A_710 : memref<304x128xf32, #tpu.memory_space<vmem>>[vector<16xi32>, vector<16xi32>], vector<16xf32>,
        %add3A_711 = vector.broadcast %mul3A_654 : i32 to vector<16xi32>
        %add3A_712 = arith.addi %add3A_711, %and3A_37 : vector<16xi32>
        %gather3A_713 = tpu.vector_load_idx %arg7[%add3A_8, %add3A_712] : memref<64x300xf32, #tpu.memory_space<vmem>>[vector<16xi32>, vector<16xi32>], vector<16xf32>,
        tpu.vector_store_idx %arg8[%add3A_712, %add3A_174], %gather3A_713 : memref<304x128xf32, #tpu.memory_space<vmem>>[vector<16xi32>, vector<16xi32>], vector<16xf32>,
        %add3A_714 = vector.broadcast %mul3A_654 : i32 to vector<16xi32>
        %add3A_715 = arith.addi %add3A_714, %and3A_43 : vector<16xi32>
        %gather3A_716 = tpu.vector_load_idx %arg7[%add3A_8, %add3A_715] : memref<64x300xf32, #tpu.memory_space<vmem>>[vector<16xi32>, vector<16xi32>], vector<16xf32>,
        tpu.vector_store_idx %arg8[%add3A_715, %add3A_174], %gather3A_716 : memref<304x128xf32, #tpu.memory_space<vmem>>[vector<16xi32>, vector<16xi32>], vector<16xf32>,
        %add3A_717 = vector.broadcast %mul3A_654 : i32 to vector<16xi32>
        %add3A_718 = arith.addi %add3A_717, %and3A_49 : vector<16xi32>
        %gather3A_719 = tpu.vector_load_idx %arg7[%add3A_8, %add3A_718] : memref<64x300xf32, #tpu.memory_space<vmem>>[vector<16xi32>, vector<16xi32>], vector<16xf32>,
        tpu.vector_store_idx %arg8[%add3A_718, %add3A_174], %gather3A_719 : memref<304x128xf32, #tpu.memory_space<vmem>>[vector<16xi32>, vector<16xi32>], vector<16xf32>,
        %add3A_720 = vector.broadcast %mul3A_654 : i32 to vector<16xi32>
        %add3A_721 = arith.addi %add3A_720, %and3A_55 : vector<16xi32>
        %gather3A_722 = tpu.vector_load_idx %arg7[%add3A_8, %add3A_721] : memref<64x300xf32, #tpu.memory_space<vmem>>[vector<16xi32>, vector<16xi32>], vector<16xf32>,
        tpu.vector_store_idx %arg8[%add3A_721, %add3A_174], %gather3A_722 : memref<304x128xf32, #tpu.memory_space<vmem>>[vector<16xi32>, vector<16xi32>], vector<16xf32>,
        %add3A_723 = vector.broadcast %mul3A_654 : i32 to vector<16xi32>
        %add3A_724 = arith.addi %add3A_723, %and3A_61 : vector<16xi32>
        %gather3A_725 = tpu.vector_load_idx %arg7[%add3A_8, %add3A_724] : memref<64x300xf32, #tpu.memory_space<vmem>>[vector<16xi32>, vector<16xi32>], vector<16xf32>,
        tpu.vector_store_idx %arg8[%add3A_724, %add3A_174], %gather3A_725 : memref<304x128xf32, #tpu.memory_space<vmem>>[vector<16xi32>, vector<16xi32>], vector<16xf32>,
        %add3A_726 = vector.broadcast %mul3A_654 : i32 to vector<16xi32>
        %add3A_727 = arith.addi %add3A_726, %and3A_67 : vector<16xi32>
        %gather3A_728 = tpu.vector_load_idx %arg7[%add3A_8, %add3A_727] : memref<64x300xf32, #tpu.memory_space<vmem>>[vector<16xi32>, vector<16xi32>], vector<16xf32>,
        tpu.vector_store_idx %arg8[%add3A_727, %add3A_174], %gather3A_728 : memref<304x128xf32, #tpu.memory_space<vmem>>[vector<16xi32>, vector<16xi32>], vector<16xf32>,
        %add3A_729 = vector.broadcast %mul3A_654 : i32 to vector<16xi32>
        %add3A_730 = arith.addi %add3A_729, %and3A_73 : vector<16xi32>
        %gather3A_731 = tpu.vector_load_idx %arg7[%add3A_8, %add3A_730] : memref<64x300xf32, #tpu.memory_space<vmem>>[vector<16xi32>, vector<16xi32>], vector<16xf32>,
        tpu.vector_store_idx %arg8[%add3A_730, %add3A_174], %gather3A_731 : memref<304x128xf32, #tpu.memory_space<vmem>>[vector<16xi32>, vector<16xi32>], vector<16xf32>,
        %add3A_732 = vector.broadcast %mul3A_654 : i32 to vector<16xi32>
        %add3A_733 = arith.addi %add3A_732, %and3A_79 : vector<16xi32>
        %gather3A_734 = tpu.vector_load_idx %arg7[%add3A_8, %add3A_733] : memref<64x300xf32, #tpu.memory_space<vmem>>[vector<16xi32>, vector<16xi32>], vector<16xf32>,
        tpu.vector_store_idx %arg8[%add3A_733, %add3A_174], %gather3A_734 : memref<304x128xf32, #tpu.memory_space<vmem>>[vector<16xi32>, vector<16xi32>], vector<16xf32>,
        %add3A_735 = vector.broadcast %mul3A_654 : i32 to vector<16xi32>
        %add3A_736 = arith.addi %add3A_735, %and3A_85 : vector<16xi32>
        %gather3A_737 = tpu.vector_load_idx %arg7[%add3A_8, %add3A_736] : memref<64x300xf32, #tpu.memory_space<vmem>>[vector<16xi32>, vector<16xi32>], vector<16xf32>,
        tpu.vector_store_idx %arg8[%add3A_736, %add3A_174], %gather3A_737 : memref<304x128xf32, #tpu.memory_space<vmem>>[vector<16xi32>, vector<16xi32>], vector<16xf32>,
        %add3A_738 = vector.broadcast %mul3A_654 : i32 to vector<16xi32>
        %add3A_739 = arith.addi %add3A_738, %and3A_91 : vector<16xi32>
        %gather3A_740 = tpu.vector_load_idx %arg7[%add3A_8, %add3A_739] : memref<64x300xf32, #tpu.memory_space<vmem>>[vector<16xi32>, vector<16xi32>], vector<16xf32>,
        tpu.vector_store_idx %arg8[%add3A_739, %add3A_174], %gather3A_740 : memref<304x128xf32, #tpu.memory_space<vmem>>[vector<16xi32>, vector<16xi32>], vector<16xf32>,
        %add3A_741 = vector.broadcast %mul3A_654 : i32 to vector<16xi32>
        %add3A_742 = arith.addi %add3A_741, %and3A_97 : vector<16xi32>
        %gather3A_743 = tpu.vector_load_idx %arg7[%add3A_8, %add3A_742] : memref<64x300xf32, #tpu.memory_space<vmem>>[vector<16xi32>, vector<16xi32>], vector<16xf32>,
        tpu.vector_store_idx %arg8[%add3A_742, %add3A_174], %gather3A_743 : memref<304x128xf32, #tpu.memory_space<vmem>>[vector<16xi32>, vector<16xi32>], vector<16xf32>,
        %add3A_744 = vector.broadcast %mul3A_654 : i32 to vector<16xi32>
        %add3A_745 = arith.addi %add3A_744, %and3A_103 : vector<16xi32>
        %gather3A_746 = tpu.vector_load_idx %arg7[%add3A_8, %add3A_745] : memref<64x300xf32, #tpu.memory_space<vmem>>[vector<16xi32>, vector<16xi32>], vector<16xf32>,
        tpu.vector_store_idx %arg8[%add3A_745, %add3A_174], %gather3A_746 : memref<304x128xf32, #tpu.memory_space<vmem>>[vector<16xi32>, vector<16xi32>], vector<16xf32>,
        %add3A_747 = vector.broadcast %mul3A_654 : i32 to vector<16xi32>
        %add3A_748 = arith.addi %add3A_747, %and3A_109 : vector<16xi32>
        %gather3A_749 = tpu.vector_load_idx %arg7[%add3A_8, %add3A_748] : memref<64x300xf32, #tpu.memory_space<vmem>>[vector<16xi32>, vector<16xi32>], vector<16xf32>,
        tpu.vector_store_idx %arg8[%add3A_748, %add3A_174], %gather3A_749 : memref<304x128xf32, #tpu.memory_space<vmem>>[vector<16xi32>, vector<16xi32>], vector<16xf32>,
        %add3A_750 = vector.broadcast %mul3A_654 : i32 to vector<16xi32>
        %add3A_751 = arith.addi %add3A_750, %and3A_19 : vector<16xi32>
        %gather3A_752 = tpu.vector_load_idx %arg7[%add3A_11, %add3A_751] : memref<64x300xf32, #tpu.memory_space<vmem>>[vector<16xi32>, vector<16xi32>], vector<16xf32>,
        tpu.vector_store_idx %arg8[%add3A_751, %add3A_177], %gather3A_752 : memref<304x128xf32, #tpu.memory_space<vmem>>[vector<16xi32>, vector<16xi32>], vector<16xf32>,
        %add3A_753 = vector.broadcast %mul3A_654 : i32 to vector<16xi32>
        %add3A_754 = arith.addi %add3A_753, %and3A_25 : vector<16xi32>
        %gather3A_755 = tpu.vector_load_idx %arg7[%add3A_11, %add3A_754] : memref<64x300xf32, #tpu.memory_space<vmem>>[vector<16xi32>, vector<16xi32>], vector<16xf32>,
        tpu.vector_store_idx %arg8[%add3A_754, %add3A_177], %gather3A_755 : memref<304x128xf32, #tpu.memory_space<vmem>>[vector<16xi32>, vector<16xi32>], vector<16xf32>,
        %add3A_756 = vector.broadcast %mul3A_654 : i32 to vector<16xi32>
        %add3A_757 = arith.addi %add3A_756, %and3A_31 : vector<16xi32>
        %gather3A_758 = tpu.vector_load_idx %arg7[%add3A_11, %add3A_757] : memref<64x300xf32, #tpu.memory_space<vmem>>[vector<16xi32>, vector<16xi32>], vector<16xf32>,
        tpu.vector_store_idx %arg8[%add3A_757, %add3A_177], %gather3A_758 : memref<304x128xf32, #tpu.memory_space<vmem>>[vector<16xi32>, vector<16xi32>], vector<16xf32>,
        %add3A_759 = vector.broadcast %mul3A_654 : i32 to vector<16xi32>
        %add3A_760 = arith.addi %add3A_759, %and3A_37 : vector<16xi32>
        %gather3A_761 = tpu.vector_load_idx %arg7[%add3A_11, %add3A_760] : memref<64x300xf32, #tpu.memory_space<vmem>>[vector<16xi32>, vector<16xi32>], vector<16xf32>,
        tpu.vector_store_idx %arg8[%add3A_760, %add3A_177], %gather3A_761 : memref<304x128xf32, #tpu.memory_space<vmem>>[vector<16xi32>, vector<16xi32>], vector<16xf32>,
        %add3A_762 = vector.broadcast %mul3A_654 : i32 to vector<16xi32>
        %add3A_763 = arith.addi %add3A_762, %and3A_43 : vector<16xi32>
        %gather3A_764 = tpu.vector_load_idx %arg7[%add3A_11, %add3A_763] : memref<64x300xf32, #tpu.memory_space<vmem>>[vector<16xi32>, vector<16xi32>], vector<16xf32>,
        tpu.vector_store_idx %arg8[%add3A_763, %add3A_177], %gather3A_764 : memref<304x128xf32, #tpu.memory_space<vmem>>[vector<16xi32>, vector<16xi32>], vector<16xf32>,
        %add3A_765 = vector.broadcast %mul3A_654 : i32 to vector<16xi32>
        %add3A_766 = arith.addi %add3A_765, %and3A_49 : vector<16xi32>
        %gather3A_767 = tpu.vector_load_idx %arg7[%add3A_11, %add3A_766] : memref<64x300xf32, #tpu.memory_space<vmem>>[vector<16xi32>, vector<16xi32>], vector<16xf32>,
        tpu.vector_store_idx %arg8[%add3A_766, %add3A_177], %gather3A_767 : memref<304x128xf32, #tpu.memory_space<vmem>>[vector<16xi32>, vector<16xi32>], vector<16xf32>,
        %add3A_768 = vector.broadcast %mul3A_654 : i32 to vector<16xi32>
        %add3A_769 = arith.addi %add3A_768, %and3A_55 : vector<16xi32>
        %gather3A_770 = tpu.vector_load_idx %arg7[%add3A_11, %add3A_769] : memref<64x300xf32, #tpu.memory_space<vmem>>[vector<16xi32>, vector<16xi32>], vector<16xf32>,
        tpu.vector_store_idx %arg8[%add3A_769, %add3A_177], %gather3A_770 : memref<304x128xf32, #tpu.memory_space<vmem>>[vector<16xi32>, vector<16xi32>], vector<16xf32>,
        %add3A_771 = vector.broadcast %mul3A_654 : i32 to vector<16xi32>
        %add3A_772 = arith.addi %add3A_771, %and3A_61 : vector<16xi32>
        %gather3A_773 = tpu.vector_load_idx %arg7[%add3A_11, %add3A_772] : memref<64x300xf32, #tpu.memory_space<vmem>>[vector<16xi32>, vector<16xi32>], vector<16xf32>,
        tpu.vector_store_idx %arg8[%add3A_772, %add3A_177], %gather3A_773 : memref<304x128xf32, #tpu.memory_space<vmem>>[vector<16xi32>, vector<16xi32>], vector<16xf32>,
        %add3A_774 = vector.broadcast %mul3A_654 : i32 to vector<16xi32>
        %add3A_775 = arith.addi %add3A_774, %and3A_67 : vector<16xi32>
        %gather3A_776 = tpu.vector_load_idx %arg7[%add3A_11, %add3A_775] : memref<64x300xf32, #tpu.memory_space<vmem>>[vector<16xi32>, vector<16xi32>], vector<16xf32>,
        tpu.vector_store_idx %arg8[%add3A_775, %add3A_177], %gather3A_776 : memref<304x128xf32, #tpu.memory_space<vmem>>[vector<16xi32>, vector<16xi32>], vector<16xf32>,
        %add3A_777 = vector.broadcast %mul3A_654 : i32 to vector<16xi32>
        %add3A_778 = arith.addi %add3A_777, %and3A_73 : vector<16xi32>
        %gather3A_779 = tpu.vector_load_idx %arg7[%add3A_11, %add3A_778] : memref<64x300xf32, #tpu.memory_space<vmem>>[vector<16xi32>, vector<16xi32>], vector<16xf32>,
        tpu.vector_store_idx %arg8[%add3A_778, %add3A_177], %gather3A_779 : memref<304x128xf32, #tpu.memory_space<vmem>>[vector<16xi32>, vector<16xi32>], vector<16xf32>,
        %add3A_780 = vector.broadcast %mul3A_654 : i32 to vector<16xi32>
        %add3A_781 = arith.addi %add3A_780, %and3A_79 : vector<16xi32>
        %gather3A_782 = tpu.vector_load_idx %arg7[%add3A_11, %add3A_781] : memref<64x300xf32, #tpu.memory_space<vmem>>[vector<16xi32>, vector<16xi32>], vector<16xf32>,
        tpu.vector_store_idx %arg8[%add3A_781, %add3A_177], %gather3A_782 : memref<304x128xf32, #tpu.memory_space<vmem>>[vector<16xi32>, vector<16xi32>], vector<16xf32>,
        %add3A_783 = vector.broadcast %mul3A_654 : i32 to vector<16xi32>
        %add3A_784 = arith.addi %add3A_783, %and3A_85 : vector<16xi32>
        %gather3A_785 = tpu.vector_load_idx %arg7[%add3A_11, %add3A_784] : memref<64x300xf32, #tpu.memory_space<vmem>>[vector<16xi32>, vector<16xi32>], vector<16xf32>,
        tpu.vector_store_idx %arg8[%add3A_784, %add3A_177], %gather3A_785 : memref<304x128xf32, #tpu.memory_space<vmem>>[vector<16xi32>, vector<16xi32>], vector<16xf32>,
        %add3A_786 = vector.broadcast %mul3A_654 : i32 to vector<16xi32>
        %add3A_787 = arith.addi %add3A_786, %and3A_91 : vector<16xi32>
        %gather3A_788 = tpu.vector_load_idx %arg7[%add3A_11, %add3A_787] : memref<64x300xf32, #tpu.memory_space<vmem>>[vector<16xi32>, vector<16xi32>], vector<16xf32>,
        tpu.vector_store_idx %arg8[%add3A_787, %add3A_177], %gather3A_788 : memref<304x128xf32, #tpu.memory_space<vmem>>[vector<16xi32>, vector<16xi32>], vector<16xf32>,
        %add3A_789 = vector.broadcast %mul3A_654 : i32 to vector<16xi32>
        %add3A_790 = arith.addi %add3A_789, %and3A_97 : vector<16xi32>
        %gather3A_791 = tpu.vector_load_idx %arg7[%add3A_11, %add3A_790] : memref<64x300xf32, #tpu.memory_space<vmem>>[vector<16xi32>, vector<16xi32>], vector<16xf32>,
        tpu.vector_store_idx %arg8[%add3A_790, %add3A_177], %gather3A_791 : memref<304x128xf32, #tpu.memory_space<vmem>>[vector<16xi32>, vector<16xi32>], vector<16xf32>,
        %add3A_792 = vector.broadcast %mul3A_654 : i32 to vector<16xi32>
        %add3A_793 = arith.addi %add3A_792, %and3A_103 : vector<16xi32>
        %gather3A_794 = tpu.vector_load_idx %arg7[%add3A_11, %add3A_793] : memref<64x300xf32, #tpu.memory_space<vmem>>[vector<16xi32>, vector<16xi32>], vector<16xf32>,
        tpu.vector_store_idx %arg8[%add3A_793, %add3A_177], %gather3A_794 : memref<304x128xf32, #tpu.memory_space<vmem>>[vector<16xi32>, vector<16xi32>], vector<16xf32>,
        %add3A_795 = vector.broadcast %mul3A_654 : i32 to vector<16xi32>
        %add3A_796 = arith.addi %add3A_795, %and3A_109 : vector<16xi32>
        %gather3A_797 = tpu.vector_load_idx %arg7[%add3A_11, %add3A_796] : memref<64x300xf32, #tpu.memory_space<vmem>>[vector<16xi32>, vector<16xi32>], vector<16xf32>,
        tpu.vector_store_idx %arg8[%add3A_796, %add3A_177], %gather3A_797 : memref<304x128xf32, #tpu.memory_space<vmem>>[vector<16xi32>, vector<16xi32>], vector<16xf32>,
        %add3A_798 = vector.broadcast %mul3A_654 : i32 to vector<16xi32>
        %add3A_799 = arith.addi %add3A_798, %and3A_19 : vector<16xi32>
        %gather3A_800 = tpu.vector_load_idx %arg7[%add3A_14, %add3A_799] : memref<64x300xf32, #tpu.memory_space<vmem>>[vector<16xi32>, vector<16xi32>], vector<16xf32>,
        tpu.vector_store_idx %arg8[%add3A_799, %add3A_180], %gather3A_800 : memref<304x128xf32, #tpu.memory_space<vmem>>[vector<16xi32>, vector<16xi32>], vector<16xf32>,
        %add3A_801 = vector.broadcast %mul3A_654 : i32 to vector<16xi32>
        %add3A_802 = arith.addi %add3A_801, %and3A_25 : vector<16xi32>
        %gather3A_803 = tpu.vector_load_idx %arg7[%add3A_14, %add3A_802] : memref<64x300xf32, #tpu.memory_space<vmem>>[vector<16xi32>, vector<16xi32>], vector<16xf32>,
        tpu.vector_store_idx %arg8[%add3A_802, %add3A_180], %gather3A_803 : memref<304x128xf32, #tpu.memory_space<vmem>>[vector<16xi32>, vector<16xi32>], vector<16xf32>,
        %add3A_804 = vector.broadcast %mul3A_654 : i32 to vector<16xi32>
        %add3A_805 = arith.addi %add3A_804, %and3A_31 : vector<16xi32>
        %gather3A_806 = tpu.vector_load_idx %arg7[%add3A_14, %add3A_805] : memref<64x300xf32, #tpu.memory_space<vmem>>[vector<16xi32>, vector<16xi32>], vector<16xf32>,
        tpu.vector_store_idx %arg8[%add3A_805, %add3A_180], %gather3A_806 : memref<304x128xf32, #tpu.memory_space<vmem>>[vector<16xi32>, vector<16xi32>], vector<16xf32>,
        %add3A_807 = vector.broadcast %mul3A_654 : i32 to vector<16xi32>
        %add3A_808 = arith.addi %add3A_807, %and3A_37 : vector<16xi32>
        %gather3A_809 = tpu.vector_load_idx %arg7[%add3A_14, %add3A_808] : memref<64x300xf32, #tpu.memory_space<vmem>>[vector<16xi32>, vector<16xi32>], vector<16xf32>,
        tpu.vector_store_idx %arg8[%add3A_808, %add3A_180], %gather3A_809 : memref<304x128xf32, #tpu.memory_space<vmem>>[vector<16xi32>, vector<16xi32>], vector<16xf32>,
        %add3A_810 = vector.broadcast %mul3A_654 : i32 to vector<16xi32>
        %add3A_811 = arith.addi %add3A_810, %and3A_43 : vector<16xi32>
        %gather3A_812 = tpu.vector_load_idx %arg7[%add3A_14, %add3A_811] : memref<64x300xf32, #tpu.memory_space<vmem>>[vector<16xi32>, vector<16xi32>], vector<16xf32>,
        tpu.vector_store_idx %arg8[%add3A_811, %add3A_180], %gather3A_812 : memref<304x128xf32, #tpu.memory_space<vmem>>[vector<16xi32>, vector<16xi32>], vector<16xf32>,
        %add3A_813 = vector.broadcast %mul3A_654 : i32 to vector<16xi32>
        %add3A_814 = arith.addi %add3A_813, %and3A_49 : vector<16xi32>
        %gather3A_815 = tpu.vector_load_idx %arg7[%add3A_14, %add3A_814] : memref<64x300xf32, #tpu.memory_space<vmem>>[vector<16xi32>, vector<16xi32>], vector<16xf32>,
        tpu.vector_store_idx %arg8[%add3A_814, %add3A_180], %gather3A_815 : memref<304x128xf32, #tpu.memory_space<vmem>>[vector<16xi32>, vector<16xi32>], vector<16xf32>,
        %add3A_816 = vector.broadcast %mul3A_654 : i32 to vector<16xi32>
        %add3A_817 = arith.addi %add3A_816, %and3A_55 : vector<16xi32>
        %gather3A_818 = tpu.vector_load_idx %arg7[%add3A_14, %add3A_817] : memref<64x300xf32, #tpu.memory_space<vmem>>[vector<16xi32>, vector<16xi32>], vector<16xf32>,
        tpu.vector_store_idx %arg8[%add3A_817, %add3A_180], %gather3A_818 : memref<304x128xf32, #tpu.memory_space<vmem>>[vector<16xi32>, vector<16xi32>], vector<16xf32>,
        %add3A_819 = vector.broadcast %mul3A_654 : i32 to vector<16xi32>
        %add3A_820 = arith.addi %add3A_819, %and3A_61 : vector<16xi32>
        %gather3A_821 = tpu.vector_load_idx %arg7[%add3A_14, %add3A_820] : memref<64x300xf32, #tpu.memory_space<vmem>>[vector<16xi32>, vector<16xi32>], vector<16xf32>,
        tpu.vector_store_idx %arg8[%add3A_820, %add3A_180], %gather3A_821 : memref<304x128xf32, #tpu.memory_space<vmem>>[vector<16xi32>, vector<16xi32>], vector<16xf32>,
        %add3A_822 = vector.broadcast %mul3A_654 : i32 to vector<16xi32>
        %add3A_823 = arith.addi %add3A_822, %and3A_67 : vector<16xi32>
        %gather3A_824 = tpu.vector_load_idx %arg7[%add3A_14, %add3A_823] : memref<64x300xf32, #tpu.memory_space<vmem>>[vector<16xi32>, vector<16xi32>], vector<16xf32>,
        tpu.vector_store_idx %arg8[%add3A_823, %add3A_180], %gather3A_824 : memref<304x128xf32, #tpu.memory_space<vmem>>[vector<16xi32>, vector<16xi32>], vector<16xf32>,
        %add3A_825 = vector.broadcast %mul3A_654 : i32 to vector<16xi32>
        %add3A_826 = arith.addi %add3A_825, %and3A_73 : vector<16xi32>
        %gather3A_827 = tpu.vector_load_idx %arg7[%add3A_14, %add3A_826] : memref<64x300xf32, #tpu.memory_space<vmem>>[vector<16xi32>, vector<16xi32>], vector<16xf32>,
        tpu.vector_store_idx %arg8[%add3A_826, %add3A_180], %gather3A_827 : memref<304x128xf32, #tpu.memory_space<vmem>>[vector<16xi32>, vector<16xi32>], vector<16xf32>,
        %add3A_828 = vector.broadcast %mul3A_654 : i32 to vector<16xi32>
        %add3A_829 = arith.addi %add3A_828, %and3A_79 : vector<16xi32>
        %gather3A_830 = tpu.vector_load_idx %arg7[%add3A_14, %add3A_829] : memref<64x300xf32, #tpu.memory_space<vmem>>[vector<16xi32>, vector<16xi32>], vector<16xf32>,
        tpu.vector_store_idx %arg8[%add3A_829, %add3A_180], %gather3A_830 : memref<304x128xf32, #tpu.memory_space<vmem>>[vector<16xi32>, vector<16xi32>], vector<16xf32>,
        %add3A_831 = vector.broadcast %mul3A_654 : i32 to vector<16xi32>
        %add3A_832 = arith.addi %add3A_831, %and3A_85 : vector<16xi32>
        %gather3A_833 = tpu.vector_load_idx %arg7[%add3A_14, %add3A_832] : memref<64x300xf32, #tpu.memory_space<vmem>>[vector<16xi32>, vector<16xi32>], vector<16xf32>,
        tpu.vector_store_idx %arg8[%add3A_832, %add3A_180], %gather3A_833 : memref<304x128xf32, #tpu.memory_space<vmem>>[vector<16xi32>, vector<16xi32>], vector<16xf32>,
        %add3A_834 = vector.broadcast %mul3A_654 : i32 to vector<16xi32>
        %add3A_835 = arith.addi %add3A_834, %and3A_91 : vector<16xi32>
        %gather3A_836 = tpu.vector_load_idx %arg7[%add3A_14, %add3A_835] : memref<64x300xf32, #tpu.memory_space<vmem>>[vector<16xi32>, vector<16xi32>], vector<16xf32>,
        tpu.vector_store_idx %arg8[%add3A_835, %add3A_180], %gather3A_836 : memref<304x128xf32, #tpu.memory_space<vmem>>[vector<16xi32>, vector<16xi32>], vector<16xf32>,
        %add3A_837 = vector.broadcast %mul3A_654 : i32 to vector<16xi32>
        %add3A_838 = arith.addi %add3A_837, %and3A_97 : vector<16xi32>
        %gather3A_839 = tpu.vector_load_idx %arg7[%add3A_14, %add3A_838] : memref<64x300xf32, #tpu.memory_space<vmem>>[vector<16xi32>, vector<16xi32>], vector<16xf32>,
        tpu.vector_store_idx %arg8[%add3A_838, %add3A_180], %gather3A_839 : memref<304x128xf32, #tpu.memory_space<vmem>>[vector<16xi32>, vector<16xi32>], vector<16xf32>,
        %add3A_840 = vector.broadcast %mul3A_654 : i32 to vector<16xi32>
        %add3A_841 = arith.addi %add3A_840, %and3A_103 : vector<16xi32>
        %gather3A_842 = tpu.vector_load_idx %arg7[%add3A_14, %add3A_841] : memref<64x300xf32, #tpu.memory_space<vmem>>[vector<16xi32>, vector<16xi32>], vector<16xf32>,
        tpu.vector_store_idx %arg8[%add3A_841, %add3A_180], %gather3A_842 : memref<304x128xf32, #tpu.memory_space<vmem>>[vector<16xi32>, vector<16xi32>], vector<16xf32>,
        %add3A_843 = vector.broadcast %mul3A_654 : i32 to vector<16xi32>
        %add3A_844 = arith.addi %add3A_843, %and3A_109 : vector<16xi32>
        %gather3A_845 = tpu.vector_load_idx %arg7[%add3A_14, %add3A_844] : memref<64x300xf32, #tpu.memory_space<vmem>>[vector<16xi32>, vector<16xi32>], vector<16xf32>,
        tpu.vector_store_idx %arg8[%add3A_844, %add3A_180], %gather3A_845 : memref<304x128xf32, #tpu.memory_space<vmem>>[vector<16xi32>, vector<16xi32>], vector<16xf32>,
      }
      %scan3A_186 = arith.constant 19 : i32
      %mul3A_187 = arith.constant 9728 : i32
      %mul3A_188 = arith.muli %scan3A_132, %mul3A_187 : i32
      %mul3A_189 = arith.constant 8 : i32
      %mul3A_190 = arith.muli %add3A, %mul3A_189 : i32
      %add3A_191 = arith.addi %mul3A_188, %mul3A_190 : i32
      %add3A_192 = arith.constant 0 : i32
      %add3A_193 = arith.addi %add3A_191, %add3A_192 : i32
      %dma_start3A = arith.constant 0 : i32
      %dma_start3A_194 = arith.constant 0 : i32
      %dma_start3A_195 = tpu.memref_slice %arg8[%dma_start3A, %dma_start3A_194] : memref<304x128xf32, #tpu.memory_space<vmem>> -> memref<8x128xf32, #tpu.memory_space<vmem>>
      %dma_start3A_196 = arith.constant 0 : i32
      %dma_start3A_197 = tpu.memref_slice %arg4[%add3A_193, %dma_start3A_196] : memref<486400x128xf32, #tpu.memory_space<hbm>> -> memref<8x128xf32, #tpu.memory_space<hbm>>
      %dma_start3A_198 = arith.constant 0 : i32
      %dma_start3A_199 = tpu.memref_slice %arg4[%add3A_193, %dma_start3A_198] : memref<486400x128xf32, #tpu.memory_space<hbm>> -> memref<8x128xf32, #tpu.memory_space<hbm>>
      %dma_start3A_200 = arith.constant 0 : i32
      %dma_start3A_201 = arith.constant 0 : i32
      %dma_start3A_202 = tpu.memref_slice %arg8[%dma_start3A_200, %dma_start3A_201] : memref<304x128xf32, #tpu.memory_space<vmem>> -> memref<8x128xf32, #tpu.memory_space<vmem>>
      tpu.enqueue_dma source(%dma_start3A_202 : memref<8x128xf32, #tpu.memory_space<vmem>>) target(%dma_start3A_199 : memref<8x128xf32, #tpu.memory_space<hbm>>) target_semaphore(%arg11 : memref<!tpu.dma_semaphore, #tpu.memory_space<semaphore_mem>>)
      %add3A_203 = arith.constant 256 : i32
      %add3A_204 = arith.addi %add3A_191, %add3A_203 : i32
      %dma_start3A_205 = arith.constant 8 : i32
      %dma_start3A_206 = arith.constant 0 : i32
      %dma_start3A_207 = tpu.memref_slice %arg8[%dma_start3A_205, %dma_start3A_206] : memref<304x128xf32, #tpu.memory_space<vmem>> -> memref<8x128xf32, #tpu.memory_space<vmem>>
      %dma_start3A_208 = arith.constant 0 : i32
      %dma_start3A_209 = tpu.memref_slice %arg4[%add3A_204, %dma_start3A_208] : memref<486400x128xf32, #tpu.memory_space<hbm>> -> memref<8x128xf32, #tpu.memory_space<hbm>>
      %dma_start3A_210 = arith.constant 0 : i32
      %dma_start3A_211 = tpu.memref_slice %arg4[%add3A_204, %dma_start3A_210] : memref<486400x128xf32, #tpu.memory_space<hbm>> -> memref<8x128xf32, #tpu.memory_space<hbm>>
      %dma_start3A_212 = arith.constant 8 : i32
      %dma_start3A_213 = arith.constant 0 : i32
      %dma_start3A_214 = tpu.memref_slice %arg8[%dma_start3A_212, %dma_start3A_213] : memref<304x128xf32, #tpu.memory_space<vmem>> -> memref<8x128xf32, #tpu.memory_space<vmem>>
      tpu.enqueue_dma source(%dma_start3A_214 : memref<8x128xf32, #tpu.memory_space<vmem>>) target(%dma_start3A_211 : memref<8x128xf32, #tpu.memory_space<hbm>>) target_semaphore(%arg11 : memref<!tpu.dma_semaphore, #tpu.memory_space<semaphore_mem>>)
      %add3A_215 = arith.constant 512 : i32
      %add3A_216 = arith.addi %add3A_191, %add3A_215 : i32
      %dma_start3A_217 = arith.constant 16 : i32
      %dma_start3A_218 = arith.constant 0 : i32
      %dma_start3A_219 = tpu.memref_slice %arg8[%dma_start3A_217, %dma_start3A_218] : memref<304x128xf32, #tpu.memory_space<vmem>> -> memref<8x128xf32, #tpu.memory_space<vmem>>
      %dma_start3A_220 = arith.constant 0 : i32
      %dma_start3A_221 = tpu.memref_slice %arg4[%add3A_216, %dma_start3A_220] : memref<486400x128xf32, #tpu.memory_space<hbm>> -> memref<8x128xf32, #tpu.memory_space<hbm>>
      %dma_start3A_222 = arith.constant 0 : i32
      %dma_start3A_223 = tpu.memref_slice %arg4[%add3A_216, %dma_start3A_222] : memref<486400x128xf32, #tpu.memory_space<hbm>> -> memref<8x128xf32, #tpu.memory_space<hbm>>
      %dma_start3A_224 = arith.constant 16 : i32
      %dma_start3A_225 = arith.constant 0 : i32
      %dma_start3A_226 = tpu.memref_slice %arg8[%dma_start3A_224, %dma_start3A_225] : memref<304x128xf32, #tpu.memory_space<vmem>> -> memref<8x128xf32, #tpu.memory_space<vmem>>
      tpu.enqueue_dma source(%dma_start3A_226 : memref<8x128xf32, #tpu.memory_space<vmem>>) target(%dma_start3A_223 : memref<8x128xf32, #tpu.memory_space<hbm>>) target_semaphore(%arg11 : memref<!tpu.dma_semaphore, #tpu.memory_space<semaphore_mem>>)
      %add3A_227 = arith.constant 768 : i32
      %add3A_228 = arith.addi %add3A_191, %add3A_227 : i32
      %dma_start3A_229 = arith.constant 24 : i32
      %dma_start3A_230 = arith.constant 0 : i32
      %dma_start3A_231 = tpu.memref_slice %arg8[%dma_start3A_229, %dma_start3A_230] : memref<304x128xf32, #tpu.memory_space<vmem>> -> memref<8x128xf32, #tpu.memory_space<vmem>>
      %dma_start3A_232 = arith.constant 0 : i32
      %dma_start3A_233 = tpu.memref_slice %arg4[%add3A_228, %dma_start3A_232] : memref<486400x128xf32, #tpu.memory_space<hbm>> -> memref<8x128xf32, #tpu.memory_space<hbm>>
      %dma_start3A_234 = arith.constant 0 : i32
      %dma_start3A_235 = tpu.memref_slice %arg4[%add3A_228, %dma_start3A_234] : memref<486400x128xf32, #tpu.memory_space<hbm>> -> memref<8x128xf32, #tpu.memory_space<hbm>>
      %dma_start3A_236 = arith.constant 24 : i32
      %dma_start3A_237 = arith.constant 0 : i32
      %dma_start3A_238 = tpu.memref_slice %arg8[%dma_start3A_236, %dma_start3A_237] : memref<304x128xf32, #tpu.memory_space<vmem>> -> memref<8x128xf32, #tpu.memory_space<vmem>>
      tpu.enqueue_dma source(%dma_start3A_238 : memref<8x128xf32, #tpu.memory_space<vmem>>) target(%dma_start3A_235 : memref<8x128xf32, #tpu.memory_space<hbm>>) target_semaphore(%arg11 : memref<!tpu.dma_semaphore, #tpu.memory_space<semaphore_mem>>)
      %add3A_239 = arith.constant 1024 : i32
      %add3A_240 = arith.addi %add3A_191, %add3A_239 : i32
      %dma_start3A_241 = arith.constant 32 : i32
      %dma_start3A_242 = arith.constant 0 : i32
      %dma_start3A_243 = tpu.memref_slice %arg8[%dma_start3A_241, %dma_start3A_242] : memref<304x128xf32, #tpu.memory_space<vmem>> -> memref<8x128xf32, #tpu.memory_space<vmem>>
      %dma_start3A_244 = arith.constant 0 : i32
      %dma_start3A_245 = tpu.memref_slice %arg4[%add3A_240, %dma_start3A_244] : memref<486400x128xf32, #tpu.memory_space<hbm>> -> memref<8x128xf32, #tpu.memory_space<hbm>>
      %dma_start3A_246 = arith.constant 0 : i32
      %dma_start3A_247 = tpu.memref_slice %arg4[%add3A_240, %dma_start3A_246] : memref<486400x128xf32, #tpu.memory_space<hbm>> -> memref<8x128xf32, #tpu.memory_space<hbm>>
      %dma_start3A_248 = arith.constant 32 : i32
      %dma_start3A_249 = arith.constant 0 : i32
      %dma_start3A_250 = tpu.memref_slice %arg8[%dma_start3A_248, %dma_start3A_249] : memref<304x128xf32, #tpu.memory_space<vmem>> -> memref<8x128xf32, #tpu.memory_space<vmem>>
      tpu.enqueue_dma source(%dma_start3A_250 : memref<8x128xf32, #tpu.memory_space<vmem>>) target(%dma_start3A_247 : memref<8x128xf32, #tpu.memory_space<hbm>>) target_semaphore(%arg11 : memref<!tpu.dma_semaphore, #tpu.memory_space<semaphore_mem>>)
      %add3A_251 = arith.constant 1280 : i32
      %add3A_252 = arith.addi %add3A_191, %add3A_251 : i32
      %dma_start3A_253 = arith.constant 40 : i32
      %dma_start3A_254 = arith.constant 0 : i32
      %dma_start3A_255 = tpu.memref_slice %arg8[%dma_start3A_253, %dma_start3A_254] : memref<304x128xf32, #tpu.memory_space<vmem>> -> memref<8x128xf32, #tpu.memory_space<vmem>>
      %dma_start3A_256 = arith.constant 0 : i32
      %dma_start3A_257 = tpu.memref_slice %arg4[%add3A_252, %dma_start3A_256] : memref<486400x128xf32, #tpu.memory_space<hbm>> -> memref<8x128xf32, #tpu.memory_space<hbm>>
      %dma_start3A_258 = arith.constant 0 : i32
      %dma_start3A_259 = tpu.memref_slice %arg4[%add3A_252, %dma_start3A_258] : memref<486400x128xf32, #tpu.memory_space<hbm>> -> memref<8x128xf32, #tpu.memory_space<hbm>>
      %dma_start3A_260 = arith.constant 40 : i32
      %dma_start3A_261 = arith.constant 0 : i32
      %dma_start3A_262 = tpu.memref_slice %arg8[%dma_start3A_260, %dma_start3A_261] : memref<304x128xf32, #tpu.memory_space<vmem>> -> memref<8x128xf32, #tpu.memory_space<vmem>>
      tpu.enqueue_dma source(%dma_start3A_262 : memref<8x128xf32, #tpu.memory_space<vmem>>) target(%dma_start3A_259 : memref<8x128xf32, #tpu.memory_space<hbm>>) target_semaphore(%arg11 : memref<!tpu.dma_semaphore, #tpu.memory_space<semaphore_mem>>)
      %add3A_263 = arith.constant 1536 : i32
      %add3A_264 = arith.addi %add3A_191, %add3A_263 : i32
      %dma_start3A_265 = arith.constant 48 : i32
      %dma_start3A_266 = arith.constant 0 : i32
      %dma_start3A_267 = tpu.memref_slice %arg8[%dma_start3A_265, %dma_start3A_266] : memref<304x128xf32, #tpu.memory_space<vmem>> -> memref<8x128xf32, #tpu.memory_space<vmem>>
      %dma_start3A_268 = arith.constant 0 : i32
      %dma_start3A_269 = tpu.memref_slice %arg4[%add3A_264, %dma_start3A_268] : memref<486400x128xf32, #tpu.memory_space<hbm>> -> memref<8x128xf32, #tpu.memory_space<hbm>>
      %dma_start3A_270 = arith.constant 0 : i32
      %dma_start3A_271 = tpu.memref_slice %arg4[%add3A_264, %dma_start3A_270] : memref<486400x128xf32, #tpu.memory_space<hbm>> -> memref<8x128xf32, #tpu.memory_space<hbm>>
      %dma_start3A_272 = arith.constant 48 : i32
      %dma_start3A_273 = arith.constant 0 : i32
      %dma_start3A_274 = tpu.memref_slice %arg8[%dma_start3A_272, %dma_start3A_273] : memref<304x128xf32, #tpu.memory_space<vmem>> -> memref<8x128xf32, #tpu.memory_space<vmem>>
      tpu.enqueue_dma source(%dma_start3A_274 : memref<8x128xf32, #tpu.memory_space<vmem>>) target(%dma_start3A_271 : memref<8x128xf32, #tpu.memory_space<hbm>>) target_semaphore(%arg11 : memref<!tpu.dma_semaphore, #tpu.memory_space<semaphore_mem>>)
      %add3A_275 = arith.constant 1792 : i32
      %add3A_276 = arith.addi %add3A_191, %add3A_275 : i32
      %dma_start3A_277 = arith.constant 56 : i32
      %dma_start3A_278 = arith.constant 0 : i32
      %dma_start3A_279 = tpu.memref_slice %arg8[%dma_start3A_277, %dma_start3A_278] : memref<304x128xf32, #tpu.memory_space<vmem>> -> memref<8x128xf32, #tpu.memory_space<vmem>>
      %dma_start3A_280 = arith.constant 0 : i32
      %dma_start3A_281 = tpu.memref_slice %arg4[%add3A_276, %dma_start3A_280] : memref<486400x128xf32, #tpu.memory_space<hbm>> -> memref<8x128xf32, #tpu.memory_space<hbm>>
      %dma_start3A_282 = arith.constant 0 : i32
      %dma_start3A_283 = tpu.memref_slice %arg4[%add3A_276, %dma_start3A_282] : memref<486400x128xf32, #tpu.memory_space<hbm>> -> memref<8x128xf32, #tpu.memory_space<hbm>>
      %dma_start3A_284 = arith.constant 56 : i32
      %dma_start3A_285 = arith.constant 0 : i32
      %dma_start3A_286 = tpu.memref_slice %arg8[%dma_start3A_284, %dma_start3A_285] : memref<304x128xf32, #tpu.memory_space<vmem>> -> memref<8x128xf32, #tpu.memory_space<vmem>>
      tpu.enqueue_dma source(%dma_start3A_286 : memref<8x128xf32, #tpu.memory_space<vmem>>) target(%dma_start3A_283 : memref<8x128xf32, #tpu.memory_space<hbm>>) target_semaphore(%arg11 : memref<!tpu.dma_semaphore, #tpu.memory_space<semaphore_mem>>)
      %add3A_287 = arith.constant 2048 : i32
      %add3A_288 = arith.addi %add3A_191, %add3A_287 : i32
      %dma_start3A_289 = arith.constant 64 : i32
      %dma_start3A_290 = arith.constant 0 : i32
      %dma_start3A_291 = tpu.memref_slice %arg8[%dma_start3A_289, %dma_start3A_290] : memref<304x128xf32, #tpu.memory_space<vmem>> -> memref<8x128xf32, #tpu.memory_space<vmem>>
      %dma_start3A_292 = arith.constant 0 : i32
      %dma_start3A_293 = tpu.memref_slice %arg4[%add3A_288, %dma_start3A_292] : memref<486400x128xf32, #tpu.memory_space<hbm>> -> memref<8x128xf32, #tpu.memory_space<hbm>>
      %dma_start3A_294 = arith.constant 0 : i32
      %dma_start3A_295 = tpu.memref_slice %arg4[%add3A_288, %dma_start3A_294] : memref<486400x128xf32, #tpu.memory_space<hbm>> -> memref<8x128xf32, #tpu.memory_space<hbm>>
      %dma_start3A_296 = arith.constant 64 : i32
      %dma_start3A_297 = arith.constant 0 : i32
      %dma_start3A_298 = tpu.memref_slice %arg8[%dma_start3A_296, %dma_start3A_297] : memref<304x128xf32, #tpu.memory_space<vmem>> -> memref<8x128xf32, #tpu.memory_space<vmem>>
      tpu.enqueue_dma source(%dma_start3A_298 : memref<8x128xf32, #tpu.memory_space<vmem>>) target(%dma_start3A_295 : memref<8x128xf32, #tpu.memory_space<hbm>>) target_semaphore(%arg11 : memref<!tpu.dma_semaphore, #tpu.memory_space<semaphore_mem>>)
      %add3A_299 = arith.constant 2304 : i32
      %add3A_300 = arith.addi %add3A_191, %add3A_299 : i32
      %dma_start3A_301 = arith.constant 72 : i32
      %dma_start3A_302 = arith.constant 0 : i32
      %dma_start3A_303 = tpu.memref_slice %arg8[%dma_start3A_301, %dma_start3A_302] : memref<304x128xf32, #tpu.memory_space<vmem>> -> memref<8x128xf32, #tpu.memory_space<vmem>>
      %dma_start3A_304 = arith.constant 0 : i32
      %dma_start3A_305 = tpu.memref_slice %arg4[%add3A_300, %dma_start3A_304] : memref<486400x128xf32, #tpu.memory_space<hbm>> -> memref<8x128xf32, #tpu.memory_space<hbm>>
      %dma_start3A_306 = arith.constant 0 : i32
      %dma_start3A_307 = tpu.memref_slice %arg4[%add3A_300, %dma_start3A_306] : memref<486400x128xf32, #tpu.memory_space<hbm>> -> memref<8x128xf32, #tpu.memory_space<hbm>>
      %dma_start3A_308 = arith.constant 72 : i32
      %dma_start3A_309 = arith.constant 0 : i32
      %dma_start3A_310 = tpu.memref_slice %arg8[%dma_start3A_308, %dma_start3A_309] : memref<304x128xf32, #tpu.memory_space<vmem>> -> memref<8x128xf32, #tpu.memory_space<vmem>>
      tpu.enqueue_dma source(%dma_start3A_310 : memref<8x128xf32, #tpu.memory_space<vmem>>) target(%dma_start3A_307 : memref<8x128xf32, #tpu.memory_space<hbm>>) target_semaphore(%arg11 : memref<!tpu.dma_semaphore, #tpu.memory_space<semaphore_mem>>)
      %add3A_311 = arith.constant 2560 : i32
      %add3A_312 = arith.addi %add3A_191, %add3A_311 : i32
      %dma_start3A_313 = arith.constant 80 : i32
      %dma_start3A_314 = arith.constant 0 : i32
      %dma_start3A_315 = tpu.memref_slice %arg8[%dma_start3A_313, %dma_start3A_314] : memref<304x128xf32, #tpu.memory_space<vmem>> -> memref<8x128xf32, #tpu.memory_space<vmem>>
      %dma_start3A_316 = arith.constant 0 : i32
      %dma_start3A_317 = tpu.memref_slice %arg4[%add3A_312, %dma_start3A_316] : memref<486400x128xf32, #tpu.memory_space<hbm>> -> memref<8x128xf32, #tpu.memory_space<hbm>>
      %dma_start3A_318 = arith.constant 0 : i32
      %dma_start3A_319 = tpu.memref_slice %arg4[%add3A_312, %dma_start3A_318] : memref<486400x128xf32, #tpu.memory_space<hbm>> -> memref<8x128xf32, #tpu.memory_space<hbm>>
      %dma_start3A_320 = arith.constant 80 : i32
      %dma_start3A_321 = arith.constant 0 : i32
      %dma_start3A_322 = tpu.memref_slice %arg8[%dma_start3A_320, %dma_start3A_321] : memref<304x128xf32, #tpu.memory_space<vmem>> -> memref<8x128xf32, #tpu.memory_space<vmem>>
      tpu.enqueue_dma source(%dma_start3A_322 : memref<8x128xf32, #tpu.memory_space<vmem>>) target(%dma_start3A_319 : memref<8x128xf32, #tpu.memory_space<hbm>>) target_semaphore(%arg11 : memref<!tpu.dma_semaphore, #tpu.memory_space<semaphore_mem>>)
      %add3A_323 = arith.constant 2816 : i32
      %add3A_324 = arith.addi %add3A_191, %add3A_323 : i32
      %dma_start3A_325 = arith.constant 88 : i32
      %dma_start3A_326 = arith.constant 0 : i32
      %dma_start3A_327 = tpu.memref_slice %arg8[%dma_start3A_325, %dma_start3A_326] : memref<304x128xf32, #tpu.memory_space<vmem>> -> memref<8x128xf32, #tpu.memory_space<vmem>>
      %dma_start3A_328 = arith.constant 0 : i32
      %dma_start3A_329 = tpu.memref_slice %arg4[%add3A_324, %dma_start3A_328] : memref<486400x128xf32, #tpu.memory_space<hbm>> -> memref<8x128xf32, #tpu.memory_space<hbm>>
      %dma_start3A_330 = arith.constant 0 : i32
      %dma_start3A_331 = tpu.memref_slice %arg4[%add3A_324, %dma_start3A_330] : memref<486400x128xf32, #tpu.memory_space<hbm>> -> memref<8x128xf32, #tpu.memory_space<hbm>>
      %dma_start3A_332 = arith.constant 88 : i32
      %dma_start3A_333 = arith.constant 0 : i32
      %dma_start3A_334 = tpu.memref_slice %arg8[%dma_start3A_332, %dma_start3A_333] : memref<304x128xf32, #tpu.memory_space<vmem>> -> memref<8x128xf32, #tpu.memory_space<vmem>>
      tpu.enqueue_dma source(%dma_start3A_334 : memref<8x128xf32, #tpu.memory_space<vmem>>) target(%dma_start3A_331 : memref<8x128xf32, #tpu.memory_space<hbm>>) target_semaphore(%arg11 : memref<!tpu.dma_semaphore, #tpu.memory_space<semaphore_mem>>)
      %add3A_335 = arith.constant 3072 : i32
      %add3A_336 = arith.addi %add3A_191, %add3A_335 : i32
      %dma_start3A_337 = arith.constant 96 : i32
      %dma_start3A_338 = arith.constant 0 : i32
      %dma_start3A_339 = tpu.memref_slice %arg8[%dma_start3A_337, %dma_start3A_338] : memref<304x128xf32, #tpu.memory_space<vmem>> -> memref<8x128xf32, #tpu.memory_space<vmem>>
      %dma_start3A_340 = arith.constant 0 : i32
      %dma_start3A_341 = tpu.memref_slice %arg4[%add3A_336, %dma_start3A_340] : memref<486400x128xf32, #tpu.memory_space<hbm>> -> memref<8x128xf32, #tpu.memory_space<hbm>>
      %dma_start3A_342 = arith.constant 0 : i32
      %dma_start3A_343 = tpu.memref_slice %arg4[%add3A_336, %dma_start3A_342] : memref<486400x128xf32, #tpu.memory_space<hbm>> -> memref<8x128xf32, #tpu.memory_space<hbm>>
      %dma_start3A_344 = arith.constant 96 : i32
      %dma_start3A_345 = arith.constant 0 : i32
      %dma_start3A_346 = tpu.memref_slice %arg8[%dma_start3A_344, %dma_start3A_345] : memref<304x128xf32, #tpu.memory_space<vmem>> -> memref<8x128xf32, #tpu.memory_space<vmem>>
      tpu.enqueue_dma source(%dma_start3A_346 : memref<8x128xf32, #tpu.memory_space<vmem>>) target(%dma_start3A_343 : memref<8x128xf32, #tpu.memory_space<hbm>>) target_semaphore(%arg11 : memref<!tpu.dma_semaphore, #tpu.memory_space<semaphore_mem>>)
      %add3A_347 = arith.constant 3328 : i32
      %add3A_348 = arith.addi %add3A_191, %add3A_347 : i32
      %dma_start3A_349 = arith.constant 104 : i32
      %dma_start3A_350 = arith.constant 0 : i32
      %dma_start3A_351 = tpu.memref_slice %arg8[%dma_start3A_349, %dma_start3A_350] : memref<304x128xf32, #tpu.memory_space<vmem>> -> memref<8x128xf32, #tpu.memory_space<vmem>>
      %dma_start3A_352 = arith.constant 0 : i32
      %dma_start3A_353 = tpu.memref_slice %arg4[%add3A_348, %dma_start3A_352] : memref<486400x128xf32, #tpu.memory_space<hbm>> -> memref<8x128xf32, #tpu.memory_space<hbm>>
      %dma_start3A_354 = arith.constant 0 : i32
      %dma_start3A_355 = tpu.memref_slice %arg4[%add3A_348, %dma_start3A_354] : memref<486400x128xf32, #tpu.memory_space<hbm>> -> memref<8x128xf32, #tpu.memory_space<hbm>>
      %dma_start3A_356 = arith.constant 104 : i32
      %dma_start3A_357 = arith.constant 0 : i32
      %dma_start3A_358 = tpu.memref_slice %arg8[%dma_start3A_356, %dma_start3A_357] : memref<304x128xf32, #tpu.memory_space<vmem>> -> memref<8x128xf32, #tpu.memory_space<vmem>>
      tpu.enqueue_dma source(%dma_start3A_358 : memref<8x128xf32, #tpu.memory_space<vmem>>) target(%dma_start3A_355 : memref<8x128xf32, #tpu.memory_space<hbm>>) target_semaphore(%arg11 : memref<!tpu.dma_semaphore, #tpu.memory_space<semaphore_mem>>)
      %add3A_359 = arith.constant 3584 : i32
      %add3A_360 = arith.addi %add3A_191, %add3A_359 : i32
      %dma_start3A_361 = arith.constant 112 : i32
      %dma_start3A_362 = arith.constant 0 : i32
      %dma_start3A_363 = tpu.memref_slice %arg8[%dma_start3A_361, %dma_start3A_362] : memref<304x128xf32, #tpu.memory_space<vmem>> -> memref<8x128xf32, #tpu.memory_space<vmem>>
      %dma_start3A_364 = arith.constant 0 : i32
      %dma_start3A_365 = tpu.memref_slice %arg4[%add3A_360, %dma_start3A_364] : memref<486400x128xf32, #tpu.memory_space<hbm>> -> memref<8x128xf32, #tpu.memory_space<hbm>>
      %dma_start3A_366 = arith.constant 0 : i32
      %dma_start3A_367 = tpu.memref_slice %arg4[%add3A_360, %dma_start3A_366] : memref<486400x128xf32, #tpu.memory_space<hbm>> -> memref<8x128xf32, #tpu.memory_space<hbm>>
      %dma_start3A_368 = arith.constant 112 : i32
      %dma_start3A_369 = arith.constant 0 : i32
      %dma_start3A_370 = tpu.memref_slice %arg8[%dma_start3A_368, %dma_start3A_369] : memref<304x128xf32, #tpu.memory_space<vmem>> -> memref<8x128xf32, #tpu.memory_space<vmem>>
      tpu.enqueue_dma source(%dma_start3A_370 : memref<8x128xf32, #tpu.memory_space<vmem>>) target(%dma_start3A_367 : memref<8x128xf32, #tpu.memory_space<hbm>>) target_semaphore(%arg11 : memref<!tpu.dma_semaphore, #tpu.memory_space<semaphore_mem>>)
      %add3A_371 = arith.constant 3840 : i32
      %add3A_372 = arith.addi %add3A_191, %add3A_371 : i32
      %dma_start3A_373 = arith.constant 120 : i32
      %dma_start3A_374 = arith.constant 0 : i32
      %dma_start3A_375 = tpu.memref_slice %arg8[%dma_start3A_373, %dma_start3A_374] : memref<304x128xf32, #tpu.memory_space<vmem>> -> memref<8x128xf32, #tpu.memory_space<vmem>>
      %dma_start3A_376 = arith.constant 0 : i32
      %dma_start3A_377 = tpu.memref_slice %arg4[%add3A_372, %dma_start3A_376] : memref<486400x128xf32, #tpu.memory_space<hbm>> -> memref<8x128xf32, #tpu.memory_space<hbm>>
      %dma_start3A_378 = arith.constant 0 : i32
      %dma_start3A_379 = tpu.memref_slice %arg4[%add3A_372, %dma_start3A_378] : memref<486400x128xf32, #tpu.memory_space<hbm>> -> memref<8x128xf32, #tpu.memory_space<hbm>>
      %dma_start3A_380 = arith.constant 120 : i32
      %dma_start3A_381 = arith.constant 0 : i32
      %dma_start3A_382 = tpu.memref_slice %arg8[%dma_start3A_380, %dma_start3A_381] : memref<304x128xf32, #tpu.memory_space<vmem>> -> memref<8x128xf32, #tpu.memory_space<vmem>>
      tpu.enqueue_dma source(%dma_start3A_382 : memref<8x128xf32, #tpu.memory_space<vmem>>) target(%dma_start3A_379 : memref<8x128xf32, #tpu.memory_space<hbm>>) target_semaphore(%arg11 : memref<!tpu.dma_semaphore, #tpu.memory_space<semaphore_mem>>)
      %add3A_383 = arith.constant 4096 : i32
      %add3A_384 = arith.addi %add3A_191, %add3A_383 : i32
      %dma_start3A_385 = arith.constant 128 : i32
      %dma_start3A_386 = arith.constant 0 : i32
      %dma_start3A_387 = tpu.memref_slice %arg8[%dma_start3A_385, %dma_start3A_386] : memref<304x128xf32, #tpu.memory_space<vmem>> -> memref<8x128xf32, #tpu.memory_space<vmem>>
      %dma_start3A_388 = arith.constant 0 : i32
      %dma_start3A_389 = tpu.memref_slice %arg4[%add3A_384, %dma_start3A_388] : memref<486400x128xf32, #tpu.memory_space<hbm>> -> memref<8x128xf32, #tpu.memory_space<hbm>>
      %dma_start3A_390 = arith.constant 0 : i32
      %dma_start3A_391 = tpu.memref_slice %arg4[%add3A_384, %dma_start3A_390] : memref<486400x128xf32, #tpu.memory_space<hbm>> -> memref<8x128xf32, #tpu.memory_space<hbm>>
      %dma_start3A_392 = arith.constant 128 : i32
      %dma_start3A_393 = arith.constant 0 : i32
      %dma_start3A_394 = tpu.memref_slice %arg8[%dma_start3A_392, %dma_start3A_393] : memref<304x128xf32, #tpu.memory_space<vmem>> -> memref<8x128xf32, #tpu.memory_space<vmem>>
      tpu.enqueue_dma source(%dma_start3A_394 : memref<8x128xf32, #tpu.memory_space<vmem>>) target(%dma_start3A_391 : memref<8x128xf32, #tpu.memory_space<hbm>>) target_semaphore(%arg11 : memref<!tpu.dma_semaphore, #tpu.memory_space<semaphore_mem>>)
      %add3A_395 = arith.constant 4352 : i32
      %add3A_396 = arith.addi %add3A_191, %add3A_395 : i32
      %dma_start3A_397 = arith.constant 136 : i32
      %dma_start3A_398 = arith.constant 0 : i32
      %dma_start3A_399 = tpu.memref_slice %arg8[%dma_start3A_397, %dma_start3A_398] : memref<304x128xf32, #tpu.memory_space<vmem>> -> memref<8x128xf32, #tpu.memory_space<vmem>>
      %dma_start3A_400 = arith.constant 0 : i32
      %dma_start3A_401 = tpu.memref_slice %arg4[%add3A_396, %dma_start3A_400] : memref<486400x128xf32, #tpu.memory_space<hbm>> -> memref<8x128xf32, #tpu.memory_space<hbm>>
      %dma_start3A_402 = arith.constant 0 : i32
      %dma_start3A_403 = tpu.memref_slice %arg4[%add3A_396, %dma_start3A_402] : memref<486400x128xf32, #tpu.memory_space<hbm>> -> memref<8x128xf32, #tpu.memory_space<hbm>>
      %dma_start3A_404 = arith.constant 136 : i32
      %dma_start3A_405 = arith.constant 0 : i32
      %dma_start3A_406 = tpu.memref_slice %arg8[%dma_start3A_404, %dma_start3A_405] : memref<304x128xf32, #tpu.memory_space<vmem>> -> memref<8x128xf32, #tpu.memory_space<vmem>>
      tpu.enqueue_dma source(%dma_start3A_406 : memref<8x128xf32, #tpu.memory_space<vmem>>) target(%dma_start3A_403 : memref<8x128xf32, #tpu.memory_space<hbm>>) target_semaphore(%arg11 : memref<!tpu.dma_semaphore, #tpu.memory_space<semaphore_mem>>)
      %add3A_407 = arith.constant 4608 : i32
      %add3A_408 = arith.addi %add3A_191, %add3A_407 : i32
      %dma_start3A_409 = arith.constant 144 : i32
      %dma_start3A_410 = arith.constant 0 : i32
      %dma_start3A_411 = tpu.memref_slice %arg8[%dma_start3A_409, %dma_start3A_410] : memref<304x128xf32, #tpu.memory_space<vmem>> -> memref<8x128xf32, #tpu.memory_space<vmem>>
      %dma_start3A_412 = arith.constant 0 : i32
      %dma_start3A_413 = tpu.memref_slice %arg4[%add3A_408, %dma_start3A_412] : memref<486400x128xf32, #tpu.memory_space<hbm>> -> memref<8x128xf32, #tpu.memory_space<hbm>>
      %dma_start3A_414 = arith.constant 0 : i32
      %dma_start3A_415 = tpu.memref_slice %arg4[%add3A_408, %dma_start3A_414] : memref<486400x128xf32, #tpu.memory_space<hbm>> -> memref<8x128xf32, #tpu.memory_space<hbm>>
      %dma_start3A_416 = arith.constant 144 : i32
      %dma_start3A_417 = arith.constant 0 : i32
      %dma_start3A_418 = tpu.memref_slice %arg8[%dma_start3A_416, %dma_start3A_417] : memref<304x128xf32, #tpu.memory_space<vmem>> -> memref<8x128xf32, #tpu.memory_space<vmem>>
      tpu.enqueue_dma source(%dma_start3A_418 : memref<8x128xf32, #tpu.memory_space<vmem>>) target(%dma_start3A_415 : memref<8x128xf32, #tpu.memory_space<hbm>>) target_semaphore(%arg11 : memref<!tpu.dma_semaphore, #tpu.memory_space<semaphore_mem>>)
      %add3A_419 = arith.constant 4864 : i32
      %add3A_420 = arith.addi %add3A_191, %add3A_419 : i32
      %dma_start3A_421 = arith.constant 152 : i32
      %dma_start3A_422 = arith.constant 0 : i32
      %dma_start3A_423 = tpu.memref_slice %arg8[%dma_start3A_421, %dma_start3A_422] : memref<304x128xf32, #tpu.memory_space<vmem>> -> memref<8x128xf32, #tpu.memory_space<vmem>>
      %dma_start3A_424 = arith.constant 0 : i32
      %dma_start3A_425 = tpu.memref_slice %arg4[%add3A_420, %dma_start3A_424] : memref<486400x128xf32, #tpu.memory_space<hbm>> -> memref<8x128xf32, #tpu.memory_space<hbm>>
      %dma_start3A_426 = arith.constant 0 : i32
      %dma_start3A_427 = tpu.memref_slice %arg4[%add3A_420, %dma_start3A_426] : memref<486400x128xf32, #tpu.memory_space<hbm>> -> memref<8x128xf32, #tpu.memory_space<hbm>>
      %dma_start3A_428 = arith.constant 152 : i32
      %dma_start3A_429 = arith.constant 0 : i32
      %dma_start3A_430 = tpu.memref_slice %arg8[%dma_start3A_428, %dma_start3A_429] : memref<304x128xf32, #tpu.memory_space<vmem>> -> memref<8x128xf32, #tpu.memory_space<vmem>>
      tpu.enqueue_dma source(%dma_start3A_430 : memref<8x128xf32, #tpu.memory_space<vmem>>) target(%dma_start3A_427 : memref<8x128xf32, #tpu.memory_space<hbm>>) target_semaphore(%arg11 : memref<!tpu.dma_semaphore, #tpu.memory_space<semaphore_mem>>)
      %add3A_431 = arith.constant 5120 : i32
      %add3A_432 = arith.addi %add3A_191, %add3A_431 : i32
      %dma_start3A_433 = arith.constant 160 : i32
      %dma_start3A_434 = arith.constant 0 : i32
      %dma_start3A_435 = tpu.memref_slice %arg8[%dma_start3A_433, %dma_start3A_434] : memref<304x128xf32, #tpu.memory_space<vmem>> -> memref<8x128xf32, #tpu.memory_space<vmem>>
      %dma_start3A_436 = arith.constant 0 : i32
      %dma_start3A_437 = tpu.memref_slice %arg4[%add3A_432, %dma_start3A_436] : memref<486400x128xf32, #tpu.memory_space<hbm>> -> memref<8x128xf32, #tpu.memory_space<hbm>>
      %dma_start3A_438 = arith.constant 0 : i32
      %dma_start3A_439 = tpu.memref_slice %arg4[%add3A_432, %dma_start3A_438] : memref<486400x128xf32, #tpu.memory_space<hbm>> -> memref<8x128xf32, #tpu.memory_space<hbm>>
      %dma_start3A_440 = arith.constant 160 : i32
      %dma_start3A_441 = arith.constant 0 : i32
      %dma_start3A_442 = tpu.memref_slice %arg8[%dma_start3A_440, %dma_start3A_441] : memref<304x128xf32, #tpu.memory_space<vmem>> -> memref<8x128xf32, #tpu.memory_space<vmem>>
      tpu.enqueue_dma source(%dma_start3A_442 : memref<8x128xf32, #tpu.memory_space<vmem>>) target(%dma_start3A_439 : memref<8x128xf32, #tpu.memory_space<hbm>>) target_semaphore(%arg11 : memref<!tpu.dma_semaphore, #tpu.memory_space<semaphore_mem>>)
      %add3A_443 = arith.constant 5376 : i32
      %add3A_444 = arith.addi %add3A_191, %add3A_443 : i32
      %dma_start3A_445 = arith.constant 168 : i32
      %dma_start3A_446 = arith.constant 0 : i32
      %dma_start3A_447 = tpu.memref_slice %arg8[%dma_start3A_445, %dma_start3A_446] : memref<304x128xf32, #tpu.memory_space<vmem>> -> memref<8x128xf32, #tpu.memory_space<vmem>>
      %dma_start3A_448 = arith.constant 0 : i32
      %dma_start3A_449 = tpu.memref_slice %arg4[%add3A_444, %dma_start3A_448] : memref<486400x128xf32, #tpu.memory_space<hbm>> -> memref<8x128xf32, #tpu.memory_space<hbm>>
      %dma_start3A_450 = arith.constant 0 : i32
      %dma_start3A_451 = tpu.memref_slice %arg4[%add3A_444, %dma_start3A_450] : memref<486400x128xf32, #tpu.memory_space<hbm>> -> memref<8x128xf32, #tpu.memory_space<hbm>>
      %dma_start3A_452 = arith.constant 168 : i32
      %dma_start3A_453 = arith.constant 0 : i32
      %dma_start3A_454 = tpu.memref_slice %arg8[%dma_start3A_452, %dma_start3A_453] : memref<304x128xf32, #tpu.memory_space<vmem>> -> memref<8x128xf32, #tpu.memory_space<vmem>>
      tpu.enqueue_dma source(%dma_start3A_454 : memref<8x128xf32, #tpu.memory_space<vmem>>) target(%dma_start3A_451 : memref<8x128xf32, #tpu.memory_space<hbm>>) target_semaphore(%arg11 : memref<!tpu.dma_semaphore, #tpu.memory_space<semaphore_mem>>)
      %add3A_455 = arith.constant 5632 : i32
      %add3A_456 = arith.addi %add3A_191, %add3A_455 : i32
      %dma_start3A_457 = arith.constant 176 : i32
      %dma_start3A_458 = arith.constant 0 : i32
      %dma_start3A_459 = tpu.memref_slice %arg8[%dma_start3A_457, %dma_start3A_458] : memref<304x128xf32, #tpu.memory_space<vmem>> -> memref<8x128xf32, #tpu.memory_space<vmem>>
      %dma_start3A_460 = arith.constant 0 : i32
      %dma_start3A_461 = tpu.memref_slice %arg4[%add3A_456, %dma_start3A_460] : memref<486400x128xf32, #tpu.memory_space<hbm>> -> memref<8x128xf32, #tpu.memory_space<hbm>>
      %dma_start3A_462 = arith.constant 0 : i32
      %dma_start3A_463 = tpu.memref_slice %arg4[%add3A_456, %dma_start3A_462] : memref<486400x128xf32, #tpu.memory_space<hbm>> -> memref<8x128xf32, #tpu.memory_space<hbm>>
      %dma_start3A_464 = arith.constant 176 : i32
      %dma_start3A_465 = arith.constant 0 : i32
      %dma_start3A_466 = tpu.memref_slice %arg8[%dma_start3A_464, %dma_start3A_465] : memref<304x128xf32, #tpu.memory_space<vmem>> -> memref<8x128xf32, #tpu.memory_space<vmem>>
      tpu.enqueue_dma source(%dma_start3A_466 : memref<8x128xf32, #tpu.memory_space<vmem>>) target(%dma_start3A_463 : memref<8x128xf32, #tpu.memory_space<hbm>>) target_semaphore(%arg11 : memref<!tpu.dma_semaphore, #tpu.memory_space<semaphore_mem>>)
      %add3A_467 = arith.constant 5888 : i32
      %add3A_468 = arith.addi %add3A_191, %add3A_467 : i32
      %dma_start3A_469 = arith.constant 184 : i32
      %dma_start3A_470 = arith.constant 0 : i32
      %dma_start3A_471 = tpu.memref_slice %arg8[%dma_start3A_469, %dma_start3A_470] : memref<304x128xf32, #tpu.memory_space<vmem>> -> memref<8x128xf32, #tpu.memory_space<vmem>>
      %dma_start3A_472 = arith.constant 0 : i32
      %dma_start3A_473 = tpu.memref_slice %arg4[%add3A_468, %dma_start3A_472] : memref<486400x128xf32, #tpu.memory_space<hbm>> -> memref<8x128xf32, #tpu.memory_space<hbm>>
      %dma_start3A_474 = arith.constant 0 : i32
      %dma_start3A_475 = tpu.memref_slice %arg4[%add3A_468, %dma_start3A_474] : memref<486400x128xf32, #tpu.memory_space<hbm>> -> memref<8x128xf32, #tpu.memory_space<hbm>>
      %dma_start3A_476 = arith.constant 184 : i32
      %dma_start3A_477 = arith.constant 0 : i32
      %dma_start3A_478 = tpu.memref_slice %arg8[%dma_start3A_476, %dma_start3A_477] : memref<304x128xf32, #tpu.memory_space<vmem>> -> memref<8x128xf32, #tpu.memory_space<vmem>>
      tpu.enqueue_dma source(%dma_start3A_478 : memref<8x128xf32, #tpu.memory_space<vmem>>) target(%dma_start3A_475 : memref<8x128xf32, #tpu.memory_space<hbm>>) target_semaphore(%arg11 : memref<!tpu.dma_semaphore, #tpu.memory_space<semaphore_mem>>)
      %add3A_479 = arith.constant 6144 : i32
      %add3A_480 = arith.addi %add3A_191, %add3A_479 : i32
      %dma_start3A_481 = arith.constant 192 : i32
      %dma_start3A_482 = arith.constant 0 : i32
      %dma_start3A_483 = tpu.memref_slice %arg8[%dma_start3A_481, %dma_start3A_482] : memref<304x128xf32, #tpu.memory_space<vmem>> -> memref<8x128xf32, #tpu.memory_space<vmem>>
      %dma_start3A_484 = arith.constant 0 : i32
      %dma_start3A_485 = tpu.memref_slice %arg4[%add3A_480, %dma_start3A_484] : memref<486400x128xf32, #tpu.memory_space<hbm>> -> memref<8x128xf32, #tpu.memory_space<hbm>>
      %dma_start3A_486 = arith.constant 0 : i32
      %dma_start3A_487 = tpu.memref_slice %arg4[%add3A_480, %dma_start3A_486] : memref<486400x128xf32, #tpu.memory_space<hbm>> -> memref<8x128xf32, #tpu.memory_space<hbm>>
      %dma_start3A_488 = arith.constant 192 : i32
      %dma_start3A_489 = arith.constant 0 : i32
      %dma_start3A_490 = tpu.memref_slice %arg8[%dma_start3A_488, %dma_start3A_489] : memref<304x128xf32, #tpu.memory_space<vmem>> -> memref<8x128xf32, #tpu.memory_space<vmem>>
      tpu.enqueue_dma source(%dma_start3A_490 : memref<8x128xf32, #tpu.memory_space<vmem>>) target(%dma_start3A_487 : memref<8x128xf32, #tpu.memory_space<hbm>>) target_semaphore(%arg11 : memref<!tpu.dma_semaphore, #tpu.memory_space<semaphore_mem>>)
      %add3A_491 = arith.constant 6400 : i32
      %add3A_492 = arith.addi %add3A_191, %add3A_491 : i32
      %dma_start3A_493 = arith.constant 200 : i32
      %dma_start3A_494 = arith.constant 0 : i32
      %dma_start3A_495 = tpu.memref_slice %arg8[%dma_start3A_493, %dma_start3A_494] : memref<304x128xf32, #tpu.memory_space<vmem>> -> memref<8x128xf32, #tpu.memory_space<vmem>>
      %dma_start3A_496 = arith.constant 0 : i32
      %dma_start3A_497 = tpu.memref_slice %arg4[%add3A_492, %dma_start3A_496] : memref<486400x128xf32, #tpu.memory_space<hbm>> -> memref<8x128xf32, #tpu.memory_space<hbm>>
      %dma_start3A_498 = arith.constant 0 : i32
      %dma_start3A_499 = tpu.memref_slice %arg4[%add3A_492, %dma_start3A_498] : memref<486400x128xf32, #tpu.memory_space<hbm>> -> memref<8x128xf32, #tpu.memory_space<hbm>>
      %dma_start3A_500 = arith.constant 200 : i32
      %dma_start3A_501 = arith.constant 0 : i32
      %dma_start3A_502 = tpu.memref_slice %arg8[%dma_start3A_500, %dma_start3A_501] : memref<304x128xf32, #tpu.memory_space<vmem>> -> memref<8x128xf32, #tpu.memory_space<vmem>>
      tpu.enqueue_dma source(%dma_start3A_502 : memref<8x128xf32, #tpu.memory_space<vmem>>) target(%dma_start3A_499 : memref<8x128xf32, #tpu.memory_space<hbm>>) target_semaphore(%arg11 : memref<!tpu.dma_semaphore, #tpu.memory_space<semaphore_mem>>)
      %add3A_503 = arith.constant 6656 : i32
      %add3A_504 = arith.addi %add3A_191, %add3A_503 : i32
      %dma_start3A_505 = arith.constant 208 : i32
      %dma_start3A_506 = arith.constant 0 : i32
      %dma_start3A_507 = tpu.memref_slice %arg8[%dma_start3A_505, %dma_start3A_506] : memref<304x128xf32, #tpu.memory_space<vmem>> -> memref<8x128xf32, #tpu.memory_space<vmem>>
      %dma_start3A_508 = arith.constant 0 : i32
      %dma_start3A_509 = tpu.memref_slice %arg4[%add3A_504, %dma_start3A_508] : memref<486400x128xf32, #tpu.memory_space<hbm>> -> memref<8x128xf32, #tpu.memory_space<hbm>>
      %dma_start3A_510 = arith.constant 0 : i32
      %dma_start3A_511 = tpu.memref_slice %arg4[%add3A_504, %dma_start3A_510] : memref<486400x128xf32, #tpu.memory_space<hbm>> -> memref<8x128xf32, #tpu.memory_space<hbm>>
      %dma_start3A_512 = arith.constant 208 : i32
      %dma_start3A_513 = arith.constant 0 : i32
      %dma_start3A_514 = tpu.memref_slice %arg8[%dma_start3A_512, %dma_start3A_513] : memref<304x128xf32, #tpu.memory_space<vmem>> -> memref<8x128xf32, #tpu.memory_space<vmem>>
      tpu.enqueue_dma source(%dma_start3A_514 : memref<8x128xf32, #tpu.memory_space<vmem>>) target(%dma_start3A_511 : memref<8x128xf32, #tpu.memory_space<hbm>>) target_semaphore(%arg11 : memref<!tpu.dma_semaphore, #tpu.memory_space<semaphore_mem>>)
      %add3A_515 = arith.constant 6912 : i32
      %add3A_516 = arith.addi %add3A_191, %add3A_515 : i32
      %dma_start3A_517 = arith.constant 216 : i32
      %dma_start3A_518 = arith.constant 0 : i32
      %dma_start3A_519 = tpu.memref_slice %arg8[%dma_start3A_517, %dma_start3A_518] : memref<304x128xf32, #tpu.memory_space<vmem>> -> memref<8x128xf32, #tpu.memory_space<vmem>>
      %dma_start3A_520 = arith.constant 0 : i32
      %dma_start3A_521 = tpu.memref_slice %arg4[%add3A_516, %dma_start3A_520] : memref<486400x128xf32, #tpu.memory_space<hbm>> -> memref<8x128xf32, #tpu.memory_space<hbm>>
      %dma_start3A_522 = arith.constant 0 : i32
      %dma_start3A_523 = tpu.memref_slice %arg4[%add3A_516, %dma_start3A_522] : memref<486400x128xf32, #tpu.memory_space<hbm>> -> memref<8x128xf32, #tpu.memory_space<hbm>>
      %dma_start3A_524 = arith.constant 216 : i32
      %dma_start3A_525 = arith.constant 0 : i32
      %dma_start3A_526 = tpu.memref_slice %arg8[%dma_start3A_524, %dma_start3A_525] : memref<304x128xf32, #tpu.memory_space<vmem>> -> memref<8x128xf32, #tpu.memory_space<vmem>>
      tpu.enqueue_dma source(%dma_start3A_526 : memref<8x128xf32, #tpu.memory_space<vmem>>) target(%dma_start3A_523 : memref<8x128xf32, #tpu.memory_space<hbm>>) target_semaphore(%arg11 : memref<!tpu.dma_semaphore, #tpu.memory_space<semaphore_mem>>)
      %add3A_527 = arith.constant 7168 : i32
      %add3A_528 = arith.addi %add3A_191, %add3A_527 : i32
      %dma_start3A_529 = arith.constant 224 : i32
      %dma_start3A_530 = arith.constant 0 : i32
      %dma_start3A_531 = tpu.memref_slice %arg8[%dma_start3A_529, %dma_start3A_530] : memref<304x128xf32, #tpu.memory_space<vmem>> -> memref<8x128xf32, #tpu.memory_space<vmem>>
      %dma_start3A_532 = arith.constant 0 : i32
      %dma_start3A_533 = tpu.memref_slice %arg4[%add3A_528, %dma_start3A_532] : memref<486400x128xf32, #tpu.memory_space<hbm>> -> memref<8x128xf32, #tpu.memory_space<hbm>>
      %dma_start3A_534 = arith.constant 0 : i32
      %dma_start3A_535 = tpu.memref_slice %arg4[%add3A_528, %dma_start3A_534] : memref<486400x128xf32, #tpu.memory_space<hbm>> -> memref<8x128xf32, #tpu.memory_space<hbm>>
      %dma_start3A_536 = arith.constant 224 : i32
      %dma_start3A_537 = arith.constant 0 : i32
      %dma_start3A_538 = tpu.memref_slice %arg8[%dma_start3A_536, %dma_start3A_537] : memref<304x128xf32, #tpu.memory_space<vmem>> -> memref<8x128xf32, #tpu.memory_space<vmem>>
      tpu.enqueue_dma source(%dma_start3A_538 : memref<8x128xf32, #tpu.memory_space<vmem>>) target(%dma_start3A_535 : memref<8x128xf32, #tpu.memory_space<hbm>>) target_semaphore(%arg11 : memref<!tpu.dma_semaphore, #tpu.memory_space<semaphore_mem>>)
      %add3A_539 = arith.constant 7424 : i32
      %add3A_540 = arith.addi %add3A_191, %add3A_539 : i32
      %dma_start3A_541 = arith.constant 232 : i32
      %dma_start3A_542 = arith.constant 0 : i32
      %dma_start3A_543 = tpu.memref_slice %arg8[%dma_start3A_541, %dma_start3A_542] : memref<304x128xf32, #tpu.memory_space<vmem>> -> memref<8x128xf32, #tpu.memory_space<vmem>>
      %dma_start3A_544 = arith.constant 0 : i32
      %dma_start3A_545 = tpu.memref_slice %arg4[%add3A_540, %dma_start3A_544] : memref<486400x128xf32, #tpu.memory_space<hbm>> -> memref<8x128xf32, #tpu.memory_space<hbm>>
      %dma_start3A_546 = arith.constant 0 : i32
      %dma_start3A_547 = tpu.memref_slice %arg4[%add3A_540, %dma_start3A_546] : memref<486400x128xf32, #tpu.memory_space<hbm>> -> memref<8x128xf32, #tpu.memory_space<hbm>>
      %dma_start3A_548 = arith.constant 232 : i32
      %dma_start3A_549 = arith.constant 0 : i32
      %dma_start3A_550 = tpu.memref_slice %arg8[%dma_start3A_548, %dma_start3A_549] : memref<304x128xf32, #tpu.memory_space<vmem>> -> memref<8x128xf32, #tpu.memory_space<vmem>>
      tpu.enqueue_dma source(%dma_start3A_550 : memref<8x128xf32, #tpu.memory_space<vmem>>) target(%dma_start3A_547 : memref<8x128xf32, #tpu.memory_space<hbm>>) target_semaphore(%arg11 : memref<!tpu.dma_semaphore, #tpu.memory_space<semaphore_mem>>)
      %add3A_551 = arith.constant 7680 : i32
      %add3A_552 = arith.addi %add3A_191, %add3A_551 : i32
      %dma_start3A_553 = arith.constant 240 : i32
      %dma_start3A_554 = arith.constant 0 : i32
      %dma_start3A_555 = tpu.memref_slice %arg8[%dma_start3A_553, %dma_start3A_554] : memref<304x128xf32, #tpu.memory_space<vmem>> -> memref<8x128xf32, #tpu.memory_space<vmem>>
      %dma_start3A_556 = arith.constant 0 : i32
      %dma_start3A_557 = tpu.memref_slice %arg4[%add3A_552, %dma_start3A_556] : memref<486400x128xf32, #tpu.memory_space<hbm>> -> memref<8x128xf32, #tpu.memory_space<hbm>>
      %dma_start3A_558 = arith.constant 0 : i32
      %dma_start3A_559 = tpu.memref_slice %arg4[%add3A_552, %dma_start3A_558] : memref<486400x128xf32, #tpu.memory_space<hbm>> -> memref<8x128xf32, #tpu.memory_space<hbm>>
      %dma_start3A_560 = arith.constant 240 : i32
      %dma_start3A_561 = arith.constant 0 : i32
      %dma_start3A_562 = tpu.memref_slice %arg8[%dma_start3A_560, %dma_start3A_561] : memref<304x128xf32, #tpu.memory_space<vmem>> -> memref<8x128xf32, #tpu.memory_space<vmem>>
      tpu.enqueue_dma source(%dma_start3A_562 : memref<8x128xf32, #tpu.memory_space<vmem>>) target(%dma_start3A_559 : memref<8x128xf32, #tpu.memory_space<hbm>>) target_semaphore(%arg11 : memref<!tpu.dma_semaphore, #tpu.memory_space<semaphore_mem>>)
      %add3A_563 = arith.constant 7936 : i32
      %add3A_564 = arith.addi %add3A_191, %add3A_563 : i32
      %dma_start3A_565 = arith.constant 248 : i32
      %dma_start3A_566 = arith.constant 0 : i32
      %dma_start3A_567 = tpu.memref_slice %arg8[%dma_start3A_565, %dma_start3A_566] : memref<304x128xf32, #tpu.memory_space<vmem>> -> memref<8x128xf32, #tpu.memory_space<vmem>>
      %dma_start3A_568 = arith.constant 0 : i32
      %dma_start3A_569 = tpu.memref_slice %arg4[%add3A_564, %dma_start3A_568] : memref<486400x128xf32, #tpu.memory_space<hbm>> -> memref<8x128xf32, #tpu.memory_space<hbm>>
      %dma_start3A_570 = arith.constant 0 : i32
      %dma_start3A_571 = tpu.memref_slice %arg4[%add3A_564, %dma_start3A_570] : memref<486400x128xf32, #tpu.memory_space<hbm>> -> memref<8x128xf32, #tpu.memory_space<hbm>>
      %dma_start3A_572 = arith.constant 248 : i32
      %dma_start3A_573 = arith.constant 0 : i32
      %dma_start3A_574 = tpu.memref_slice %arg8[%dma_start3A_572, %dma_start3A_573] : memref<304x128xf32, #tpu.memory_space<vmem>> -> memref<8x128xf32, #tpu.memory_space<vmem>>
      tpu.enqueue_dma source(%dma_start3A_574 : memref<8x128xf32, #tpu.memory_space<vmem>>) target(%dma_start3A_571 : memref<8x128xf32, #tpu.memory_space<hbm>>) target_semaphore(%arg11 : memref<!tpu.dma_semaphore, #tpu.memory_space<semaphore_mem>>)
      %add3A_575 = arith.constant 8192 : i32
      %add3A_576 = arith.addi %add3A_191, %add3A_575 : i32
      %dma_start3A_577 = arith.constant 256 : i32
      %dma_start3A_578 = arith.constant 0 : i32
      %dma_start3A_579 = tpu.memref_slice %arg8[%dma_start3A_577, %dma_start3A_578] : memref<304x128xf32, #tpu.memory_space<vmem>> -> memref<8x128xf32, #tpu.memory_space<vmem>>
      %dma_start3A_580 = arith.constant 0 : i32
      %dma_start3A_581 = tpu.memref_slice %arg4[%add3A_576, %dma_start3A_580] : memref<486400x128xf32, #tpu.memory_space<hbm>> -> memref<8x128xf32, #tpu.memory_space<hbm>>
      %dma_start3A_582 = arith.constant 0 : i32
      %dma_start3A_583 = tpu.memref_slice %arg4[%add3A_576, %dma_start3A_582] : memref<486400x128xf32, #tpu.memory_space<hbm>> -> memref<8x128xf32, #tpu.memory_space<hbm>>
      %dma_start3A_584 = arith.constant 256 : i32
      %dma_start3A_585 = arith.constant 0 : i32
      %dma_start3A_586 = tpu.memref_slice %arg8[%dma_start3A_584, %dma_start3A_585] : memref<304x128xf32, #tpu.memory_space<vmem>> -> memref<8x128xf32, #tpu.memory_space<vmem>>
      tpu.enqueue_dma source(%dma_start3A_586 : memref<8x128xf32, #tpu.memory_space<vmem>>) target(%dma_start3A_583 : memref<8x128xf32, #tpu.memory_space<hbm>>) target_semaphore(%arg11 : memref<!tpu.dma_semaphore, #tpu.memory_space<semaphore_mem>>)
      %add3A_587 = arith.constant 8448 : i32
      %add3A_588 = arith.addi %add3A_191, %add3A_587 : i32
      %dma_start3A_589 = arith.constant 264 : i32
      %dma_start3A_590 = arith.constant 0 : i32
      %dma_start3A_591 = tpu.memref_slice %arg8[%dma_start3A_589, %dma_start3A_590] : memref<304x128xf32, #tpu.memory_space<vmem>> -> memref<8x128xf32, #tpu.memory_space<vmem>>
      %dma_start3A_592 = arith.constant 0 : i32
      %dma_start3A_593 = tpu.memref_slice %arg4[%add3A_588, %dma_start3A_592] : memref<486400x128xf32, #tpu.memory_space<hbm>> -> memref<8x128xf32, #tpu.memory_space<hbm>>
      %dma_start3A_594 = arith.constant 0 : i32
      %dma_start3A_595 = tpu.memref_slice %arg4[%add3A_588, %dma_start3A_594] : memref<486400x128xf32, #tpu.memory_space<hbm>> -> memref<8x128xf32, #tpu.memory_space<hbm>>
      %dma_start3A_596 = arith.constant 264 : i32
      %dma_start3A_597 = arith.constant 0 : i32
      %dma_start3A_598 = tpu.memref_slice %arg8[%dma_start3A_596, %dma_start3A_597] : memref<304x128xf32, #tpu.memory_space<vmem>> -> memref<8x128xf32, #tpu.memory_space<vmem>>
      tpu.enqueue_dma source(%dma_start3A_598 : memref<8x128xf32, #tpu.memory_space<vmem>>) target(%dma_start3A_595 : memref<8x128xf32, #tpu.memory_space<hbm>>) target_semaphore(%arg11 : memref<!tpu.dma_semaphore, #tpu.memory_space<semaphore_mem>>)
      %add3A_599 = arith.constant 8704 : i32
      %add3A_600 = arith.addi %add3A_191, %add3A_599 : i32
      %dma_start3A_601 = arith.constant 272 : i32
      %dma_start3A_602 = arith.constant 0 : i32
      %dma_start3A_603 = tpu.memref_slice %arg8[%dma_start3A_601, %dma_start3A_602] : memref<304x128xf32, #tpu.memory_space<vmem>> -> memref<8x128xf32, #tpu.memory_space<vmem>>
      %dma_start3A_604 = arith.constant 0 : i32
      %dma_start3A_605 = tpu.memref_slice %arg4[%add3A_600, %dma_start3A_604] : memref<486400x128xf32, #tpu.memory_space<hbm>> -> memref<8x128xf32, #tpu.memory_space<hbm>>
      %dma_start3A_606 = arith.constant 0 : i32
      %dma_start3A_607 = tpu.memref_slice %arg4[%add3A_600, %dma_start3A_606] : memref<486400x128xf32, #tpu.memory_space<hbm>> -> memref<8x128xf32, #tpu.memory_space<hbm>>
      %dma_start3A_608 = arith.constant 272 : i32
      %dma_start3A_609 = arith.constant 0 : i32
      %dma_start3A_610 = tpu.memref_slice %arg8[%dma_start3A_608, %dma_start3A_609] : memref<304x128xf32, #tpu.memory_space<vmem>> -> memref<8x128xf32, #tpu.memory_space<vmem>>
      tpu.enqueue_dma source(%dma_start3A_610 : memref<8x128xf32, #tpu.memory_space<vmem>>) target(%dma_start3A_607 : memref<8x128xf32, #tpu.memory_space<hbm>>) target_semaphore(%arg11 : memref<!tpu.dma_semaphore, #tpu.memory_space<semaphore_mem>>)
      %add3A_611 = arith.constant 8960 : i32
      %add3A_612 = arith.addi %add3A_191, %add3A_611 : i32
      %dma_start3A_613 = arith.constant 280 : i32
      %dma_start3A_614 = arith.constant 0 : i32
      %dma_start3A_615 = tpu.memref_slice %arg8[%dma_start3A_613, %dma_start3A_614] : memref<304x128xf32, #tpu.memory_space<vmem>> -> memref<8x128xf32, #tpu.memory_space<vmem>>
      %dma_start3A_616 = arith.constant 0 : i32
      %dma_start3A_617 = tpu.memref_slice %arg4[%add3A_612, %dma_start3A_616] : memref<486400x128xf32, #tpu.memory_space<hbm>> -> memref<8x128xf32, #tpu.memory_space<hbm>>
      %dma_start3A_618 = arith.constant 0 : i32
      %dma_start3A_619 = tpu.memref_slice %arg4[%add3A_612, %dma_start3A_618] : memref<486400x128xf32, #tpu.memory_space<hbm>> -> memref<8x128xf32, #tpu.memory_space<hbm>>
      %dma_start3A_620 = arith.constant 280 : i32
      %dma_start3A_621 = arith.constant 0 : i32
      %dma_start3A_622 = tpu.memref_slice %arg8[%dma_start3A_620, %dma_start3A_621] : memref<304x128xf32, #tpu.memory_space<vmem>> -> memref<8x128xf32, #tpu.memory_space<vmem>>
      tpu.enqueue_dma source(%dma_start3A_622 : memref<8x128xf32, #tpu.memory_space<vmem>>) target(%dma_start3A_619 : memref<8x128xf32, #tpu.memory_space<hbm>>) target_semaphore(%arg11 : memref<!tpu.dma_semaphore, #tpu.memory_space<semaphore_mem>>)
      %add3A_623 = arith.constant 9216 : i32
      %add3A_624 = arith.addi %add3A_191, %add3A_623 : i32
      %dma_start3A_625 = arith.constant 288 : i32
      %dma_start3A_626 = arith.constant 0 : i32
      %dma_start3A_627 = tpu.memref_slice %arg8[%dma_start3A_625, %dma_start3A_626] : memref<304x128xf32, #tpu.memory_space<vmem>> -> memref<8x128xf32, #tpu.memory_space<vmem>>
      %dma_start3A_628 = arith.constant 0 : i32
      %dma_start3A_629 = tpu.memref_slice %arg4[%add3A_624, %dma_start3A_628] : memref<486400x128xf32, #tpu.memory_space<hbm>> -> memref<8x128xf32, #tpu.memory_space<hbm>>
      %dma_start3A_630 = arith.constant 0 : i32
      %dma_start3A_631 = tpu.memref_slice %arg4[%add3A_624, %dma_start3A_630] : memref<486400x128xf32, #tpu.memory_space<hbm>> -> memref<8x128xf32, #tpu.memory_space<hbm>>
      %dma_start3A_632 = arith.constant 288 : i32
      %dma_start3A_633 = arith.constant 0 : i32
      %dma_start3A_634 = tpu.memref_slice %arg8[%dma_start3A_632, %dma_start3A_633] : memref<304x128xf32, #tpu.memory_space<vmem>> -> memref<8x128xf32, #tpu.memory_space<vmem>>
      tpu.enqueue_dma source(%dma_start3A_634 : memref<8x128xf32, #tpu.memory_space<vmem>>) target(%dma_start3A_631 : memref<8x128xf32, #tpu.memory_space<hbm>>) target_semaphore(%arg11 : memref<!tpu.dma_semaphore, #tpu.memory_space<semaphore_mem>>)
      %add3A_635 = arith.constant 9472 : i32
      %add3A_636 = arith.addi %add3A_191, %add3A_635 : i32
      %dma_start3A_637 = arith.constant 296 : i32
      %dma_start3A_638 = arith.constant 0 : i32
      %dma_start3A_639 = tpu.memref_slice %arg8[%dma_start3A_637, %dma_start3A_638] : memref<304x128xf32, #tpu.memory_space<vmem>> -> memref<8x128xf32, #tpu.memory_space<vmem>>
      %dma_start3A_640 = arith.constant 0 : i32
      %dma_start3A_641 = tpu.memref_slice %arg4[%add3A_636, %dma_start3A_640] : memref<486400x128xf32, #tpu.memory_space<hbm>> -> memref<8x128xf32, #tpu.memory_space<hbm>>
      %dma_start3A_642 = arith.constant 0 : i32
      %dma_start3A_643 = tpu.memref_slice %arg4[%add3A_636, %dma_start3A_642] : memref<486400x128xf32, #tpu.memory_space<hbm>> -> memref<8x128xf32, #tpu.memory_space<hbm>>
      %dma_start3A_644 = arith.constant 296 : i32
      %dma_start3A_645 = arith.constant 0 : i32
      %dma_start3A_646 = tpu.memref_slice %arg8[%dma_start3A_644, %dma_start3A_645] : memref<304x128xf32, #tpu.memory_space<vmem>> -> memref<8x128xf32, #tpu.memory_space<vmem>>
      tpu.enqueue_dma source(%dma_start3A_646 : memref<8x128xf32, #tpu.memory_space<vmem>>) target(%dma_start3A_643 : memref<8x128xf32, #tpu.memory_space<hbm>>) target_semaphore(%arg11 : memref<!tpu.dma_semaphore, #tpu.memory_space<semaphore_mem>>)
      %le3A_647 = arith.constant 48 : i32
      %le3A_648 = arith.cmpi sle, %scan3A_132, %le3A_647 : i32
      %convert_element_type3A_649 = arith.extui %le3A_648 : i1 to i32
      %cond3A_650 = arith.constant 0 : i32
      %cond3A_651 = arith.cmpi ne, %convert_element_type3A_649, %cond3A_650 : i32
      scf.if %cond3A_651 {
        %add3A_652 = arith.constant 1 : i32
        %add3A_653 = arith.addi %scan3A_132, %add3A_652 : i32
        %scan3A_654 = arith.constant 0 : i32
        %scan3A_655 = arith.constant 0 : i32
        %scan3A_656 = arith.constant 4 : i32
        %scan3A_657 = arith.addi %scan3A_655, %scan3A_656 : i32
        %scan3A_658 = arith.constant 1 : i32
        scf.for %scan3A_660 = %scan3A_655 to %scan3A_657 step %scan3A_658  : i32 {
          %mul3A_661 = arith.constant 16 : i32
          %mul3A_662 = arith.muli %scan3A_660, %mul3A_661 : i32
          %add3A_663 = arith.constant 64 : i32
          %add3A_664 = arith.addi %add3A_663, %mul3A_662 : i32
          %get3A = arith.index_cast %add3A_653 : i32 to index
          %get3A_665 = arith.index_cast %add3A_664 : i32 to index
          %get3A_666 = tpu.vector_load %arg5[%get3A, %get3A_665] {strides = array<i32>} : memref<50x128xi32, #tpu.memory_space<vmem>>, vector<16xi32>,
          %slice3A = vector.extract_strided_slice %get3A_666 {offsets = [0], sizes = [1], strides = [1]} : vector<16xi32> to vector<1xi32>
          %squeeze3A = vector.extract %slice3A[0] : i32 from vector<1xi32>
          %mul3A_667 = arith.constant 16 : i32
          %mul3A_668 = arith.muli %scan3A_660, %mul3A_667 : i32
          %add3A_669 = arith.constant 0 : i32
          %add3A_670 = arith.addi %mul3A_668, %add3A_669 : i32
          %dma_start3A_671 = arith.constant 0 : i32
          %dma_start3A_672 = tpu.memref_slice %arg7[%add3A_670, %dma_start3A_671] : memref<64x300xf32, #tpu.memory_space<vmem>> -> memref<1x300xf32, #tpu.memory_space<vmem>>
          %dma_start3A_673 = arith.constant 0 : i32
          %dma_start3A_674 = tpu.memref_slice %arg3[%squeeze3A, %dma_start3A_673] : memref<55585x300xf32, #tpu.memory_space<hbm>> -> memref<1x300xf32, #tpu.memory_space<hbm>>
          %dma_start3A_675 = arith.constant 0 : i32
          %dma_start3A_676 = tpu.memref_slice %arg7[%add3A_670, %dma_start3A_675] : memref<64x300xf32, #tpu.memory_space<vmem>> -> memref<1x300xf32, #tpu.memory_space<vmem>>
          %dma_start3A_677 = arith.constant 0 : i32
          %dma_start3A_678 = tpu.memref_slice %arg3[%squeeze3A, %dma_start3A_677] : memref<55585x300xf32, #tpu.memory_space<hbm>> -> memref<1x300xf32, #tpu.memory_space<hbm>>
          tpu.enqueue_dma source(%dma_start3A_678 : memref<1x300xf32, #tpu.memory_space<hbm>>) target(%dma_start3A_676 : memref<1x300xf32, #tpu.memory_space<vmem>>) target_semaphore(%arg10 : memref<!tpu.dma_semaphore, #tpu.memory_space<semaphore_mem>>)
          %slice3A_679 = vector.extract_strided_slice %get3A_666 {offsets = [1], sizes = [1], strides = [1]} : vector<16xi32> to vector<1xi32>
          %squeeze3A_680 = vector.extract %slice3A_679[0] : i32 from vector<1xi32>
          %mul3A_681 = arith.constant 16 : i32
          %mul3A_682 = arith.muli %scan3A_660, %mul3A_681 : i32
          %add3A_683 = arith.constant 1 : i32
          %add3A_684 = arith.addi %mul3A_682, %add3A_683 : i32
          %dma_start3A_685 = arith.constant 0 : i32
          %dma_start3A_686 = tpu.memref_slice %arg7[%add3A_684, %dma_start3A_685] : memref<64x300xf32, #tpu.memory_space<vmem>> -> memref<1x300xf32, #tpu.memory_space<vmem>>
          %dma_start3A_687 = arith.constant 0 : i32
          %dma_start3A_688 = tpu.memref_slice %arg3[%squeeze3A_680, %dma_start3A_687] : memref<55585x300xf32, #tpu.memory_space<hbm>> -> memref<1x300xf32, #tpu.memory_space<hbm>>
          %dma_start3A_689 = arith.constant 0 : i32
          %dma_start3A_690 = tpu.memref_slice %arg7[%add3A_684, %dma_start3A_689] : memref<64x300xf32, #tpu.memory_space<vmem>> -> memref<1x300xf32, #tpu.memory_space<vmem>>
          %dma_start3A_691 = arith.constant 0 : i32
          %dma_start3A_692 = tpu.memref_slice %arg3[%squeeze3A_680, %dma_start3A_691] : memref<55585x300xf32, #tpu.memory_space<hbm>> -> memref<1x300xf32, #tpu.memory_space<hbm>>
          tpu.enqueue_dma source(%dma_start3A_692 : memref<1x300xf32, #tpu.memory_space<hbm>>) target(%dma_start3A_690 : memref<1x300xf32, #tpu.memory_space<vmem>>) target_semaphore(%arg10 : memref<!tpu.dma_semaphore, #tpu.memory_space<semaphore_mem>>)
          %slice3A_693 = vector.extract_strided_slice %get3A_666 {offsets = [2], sizes = [1], strides = [1]} : vector<16xi32> to vector<1xi32>
          %squeeze3A_694 = vector.extract %slice3A_693[0] : i32 from vector<1xi32>
          %mul3A_695 = arith.constant 16 : i32
          %mul3A_696 = arith.muli %scan3A_660, %mul3A_695 : i32
          %add3A_697 = arith.constant 2 : i32
          %add3A_698 = arith.addi %mul3A_696, %add3A_697 : i32
          %dma_start3A_699 = arith.constant 0 : i32
          %dma_start3A_700 = tpu.memref_slice %arg7[%add3A_698, %dma_start3A_699] : memref<64x300xf32, #tpu.memory_space<vmem>> -> memref<1x300xf32, #tpu.memory_space<vmem>>
          %dma_start3A_701 = arith.constant 0 : i32
          %dma_start3A_702 = tpu.memref_slice %arg3[%squeeze3A_694, %dma_start3A_701] : memref<55585x300xf32, #tpu.memory_space<hbm>> -> memref<1x300xf32, #tpu.memory_space<hbm>>
          %dma_start3A_703 = arith.constant 0 : i32
          %dma_start3A_704 = tpu.memref_slice %arg7[%add3A_698, %dma_start3A_703] : memref<64x300xf32, #tpu.memory_space<vmem>> -> memref<1x300xf32, #tpu.memory_space<vmem>>
          %dma_start3A_705 = arith.constant 0 : i32
          %dma_start3A_706 = tpu.memref_slice %arg3[%squeeze3A_694, %dma_start3A_705] : memref<55585x300xf32, #tpu.memory_space<hbm>> -> memref<1x300xf32, #tpu.memory_space<hbm>>
          tpu.enqueue_dma source(%dma_start3A_706 : memref<1x300xf32, #tpu.memory_space<hbm>>) target(%dma_start3A_704 : memref<1x300xf32, #tpu.memory_space<vmem>>) target_semaphore(%arg10 : memref<!tpu.dma_semaphore, #tpu.memory_space<semaphore_mem>>)
          %slice3A_707 = vector.extract_strided_slice %get3A_666 {offsets = [3], sizes = [1], strides = [1]} : vector<16xi32> to vector<1xi32>
          %squeeze3A_708 = vector.extract %slice3A_707[0] : i32 from vector<1xi32>
          %mul3A_709 = arith.constant 16 : i32
          %mul3A_710 = arith.muli %scan3A_660, %mul3A_709 : i32
          %add3A_711 = arith.constant 3 : i32
          %add3A_712 = arith.addi %mul3A_710, %add3A_711 : i32
          %dma_start3A_713 = arith.constant 0 : i32
          %dma_start3A_714 = tpu.memref_slice %arg7[%add3A_712, %dma_start3A_713] : memref<64x300xf32, #tpu.memory_space<vmem>> -> memref<1x300xf32, #tpu.memory_space<vmem>>
          %dma_start3A_715 = arith.constant 0 : i32
          %dma_start3A_716 = tpu.memref_slice %arg3[%squeeze3A_708, %dma_start3A_715] : memref<55585x300xf32, #tpu.memory_space<hbm>> -> memref<1x300xf32, #tpu.memory_space<hbm>>
          %dma_start3A_717 = arith.constant 0 : i32
          %dma_start3A_718 = tpu.memref_slice %arg7[%add3A_712, %dma_start3A_717] : memref<64x300xf32, #tpu.memory_space<vmem>> -> memref<1x300xf32, #tpu.memory_space<vmem>>
          %dma_start3A_719 = arith.constant 0 : i32
          %dma_start3A_720 = tpu.memref_slice %arg3[%squeeze3A_708, %dma_start3A_719] : memref<55585x300xf32, #tpu.memory_space<hbm>> -> memref<1x300xf32, #tpu.memory_space<hbm>>
          tpu.enqueue_dma source(%dma_start3A_720 : memref<1x300xf32, #tpu.memory_space<hbm>>) target(%dma_start3A_718 : memref<1x300xf32, #tpu.memory_space<vmem>>) target_semaphore(%arg10 : memref<!tpu.dma_semaphore, #tpu.memory_space<semaphore_mem>>)
          %slice3A_721 = vector.extract_strided_slice %get3A_666 {offsets = [4], sizes = [1], strides = [1]} : vector<16xi32> to vector<1xi32>
          %squeeze3A_722 = vector.extract %slice3A_721[0] : i32 from vector<1xi32>
          %mul3A_723 = arith.constant 16 : i32
          %mul3A_724 = arith.muli %scan3A_660, %mul3A_723 : i32
          %add3A_725 = arith.constant 4 : i32
          %add3A_726 = arith.addi %mul3A_724, %add3A_725 : i32
          %dma_start3A_727 = arith.constant 0 : i32
          %dma_start3A_728 = tpu.memref_slice %arg7[%add3A_726, %dma_start3A_727] : memref<64x300xf32, #tpu.memory_space<vmem>> -> memref<1x300xf32, #tpu.memory_space<vmem>>
          %dma_start3A_729 = arith.constant 0 : i32
          %dma_start3A_730 = tpu.memref_slice %arg3[%squeeze3A_722, %dma_start3A_729] : memref<55585x300xf32, #tpu.memory_space<hbm>> -> memref<1x300xf32, #tpu.memory_space<hbm>>
          %dma_start3A_731 = arith.constant 0 : i32
          %dma_start3A_732 = tpu.memref_slice %arg7[%add3A_726, %dma_start3A_731] : memref<64x300xf32, #tpu.memory_space<vmem>> -> memref<1x300xf32, #tpu.memory_space<vmem>>
          %dma_start3A_733 = arith.constant 0 : i32
          %dma_start3A_734 = tpu.memref_slice %arg3[%squeeze3A_722, %dma_start3A_733] : memref<55585x300xf32, #tpu.memory_space<hbm>> -> memref<1x300xf32, #tpu.memory_space<hbm>>
          tpu.enqueue_dma source(%dma_start3A_734 : memref<1x300xf32, #tpu.memory_space<hbm>>) target(%dma_start3A_732 : memref<1x300xf32, #tpu.memory_space<vmem>>) target_semaphore(%arg10 : memref<!tpu.dma_semaphore, #tpu.memory_space<semaphore_mem>>)
          %slice3A_735 = vector.extract_strided_slice %get3A_666 {offsets = [5], sizes = [1], strides = [1]} : vector<16xi32> to vector<1xi32>
          %squeeze3A_736 = vector.extract %slice3A_735[0] : i32 from vector<1xi32>
          %mul3A_737 = arith.constant 16 : i32
          %mul3A_738 = arith.muli %scan3A_660, %mul3A_737 : i32
          %add3A_739 = arith.constant 5 : i32
          %add3A_740 = arith.addi %mul3A_738, %add3A_739 : i32
          %dma_start3A_741 = arith.constant 0 : i32
          %dma_start3A_742 = tpu.memref_slice %arg7[%add3A_740, %dma_start3A_741] : memref<64x300xf32, #tpu.memory_space<vmem>> -> memref<1x300xf32, #tpu.memory_space<vmem>>
          %dma_start3A_743 = arith.constant 0 : i32
          %dma_start3A_744 = tpu.memref_slice %arg3[%squeeze3A_736, %dma_start3A_743] : memref<55585x300xf32, #tpu.memory_space<hbm>> -> memref<1x300xf32, #tpu.memory_space<hbm>>
          %dma_start3A_745 = arith.constant 0 : i32
          %dma_start3A_746 = tpu.memref_slice %arg7[%add3A_740, %dma_start3A_745] : memref<64x300xf32, #tpu.memory_space<vmem>> -> memref<1x300xf32, #tpu.memory_space<vmem>>
          %dma_start3A_747 = arith.constant 0 : i32
          %dma_start3A_748 = tpu.memref_slice %arg3[%squeeze3A_736, %dma_start3A_747] : memref<55585x300xf32, #tpu.memory_space<hbm>> -> memref<1x300xf32, #tpu.memory_space<hbm>>
          tpu.enqueue_dma source(%dma_start3A_748 : memref<1x300xf32, #tpu.memory_space<hbm>>) target(%dma_start3A_746 : memref<1x300xf32, #tpu.memory_space<vmem>>) target_semaphore(%arg10 : memref<!tpu.dma_semaphore, #tpu.memory_space<semaphore_mem>>)
          %slice3A_749 = vector.extract_strided_slice %get3A_666 {offsets = [6], sizes = [1], strides = [1]} : vector<16xi32> to vector<1xi32>
          %squeeze3A_750 = vector.extract %slice3A_749[0] : i32 from vector<1xi32>
          %mul3A_751 = arith.constant 16 : i32
          %mul3A_752 = arith.muli %scan3A_660, %mul3A_751 : i32
          %add3A_753 = arith.constant 6 : i32
          %add3A_754 = arith.addi %mul3A_752, %add3A_753 : i32
          %dma_start3A_755 = arith.constant 0 : i32
          %dma_start3A_756 = tpu.memref_slice %arg7[%add3A_754, %dma_start3A_755] : memref<64x300xf32, #tpu.memory_space<vmem>> -> memref<1x300xf32, #tpu.memory_space<vmem>>
          %dma_start3A_757 = arith.constant 0 : i32
          %dma_start3A_758 = tpu.memref_slice %arg3[%squeeze3A_750, %dma_start3A_757] : memref<55585x300xf32, #tpu.memory_space<hbm>> -> memref<1x300xf32, #tpu.memory_space<hbm>>
          %dma_start3A_759 = arith.constant 0 : i32
          %dma_start3A_760 = tpu.memref_slice %arg7[%add3A_754, %dma_start3A_759] : memref<64x300xf32, #tpu.memory_space<vmem>> -> memref<1x300xf32, #tpu.memory_space<vmem>>
          %dma_start3A_761 = arith.constant 0 : i32
          %dma_start3A_762 = tpu.memref_slice %arg3[%squeeze3A_750, %dma_start3A_761] : memref<55585x300xf32, #tpu.memory_space<hbm>> -> memref<1x300xf32, #tpu.memory_space<hbm>>
          tpu.enqueue_dma source(%dma_start3A_762 : memref<1x300xf32, #tpu.memory_space<hbm>>) target(%dma_start3A_760 : memref<1x300xf32, #tpu.memory_space<vmem>>) target_semaphore(%arg10 : memref<!tpu.dma_semaphore, #tpu.memory_space<semaphore_mem>>)
          %slice3A_763 = vector.extract_strided_slice %get3A_666 {offsets = [7], sizes = [1], strides = [1]} : vector<16xi32> to vector<1xi32>
          %squeeze3A_764 = vector.extract %slice3A_763[0] : i32 from vector<1xi32>
          %mul3A_765 = arith.constant 16 : i32
          %mul3A_766 = arith.muli %scan3A_660, %mul3A_765 : i32
          %add3A_767 = arith.constant 7 : i32
          %add3A_768 = arith.addi %mul3A_766, %add3A_767 : i32
          %dma_start3A_769 = arith.constant 0 : i32
          %dma_start3A_770 = tpu.memref_slice %arg7[%add3A_768, %dma_start3A_769] : memref<64x300xf32, #tpu.memory_space<vmem>> -> memref<1x300xf32, #tpu.memory_space<vmem>>
          %dma_start3A_771 = arith.constant 0 : i32
          %dma_start3A_772 = tpu.memref_slice %arg3[%squeeze3A_764, %dma_start3A_771] : memref<55585x300xf32, #tpu.memory_space<hbm>> -> memref<1x300xf32, #tpu.memory_space<hbm>>
          %dma_start3A_773 = arith.constant 0 : i32
          %dma_start3A_774 = tpu.memref_slice %arg7[%add3A_768, %dma_start3A_773] : memref<64x300xf32, #tpu.memory_space<vmem>> -> memref<1x300xf32, #tpu.memory_space<vmem>>
          %dma_start3A_775 = arith.constant 0 : i32
          %dma_start3A_776 = tpu.memref_slice %arg3[%squeeze3A_764, %dma_start3A_775] : memref<55585x300xf32, #tpu.memory_space<hbm>> -> memref<1x300xf32, #tpu.memory_space<hbm>>
          tpu.enqueue_dma source(%dma_start3A_776 : memref<1x300xf32, #tpu.memory_space<hbm>>) target(%dma_start3A_774 : memref<1x300xf32, #tpu.memory_space<vmem>>) target_semaphore(%arg10 : memref<!tpu.dma_semaphore, #tpu.memory_space<semaphore_mem>>)
          %slice3A_777 = vector.extract_strided_slice %get3A_666 {offsets = [8], sizes = [1], strides = [1]} : vector<16xi32> to vector<1xi32>
          %squeeze3A_778 = vector.extract %slice3A_777[0] : i32 from vector<1xi32>
          %mul3A_779 = arith.constant 16 : i32
          %mul3A_780 = arith.muli %scan3A_660, %mul3A_779 : i32
          %add3A_781 = arith.constant 8 : i32
          %add3A_782 = arith.addi %mul3A_780, %add3A_781 : i32
          %dma_start3A_783 = arith.constant 0 : i32
          %dma_start3A_784 = tpu.memref_slice %arg7[%add3A_782, %dma_start3A_783] : memref<64x300xf32, #tpu.memory_space<vmem>> -> memref<1x300xf32, #tpu.memory_space<vmem>>
          %dma_start3A_785 = arith.constant 0 : i32
          %dma_start3A_786 = tpu.memref_slice %arg3[%squeeze3A_778, %dma_start3A_785] : memref<55585x300xf32, #tpu.memory_space<hbm>> -> memref<1x300xf32, #tpu.memory_space<hbm>>
          %dma_start3A_787 = arith.constant 0 : i32
          %dma_start3A_788 = tpu.memref_slice %arg7[%add3A_782, %dma_start3A_787] : memref<64x300xf32, #tpu.memory_space<vmem>> -> memref<1x300xf32, #tpu.memory_space<vmem>>
          %dma_start3A_789 = arith.constant 0 : i32
          %dma_start3A_790 = tpu.memref_slice %arg3[%squeeze3A_778, %dma_start3A_789] : memref<55585x300xf32, #tpu.memory_space<hbm>> -> memref<1x300xf32, #tpu.memory_space<hbm>>
          tpu.enqueue_dma source(%dma_start3A_790 : memref<1x300xf32, #tpu.memory_space<hbm>>) target(%dma_start3A_788 : memref<1x300xf32, #tpu.memory_space<vmem>>) target_semaphore(%arg10 : memref<!tpu.dma_semaphore, #tpu.memory_space<semaphore_mem>>)
          %slice3A_791 = vector.extract_strided_slice %get3A_666 {offsets = [9], sizes = [1], strides = [1]} : vector<16xi32> to vector<1xi32>
          %squeeze3A_792 = vector.extract %slice3A_791[0] : i32 from vector<1xi32>
          %mul3A_793 = arith.constant 16 : i32
          %mul3A_794 = arith.muli %scan3A_660, %mul3A_793 : i32
          %add3A_795 = arith.constant 9 : i32
          %add3A_796 = arith.addi %mul3A_794, %add3A_795 : i32
          %dma_start3A_797 = arith.constant 0 : i32
          %dma_start3A_798 = tpu.memref_slice %arg7[%add3A_796, %dma_start3A_797] : memref<64x300xf32, #tpu.memory_space<vmem>> -> memref<1x300xf32, #tpu.memory_space<vmem>>
          %dma_start3A_799 = arith.constant 0 : i32
          %dma_start3A_800 = tpu.memref_slice %arg3[%squeeze3A_792, %dma_start3A_799] : memref<55585x300xf32, #tpu.memory_space<hbm>> -> memref<1x300xf32, #tpu.memory_space<hbm>>
          %dma_start3A_801 = arith.constant 0 : i32
          %dma_start3A_802 = tpu.memref_slice %arg7[%add3A_796, %dma_start3A_801] : memref<64x300xf32, #tpu.memory_space<vmem>> -> memref<1x300xf32, #tpu.memory_space<vmem>>
          %dma_start3A_803 = arith.constant 0 : i32
          %dma_start3A_804 = tpu.memref_slice %arg3[%squeeze3A_792, %dma_start3A_803] : memref<55585x300xf32, #tpu.memory_space<hbm>> -> memref<1x300xf32, #tpu.memory_space<hbm>>
          tpu.enqueue_dma source(%dma_start3A_804 : memref<1x300xf32, #tpu.memory_space<hbm>>) target(%dma_start3A_802 : memref<1x300xf32, #tpu.memory_space<vmem>>) target_semaphore(%arg10 : memref<!tpu.dma_semaphore, #tpu.memory_space<semaphore_mem>>)
          %slice3A_805 = vector.extract_strided_slice %get3A_666 {offsets = [10], sizes = [1], strides = [1]} : vector<16xi32> to vector<1xi32>
          %squeeze3A_806 = vector.extract %slice3A_805[0] : i32 from vector<1xi32>
          %mul3A_807 = arith.constant 16 : i32
          %mul3A_808 = arith.muli %scan3A_660, %mul3A_807 : i32
          %add3A_809 = arith.constant 10 : i32
          %add3A_810 = arith.addi %mul3A_808, %add3A_809 : i32
          %dma_start3A_811 = arith.constant 0 : i32
          %dma_start3A_812 = tpu.memref_slice %arg7[%add3A_810, %dma_start3A_811] : memref<64x300xf32, #tpu.memory_space<vmem>> -> memref<1x300xf32, #tpu.memory_space<vmem>>
          %dma_start3A_813 = arith.constant 0 : i32
          %dma_start3A_814 = tpu.memref_slice %arg3[%squeeze3A_806, %dma_start3A_813] : memref<55585x300xf32, #tpu.memory_space<hbm>> -> memref<1x300xf32, #tpu.memory_space<hbm>>
          %dma_start3A_815 = arith.constant 0 : i32
          %dma_start3A_816 = tpu.memref_slice %arg7[%add3A_810, %dma_start3A_815] : memref<64x300xf32, #tpu.memory_space<vmem>> -> memref<1x300xf32, #tpu.memory_space<vmem>>
          %dma_start3A_817 = arith.constant 0 : i32
          %dma_start3A_818 = tpu.memref_slice %arg3[%squeeze3A_806, %dma_start3A_817] : memref<55585x300xf32, #tpu.memory_space<hbm>> -> memref<1x300xf32, #tpu.memory_space<hbm>>
          tpu.enqueue_dma source(%dma_start3A_818 : memref<1x300xf32, #tpu.memory_space<hbm>>) target(%dma_start3A_816 : memref<1x300xf32, #tpu.memory_space<vmem>>) target_semaphore(%arg10 : memref<!tpu.dma_semaphore, #tpu.memory_space<semaphore_mem>>)
          %slice3A_819 = vector.extract_strided_slice %get3A_666 {offsets = [11], sizes = [1], strides = [1]} : vector<16xi32> to vector<1xi32>
          %squeeze3A_820 = vector.extract %slice3A_819[0] : i32 from vector<1xi32>
          %mul3A_821 = arith.constant 16 : i32
          %mul3A_822 = arith.muli %scan3A_660, %mul3A_821 : i32
          %add3A_823 = arith.constant 11 : i32
          %add3A_824 = arith.addi %mul3A_822, %add3A_823 : i32
          %dma_start3A_825 = arith.constant 0 : i32
          %dma_start3A_826 = tpu.memref_slice %arg7[%add3A_824, %dma_start3A_825] : memref<64x300xf32, #tpu.memory_space<vmem>> -> memref<1x300xf32, #tpu.memory_space<vmem>>
          %dma_start3A_827 = arith.constant 0 : i32
          %dma_start3A_828 = tpu.memref_slice %arg3[%squeeze3A_820, %dma_start3A_827] : memref<55585x300xf32, #tpu.memory_space<hbm>> -> memref<1x300xf32, #tpu.memory_space<hbm>>
          %dma_start3A_829 = arith.constant 0 : i32
          %dma_start3A_830 = tpu.memref_slice %arg7[%add3A_824, %dma_start3A_829] : memref<64x300xf32, #tpu.memory_space<vmem>> -> memref<1x300xf32, #tpu.memory_space<vmem>>
          %dma_start3A_831 = arith.constant 0 : i32
          %dma_start3A_832 = tpu.memref_slice %arg3[%squeeze3A_820, %dma_start3A_831] : memref<55585x300xf32, #tpu.memory_space<hbm>> -> memref<1x300xf32, #tpu.memory_space<hbm>>
          tpu.enqueue_dma source(%dma_start3A_832 : memref<1x300xf32, #tpu.memory_space<hbm>>) target(%dma_start3A_830 : memref<1x300xf32, #tpu.memory_space<vmem>>) target_semaphore(%arg10 : memref<!tpu.dma_semaphore, #tpu.memory_space<semaphore_mem>>)
          %slice3A_833 = vector.extract_strided_slice %get3A_666 {offsets = [12], sizes = [1], strides = [1]} : vector<16xi32> to vector<1xi32>
          %squeeze3A_834 = vector.extract %slice3A_833[0] : i32 from vector<1xi32>
          %mul3A_835 = arith.constant 16 : i32
          %mul3A_836 = arith.muli %scan3A_660, %mul3A_835 : i32
          %add3A_837 = arith.constant 12 : i32
          %add3A_838 = arith.addi %mul3A_836, %add3A_837 : i32
          %dma_start3A_839 = arith.constant 0 : i32
          %dma_start3A_840 = tpu.memref_slice %arg7[%add3A_838, %dma_start3A_839] : memref<64x300xf32, #tpu.memory_space<vmem>> -> memref<1x300xf32, #tpu.memory_space<vmem>>
          %dma_start3A_841 = arith.constant 0 : i32
          %dma_start3A_842 = tpu.memref_slice %arg3[%squeeze3A_834, %dma_start3A_841] : memref<55585x300xf32, #tpu.memory_space<hbm>> -> memref<1x300xf32, #tpu.memory_space<hbm>>
          %dma_start3A_843 = arith.constant 0 : i32
          %dma_start3A_844 = tpu.memref_slice %arg7[%add3A_838, %dma_start3A_843] : memref<64x300xf32, #tpu.memory_space<vmem>> -> memref<1x300xf32, #tpu.memory_space<vmem>>
          %dma_start3A_845 = arith.constant 0 : i32
          %dma_start3A_846 = tpu.memref_slice %arg3[%squeeze3A_834, %dma_start3A_845] : memref<55585x300xf32, #tpu.memory_space<hbm>> -> memref<1x300xf32, #tpu.memory_space<hbm>>
          tpu.enqueue_dma source(%dma_start3A_846 : memref<1x300xf32, #tpu.memory_space<hbm>>) target(%dma_start3A_844 : memref<1x300xf32, #tpu.memory_space<vmem>>) target_semaphore(%arg10 : memref<!tpu.dma_semaphore, #tpu.memory_space<semaphore_mem>>)
          %slice3A_847 = vector.extract_strided_slice %get3A_666 {offsets = [13], sizes = [1], strides = [1]} : vector<16xi32> to vector<1xi32>
          %squeeze3A_848 = vector.extract %slice3A_847[0] : i32 from vector<1xi32>
          %mul3A_849 = arith.constant 16 : i32
          %mul3A_850 = arith.muli %scan3A_660, %mul3A_849 : i32
          %add3A_851 = arith.constant 13 : i32
          %add3A_852 = arith.addi %mul3A_850, %add3A_851 : i32
          %dma_start3A_853 = arith.constant 0 : i32
          %dma_start3A_854 = tpu.memref_slice %arg7[%add3A_852, %dma_start3A_853] : memref<64x300xf32, #tpu.memory_space<vmem>> -> memref<1x300xf32, #tpu.memory_space<vmem>>
          %dma_start3A_855 = arith.constant 0 : i32
          %dma_start3A_856 = tpu.memref_slice %arg3[%squeeze3A_848, %dma_start3A_855] : memref<55585x300xf32, #tpu.memory_space<hbm>> -> memref<1x300xf32, #tpu.memory_space<hbm>>
          %dma_start3A_857 = arith.constant 0 : i32
          %dma_start3A_858 = tpu.memref_slice %arg7[%add3A_852, %dma_start3A_857] : memref<64x300xf32, #tpu.memory_space<vmem>> -> memref<1x300xf32, #tpu.memory_space<vmem>>
          %dma_start3A_859 = arith.constant 0 : i32
          %dma_start3A_860 = tpu.memref_slice %arg3[%squeeze3A_848, %dma_start3A_859] : memref<55585x300xf32, #tpu.memory_space<hbm>> -> memref<1x300xf32, #tpu.memory_space<hbm>>
          tpu.enqueue_dma source(%dma_start3A_860 : memref<1x300xf32, #tpu.memory_space<hbm>>) target(%dma_start3A_858 : memref<1x300xf32, #tpu.memory_space<vmem>>) target_semaphore(%arg10 : memref<!tpu.dma_semaphore, #tpu.memory_space<semaphore_mem>>)
          %slice3A_861 = vector.extract_strided_slice %get3A_666 {offsets = [14], sizes = [1], strides = [1]} : vector<16xi32> to vector<1xi32>
          %squeeze3A_862 = vector.extract %slice3A_861[0] : i32 from vector<1xi32>
          %mul3A_863 = arith.constant 16 : i32
          %mul3A_864 = arith.muli %scan3A_660, %mul3A_863 : i32
          %add3A_865 = arith.constant 14 : i32
          %add3A_866 = arith.addi %mul3A_864, %add3A_865 : i32
          %dma_start3A_867 = arith.constant 0 : i32
          %dma_start3A_868 = tpu.memref_slice %arg7[%add3A_866, %dma_start3A_867] : memref<64x300xf32, #tpu.memory_space<vmem>> -> memref<1x300xf32, #tpu.memory_space<vmem>>
          %dma_start3A_869 = arith.constant 0 : i32
          %dma_start3A_870 = tpu.memref_slice %arg3[%squeeze3A_862, %dma_start3A_869] : memref<55585x300xf32, #tpu.memory_space<hbm>> -> memref<1x300xf32, #tpu.memory_space<hbm>>
          %dma_start3A_871 = arith.constant 0 : i32
          %dma_start3A_872 = tpu.memref_slice %arg7[%add3A_866, %dma_start3A_871] : memref<64x300xf32, #tpu.memory_space<vmem>> -> memref<1x300xf32, #tpu.memory_space<vmem>>
          %dma_start3A_873 = arith.constant 0 : i32
          %dma_start3A_874 = tpu.memref_slice %arg3[%squeeze3A_862, %dma_start3A_873] : memref<55585x300xf32, #tpu.memory_space<hbm>> -> memref<1x300xf32, #tpu.memory_space<hbm>>
          tpu.enqueue_dma source(%dma_start3A_874 : memref<1x300xf32, #tpu.memory_space<hbm>>) target(%dma_start3A_872 : memref<1x300xf32, #tpu.memory_space<vmem>>) target_semaphore(%arg10 : memref<!tpu.dma_semaphore, #tpu.memory_space<semaphore_mem>>)
          %slice3A_875 = vector.extract_strided_slice %get3A_666 {offsets = [15], sizes = [1], strides = [1]} : vector<16xi32> to vector<1xi32>
          %squeeze3A_876 = vector.extract %slice3A_875[0] : i32 from vector<1xi32>
          %mul3A_877 = arith.constant 16 : i32
          %mul3A_878 = arith.muli %scan3A_660, %mul3A_877 : i32
          %add3A_879 = arith.constant 15 : i32
          %add3A_880 = arith.addi %mul3A_878, %add3A_879 : i32
          %dma_start3A_881 = arith.constant 0 : i32
          %dma_start3A_882 = tpu.memref_slice %arg7[%add3A_880, %dma_start3A_881] : memref<64x300xf32, #tpu.memory_space<vmem>> -> memref<1x300xf32, #tpu.memory_space<vmem>>
          %dma_start3A_883 = arith.constant 0 : i32
          %dma_start3A_884 = tpu.memref_slice %arg3[%squeeze3A_876, %dma_start3A_883] : memref<55585x300xf32, #tpu.memory_space<hbm>> -> memref<1x300xf32, #tpu.memory_space<hbm>>
          %dma_start3A_885 = arith.constant 0 : i32
          %dma_start3A_886 = tpu.memref_slice %arg7[%add3A_880, %dma_start3A_885] : memref<64x300xf32, #tpu.memory_space<vmem>> -> memref<1x300xf32, #tpu.memory_space<vmem>>
          %dma_start3A_887 = arith.constant 0 : i32
          %dma_start3A_888 = tpu.memref_slice %arg3[%squeeze3A_876, %dma_start3A_887] : memref<55585x300xf32, #tpu.memory_space<hbm>> -> memref<1x300xf32, #tpu.memory_space<hbm>>
          tpu.enqueue_dma source(%dma_start3A_888 : memref<1x300xf32, #tpu.memory_space<hbm>>) target(%dma_start3A_886 : memref<1x300xf32, #tpu.memory_space<vmem>>) target_semaphore(%arg10 : memref<!tpu.dma_semaphore, #tpu.memory_space<semaphore_mem>>)
        }
        %scan3A_659 = arith.constant 4 : i32
      } else {
      }
    }
    %scan3A_126 = arith.constant 50 : i32
    %dma_wait3A = arith.constant 0 : i32
    %dma_wait3A_127 = arith.constant 0 : i32
    %dma_wait3A_128 = tpu.memref_slice %arg4[%dma_wait3A, %dma_wait3A_127] : memref<486400x128xf32, #tpu.memory_space<hbm>> -> memref<304x128xf32, #tpu.memory_space<hbm>>
    %dma_wait3A_129 = arith.constant 0 : i32
    %dma_wait3A_130 = arith.constant 0 : i32
    %dma_wait3A_131 = tpu.memref_slice %arg4[%dma_wait3A_129, %dma_wait3A_130] : memref<486400x128xf32, #tpu.memory_space<hbm>> -> memref<304x128xf32, #tpu.memory_space<hbm>>
    tpu.wait_dma2 semaphore(%arg11 : memref<!tpu.dma_semaphore, #tpu.memory_space<semaphore_mem>>) src(%arg8 : memref<304x128xf32, #tpu.memory_space<vmem>>) dst(%dma_wait3A_131 : memref<304x128xf32, #tpu.memory_space<hbm>>)
    return
  }
}

</mosaic_0001>

<sc_bundles>
// kernel: kernel.3.cloned.1.call-start
scs
__scs_entry_jumppad:
0x0: {  	(pc) =	sbr.rel $0x88, $3  }
0x1: {  	(tag) =	ssettag $0x0;
	lr =	simm.s32 $0x1  }
0x2: {  	[smem:$0x3F9F] =	sst lr;
	_ =	strace $0xD0000000  }
0x3: {  	_ = 	snop  }
0x4: {  	_ = 	snop  }
0x5: {  	_ = 	snop  }
0x6: {  	_ = 	snop  }
0x7: {  	_ = 	snop  }
__scs_overlays_trampoline_lowered:
0x8: {  	[smem:$0x3FAE] =	sst s0  }
0x9: {  	[smem:$0x3FAF] =	sst s1  }
0xa: {  	[smem:$0x3FB0] =	sst s2  }
0xb: {  	[smem:$0x3FB1] =	sst s3  }
0xc: {  	[smem:$0x3FB2] =	sst s4  }
0xd: {  	[smem:$0x3FB3] =	sst s5  }
0xe: {  	[smem:$0x3FB4] =	sst s6  }
0xf: {  	[smem:$0x3FB5] =	sst s7  }
0x10: {  	[smem:$0x3FB6] =	sst s8  }
0x11: {  	[smem:$0x3FB7] =	sst s9;
	s0 =	simm.s32 @!p0 $0x0  }
0x12: {  	s1 =	sld [smem:$0x3F9D];
	s0 =	simm.s32 @p0 $0x1  }
0x13: {  	[smem:$0x3FB8] =	sst s0;
	s0 =	simm.s32 @!p1 $0x0  }
0x14: {  	s2 =	sld [smem:$0x3F9C];
	s0 =	simm.s32 @p1 $0x1  }
0x15: {  	[smem:$0x3FB9] =	sst s0;
	s0 =	simm.s32 @!p2 $0x0  }
0x16: {  	s3 =	sld [smem:$0x3FDB];
	s0 =	simm.s32 @p2 $0x1  }
0x17: {  	s4 =	simm.s32 $0x1BF5;
	[smem:$0x3FBB] =	sst s0  }
0x18: {  	s0 =	sld [smem:$0x3F9E];
	_ =	swait.ge [sflag:s4], $0x0  }
0x19: {  	s7 =	sld [smem:$0x3F9F]  }
0x1a: {  	s8 =	sadd.s32 $0xFFFFE003, lr  }
0x1b: {  	s9 =	sadd.s32 $0xFFFFFEF7, lr;
	s5 =	simm.s32 $0xFFFFFFFF;
	p2 =	slt.u32 s8, $0xFFFFF086  }
0x1c: {  	p1 =	slt.u32 s9, $0xF7A;
	s5 =	simm.s32 @!p2 $0x0  }
0x1d: {  	s5 =	simm.s32 @p1 $0x1;
	p0 =	seq.s32 s7, s2  }
0x1e: {  	s7 =	smul.u32 @!p0 $0xF7A, s2;
	p2 =	seq.s32 @!p0 s5, $0x0  }
0x1f: {  	s9 =	smul.u32 $0xF7A, s1;
	s8 =	simm.s32 @!p0 $0x1BF5;
	p2 =	por !p2, p0  }
0x20: {  	[sflag:s8] =	ssyncset.s32 @!p0 $0xFFFFF086;
	s6 =	sadd.s32 @!p0 s3, s7;
	s7 =	simm.s32 @!p0 $0x108  }
0x21: {  	s3 =	sadd.s32 s3, s9;
	s6 =	sadd.s32 @!p0 $0x88, s6;
	s7 =	simm.s32 @p2 $0x1082  }
0x22: {  	[simem:s7], [sflag:s8] =	dma.local @!p0 [hbm:s6], $0xF7A  }
0x23: {  	s9 =	sor.u32 $0xD0000000, s2;
	s6 =	simm.s32 $0x108;
	_ =	swait.ge @!p0 [sflag:s8], $0x0  }
0x24: {  	s3 =	sadd.s32 $0x88, s3;
	s6 =	simm.s32 @!p1 $0x1082;
	[sflag:s4] =	ssyncset.s32 $0xFFFFF086  }
0x25: {  	[simem:s6], [sflag:s4] =	dma.local [hbm:s3], $0xF7A  }
0x26: {  	[smem:$0x3F9F] =	sst s1;
	(tag) =	ssettag s2;
	_ =	strace s9  }
0x27: {  	s1 =	sld [smem:$0x3FAF]  }
0x28: {  	s2 =	sld [smem:$0x3FB0]  }
0x29: {  	s4 =	sld [smem:$0x3FB2]  }
0x2a: {  	p0 =	seq.s32 s5, $0x0;
	s5 =	sld [smem:$0x3FB3]  }
0x2b: {  	s6 =	sld [smem:$0x3FB4]  }
0x2c: {  	s7 =	sld [smem:$0x3FB5]  }
0x2d: {  	s3 =	simm.s32 $0x108;
	s8 =	sld [smem:$0x3FB6]  }
0x2e: {  	s3 =	simm.s32 @!p0 $0x1082;
	s9 =	sld [smem:$0x3FB7]  }
0x2f: {  	lr =	sadd.s32 s0, s3;
	s0 =	sld [smem:$0x3FAE]  }
0x30: {  	s3 =	sld [smem:$0x3FB1]  }
0x31: {  	[smem:$0x3FBA] =	sst s10  }
0x32: {  	s10 =	sld [smem:$0x3FB8];
	_ =	sdelay $0x3  }
0x33: {  	p0 =	seq.s32 s10, $0x1;
	s10 =	sld [smem:$0x3FBA];
	_ =	sdelay $0x3  }
0x34: {  	[smem:$0x3FBA] =	sst s10  }
0x35: {  	s10 =	sld [smem:$0x3FB9];
	_ =	sdelay $0x3  }
0x36: {  	p1 =	seq.s32 s10, $0x1;
	s10 =	sld [smem:$0x3FBA];
	_ =	sdelay $0x3  }
0x37: {  	[smem:$0x3FBA] =	sst s10  }
0x38: {  	s10 =	sld [smem:$0x3FBB]  }
0x39: {  	_ = 	snop;
	(pc) =	sbr.ind lr, $3  }
0x3a: {  	_ = 	snop  }
0x3b: {  	_ = 	snop  }
0x3c: {  	p2 =	seq.s32 s10, $0x1;
	s10 =	sld [smem:$0x3FBA]  }
0x3d: {  	_ =	shalt  }
0x3e: {  	_ =	shalt  }
0x3f: {  	_ =	shalt  }
0x40: {  	_ =	shalt  }
0x41: {  	_ =	shalt  }
0x42: {  	_ =	shalt  }
0x43: {  	_ =	shalt  }
0x44: {  	_ =	shalt  }
0x45: {  	_ =	shalt  }
0x46: {  	_ =	shalt  }
0x47: {  	_ =	shalt  }
0x48: {  	_ =	shalt  }
0x49: {  	_ =	shalt  }
0x4a: {  	_ =	shalt  }
0x4b: {  	_ =	shalt  }
0x4c: {  	_ =	shalt  }
0x4d: {  	_ =	shalt  }
0x4e: {  	_ =	shalt  }
0x4f: {  	_ =	shalt  }
0x50: {  	_ =	shalt  }
0x51: {  	_ =	shalt  }
0x52: {  	_ =	shalt  }
0x53: {  	_ =	shalt  }
0x54: {  	_ =	shalt  }
0x55: {  	_ =	shalt  }
0x56: {  	_ =	shalt  }
0x57: {  	_ =	shalt  }
0x58: {  	_ =	shalt  }
0x59: {  	_ =	shalt  }
0x5a: {  	_ =	shalt  }
0x5b: {  	_ =	shalt  }
0x5c: {  	_ =	shalt  }
0x5d: {  	_ =	shalt  }
0x5e: {  	_ =	shalt  }
0x5f: {  	_ =	shalt  }
0x60: {  	_ =	shalt  }
0x61: {  	_ =	shalt  }
0x62: {  	_ =	shalt  }
0x63: {  	_ =	shalt  }
0x64: {  	_ =	shalt  }
0x65: {  	_ =	shalt  }
0x66: {  	_ =	shalt  }
0x67: {  	_ =	shalt  }
0x68: {  	_ =	shalt  }
0x69: {  	_ =	shalt  }
0x6a: {  	_ =	shalt  }
0x6b: {  	_ =	shalt  }
0x6c: {  	_ =	shalt  }
0x6d: {  	_ =	shalt  }
0x6e: {  	_ =	shalt  }
0x6f: {  	_ =	shalt  }
0x70: {  	_ =	shalt  }
0x71: {  	_ =	shalt  }
0x72: {  	_ =	shalt  }
0x73: {  	_ =	shalt  }
0x74: {  	_ =	shalt  }
0x75: {  	_ =	shalt  }
0x76: {  	_ =	shalt  }
0x77: {  	_ =	shalt  }
0x78: {  	_ =	shalt  }
0x79: {  	_ =	shalt  }
0x7a: {  	_ =	shalt  }
0x7b: {  	_ =	shalt  }
0x7c: {  	_ =	shalt  }
0x7d: {  	_ =	shalt  }
0x7e: {  	_ =	shalt  }
0x7f: {  	_ =	shalt  }
0x80: {  	_ =	shalt  }
0x81: {  	_ =	shalt  }
0x82: {  	_ =	shalt  }
0x83: {  	_ =	shalt  }
0x84: {  	_ =	shalt  }
0x85: {  	_ =	shalt  }
0x86: {  	_ =	shalt  }
0x87: {  	_ =	shalt  }
.Lfunc_end0:
.L_simem_size_0:
called_computation_lowered:
.L_overlay_start_0:
0x88: {  	s2 =	sld [smem:$0x3FD9]  }
0x89: {  	s3 =	sld [smem:$0x3FFE];
	_ =	sdelay $0x1  }
0x8a: {  	s1 =	srdreg.scid  }
0x8b: {  	s0 =	sand.u32 $0x1, s1  }
0x8c: {  	s17 =	sshll.u32 s0, $0xA;
	s2 =	sadd.s32 s3, s2  }
0x8d: {  	s2 =	sadd.s32 s2, s17  }
0x8e: {  	[smem:$0x3FC6] =	sst s2  }
0x8f: {  	_ = 	snop  }
0x90: {  	s2 =	sld [smem:$0x3FC9]  }
0x91: {  	s18 =	sld [smem:$0x3FD0];
	(tm) =	ssettm $0x1  }
0x92: {  	s4 =	sld [smem:$0x3FFB];
	_ =	sdelay $0x3  }
0x93: {  	_ =	strace s4  }
0x94: {  	s4 =	sld [smem:$0x3FFC];
	_ =	sdelay $0x3  }
0x95: {  	_ =	strace s4  }
0x96: {  	s4 =	sld [smem:$0x3FFD];
	_ =	sdelay $0x3  }
0x97: {  	_ =	strace s4  }
0x98: {  	_ =	strace $0x8FFFFFFF  }
0x99: {  	s19 =	sld [smem:$0x3FDB];
	_ =	sdelay $0x1  }
0x9a: {  	s5 =	simm.s32 $_scs_section_size  }
0x9b: {  	s6 =	simm.s32 $_size__tile_overlayer_lowered;
	s7 =	simm.s32 $_tile_overlayer_lowered  }
0x9c: {  	s22 =	simm.s32 $0x1BFF;
	s21 =	sshll.u32 s7, $0x1;
	s4 =	sadd.s32 s5, s19  }
0x9d: {  	s8 =	simm.s32 $0x0;
	s20 =	sshll.u32 s6, $0x1;
	s6 =	sadd.s32 s21, s4  }
0x9e: {  	[timem:s8], [sflag:s22] =	dma.local [hbm:s6], s20  }
0x9f: {  	_ =	swait.ge [sflag:s22], s20  }
0xa0: {  	s5 =	ssub.s32 $0x0, s20;
	[sflag:s22] =	ssyncset.done $0x0  }
0xa1: {  	[sflag:s22] =	ssyncadd.s32 s5;
	_ =	sdelay $0x1  }
0xa2: {  	s23 =	simm.s32 $0x1B8B  }
0xa3: {  	_ =	swait.ge [sflag:s23], $0x1  }
0xa4: {  	[sflag:s23] =	ssyncset.done $0x0  }
0xa5: {  	s25 =	simm.s32 $0x1B8E;
	s24 =	sld [smem:$0x3FFE];
	[sflag:s23] =	ssyncadd.s32 $0xFFFFFFFF  }
0xa6: {  	s26 =	simm.s32 $execute0_lowered;
	[smem:$0x3FD2] =	sst s25  }
0xa7: {  	s6 =	sshll.u32 s26, $0x1;
	_ =	strace $0x80000046;
	[dreg:$0x1] =	wrdreg $0xFFFFFFFF  }
0xa8: {  	s28 =	simm.s32 $_size_execute0_lowered;
	s4 =	sadd.s32 s4, s6;
	[dreg:$0x0] =	wrdreg $0x0  }
0xa9: {  	s6 =	sshll.u32 s28, $0x1;
	[dreg:$0x2] =	wrdreg s4  }
0xaa: {  	[dreg:$0x3] =	wrdreg s6  }
0xab: {  	[dreg:$0x4] =	wrdreg $0xC0  }
0xac: {  	_ =	task [dreg:s8], $0x5FFFF  }
0xad: {  	[dreg:$0x1] =	wrdreg $0xFFFFFFFF  }
0xae: {  	[dreg:$0x0] =	wrdreg $0x60  }
0xaf: {  	[dreg:$0x2] =	wrdreg s2  }
0xb0: {  	[dreg:$0x3] =	wrdreg s24  }
0xb1: {  	[dreg:$0x4] =	wrdreg s18  }
0xb2: {  	[dreg:$0x5] =	wrdreg $0x9  }
0xb3: {  	_ =	task.clear_ibuf [dreg:s8], $0x6FFFF;
	_ =	strace $0x90000046  }
0xb4: {  	s29 =	simm.s32 $0x9;
	_ =	strace $0x80000048  }
0xb5: {  	_ =	swait.ge [sflag:s29], $0x1  }
0xb6: {  	[sflag:s29] =	ssyncadd.s32 $0xFFFFFFFF  }
0xb7: {  	_ =	strace $0x90000048  }
0xb8: {  	_ =	sfence  }
0xb9: {  	s30 =	sld [smem:$0x0];
	_ =	sdelay $0x2  }
0xba: {  	s31 =	sshll.u32 s1, $0xD;
	s1 =	sshrl.u32 s1, $0x2  }
0xbb: {  	s3 =	sand.u32 $0x4000, s31;
	s1 =	sadd.s32 s1, s30  }
0xbc: {  	s0 =	sor.u32 s3, s0;
	s1 =	sshll.u32 s1, $0x11  }
0xbd: {  	s0 =	sor.u32 s1, s0  }
0xbe: {  	s0 =	sadd.s32 $0x8F2B, s0  }
0xbf: {  	[sflag:s0] =	ssyncadd.remote.s32 $0x1  }
0xc0: {  	_ =	sfence.sel $0xFFFF  }
0xc1: {  	[dreg:$0x0] =	wrdreg $0xFFFFFFFF;
	(pc) =	sbr.abs _section_cstart, $3  }
0xc2: {  	[dreg:$0x1] =	wrdreg $0xFFFFFFFF  }
0xc3: {  	_ =	task.clear_ibuf [dreg:s8], $0x2FFFF;
	_ =	strace $0x9FFFFFFF  }
0xc4: {  	(tm) =	ssettm $0x7FFFFFFF  }
0xc5: {  	_ =	shalt  }
tec
execute0_lowered:
.L_overlay_start_1:
0x0: {  	(tag) =	ssettag $0x1  }
0x1: {  	v0 =	vimm.s32 $0xF80;
	vm14 =	vcmask $0x300  }
0x2: {  	vm13 =	vcmask $0x704;
	vm12 =	vcmask $0xB08;
	vm11 =	vcmask $0xF0C  }
0x3: {  	vm10 =	vcmask $0x1310;
	vm9 =	vcmask $0x1714;
	vm8 =	vcmask $0x1B18  }
0x4: {  	vm7 =	vcmask $0x1F1C;
	vm6 =	vcmask $0x2320;
	v0 =	vsel vm14, $0x0, v0  }
0x5: {  	vm5 =	vcmask $0x2724;
	vm4 =	vcmask $0x2B28;
	v0 =	vsel vm13, $0x80, v0  }
0x6: {  	vm3 =	vcmask $0x2F2C;
	vm0 =	vcmask $0x3330;
	v0 =	vsel vm12, $0x100, v0  }
0x7: {  	v3 =	vimm.s32 $0x87654321;
	vm1 =	vcmask $0x3734;
	v0 =	vsel vm11, $0x180, v0  }
0x8: {  	vm2 =	vcmask $0x3B38;
	v5 =	vimm.s32 $0xA9876543;
	v0 =	vsel vm10, $0x200, v0  }
0x9: {  	v6 =	vimm.s32 $0x43210FED;
	v7 =	vimm.s32 $0xCBA98765;
	v0 =	vsel vm9, $0x280, v0  }
0xa: {  	v19 =	vimm.s32 $0x6543210F;
	v20 =	vimm.s32 $0xEDCBA987;
	v0 =	vsel vm8, $0x300, v0  }
0xb: {  	v21 =	vimm.s32 $0xFEDCBA98;
	v3 =	vunpack.c.l.s4.s8 v3;
	v0 =	vsel vm7, $0x380, v0  }
0xc: {  	v6 =	vunpack.c.l.s4.s8 v6;
	v7 =	vunpack.c.l.s4.s8 v7;
	v0 =	vsel vm6, $0xC00, v0  }
0xd: {  	v19 =	vunpack.c.l.s4.s8 v19;
	v20 =	vunpack.c.l.s4.s8 v20;
	v0 =	vsel vm5, $0xC80, v0  }
0xe: {  	v21 =	vunpack.c.l.s4.s8 v21;
	v9 =	vunpack.c.0.s8.s32 v3;
	v0 =	vsel vm4, $0xD00, v0  }
0xf: {  	v3 =	vimm.s32 $0x98765432;
	v1 =	vsel vm3, $0xD80, v0;
	v0 =	vimm.s32 $0xFEDCBA9  }
0x10: {  	v17 =	vunpack.c.0.s8.s32 v6;
	v18 =	vunpack.c.0.s8.s32 v7;
	v2 =	vunpack.c.l.s4.s8 v0  }
0x11: {  	v19 =	vunpack.c.0.s8.s32 v19;
	v20 =	vunpack.c.0.s8.s32 v20;
	v21 =	vunpack.c.0.s8.s32 v21  }
0x12: {  	v3 =	vunpack.c.l.s4.s8 v3;
	v8 =	vunpack.c.0.s8.s32 v2;
	v2 =	vimm.s32 $0x10FEDCBA  }
0x13: {  	s0 =	rddreg [dreg:$0x0];
	v7 =	vcombine.low v18, v17;
	v25 =	vcombine.low v20, v19;
	v2 =	vunpack.c.l.s4.s8 v2  }
0x14: {  	s1 =	rddreg [dreg:$0x1];
	v21 =	vand.u32 $0xF, v21;
	v11 =	vunpack.c.0.s8.s32 v3;
	v1 =	vsel vm0, $0xE00, v1  }
0x15: {  	s15 =	rddreg [dreg:$0x2];
	s3 =	simm.s32 $0x0;
	v4 =	vcombine.low v9, v8;
	v10 =	vunpack.c.0.s8.s32 v2;
	v2 =	vimm.s32 $0x210FEDCB  }
0x16: {  	[smem:$0x7FF] =	sst s3;
	s8 =	sadd.s32 $0x1000, s15;
	v0 =	vlaneseq.u32;
	v1 =	vsel vm1, $0xE80, v1;
	v3 =	vunpack.c.l.s4.s8 v2  }
0x17: {  	s9 =	sadd.s32 $0x2000, s15;
	_ =	strace $0x80000047;
	[dreg:$0x7] =	wrdreg s8;
	v1 =	vsel vm2, $0xF00, v1;
	v2 =	vand.u32 $0xF, v4;
	v4 =	vunpack.c.l.s4.s8 v5  }
0x18: {  	s10 =	sadd.s32 $0x3000, s15;
	[dreg:$0x8] =	wrdreg s9;
	v63 =	vcombine.low v8, v9;
	v8 =	vand.u32 $0xF, v25;
	v12 =	vunpack.c.0.s8.s32 v3  }
0x19: {  	s11 =	sadd.s32 $0x4000, s15;
	[dreg:$0x9] =	wrdreg s10;
	v3 =	vimm.s32 $0x3210FEDC;
	v13 =	vunpack.c.0.s8.s32 v4;
	v4 =	vimm.s32 $0xBA987654  }
0x1a: {  	s12 =	sadd.s32 $0x5000, s15;
	[dreg:$0xa] =	wrdreg s11;
	v5 =	vcombine.low v11, v10;
	v3 =	vunpack.c.l.s4.s8 v3;
	v4 =	vunpack.c.l.s4.s8 v4  }
0x1b: {  	s13 =	sadd.s32 $0x6000, s15;
	[dreg:$0xb] =	wrdreg s12;
	v11 =	vcombine.low v10, v11;
	v10 =	vand.u32 $0xF, v63;
	v14 =	vcombine.low v13, v12  }
0x1c: {  	s14 =	sadd.s32 $0x7000, s15;
	[dreg:$0xc] =	wrdreg s13;
	v15 =	vunpack.c.0.s8.s32 v3;
	v16 =	vunpack.c.0.s8.s32 v4;
	v3 =	vimm.s32 $0x543210FE  }
0x1d: {  	s16 =	sadd.s32 $0x8000, s15;
	[dreg:$0xd] =	wrdreg s14;
	v12 =	vcombine.low v12, v13;
	v6 =	vunpack.c.l.s4.s8 v3;
	v3 =	vand.u32 $0xF, v5  }
0x1e: {  	s17 =	sadd.s32 $0x9000, s15;
	[dreg:$0xe] =	wrdreg s16;
	v4 =	vand.u32 $0xF, v14;
	v5 =	vcombine.low v16, v15;
	v13 =	vcombine.low v15, v16  }
0x1f: {  	s18 =	sadd.s32 $0xA000, s15;
	[dreg:$0xf] =	wrdreg s17;
	v15 =	vcombine.low v17, v18;
	v14 =	vunpack.c.0.s8.s32 v6;
	v6 =	vimm.s32 $0xDCBA9876  }
0x20: {  	s19 =	sadd.s32 $0xB000, s15;
	[dreg:$0x10] =	wrdreg s18;
	v17 =	vcombine.low v19, v20;
	v19 =	vimm.s32 $0x5780;
	v6 =	vunpack.c.l.s4.s8 v6  }
0x21: {  	s20 =	sadd.s32 $0xC000, s15;
	[dreg:$0x11] =	wrdreg s19;
	v11 =	vand.u32 $0xF, v11;
	v12 =	vand.u32 $0xF, v12;
	v19 =	vsel vm14, $0x4800, v19  }
0x22: {  	s21 =	sadd.s32 $0xD000, s15;
	[dreg:$0x12] =	wrdreg s20;
	v18 =	vimm.s32 $0x2780;
	v19 =	vsel vm13, $0x4880, v19;
	v22 =	vunpack.c.0.s8.s32 v6  }
0x23: {  	s22 =	sadd.s32 $0xE000, s15;
	[dreg:$0x13] =	wrdreg s21;
	v5 =	vand.u32 $0xF, v5;
	v13 =	vand.u32 $0xF, v13;
	v19 =	vsel vm12, $0x4900, v19  }
0x24: {  	s23 =	sadd.s32 $0xF000, s15;
	[dreg:$0x14] =	wrdreg s22;
	v6 =	vimm.s32 $0x76543210;
	v19 =	vsel vm11, $0x4980, v19;
	v16 =	vcombine.low v14, v22  }
0x25: {  	s2 =	srdreg.scid;
	s24 =	sadd.s32 $0x10000, s15;
	[dreg:$0x15] =	wrdreg s23;
	v23 =	vunpack.c.l.s4.s8 v6;
	v6 =	vand.u32 $0xF, v7;
	v19 =	vsel vm10, $0x4A00, v19  }
0x26: {  	s4 =	stileid.u32;
	s25 =	sadd.s32 $0x11000, s15;
	[dreg:$0x16] =	wrdreg s24;
	v24 =	vcombine.low v22, v14;
	v14 =	vand.u32 $0xF, v15;
	v15 =	vand.u32 $0xF, v16  }
0x27: {  	s2 =	sand.u32 $0x1, s2;
	s26 =	sadd.s32 $0x12000, s15;
	[dreg:$0x17] =	wrdreg s25;
	v16 =	vand.u32 $0xF, v17;
	v17 =	vsel vm14, $0x1800, v18;
	v18 =	vimm.s32 $0x3F80  }
0x28: {  	s4 =	sshll.u32 s4, $0x8;
	s28 =	sadd.s32 $0x13000, s15;
	[dreg:$0x19] =	wrdreg s26;
	v19 =	vsel vm9, $0x4A80, v19;
	v17 =	vsel vm13, $0x1880, v17;
	v18 =	vsel vm14, $0x3000, v18  }
0x29: {  	s6 =	sadd.s32 $0x400, s1;
	s29 =	sadd.s32 $0x14000, s15;
	[dreg:$0x1a] =	wrdreg s28;
	v22 =	vor.u32 $0x30, v0;
	v17 =	vsel vm12, $0x1900, v17;
	v18 =	vsel vm13, $0x3080, v18  }
0x2a: {  	s30 =	sadd.s32 $0x15000, s15;
	s31 =	sadd.s32 $0x16000, s15;
	[dreg:$0x1b] =	wrdreg s29;
	v23 =	vunpack.c.0.s8.s32 v23;
	v17 =	vsel vm11, $0x1980, v17;
	v18 =	vsel vm12, $0x3100, v18  }
0x2b: {  	s1 =	sadd.s32 $0x1C000, s15;
	s5 =	sshll.u32 s2, $0x7;
	[dreg:$0x1c] =	wrdreg s30;
	v19 =	vsel vm8, $0x4B00, v19;
	v17 =	vsel vm10, $0x1A00, v17;
	v18 =	vsel vm11, $0x3180, v18  }
0x2c: {  	s2 =	ssub.s32 $0x2, s2;
	[dreg:$0x1d] =	wrdreg s31;
	s25 =	sadd.s32 $0x1A000, s15;
	v7 =	vand.u32 $0xF, v24;
	v17 =	vsel vm9, $0x1A80, v17;
	v18 =	vsel vm10, $0x3200, v18  }
0x2d: {  	s8 =	sadd.s32 $0x1E000, s15;
	s9 =	sadd.s32 $0x1F000, s15;
	s10 =	sadd.s32 $0x20000, s15;
	v19 =	vsel vm7, $0x4B80, v19;
	v17 =	vsel vm8, $0x1B00, v17;
	v18 =	vsel vm9, $0x3280, v18  }
0x2e: {  	s11 =	sadd.s32 $0x21000, s15;
	s12 =	sadd.s32 $0x22000, s15;
	s13 =	sadd.s32 $0x23000, s15;
	v9 =	vcombine.low v21, v23;
	v17 =	vsel vm7, $0x1B80, v17;
	v18 =	vsel vm8, $0x3300, v18  }
0x2f: {  	s14 =	sadd.s32 $0x24000, s15;
	s16 =	simm.s32 $0x1;
	s17 =	simm.s32 $0x1C00;
	v19 =	vsel vm6, $0x5400, v19;
	v17 =	vsel vm6, $0x2400, v17;
	v18 =	vsel vm7, $0x3380, v18  }
0x30: {  	s18 =	simm.s32 $0xDC00;
	s19 =	simm.s32 $0x2;
	s20 =	simm.s32 $0x7C00;
	v19 =	vsel vm5, $0x5480, v19;
	v17 =	vsel vm5, $0x2480, v17;
	v18 =	vsel vm6, $0x3C00, v18  }
0x31: {  	s23 =	simm.s32 $0x0;
	s4 =	sor.u32 s5, s4;
	s5 =	sshrl.u32 s2, $0x1;
	v19 =	vsel vm4, $0x5500, v19;
	v17 =	vsel vm4, $0x2500, v17;
	v18 =	vsel vm5, $0x3C80, v18  }
.Ltmp0:
0x32: {  	[dreg:$0x4] =	wrdreg s4;
	s4 =	sadd.s32 s0, s4;
	v19 =	vsel vm3, $0x5580, v19;
	v17 =	vsel vm3, $0x2580, v17;
	v18 =	vsel vm4, $0x3D00, v18;
	(pc) =	sbr.rel .LBB2_1-.Ltmp0, $4  }
0x33: {  	s0 =	ssub.s32 s2, s5;
	[dreg:$0x5] =	wrdreg s4;
	s7 =	sadd.s32 $0x6000, s4;
	v21 =	vsel vm0, $0x5600, v19;
	v17 =	vsel vm0, $0x2600, v17;
	v18 =	vsel vm3, $0x3D80, v18  }
0x34: {  	s2 =	sadd.s32 $0x18000, s15;
	s0 =	smax.u32 s0, $0x1;
	[dreg:$0x6] =	wrdreg s7;
	v21 =	vsel vm1, $0x5680, v21;
	v17 =	vsel vm1, $0x2680, v17;
	v18 =	vsel vm0, $0x3E00, v18  }
0x35: {  	s5 =	sadd.s32 $0x1B000, s15;
	s4 =	sadd.s32 $0x1D000, s15;
	[dreg:$0x18] =	wrdreg s0;
	v21 =	vsel vm2, $0x5700, v21;
	v17 =	vsel vm2, $0x2700, v17;
	v20 =	vsel vm1, $0x3E80, v18  }
0x36: {  	s0 =	sadd.s32 $0x17000, s15;
	s7 =	sadd.s32 $0x19000, s15;
	s15 =	sadd.s32 $0x25000, s15;
	v18 =	vor.u32 $0x10, v0;
	v19 =	vsel vm2, $0x3F00, v20;
	v20 =	vor.u32 $0x20, v0  }
.LBB2_15:
0x37: {  	s22 =	simm.s32 $0x3  }
0x38: {  	_ =	swait.ge [sflag:s22], $0x9800  }
0x39: {  	s23 =	rddreg [dreg:$0x1e]  }
0x3a: {  	s21 =	rddreg [dreg:$0x18];
	s23 =	sadd.s32 $0x1, s23  }
0x3b: {  	p0 =	sne.s32 s23, s21  }
.Ltmp1:
0x3c: {  	_ = 	snop;
	(pc) =	sbr.rel @!p0 .LBB2_16-.Ltmp1, $3  }
0x3d: {  	_ =	sdelay $0x1  }
0x3e: {  	[sflag:s22] =	ssyncset.done $0x0  }
0x3f: {  	[sflag:s22] =	ssyncadd.s32 $0xFFFF6800  }
.LBB2_1:
0x40: {  	[dreg:$0x1e] =	wrdreg s23  }
0x41: {  	s21 =	rddreg [dreg:$0x5];
	s22 =	simm.s32 $0x400;
	s28 =	simm.s32 $0x8000  }
0x42: {  	[tilespmem:s3], [sflag:$0x4] =	stream.strided.gather [hbm4b:s21+s22], $0x1800, s28, s22, $0x38;
	[tilespmem:$0x17400] =	vst v63  }
0x43: {  	s29 =	rddreg [dreg:$0x6];
	s30 =	simm.s32 $0x1800;
	s31 =	simm.s32 $0x4  }
0x44: {  	[tilespmem:s30], [sflag:$0x4] =	stream.linear.gather [hbm4b:s29+s3], $0x100, $0x38;
	[tilespmem:$0x17400] =	vst v63  }
0x45: {  	_ =	swait.ge [sflag:s31], $0x1900  }
0x46: {  	[sflag:s31] =	ssyncset.done $0x0  }
0x47: {  	s23 =	simm.s32 $0x0;
	s22 =	simm.s32 $0x0;
	[sflag:s31] =	ssyncadd.s32 $0xFFFFE700  }
.LBB2_2:
0x48: {  	v23 =	vld [tilespmem:s22+$0x0];
	_ =	sdelay $0x4  }
0x49: {  	(v2sf) =	vpush v23, $0x0;
	_ =	sdelay $0x7  }
0x4a: {  	(v2sf) =	vpush v23, $0x1;
	_ =	sdelay $0x6  }
0x4b: {  	s21 =	spop (v2sf)  }
0x4c: {  	s24 =	sshrl.u32 s21, $0x3  }
0x4d: {  	s21 =	sshll.u32 s21, $0x7;
	s24 =	smul.u32 $0xC00, s24  }
0x4e: {  	s21 =	sand.u32 $0x380, s21  }
0x4f: {  	s21 =	sor.u32 s21, s24  }
0x50: {  	(v2sf) =	vpush v23, $0x2;
	s24 =	sshra.s32 s23, $0x2;
	s21 =	sshrl.u32 s21, $0x3  }
0x51: {  	s28 =	sadd.s32 $0x1C00, s24;
	s26 =	sadd.s32 s6, s21;
	s21 =	simm.s32 $0x0  }
0x52: {  	[tilespmem:s28], [sflag:$0x1] =	stream.linear.gather [hbm4b:s26+s21], $0x80, $0x38;
	[tilespmem:$0x17400] =	vst v63  }
0x53: {  	s30 =	spop (v2sf);
	s29 =	sadd.s32 $0x2000, s24;
	s31 =	sadd.s32 $0x80, s26  }
0x54: {  	[tilespmem:s29], [sflag:$0x1] =	stream.linear.gather [hbm4b:s31+s21], $0x80, $0x38;
	[tilespmem:$0x17400] =	vst v63  }
0x55: {  	s26 =	sadd.s32 $0x100, s26;
	s29 =	sadd.s32 $0x2400, s24;
	s31 =	sshrl.u32 s30, $0x3  }
0x56: {  	[tilespmem:s29], [sflag:$0x1] =	stream.linear.gather [hbm4b:s26+s21], $0x80, $0x38;
	[tilespmem:$0x17400] =	vst v63  }
0x57: {  	s28 =	smul.u32 $0xC00, s31;
	s26 =	sshll.u32 s30, $0x7  }
0x58: {  	s26 =	sand.u32 $0x380, s26  }
0x59: {  	s26 =	sor.u32 s26, s28  }
0x5a: {  	s26 =	sshrl.u32 s26, $0x3  }
0x5b: {  	(v2sf) =	vpush v23, $0x3;
	s29 =	sadd.s32 $0x1C80, s24;
	s26 =	sadd.s32 s6, s26  }
0x5c: {  	[tilespmem:s29], [sflag:$0x1] =	stream.linear.gather [hbm4b:s26+s21], $0x80, $0x38;
	[tilespmem:$0x17400] =	vst v63  }
0x5d: {  	s31 =	sadd.s32 $0x2080, s24;
	s30 =	sadd.s32 $0x80, s26  }
0x5e: {  	[tilespmem:s31], [sflag:$0x1] =	stream.linear.gather [hbm4b:s30+s21], $0x80, $0x38;
	[tilespmem:$0x17400] =	vst v63  }
0x5f: {  	s30 =	spop (v2sf)  }
0x60: {  	s26 =	sadd.s32 $0x100, s26;
	s29 =	sadd.s32 $0x2480, s24;
	s31 =	sshrl.u32 s30, $0x3  }
0x61: {  	[tilespmem:s29], [sflag:$0x1] =	stream.linear.gather [hbm4b:s26+s21], $0x80, $0x38;
	[tilespmem:$0x17400] =	vst v63  }
0x62: {  	s28 =	smul.u32 $0xC00, s31;
	s26 =	sshll.u32 s30, $0x7  }
0x63: {  	s26 =	sand.u32 $0x380, s26  }
0x64: {  	s26 =	sor.u32 s26, s28  }
0x65: {  	s26 =	sshrl.u32 s26, $0x3  }
0x66: {  	(v2sf) =	vpush v23, $0x4;
	s29 =	sadd.s32 $0x1D00, s24;
	s26 =	sadd.s32 s6, s26  }
0x67: {  	[tilespmem:s29], [sflag:$0x1] =	stream.linear.gather [hbm4b:s26+s21], $0x80, $0x38;
	[tilespmem:$0x17400] =	vst v63  }
0x68: {  	s31 =	sadd.s32 $0x2100, s24;
	s30 =	sadd.s32 $0x80, s26  }
0x69: {  	[tilespmem:s31], [sflag:$0x1] =	stream.linear.gather [hbm4b:s30+s21], $0x80, $0x38;
	[tilespmem:$0x17400] =	vst v63  }
0x6a: {  	s30 =	spop (v2sf)  }
0x6b: {  	s26 =	sadd.s32 $0x100, s26;
	s29 =	sadd.s32 $0x2500, s24;
	s31 =	sshrl.u32 s30, $0x3  }
0x6c: {  	[tilespmem:s29], [sflag:$0x1] =	stream.linear.gather [hbm4b:s26+s21], $0x80, $0x38;
	[tilespmem:$0x17400] =	vst v63  }
0x6d: {  	s28 =	smul.u32 $0xC00, s31;
	s26 =	sshll.u32 s30, $0x7  }
0x6e: {  	s26 =	sand.u32 $0x380, s26  }
0x6f: {  	s26 =	sor.u32 s26, s28  }
0x70: {  	s26 =	sshrl.u32 s26, $0x3  }
0x71: {  	(v2sf) =	vpush v23, $0x5;
	s29 =	sadd.s32 $0x1D80, s24;
	s26 =	sadd.s32 s6, s26  }
0x72: {  	[tilespmem:s29], [sflag:$0x1] =	stream.linear.gather [hbm4b:s26+s21], $0x80, $0x38;
	[tilespmem:$0x17400] =	vst v63  }
0x73: {  	s31 =	sadd.s32 $0x2180, s24;
	s30 =	sadd.s32 $0x80, s26  }
0x74: {  	[tilespmem:s31], [sflag:$0x1] =	stream.linear.gather [hbm4b:s30+s21], $0x80, $0x38;
	[tilespmem:$0x17400] =	vst v63  }
0x75: {  	s30 =	spop (v2sf)  }
0x76: {  	s26 =	sadd.s32 $0x100, s26;
	s29 =	sadd.s32 $0x2580, s24;
	s31 =	sshrl.u32 s30, $0x3  }
0x77: {  	[tilespmem:s29], [sflag:$0x1] =	stream.linear.gather [hbm4b:s26+s21], $0x80, $0x38;
	[tilespmem:$0x17400] =	vst v63  }
0x78: {  	s28 =	smul.u32 $0xC00, s31;
	s26 =	sshll.u32 s30, $0x7  }
0x79: {  	s26 =	sand.u32 $0x380, s26  }
0x7a: {  	s26 =	sor.u32 s26, s28  }
0x7b: {  	s26 =	sshrl.u32 s26, $0x3  }
0x7c: {  	(v2sf) =	vpush v23, $0x6;
	s29 =	sadd.s32 $0x1E00, s24;
	s26 =	sadd.s32 s6, s26  }
0x7d: {  	[tilespmem:s29], [sflag:$0x1] =	stream.linear.gather [hbm4b:s26+s21], $0x80, $0x38;
	[tilespmem:$0x17400] =	vst v63  }
0x7e: {  	s31 =	sadd.s32 $0x2200, s24;
	s30 =	sadd.s32 $0x80, s26  }
0x7f: {  	[tilespmem:s31], [sflag:$0x1] =	stream.linear.gather [hbm4b:s30+s21], $0x80, $0x38;
	[tilespmem:$0x17400] =	vst v63  }
0x80: {  	s30 =	spop (v2sf)  }
0x81: {  	s26 =	sadd.s32 $0x100, s26;
	s29 =	sadd.s32 $0x2600, s24;
	s31 =	sshrl.u32 s30, $0x3  }
0x82: {  	[tilespmem:s29], [sflag:$0x1] =	stream.linear.gather [hbm4b:s26+s21], $0x80, $0x38;
	[tilespmem:$0x17400] =	vst v63  }
0x83: {  	s28 =	smul.u32 $0xC00, s31;
	s26 =	sshll.u32 s30, $0x7  }
0x84: {  	s26 =	sand.u32 $0x380, s26  }
0x85: {  	s26 =	sor.u32 s26, s28  }
0x86: {  	s26 =	sshrl.u32 s26, $0x3  }
0x87: {  	(v2sf) =	vpush v23, $0x7;
	s29 =	sadd.s32 $0x1E80, s24;
	s26 =	sadd.s32 s6, s26  }
0x88: {  	[tilespmem:s29], [sflag:$0x1] =	stream.linear.gather [hbm4b:s26+s21], $0x80, $0x38;
	[tilespmem:$0x17400] =	vst v63  }
0x89: {  	s31 =	sadd.s32 $0x2280, s24;
	s30 =	sadd.s32 $0x80, s26  }
0x8a: {  	[tilespmem:s31], [sflag:$0x1] =	stream.linear.gather [hbm4b:s30+s21], $0x80, $0x38;
	[tilespmem:$0x17400] =	vst v63  }
0x8b: {  	s30 =	spop (v2sf)  }
0x8c: {  	s26 =	sadd.s32 $0x100, s26;
	s29 =	sadd.s32 $0x2680, s24;
	s31 =	sshrl.u32 s30, $0x3  }
0x8d: {  	[tilespmem:s29], [sflag:$0x1] =	stream.linear.gather [hbm4b:s26+s21], $0x80, $0x38;
	[tilespmem:$0x17400] =	vst v63  }
0x8e: {  	s28 =	smul.u32 $0xC00, s31;
	s26 =	sshll.u32 s30, $0x7  }
0x8f: {  	s26 =	sand.u32 $0x380, s26  }
0x90: {  	s26 =	sor.u32 s26, s28  }
0x91: {  	s26 =	sshrl.u32 s26, $0x3  }
0x92: {  	(v2sf) =	vpush v23, $0x8;
	s29 =	sadd.s32 $0x1F00, s24;
	s26 =	sadd.s32 s6, s26  }
0x93: {  	[tilespmem:s29], [sflag:$0x1] =	stream.linear.gather [hbm4b:s26+s21], $0x80, $0x38;
	[tilespmem:$0x17400] =	vst v63  }
0x94: {  	s31 =	sadd.s32 $0x2300, s24;
	s30 =	sadd.s32 $0x80, s26  }
0x95: {  	[tilespmem:s31], [sflag:$0x1] =	stream.linear.gather [hbm4b:s30+s21], $0x80, $0x38;
	[tilespmem:$0x17400] =	vst v63  }
0x96: {  	s30 =	spop (v2sf)  }
0x97: {  	s26 =	sadd.s32 $0x100, s26;
	s29 =	sadd.s32 $0x2700, s24;
	s31 =	sshrl.u32 s30, $0x3  }
0x98: {  	[tilespmem:s29], [sflag:$0x1] =	stream.linear.gather [hbm4b:s26+s21], $0x80, $0x38;
	[tilespmem:$0x17400] =	vst v63  }
0x99: {  	s28 =	smul.u32 $0xC00, s31;
	s26 =	sshll.u32 s30, $0x7  }
0x9a: {  	s26 =	sand.u32 $0x380, s26  }
0x9b: {  	s26 =	sor.u32 s26, s28  }
0x9c: {  	s26 =	sshrl.u32 s26, $0x3  }
0x9d: {  	(v2sf) =	vpush v23, $0x9;
	s29 =	sadd.s32 $0x1F80, s24;
	s26 =	sadd.s32 s6, s26  }
0x9e: {  	[tilespmem:s29], [sflag:$0x1] =	stream.linear.gather [hbm4b:s26+s21], $0x80, $0x38;
	[tilespmem:$0x17400] =	vst v63  }
0x9f: {  	s31 =	sadd.s32 $0x2380, s24;
	s30 =	sadd.s32 $0x80, s26  }
0xa0: {  	[tilespmem:s31], [sflag:$0x1] =	stream.linear.gather [hbm4b:s30+s21], $0x80, $0x38;
	[tilespmem:$0x17400] =	vst v63  }
0xa1: {  	s30 =	spop (v2sf)  }
0xa2: {  	s26 =	sadd.s32 $0x100, s26;
	s29 =	sadd.s32 $0x2780, s24;
	s31 =	sshrl.u32 s30, $0x3  }
0xa3: {  	[tilespmem:s29], [sflag:$0x1] =	stream.linear.gather [hbm4b:s26+s21], $0x80, $0x38;
	[tilespmem:$0x17400] =	vst v63  }
0xa4: {  	s28 =	smul.u32 $0xC00, s31;
	s26 =	sshll.u32 s30, $0x7  }
0xa5: {  	s26 =	sand.u32 $0x380, s26  }
0xa6: {  	s26 =	sor.u32 s26, s28  }
0xa7: {  	s26 =	sshrl.u32 s26, $0x3  }
0xa8: {  	(v2sf) =	vpush v23, $0xA;
	s29 =	sadd.s32 $0x2800, s24;
	s26 =	sadd.s32 s6, s26  }
0xa9: {  	[tilespmem:s29], [sflag:$0x1] =	stream.linear.gather [hbm4b:s26+s21], $0x80, $0x38;
	[tilespmem:$0x17400] =	vst v63  }
0xaa: {  	s31 =	sadd.s32 $0x2C00, s24;
	s30 =	sadd.s32 $0x80, s26  }
0xab: {  	[tilespmem:s31], [sflag:$0x1] =	stream.linear.gather [hbm4b:s30+s21], $0x80, $0x38;
	[tilespmem:$0x17400] =	vst v63  }
0xac: {  	s30 =	spop (v2sf)  }
0xad: {  	s26 =	sadd.s32 $0x100, s26;
	s29 =	sadd.s32 $0x3000, s24;
	s31 =	sshrl.u32 s30, $0x3  }
0xae: {  	[tilespmem:s29], [sflag:$0x1] =	stream.linear.gather [hbm4b:s26+s21], $0x80, $0x38;
	[tilespmem:$0x17400] =	vst v63  }
0xaf: {  	s28 =	smul.u32 $0xC00, s31;
	s26 =	sshll.u32 s30, $0x7  }
0xb0: {  	s26 =	sand.u32 $0x380, s26  }
0xb1: {  	s26 =	sor.u32 s26, s28  }
0xb2: {  	s26 =	sshrl.u32 s26, $0x3  }
0xb3: {  	(v2sf) =	vpush v23, $0xB;
	s29 =	sadd.s32 $0x2880, s24;
	s26 =	sadd.s32 s6, s26  }
0xb4: {  	[tilespmem:s29], [sflag:$0x1] =	stream.linear.gather [hbm4b:s26+s21], $0x80, $0x38;
	[tilespmem:$0x17400] =	vst v63  }
0xb5: {  	s31 =	sadd.s32 $0x2C80, s24;
	s30 =	sadd.s32 $0x80, s26  }
0xb6: {  	[tilespmem:s31], [sflag:$0x1] =	stream.linear.gather [hbm4b:s30+s21], $0x80, $0x38;
	[tilespmem:$0x17400] =	vst v63  }
0xb7: {  	s30 =	spop (v2sf)  }
0xb8: {  	s26 =	sadd.s32 $0x100, s26;
	s29 =	sadd.s32 $0x3080, s24;
	s31 =	sshrl.u32 s30, $0x3  }
0xb9: {  	[tilespmem:s29], [sflag:$0x1] =	stream.linear.gather [hbm4b:s26+s21], $0x80, $0x38;
	[tilespmem:$0x17400] =	vst v63  }
0xba: {  	s28 =	smul.u32 $0xC00, s31;
	s26 =	sshll.u32 s30, $0x7  }
0xbb: {  	s26 =	sand.u32 $0x380, s26  }
0xbc: {  	s26 =	sor.u32 s26, s28  }
0xbd: {  	s26 =	sshrl.u32 s26, $0x3  }
0xbe: {  	(v2sf) =	vpush v23, $0xC;
	s29 =	sadd.s32 $0x2900, s24;
	s26 =	sadd.s32 s6, s26  }
0xbf: {  	[tilespmem:s29], [sflag:$0x1] =	stream.linear.gather [hbm4b:s26+s21], $0x80, $0x38;
	[tilespmem:$0x17400] =	vst v63  }
0xc0: {  	s31 =	sadd.s32 $0x2D00, s24;
	s30 =	sadd.s32 $0x80, s26  }
0xc1: {  	[tilespmem:s31], [sflag:$0x1] =	stream.linear.gather [hbm4b:s30+s21], $0x80, $0x38;
	[tilespmem:$0x17400] =	vst v63  }
0xc2: {  	s30 =	spop (v2sf)  }
0xc3: {  	s26 =	sadd.s32 $0x100, s26;
	s29 =	sadd.s32 $0x3100, s24;
	s31 =	sshrl.u32 s30, $0x3  }
0xc4: {  	[tilespmem:s29], [sflag:$0x1] =	stream.linear.gather [hbm4b:s26+s21], $0x80, $0x38;
	[tilespmem:$0x17400] =	vst v63  }
0xc5: {  	s28 =	smul.u32 $0xC00, s31;
	s26 =	sshll.u32 s30, $0x7  }
0xc6: {  	s26 =	sand.u32 $0x380, s26  }
0xc7: {  	s26 =	sor.u32 s26, s28  }
0xc8: {  	s26 =	sshrl.u32 s26, $0x3  }
0xc9: {  	(v2sf) =	vpush v23, $0xD;
	s29 =	sadd.s32 $0x2980, s24;
	s26 =	sadd.s32 s6, s26  }
0xca: {  	[tilespmem:s29], [sflag:$0x1] =	stream.linear.gather [hbm4b:s26+s21], $0x80, $0x38;
	[tilespmem:$0x17400] =	vst v63  }
0xcb: {  	s31 =	sadd.s32 $0x2D80, s24;
	s30 =	sadd.s32 $0x80, s26  }
0xcc: {  	[tilespmem:s31], [sflag:$0x1] =	stream.linear.gather [hbm4b:s30+s21], $0x80, $0x38;
	[tilespmem:$0x17400] =	vst v63  }
0xcd: {  	s30 =	spop (v2sf)  }
0xce: {  	s26 =	sadd.s32 $0x100, s26;
	s29 =	sadd.s32 $0x3180, s24;
	s31 =	sshrl.u32 s30, $0x3  }
0xcf: {  	[tilespmem:s29], [sflag:$0x1] =	stream.linear.gather [hbm4b:s26+s21], $0x80, $0x38;
	[tilespmem:$0x17400] =	vst v63  }
0xd0: {  	s28 =	smul.u32 $0xC00, s31;
	s26 =	sshll.u32 s30, $0x7  }
0xd1: {  	s26 =	sand.u32 $0x380, s26  }
0xd2: {  	(v2sf) =	vpush v23, $0xE;
	s26 =	sor.u32 s26, s28  }
0xd3: {  	s26 =	sshrl.u32 s26, $0x3  }
0xd4: {  	s29 =	sadd.s32 $0x2A00, s24;
	s26 =	sadd.s32 s6, s26  }
0xd5: {  	[tilespmem:s29], [sflag:$0x1] =	stream.linear.gather [hbm4b:s26+s21], $0x80, $0x38;
	[tilespmem:$0x17400] =	vst v63  }
0xd6: {  	s31 =	sadd.s32 $0x2E00, s24;
	s30 =	sadd.s32 $0x80, s26  }
0xd7: {  	[tilespmem:s31], [sflag:$0x1] =	stream.linear.gather [hbm4b:s30+s21], $0x80, $0x38;
	[tilespmem:$0x17400] =	vst v63  }
0xd8: {  	s30 =	spop (v2sf)  }
0xd9: {  	s26 =	sadd.s32 $0x100, s26;
	s29 =	sadd.s32 $0x3200, s24;
	s31 =	sshrl.u32 s30, $0x3  }
0xda: {  	[tilespmem:s29], [sflag:$0x1] =	stream.linear.gather [hbm4b:s26+s21], $0x80, $0x38;
	[tilespmem:$0x17400] =	vst v63  }
0xdb: {  	s28 =	smul.u32 $0xC00, s31;
	s26 =	sshll.u32 s30, $0x7  }
0xdc: {  	s26 =	sand.u32 $0x380, s26  }
0xdd: {  	s26 =	sor.u32 s26, s28  }
0xde: {  	(v2sf) =	vpush v23, $0xF;
	s26 =	sshrl.u32 s26, $0x3  }
0xdf: {  	s29 =	sadd.s32 $0x2A80, s24;
	s26 =	sadd.s32 s6, s26  }
0xe0: {  	[tilespmem:s29], [sflag:$0x1] =	stream.linear.gather [hbm4b:s26+s21], $0x80, $0x38;
	[tilespmem:$0x17400] =	vst v63  }
0xe1: {  	s31 =	sadd.s32 $0x2E80, s24;
	s28 =	spop (v2sf);
	s30 =	sadd.s32 $0x80, s26  }
0xe2: {  	[tilespmem:s31], [sflag:$0x1] =	stream.linear.gather [hbm4b:s30+s21], $0x80, $0x38;
	[tilespmem:$0x17400] =	vst v63  }
0xe3: {  	s26 =	sadd.s32 $0x100, s26;
	s30 =	sadd.s32 $0x3280, s24;
	s31 =	sshrl.u32 s28, $0x3  }
0xe4: {  	[tilespmem:s30], [sflag:$0x1] =	stream.linear.gather [hbm4b:s26+s21], $0x80, $0x38;
	[tilespmem:$0x17400] =	vst v63  }
0xe5: {  	s28 =	sshll.u32 s28, $0x7;
	s26 =	smul.u32 $0xC00, s31  }
0xe6: {  	s28 =	sand.u32 $0x380, s28  }
0xe7: {  	s26 =	sor.u32 s28, s26  }
0xe8: {  	s26 =	sshrl.u32 s26, $0x3  }
0xe9: {  	s29 =	sadd.s32 $0x2B00, s24;
	s26 =	sadd.s32 s6, s26  }
0xea: {  	[tilespmem:s29], [sflag:$0x1] =	stream.linear.gather [hbm4b:s26+s21], $0x80, $0x38;
	[tilespmem:$0x17400] =	vst v63  }
0xeb: {  	s31 =	sadd.s32 $0x2F00, s24;
	s30 =	sadd.s32 $0x80, s26  }
0xec: {  	[tilespmem:s31], [sflag:$0x1] =	stream.linear.gather [hbm4b:s30+s21], $0x80, $0x38;
	[tilespmem:$0x17400] =	vst v63  }
0xed: {  	s30 =	spop (v2sf)  }
0xee: {  	s26 =	sadd.s32 $0x100, s26;
	s29 =	sadd.s32 $0x3300, s24;
	s31 =	sshrl.u32 s30, $0x3  }
0xef: {  	[tilespmem:s29], [sflag:$0x1] =	stream.linear.gather [hbm4b:s26+s21], $0x80, $0x38;
	[tilespmem:$0x17400] =	vst v63  }
0xf0: {  	s28 =	smul.u32 $0xC00, s31;
	s26 =	sshll.u32 s30, $0x7  }
0xf1: {  	s26 =	sand.u32 $0x380, s26  }
0xf2: {  	s26 =	sor.u32 s26, s28  }
0xf3: {  	s26 =	sshrl.u32 s26, $0x3  }
0xf4: {  	p0 =	sne.s32 s23, $0x12000;
	s29 =	sadd.s32 $0x2B80, s24;
	s26 =	sadd.s32 s6, s26  }
0xf5: {  	[tilespmem:s29], [sflag:$0x1] =	stream.linear.gather [hbm4b:s26+s21], $0x80, $0x38;
	[tilespmem:$0x17400] =	vst v63  }
.Ltmp2:
0xf6: {  	_ = 	snop;
	(pc) =	sbr.rel @p0 .LBB2_2-.Ltmp2, $4  }
0xf7: {  	s22 =	sadd.s32 $0x10, s22;
	s31 =	sadd.s32 $0x2F80, s24;
	s30 =	sadd.s32 $0x80, s26  }
0xf8: {  	[tilespmem:s31], [sflag:$0x1] =	stream.linear.gather [hbm4b:s30+s21], $0x80, $0x38;
	[tilespmem:$0x17400] =	vst v63  }
0xf9: {  	s23 =	sadd.s32 $0x6000, s23;
	s24 =	sadd.s32 $0x3380, s24;
	s26 =	sadd.s32 $0x100, s26  }
0xfa: {  	[tilespmem:s24], [sflag:$0x1] =	stream.linear.gather [hbm4b:s26+s21], $0x80, $0x38;
	[tilespmem:$0x17400] =	vst v63  }
0xfb: {  	s22 =	simm.s32 $0x40;
	s23 =	simm.s32 $0x0  }
.LBB2_4:
0xfc: {  	v23 =	vld [tilespmem:s22+$0x0];
	_ =	sdelay $0x4  }
0xfd: {  	(v2sf) =	vpush v23, $0x0;
	_ =	sdelay $0x7  }
0xfe: {  	(v2sf) =	vpush v23, $0x1;
	_ =	sdelay $0x6  }
0xff: {  	s24 =	spop (v2sf)  }
0x100: {  	s26 =	sshrl.u32 s24, $0x3  }
0x101: {  	s24 =	sshll.u32 s24, $0x7;
	s26 =	smul.u32 $0xC00, s26  }
0x102: {  	s24 =	sand.u32 $0x380, s24  }
0x103: {  	s24 =	sor.u32 s24, s26  }
0x104: {  	(v2sf) =	vpush v23, $0x2;
	s26 =	sshrl.u32 s24, $0x3;
	s24 =	sshra.s32 s23, $0x2  }
0x105: {  	s26 =	sadd.s32 s6, s26;
	s28 =	sadd.s32 $0x7C00, s24  }
0x106: {  	[tilespmem:s28], [sflag:$0x2] =	stream.linear.gather [hbm4b:s26+s21], $0x80, $0x38;
	[tilespmem:$0x17400] =	vst v63  }
0x107: {  	s30 =	spop (v2sf);
	s29 =	sadd.s32 $0x8000, s24;
	s31 =	sadd.s32 $0x80, s26  }
0x108: {  	[tilespmem:s29], [sflag:$0x2] =	stream.linear.gather [hbm4b:s31+s21], $0x80, $0x38;
	[tilespmem:$0x17400] =	vst v63  }
0x109: {  	s26 =	sadd.s32 $0x100, s26;
	s29 =	sadd.s32 $0x8400, s24;
	s31 =	sshrl.u32 s30, $0x3  }
0x10a: {  	[tilespmem:s29], [sflag:$0x2] =	stream.linear.gather [hbm4b:s26+s21], $0x80, $0x38;
	[tilespmem:$0x17400] =	vst v63  }
0x10b: {  	s28 =	smul.u32 $0xC00, s31;
	s26 =	sshll.u32 s30, $0x7  }
0x10c: {  	s26 =	sand.u32 $0x380, s26  }
0x10d: {  	s26 =	sor.u32 s26, s28  }
0x10e: {  	s26 =	sshrl.u32 s26, $0x3  }
0x10f: {  	(v2sf) =	vpush v23, $0x3;
	s29 =	sadd.s32 $0x7C80, s24;
	s26 =	sadd.s32 s6, s26  }
0x110: {  	[tilespmem:s29], [sflag:$0x2] =	stream.linear.gather [hbm4b:s26+s21], $0x80, $0x38;
	[tilespmem:$0x17400] =	vst v63  }
0x111: {  	s31 =	sadd.s32 $0x8080, s24;
	s30 =	sadd.s32 $0x80, s26  }
0x112: {  	[tilespmem:s31], [sflag:$0x2] =	stream.linear.gather [hbm4b:s30+s21], $0x80, $0x38;
	[tilespmem:$0x17400] =	vst v63  }
0x113: {  	s30 =	spop (v2sf)  }
0x114: {  	s26 =	sadd.s32 $0x100, s26;
	s29 =	sadd.s32 $0x8480, s24;
	s31 =	sshrl.u32 s30, $0x3  }
0x115: {  	[tilespmem:s29], [sflag:$0x2] =	stream.linear.gather [hbm4b:s26+s21], $0x80, $0x38;
	[tilespmem:$0x17400] =	vst v63  }
0x116: {  	s28 =	smul.u32 $0xC00, s31;
	s26 =	sshll.u32 s30, $0x7  }
0x117: {  	s26 =	sand.u32 $0x380, s26  }
0x118: {  	s26 =	sor.u32 s26, s28  }
0x119: {  	s26 =	sshrl.u32 s26, $0x3  }
0x11a: {  	(v2sf) =	vpush v23, $0x4;
	s29 =	sadd.s32 $0x7D00, s24;
	s26 =	sadd.s32 s6, s26  }
0x11b: {  	[tilespmem:s29], [sflag:$0x2] =	stream.linear.gather [hbm4b:s26+s21], $0x80, $0x38;
	[tilespmem:$0x17400] =	vst v63  }
0x11c: {  	s31 =	sadd.s32 $0x8100, s24;
	s30 =	sadd.s32 $0x80, s26  }
0x11d: {  	[tilespmem:s31], [sflag:$0x2] =	stream.linear.gather [hbm4b:s30+s21], $0x80, $0x38;
	[tilespmem:$0x17400] =	vst v63  }
0x11e: {  	s30 =	spop (v2sf)  }
0x11f: {  	s26 =	sadd.s32 $0x100, s26;
	s29 =	sadd.s32 $0x8500, s24;
	s31 =	sshrl.u32 s30, $0x3  }
0x120: {  	[tilespmem:s29], [sflag:$0x2] =	stream.linear.gather [hbm4b:s26+s21], $0x80, $0x38;
	[tilespmem:$0x17400] =	vst v63  }
0x121: {  	s28 =	smul.u32 $0xC00, s31;
	s26 =	sshll.u32 s30, $0x7  }
0x122: {  	s26 =	sand.u32 $0x380, s26  }
0x123: {  	s26 =	sor.u32 s26, s28  }
0x124: {  	s26 =	sshrl.u32 s26, $0x3  }
0x125: {  	(v2sf) =	vpush v23, $0x5;
	s29 =	sadd.s32 $0x7D80, s24;
	s26 =	sadd.s32 s6, s26  }
0x126: {  	[tilespmem:s29], [sflag:$0x2] =	stream.linear.gather [hbm4b:s26+s21], $0x80, $0x38;
	[tilespmem:$0x17400] =	vst v63  }
0x127: {  	s31 =	sadd.s32 $0x8180, s24;
	s30 =	sadd.s32 $0x80, s26  }
0x128: {  	[tilespmem:s31], [sflag:$0x2] =	stream.linear.gather [hbm4b:s30+s21], $0x80, $0x38;
	[tilespmem:$0x17400] =	vst v63  }
0x129: {  	s30 =	spop (v2sf)  }
0x12a: {  	s26 =	sadd.s32 $0x100, s26;
	s29 =	sadd.s32 $0x8580, s24;
	s31 =	sshrl.u32 s30, $0x3  }
0x12b: {  	[tilespmem:s29], [sflag:$0x2] =	stream.linear.gather [hbm4b:s26+s21], $0x80, $0x38;
	[tilespmem:$0x17400] =	vst v63  }
0x12c: {  	s28 =	smul.u32 $0xC00, s31;
	s26 =	sshll.u32 s30, $0x7  }
0x12d: {  	s26 =	sand.u32 $0x380, s26  }
0x12e: {  	s26 =	sor.u32 s26, s28  }
0x12f: {  	s26 =	sshrl.u32 s26, $0x3  }
0x130: {  	(v2sf) =	vpush v23, $0x6;
	s29 =	sadd.s32 $0x7E00, s24;
	s26 =	sadd.s32 s6, s26  }
0x131: {  	[tilespmem:s29], [sflag:$0x2] =	stream.linear.gather [hbm4b:s26+s21], $0x80, $0x38;
	[tilespmem:$0x17400] =	vst v63  }
0x132: {  	s31 =	sadd.s32 $0x8200, s24;
	s30 =	sadd.s32 $0x80, s26  }
0x133: {  	[tilespmem:s31], [sflag:$0x2] =	stream.linear.gather [hbm4b:s30+s21], $0x80, $0x38;
	[tilespmem:$0x17400] =	vst v63  }
0x134: {  	s30 =	spop (v2sf)  }
0x135: {  	s26 =	sadd.s32 $0x100, s26;
	s29 =	sadd.s32 $0x8600, s24;
	s31 =	sshrl.u32 s30, $0x3  }
0x136: {  	[tilespmem:s29], [sflag:$0x2] =	stream.linear.gather [hbm4b:s26+s21], $0x80, $0x38;
	[tilespmem:$0x17400] =	vst v63  }
0x137: {  	s28 =	smul.u32 $0xC00, s31;
	s26 =	sshll.u32 s30, $0x7  }
0x138: {  	s26 =	sand.u32 $0x380, s26  }
0x139: {  	s26 =	sor.u32 s26, s28  }
0x13a: {  	s26 =	sshrl.u32 s26, $0x3  }
0x13b: {  	(v2sf) =	vpush v23, $0x7;
	s29 =	sadd.s32 $0x7E80, s24;
	s26 =	sadd.s32 s6, s26  }
0x13c: {  	[tilespmem:s29], [sflag:$0x2] =	stream.linear.gather [hbm4b:s26+s21], $0x80, $0x38;
	[tilespmem:$0x17400] =	vst v63  }
0x13d: {  	s31 =	sadd.s32 $0x8280, s24;
	s30 =	sadd.s32 $0x80, s26  }
0x13e: {  	[tilespmem:s31], [sflag:$0x2] =	stream.linear.gather [hbm4b:s30+s21], $0x80, $0x38;
	[tilespmem:$0x17400] =	vst v63  }
0x13f: {  	s30 =	spop (v2sf)  }
0x140: {  	s26 =	sadd.s32 $0x100, s26;
	s29 =	sadd.s32 $0x8680, s24;
	s31 =	sshrl.u32 s30, $0x3  }
0x141: {  	[tilespmem:s29], [sflag:$0x2] =	stream.linear.gather [hbm4b:s26+s21], $0x80, $0x38;
	[tilespmem:$0x17400] =	vst v63  }
0x142: {  	s28 =	smul.u32 $0xC00, s31;
	s26 =	sshll.u32 s30, $0x7  }
0x143: {  	s26 =	sand.u32 $0x380, s26  }
0x144: {  	s26 =	sor.u32 s26, s28  }
0x145: {  	s26 =	sshrl.u32 s26, $0x3  }
0x146: {  	(v2sf) =	vpush v23, $0x8;
	s29 =	sadd.s32 $0x7F00, s24;
	s26 =	sadd.s32 s6, s26  }
0x147: {  	[tilespmem:s29], [sflag:$0x2] =	stream.linear.gather [hbm4b:s26+s21], $0x80, $0x38;
	[tilespmem:$0x17400] =	vst v63  }
0x148: {  	s31 =	sadd.s32 $0x8300, s24;
	s30 =	sadd.s32 $0x80, s26  }
0x149: {  	[tilespmem:s31], [sflag:$0x2] =	stream.linear.gather [hbm4b:s30+s21], $0x80, $0x38;
	[tilespmem:$0x17400] =	vst v63  }
0x14a: {  	s30 =	spop (v2sf)  }
0x14b: {  	s26 =	sadd.s32 $0x100, s26;
	s29 =	sadd.s32 $0x8700, s24;
	s31 =	sshrl.u32 s30, $0x3  }
0x14c: {  	[tilespmem:s29], [sflag:$0x2] =	stream.linear.gather [hbm4b:s26+s21], $0x80, $0x38;
	[tilespmem:$0x17400] =	vst v63  }
0x14d: {  	s28 =	smul.u32 $0xC00, s31;
	s26 =	sshll.u32 s30, $0x7  }
0x14e: {  	s26 =	sand.u32 $0x380, s26  }
0x14f: {  	s26 =	sor.u32 s26, s28  }
0x150: {  	s26 =	sshrl.u32 s26, $0x3  }
0x151: {  	(v2sf) =	vpush v23, $0x9;
	s29 =	sadd.s32 $0x7F80, s24;
	s26 =	sadd.s32 s6, s26  }
0x152: {  	[tilespmem:s29], [sflag:$0x2] =	stream.linear.gather [hbm4b:s26+s21], $0x80, $0x38;
	[tilespmem:$0x17400] =	vst v63  }
0x153: {  	s31 =	sadd.s32 $0x8380, s24;
	s30 =	sadd.s32 $0x80, s26  }
0x154: {  	[tilespmem:s31], [sflag:$0x2] =	stream.linear.gather [hbm4b:s30+s21], $0x80, $0x38;
	[tilespmem:$0x17400] =	vst v63  }
0x155: {  	s30 =	spop (v2sf)  }
0x156: {  	s26 =	sadd.s32 $0x100, s26;
	s29 =	sadd.s32 $0x8780, s24;
	s31 =	sshrl.u32 s30, $0x3  }
0x157: {  	[tilespmem:s29], [sflag:$0x2] =	stream.linear.gather [hbm4b:s26+s21], $0x80, $0x38;
	[tilespmem:$0x17400] =	vst v63  }
0x158: {  	s28 =	smul.u32 $0xC00, s31;
	s26 =	sshll.u32 s30, $0x7  }
0x159: {  	s26 =	sand.u32 $0x380, s26  }
0x15a: {  	s26 =	sor.u32 s26, s28  }
0x15b: {  	s26 =	sshrl.u32 s26, $0x3  }
0x15c: {  	(v2sf) =	vpush v23, $0xA;
	s29 =	sadd.s32 $0x8800, s24;
	s26 =	sadd.s32 s6, s26  }
0x15d: {  	[tilespmem:s29], [sflag:$0x2] =	stream.linear.gather [hbm4b:s26+s21], $0x80, $0x38;
	[tilespmem:$0x17400] =	vst v63  }
0x15e: {  	s31 =	sadd.s32 $0x8C00, s24;
	s30 =	sadd.s32 $0x80, s26  }
0x15f: {  	[tilespmem:s31], [sflag:$0x2] =	stream.linear.gather [hbm4b:s30+s21], $0x80, $0x38;
	[tilespmem:$0x17400] =	vst v63  }
0x160: {  	s30 =	spop (v2sf)  }
0x161: {  	s26 =	sadd.s32 $0x100, s26;
	s29 =	sadd.s32 $0x9000, s24;
	s31 =	sshrl.u32 s30, $0x3  }
0x162: {  	[tilespmem:s29], [sflag:$0x2] =	stream.linear.gather [hbm4b:s26+s21], $0x80, $0x38;
	[tilespmem:$0x17400] =	vst v63  }
0x163: {  	s28 =	smul.u32 $0xC00, s31;
	s26 =	sshll.u32 s30, $0x7  }
0x164: {  	s26 =	sand.u32 $0x380, s26  }
0x165: {  	s26 =	sor.u32 s26, s28  }
0x166: {  	s26 =	sshrl.u32 s26, $0x3  }
0x167: {  	(v2sf) =	vpush v23, $0xB;
	s29 =	sadd.s32 $0x8880, s24;
	s26 =	sadd.s32 s6, s26  }
0x168: {  	[tilespmem:s29], [sflag:$0x2] =	stream.linear.gather [hbm4b:s26+s21], $0x80, $0x38;
	[tilespmem:$0x17400] =	vst v63  }
0x169: {  	s31 =	sadd.s32 $0x8C80, s24;
	s30 =	sadd.s32 $0x80, s26  }
0x16a: {  	[tilespmem:s31], [sflag:$0x2] =	stream.linear.gather [hbm4b:s30+s21], $0x80, $0x38;
	[tilespmem:$0x17400] =	vst v63  }
0x16b: {  	s30 =	spop (v2sf)  }
0x16c: {  	s26 =	sadd.s32 $0x100, s26;
	s29 =	sadd.s32 $0x9080, s24;
	s31 =	sshrl.u32 s30, $0x3  }
0x16d: {  	[tilespmem:s29], [sflag:$0x2] =	stream.linear.gather [hbm4b:s26+s21], $0x80, $0x38;
	[tilespmem:$0x17400] =	vst v63  }
0x16e: {  	s28 =	smul.u32 $0xC00, s31;
	s26 =	sshll.u32 s30, $0x7  }
0x16f: {  	s26 =	sand.u32 $0x380, s26  }
0x170: {  	s26 =	sor.u32 s26, s28  }
0x171: {  	s26 =	sshrl.u32 s26, $0x3  }
0x172: {  	(v2sf) =	vpush v23, $0xC;
	s29 =	sadd.s32 $0x8900, s24;
	s26 =	sadd.s32 s6, s26  }
0x173: {  	[tilespmem:s29], [sflag:$0x2] =	stream.linear.gather [hbm4b:s26+s21], $0x80, $0x38;
	[tilespmem:$0x17400] =	vst v63  }
0x174: {  	s31 =	sadd.s32 $0x8D00, s24;
	s30 =	sadd.s32 $0x80, s26  }
0x175: {  	[tilespmem:s31], [sflag:$0x2] =	stream.linear.gather [hbm4b:s30+s21], $0x80, $0x38;
	[tilespmem:$0x17400] =	vst v63  }
0x176: {  	s30 =	spop (v2sf)  }
0x177: {  	s26 =	sadd.s32 $0x100, s26;
	s29 =	sadd.s32 $0x9100, s24;
	s31 =	sshrl.u32 s30, $0x3  }
0x178: {  	[tilespmem:s29], [sflag:$0x2] =	stream.linear.gather [hbm4b:s26+s21], $0x80, $0x38;
	[tilespmem:$0x17400] =	vst v63  }
0x179: {  	s28 =	smul.u32 $0xC00, s31;
	s26 =	sshll.u32 s30, $0x7  }
0x17a: {  	s26 =	sand.u32 $0x380, s26  }
0x17b: {  	s26 =	sor.u32 s26, s28  }
0x17c: {  	s26 =	sshrl.u32 s26, $0x3  }
0x17d: {  	(v2sf) =	vpush v23, $0xD;
	s29 =	sadd.s32 $0x8980, s24;
	s26 =	sadd.s32 s6, s26  }
0x17e: {  	[tilespmem:s29], [sflag:$0x2] =	stream.linear.gather [hbm4b:s26+s21], $0x80, $0x38;
	[tilespmem:$0x17400] =	vst v63  }
0x17f: {  	s31 =	sadd.s32 $0x8D80, s24;
	s30 =	sadd.s32 $0x80, s26  }
0x180: {  	[tilespmem:s31], [sflag:$0x2] =	stream.linear.gather [hbm4b:s30+s21], $0x80, $0x38;
	[tilespmem:$0x17400] =	vst v63  }
0x181: {  	s30 =	spop (v2sf)  }
0x182: {  	s26 =	sadd.s32 $0x100, s26;
	s29 =	sadd.s32 $0x9180, s24;
	s31 =	sshrl.u32 s30, $0x3  }
0x183: {  	[tilespmem:s29], [sflag:$0x2] =	stream.linear.gather [hbm4b:s26+s21], $0x80, $0x38;
	[tilespmem:$0x17400] =	vst v63  }
0x184: {  	s28 =	smul.u32 $0xC00, s31;
	s26 =	sshll.u32 s30, $0x7  }
0x185: {  	s26 =	sand.u32 $0x380, s26  }
0x186: {  	(v2sf) =	vpush v23, $0xE;
	s26 =	sor.u32 s26, s28  }
0x187: {  	s26 =	sshrl.u32 s26, $0x3  }
0x188: {  	s29 =	sadd.s32 $0x8A00, s24;
	s26 =	sadd.s32 s6, s26  }
0x189: {  	[tilespmem:s29], [sflag:$0x2] =	stream.linear.gather [hbm4b:s26+s21], $0x80, $0x38;
	[tilespmem:$0x17400] =	vst v63  }
0x18a: {  	s31 =	sadd.s32 $0x8E00, s24;
	s30 =	sadd.s32 $0x80, s26  }
0x18b: {  	[tilespmem:s31], [sflag:$0x2] =	stream.linear.gather [hbm4b:s30+s21], $0x80, $0x38;
	[tilespmem:$0x17400] =	vst v63  }
0x18c: {  	s30 =	spop (v2sf)  }
0x18d: {  	s26 =	sadd.s32 $0x100, s26;
	s29 =	sadd.s32 $0x9200, s24;
	s31 =	sshrl.u32 s30, $0x3  }
0x18e: {  	[tilespmem:s29], [sflag:$0x2] =	stream.linear.gather [hbm4b:s26+s21], $0x80, $0x38;
	[tilespmem:$0x17400] =	vst v63  }
0x18f: {  	s28 =	smul.u32 $0xC00, s31;
	s26 =	sshll.u32 s30, $0x7  }
0x190: {  	s26 =	sand.u32 $0x380, s26  }
0x191: {  	s26 =	sor.u32 s26, s28  }
0x192: {  	(v2sf) =	vpush v23, $0xF;
	s26 =	sshrl.u32 s26, $0x3  }
0x193: {  	s29 =	sadd.s32 $0x8A80, s24;
	s26 =	sadd.s32 s6, s26  }
0x194: {  	[tilespmem:s29], [sflag:$0x2] =	stream.linear.gather [hbm4b:s26+s21], $0x80, $0x38;
	[tilespmem:$0x17400] =	vst v63  }
0x195: {  	s31 =	sadd.s32 $0x8E80, s24;
	s28 =	spop (v2sf);
	s30 =	sadd.s32 $0x80, s26  }
0x196: {  	[tilespmem:s31], [sflag:$0x2] =	stream.linear.gather [hbm4b:s30+s21], $0x80, $0x38;
	[tilespmem:$0x17400] =	vst v63  }
0x197: {  	s26 =	sadd.s32 $0x100, s26;
	s30 =	sadd.s32 $0x9280, s24;
	s31 =	sshrl.u32 s28, $0x3  }
0x198: {  	[tilespmem:s30], [sflag:$0x2] =	stream.linear.gather [hbm4b:s26+s21], $0x80, $0x38;
	[tilespmem:$0x17400] =	vst v63  }
0x199: {  	s28 =	sshll.u32 s28, $0x7;
	s26 =	smul.u32 $0xC00, s31  }
0x19a: {  	s28 =	sand.u32 $0x380, s28  }
0x19b: {  	s26 =	sor.u32 s28, s26  }
0x19c: {  	s26 =	sshrl.u32 s26, $0x3  }
0x19d: {  	s29 =	sadd.s32 $0x8B00, s24;
	s26 =	sadd.s32 s6, s26  }
0x19e: {  	[tilespmem:s29], [sflag:$0x2] =	stream.linear.gather [hbm4b:s26+s21], $0x80, $0x38;
	[tilespmem:$0x17400] =	vst v63  }
0x19f: {  	s31 =	sadd.s32 $0x8F00, s24;
	s30 =	sadd.s32 $0x80, s26  }
0x1a0: {  	[tilespmem:s31], [sflag:$0x2] =	stream.linear.gather [hbm4b:s30+s21], $0x80, $0x38;
	[tilespmem:$0x17400] =	vst v63  }
0x1a1: {  	s30 =	spop (v2sf)  }
0x1a2: {  	s26 =	sadd.s32 $0x100, s26;
	s29 =	sadd.s32 $0x9300, s24;
	s31 =	sshrl.u32 s30, $0x3  }
0x1a3: {  	[tilespmem:s29], [sflag:$0x2] =	stream.linear.gather [hbm4b:s26+s21], $0x80, $0x38;
	[tilespmem:$0x17400] =	vst v63  }
0x1a4: {  	s28 =	smul.u32 $0xC00, s31;
	s26 =	sshll.u32 s30, $0x7  }
0x1a5: {  	s26 =	sand.u32 $0x380, s26  }
0x1a6: {  	s26 =	sor.u32 s26, s28  }
0x1a7: {  	s26 =	sshrl.u32 s26, $0x3  }
0x1a8: {  	p0 =	sne.s32 s23, $0x12000;
	s29 =	sadd.s32 $0x8B80, s24;
	s26 =	sadd.s32 s6, s26  }
0x1a9: {  	[tilespmem:s29], [sflag:$0x2] =	stream.linear.gather [hbm4b:s26+s21], $0x80, $0x38;
	[tilespmem:$0x17400] =	vst v63  }
.Ltmp3:
0x1aa: {  	_ = 	snop;
	(pc) =	sbr.rel @p0 .LBB2_4-.Ltmp3, $4  }
0x1ab: {  	s22 =	sadd.s32 $0x10, s22;
	s31 =	sadd.s32 $0x8F80, s24;
	s30 =	sadd.s32 $0x80, s26  }
0x1ac: {  	[tilespmem:s31], [sflag:$0x2] =	stream.linear.gather [hbm4b:s30+s21], $0x80, $0x38;
	[tilespmem:$0x17400] =	vst v63  }
0x1ad: {  	s23 =	sadd.s32 $0x6000, s23;
	s24 =	sadd.s32 $0x9380, s24;
	s26 =	sadd.s32 $0x100, s26  }
0x1ae: {  	[tilespmem:s24], [sflag:$0x2] =	stream.linear.gather [hbm4b:s26+s21], $0x80, $0x38;
	[tilespmem:$0x17400] =	vst v63  }
0x1af: {  	s22 =	simm.s32 $0x80;
	s23 =	simm.s32 $0xC0  }
.LBB2_6:
0x1b0: {  	s24 =	simm.s32 $0x0  }
0x1b1: {  	v23 =	vmov s24  }
0x1b2: {  	v23 =	vshll.u32 v23, $0x3  }
0x1b3: {  	v26 =	vor.u32 s24, v0;
	v24 =	vand.u32 $0xC00, v23  }
0x1b4: {  	_ =	swait.ge [sflag:s16], $0x6000;
	v25 =	vand.u32 $0x7F, v26;
	v23 =	vadd.s32 v1, v24  }
0x1b5: {  	p0 =	seq.s32 s21, $0x0;
	[sflag:s16] =	ssyncset.done $0x0;
	v27 =	vor.u32 v25, v23  }
0x1b6: {  	s26 =	simm.s32 @!p0 $0x3;
	[sflag:s16] =	ssyncadd.s32 $0xFFFFA000  }
0x1b7: {  	_ =	swait.ge @!p0 [sflag:s26], $0x9800  }
0x1b8: {  	[sflag:s26] =	ssyncset.done @!p0 $0x0  }
0x1b9: {  	v28 =	vor.u32 s24, v2;
	v26 =	vshll.u32 v26, $0x7;
	[sflag:s26] =	ssyncadd.s32 @!p0 $0xFFFF6800  }
0x1ba: {  	v30 =	vor.u32 v0, v26;
	v29 =	vld.idx.msk [tilespmem:v27+s17+$0x0], $0xffff;
	v27 =	vand.u32 $0x7F, v28  }
0x1bb: {  	v31 =	vor.u32 v27, v23;
	_ =	sdelay $0x3  }
0x1bc: {  	v50 =	vor.u32 s24, v3;
	v28 =	vshll.u32 v28, $0x7;
	[tilespmem:v30+s18+$0x0] =	vst.idx.msk $0xffff, v29  }
0x1bd: {  	v32 =	vor.u32 v0, v28;
	v29 =	vand.u32 $0x7F, v50;
	v31 =	vld.idx.msk [tilespmem:v31+s17+$0x0], $0xffff  }
0x1be: {  	v33 =	vor.u32 v29, v23;
	_ =	sdelay $0x3  }
0x1bf: {  	v51 =	vor.u32 s24, v4;
	v30 =	vshll.u32 v50, $0x7;
	[tilespmem:v32+s18+$0x0] =	vst.idx.msk $0xffff, v31  }
0x1c0: {  	v34 =	vor.u32 v0, v30;
	v31 =	vand.u32 $0x7F, v51;
	v33 =	vld.idx.msk [tilespmem:v33+s17+$0x0], $0xffff  }
0x1c1: {  	v35 =	vor.u32 v31, v23;
	_ =	sdelay $0x3  }
0x1c2: {  	v52 =	vor.u32 s24, v5;
	v32 =	vshll.u32 v51, $0x7;
	[tilespmem:v34+s18+$0x0] =	vst.idx.msk $0xffff, v33  }
0x1c3: {  	v36 =	vor.u32 v0, v32;
	v33 =	vand.u32 $0x7F, v52;
	v35 =	vld.idx.msk [tilespmem:v35+s17+$0x0], $0xffff  }
0x1c4: {  	v37 =	vor.u32 v33, v23;
	_ =	sdelay $0x3  }
0x1c5: {  	v53 =	vor.u32 s24, v6;
	v34 =	vshll.u32 v52, $0x7;
	[tilespmem:v36+s18+$0x0] =	vst.idx.msk $0xffff, v35  }
0x1c6: {  	v38 =	vor.u32 v0, v34;
	v35 =	vand.u32 $0x7F, v53;
	v37 =	vld.idx.msk [tilespmem:v37+s17+$0x0], $0xffff  }
0x1c7: {  	v39 =	vor.u32 v35, v23;
	_ =	sdelay $0x3  }
0x1c8: {  	v54 =	vor.u32 s24, v7;
	v36 =	vshll.u32 v53, $0x7;
	[tilespmem:v38+s18+$0x0] =	vst.idx.msk $0xffff, v37  }
0x1c9: {  	v40 =	vor.u32 v0, v36;
	v37 =	vand.u32 $0x7F, v54;
	v39 =	vld.idx.msk [tilespmem:v39+s17+$0x0], $0xffff  }
0x1ca: {  	v41 =	vor.u32 v37, v23;
	_ =	sdelay $0x3  }
0x1cb: {  	v55 =	vor.u32 s24, v8;
	v38 =	vshll.u32 v54, $0x7;
	[tilespmem:v40+s18+$0x0] =	vst.idx.msk $0xffff, v39  }
0x1cc: {  	v42 =	vor.u32 v0, v38;
	v39 =	vand.u32 $0x7F, v55;
	v41 =	vld.idx.msk [tilespmem:v41+s17+$0x0], $0xffff  }
0x1cd: {  	v43 =	vor.u32 v39, v23;
	_ =	sdelay $0x3  }
0x1ce: {  	v56 =	vor.u32 s24, v9;
	v40 =	vshll.u32 v55, $0x7;
	[tilespmem:v42+s18+$0x0] =	vst.idx.msk $0xffff, v41  }
0x1cf: {  	v44 =	vor.u32 v0, v40;
	v41 =	vand.u32 $0x7F, v56;
	v43 =	vld.idx.msk [tilespmem:v43+s17+$0x0], $0xffff  }
0x1d0: {  	v45 =	vor.u32 v41, v23;
	_ =	sdelay $0x3  }
0x1d1: {  	v57 =	vor.u32 s24, v10;
	v42 =	vshll.u32 v56, $0x7;
	[tilespmem:v44+s18+$0x0] =	vst.idx.msk $0xffff, v43  }
0x1d2: {  	v46 =	vor.u32 v0, v42;
	v43 =	vand.u32 $0x7F, v57;
	v45 =	vld.idx.msk [tilespmem:v45+s17+$0x0], $0xffff  }
0x1d3: {  	v47 =	vor.u32 v43, v23;
	_ =	sdelay $0x3  }
0x1d4: {  	v58 =	vor.u32 s24, v11;
	v44 =	vshll.u32 v57, $0x7;
	[tilespmem:v46+s18+$0x0] =	vst.idx.msk $0xffff, v45  }
0x1d5: {  	v48 =	vor.u32 v0, v44;
	v45 =	vand.u32 $0x7F, v58;
	v47 =	vld.idx.msk [tilespmem:v47+s17+$0x0], $0xffff  }
0x1d6: {  	v49 =	vor.u32 v45, v23;
	_ =	sdelay $0x3  }
0x1d7: {  	v59 =	vor.u32 s24, v12;
	v46 =	vshll.u32 v58, $0x7;
	[tilespmem:v48+s18+$0x0] =	vst.idx.msk $0xffff, v47  }
0x1d8: {  	v50 =	vor.u32 v0, v46;
	v47 =	vand.u32 $0x7F, v59;
	v49 =	vld.idx.msk [tilespmem:v49+s17+$0x0], $0xffff  }
0x1d9: {  	v51 =	vor.u32 v47, v23;
	_ =	sdelay $0x3  }
0x1da: {  	v60 =	vor.u32 s24, v13;
	v48 =	vshll.u32 v59, $0x7;
	[tilespmem:v50+s18+$0x0] =	vst.idx.msk $0xffff, v49  }
0x1db: {  	v52 =	vor.u32 v0, v48;
	v49 =	vand.u32 $0x7F, v60;
	v51 =	vld.idx.msk [tilespmem:v51+s17+$0x0], $0xffff  }
0x1dc: {  	v53 =	vor.u32 v49, v23;
	_ =	sdelay $0x3  }
0x1dd: {  	v61 =	vor.u32 s24, v14;
	v50 =	vshll.u32 v60, $0x7;
	[tilespmem:v52+s18+$0x0] =	vst.idx.msk $0xffff, v51  }
0x1de: {  	v54 =	vor.u32 v0, v50;
	v51 =	vand.u32 $0x7F, v61;
	v53 =	vld.idx.msk [tilespmem:v53+s17+$0x0], $0xffff  }
0x1df: {  	v55 =	vor.u32 v51, v23;
	_ =	sdelay $0x3  }
0x1e0: {  	v62 =	vor.u32 s24, v15;
	v52 =	vshll.u32 v61, $0x7;
	[tilespmem:v54+s18+$0x0] =	vst.idx.msk $0xffff, v53  }
0x1e1: {  	v56 =	vor.u32 v0, v52;
	v54 =	vand.u32 $0x7F, v62;
	v55 =	vld.idx.msk [tilespmem:v55+s17+$0x0], $0xffff  }
0x1e2: {  	v57 =	vor.u32 v54, v23;
	_ =	sdelay $0x3  }
0x1e3: {  	v63 =	vor.u32 s24, v16;
	v53 =	vshll.u32 v62, $0x7;
	[tilespmem:v56+s18+$0x0] =	vst.idx.msk $0xffff, v55  }
0x1e4: {  	v58 =	vor.u32 v0, v53;
	v55 =	vand.u32 $0x7F, v63;
	v57 =	vld.idx.msk [tilespmem:v57+s17+$0x0], $0xffff  }
0x1e5: {  	v59 =	vor.u32 v55, v23;
	_ =	sdelay $0x3  }
0x1e6: {  	v23 =	vshll.u32 v63, $0x7;
	[tilespmem:v58+s18+$0x0] =	vst.idx.msk $0xffff, v57  }
0x1e7: {  	v61 =	vor.u32 v0, v23;
	v58 =	vadd.s32 v17, v24;
	v60 =	vld.idx.msk [tilespmem:v59+s17+$0x0], $0xffff  }
0x1e8: {  	v62 =	vor.u32 v25, v58;
	_ =	sdelay $0x3  }
0x1e9: {  	[tilespmem:v61+s18+$0x0] =	vst.idx.msk $0xffff, v60  }
0x1ea: {  	v63 =	vor.u32 v18, v26;
	v56 =	vld.idx.msk [tilespmem:v62+s17+$0x0], $0xffff  }
0x1eb: {  	v60 =	vor.u32 v27, v58;
	_ =	sdelay $0x3  }
0x1ec: {  	[tilespmem:v63+s18+$0x0] =	vst.idx.msk $0xffff, v56  }
0x1ed: {  	v61 =	vor.u32 v18, v28;
	v56 =	vld.idx.msk [tilespmem:v60+s17+$0x0], $0xffff  }
0x1ee: {  	v62 =	vor.u32 v29, v58;
	_ =	sdelay $0x3  }
0x1ef: {  	[tilespmem:v61+s18+$0x0] =	vst.idx.msk $0xffff, v56  }
0x1f0: {  	v63 =	vor.u32 v18, v30;
	v56 =	vld.idx.msk [tilespmem:v62+s17+$0x0], $0xffff  }
0x1f1: {  	v60 =	vor.u32 v31, v58;
	_ =	sdelay $0x3  }
0x1f2: {  	[tilespmem:v63+s18+$0x0] =	vst.idx.msk $0xffff, v56  }
0x1f3: {  	v61 =	vor.u32 v18, v32;
	v56 =	vld.idx.msk [tilespmem:v60+s17+$0x0], $0xffff  }
0x1f4: {  	v62 =	vor.u32 v33, v58;
	_ =	sdelay $0x3  }
0x1f5: {  	[tilespmem:v61+s18+$0x0] =	vst.idx.msk $0xffff, v56  }
0x1f6: {  	v63 =	vor.u32 v18, v34;
	v56 =	vld.idx.msk [tilespmem:v62+s17+$0x0], $0xffff  }
0x1f7: {  	v60 =	vor.u32 v35, v58;
	_ =	sdelay $0x3  }
0x1f8: {  	[tilespmem:v63+s18+$0x0] =	vst.idx.msk $0xffff, v56  }
0x1f9: {  	v61 =	vor.u32 v18, v36;
	v56 =	vld.idx.msk [tilespmem:v60+s17+$0x0], $0xffff  }
0x1fa: {  	v62 =	vor.u32 v37, v58;
	_ =	sdelay $0x3  }
0x1fb: {  	[tilespmem:v61+s18+$0x0] =	vst.idx.msk $0xffff, v56  }
0x1fc: {  	v63 =	vor.u32 v18, v38;
	v56 =	vld.idx.msk [tilespmem:v62+s17+$0x0], $0xffff  }
0x1fd: {  	v60 =	vor.u32 v39, v58;
	_ =	sdelay $0x3  }
0x1fe: {  	[tilespmem:v63+s18+$0x0] =	vst.idx.msk $0xffff, v56  }
0x1ff: {  	v61 =	vor.u32 v18, v40;
	v56 =	vld.idx.msk [tilespmem:v60+s17+$0x0], $0xffff  }
0x200: {  	v62 =	vor.u32 v41, v58;
	_ =	sdelay $0x3  }
0x201: {  	[tilespmem:v61+s18+$0x0] =	vst.idx.msk $0xffff, v56  }
0x202: {  	v63 =	vor.u32 v18, v42;
	v56 =	vld.idx.msk [tilespmem:v62+s17+$0x0], $0xffff  }
0x203: {  	v60 =	vor.u32 v43, v58;
	_ =	sdelay $0x3  }
0x204: {  	[tilespmem:v63+s18+$0x0] =	vst.idx.msk $0xffff, v56  }
0x205: {  	v61 =	vor.u32 v18, v44;
	v56 =	vld.idx.msk [tilespmem:v60+s17+$0x0], $0xffff  }
0x206: {  	v62 =	vor.u32 v45, v58;
	_ =	sdelay $0x3  }
0x207: {  	[tilespmem:v61+s18+$0x0] =	vst.idx.msk $0xffff, v56  }
0x208: {  	v63 =	vor.u32 v18, v46;
	v56 =	vld.idx.msk [tilespmem:v62+s17+$0x0], $0xffff  }
0x209: {  	v60 =	vor.u32 v47, v58;
	_ =	sdelay $0x3  }
0x20a: {  	[tilespmem:v63+s18+$0x0] =	vst.idx.msk $0xffff, v56  }
0x20b: {  	v61 =	vor.u32 v18, v48;
	v56 =	vld.idx.msk [tilespmem:v60+s17+$0x0], $0xffff  }
0x20c: {  	v62 =	vor.u32 v49, v58;
	_ =	sdelay $0x3  }
0x20d: {  	[tilespmem:v61+s18+$0x0] =	vst.idx.msk $0xffff, v56  }
0x20e: {  	v63 =	vor.u32 v18, v50;
	v56 =	vld.idx.msk [tilespmem:v62+s17+$0x0], $0xffff  }
0x20f: {  	v60 =	vor.u32 v51, v58;
	_ =	sdelay $0x3  }
0x210: {  	[tilespmem:v63+s18+$0x0] =	vst.idx.msk $0xffff, v56  }
0x211: {  	v61 =	vor.u32 v18, v52;
	v56 =	vld.idx.msk [tilespmem:v60+s17+$0x0], $0xffff  }
0x212: {  	v62 =	vor.u32 v54, v58;
	_ =	sdelay $0x3  }
0x213: {  	[tilespmem:v61+s18+$0x0] =	vst.idx.msk $0xffff, v56  }
0x214: {  	v63 =	vor.u32 v18, v53;
	v56 =	vld.idx.msk [tilespmem:v62+s17+$0x0], $0xffff  }
0x215: {  	v58 =	vor.u32 v55, v58;
	_ =	sdelay $0x3  }
0x216: {  	[tilespmem:v63+s18+$0x0] =	vst.idx.msk $0xffff, v56  }
0x217: {  	v60 =	vor.u32 v18, v23;
	v56 =	vld.idx.msk [tilespmem:v58+s17+$0x0], $0xffff;
	v58 =	vadd.s32 v19, v24  }
0x218: {  	v61 =	vor.u32 v25, v58;
	_ =	sdelay $0x3  }
0x219: {  	[tilespmem:v60+s18+$0x0] =	vst.idx.msk $0xffff, v56  }
0x21a: {  	v62 =	vor.u32 v20, v26;
	v56 =	vld.idx.msk [tilespmem:v61+s17+$0x0], $0xffff  }
0x21b: {  	v63 =	vor.u32 v27, v58;
	_ =	sdelay $0x3  }
0x21c: {  	[tilespmem:v62+s18+$0x0] =	vst.idx.msk $0xffff, v56  }
0x21d: {  	v60 =	vor.u32 v20, v28;
	v56 =	vld.idx.msk [tilespmem:v63+s17+$0x0], $0xffff  }
0x21e: {  	v61 =	vor.u32 v29, v58;
	_ =	sdelay $0x3  }
0x21f: {  	[tilespmem:v60+s18+$0x0] =	vst.idx.msk $0xffff, v56  }
0x220: {  	v62 =	vor.u32 v20, v30;
	v56 =	vld.idx.msk [tilespmem:v61+s17+$0x0], $0xffff  }
0x221: {  	v63 =	vor.u32 v31, v58;
	_ =	sdelay $0x3  }
0x222: {  	[tilespmem:v62+s18+$0x0] =	vst.idx.msk $0xffff, v56  }
0x223: {  	v60 =	vor.u32 v20, v32;
	v56 =	vld.idx.msk [tilespmem:v63+s17+$0x0], $0xffff  }
0x224: {  	v61 =	vor.u32 v33, v58;
	_ =	sdelay $0x3  }
0x225: {  	[tilespmem:v60+s18+$0x0] =	vst.idx.msk $0xffff, v56  }
0x226: {  	v62 =	vor.u32 v20, v34;
	v56 =	vld.idx.msk [tilespmem:v61+s17+$0x0], $0xffff  }
0x227: {  	v63 =	vor.u32 v35, v58;
	_ =	sdelay $0x3  }
0x228: {  	[tilespmem:v62+s18+$0x0] =	vst.idx.msk $0xffff, v56  }
0x229: {  	v60 =	vor.u32 v20, v36;
	v56 =	vld.idx.msk [tilespmem:v63+s17+$0x0], $0xffff  }
0x22a: {  	v61 =	vor.u32 v37, v58;
	_ =	sdelay $0x3  }
0x22b: {  	[tilespmem:v60+s18+$0x0] =	vst.idx.msk $0xffff, v56  }
0x22c: {  	v62 =	vor.u32 v20, v38;
	v56 =	vld.idx.msk [tilespmem:v61+s17+$0x0], $0xffff  }
0x22d: {  	v63 =	vor.u32 v39, v58;
	_ =	sdelay $0x3  }
0x22e: {  	[tilespmem:v62+s18+$0x0] =	vst.idx.msk $0xffff, v56  }
0x22f: {  	v60 =	vor.u32 v20, v40;
	v56 =	vld.idx.msk [tilespmem:v63+s17+$0x0], $0xffff  }
0x230: {  	v61 =	vor.u32 v41, v58;
	_ =	sdelay $0x3  }
0x231: {  	[tilespmem:v60+s18+$0x0] =	vst.idx.msk $0xffff, v56  }
0x232: {  	v62 =	vor.u32 v20, v42;
	v56 =	vld.idx.msk [tilespmem:v61+s17+$0x0], $0xffff  }
0x233: {  	v63 =	vor.u32 v43, v58;
	_ =	sdelay $0x3  }
0x234: {  	[tilespmem:v62+s18+$0x0] =	vst.idx.msk $0xffff, v56  }
0x235: {  	v60 =	vor.u32 v20, v44;
	v56 =	vld.idx.msk [tilespmem:v63+s17+$0x0], $0xffff  }
0x236: {  	v61 =	vor.u32 v45, v58;
	_ =	sdelay $0x3  }
0x237: {  	[tilespmem:v60+s18+$0x0] =	vst.idx.msk $0xffff, v56  }
0x238: {  	v62 =	vor.u32 v20, v46;
	v56 =	vld.idx.msk [tilespmem:v61+s17+$0x0], $0xffff  }
0x239: {  	v63 =	vor.u32 v47, v58;
	_ =	sdelay $0x3  }
0x23a: {  	[tilespmem:v62+s18+$0x0] =	vst.idx.msk $0xffff, v56  }
0x23b: {  	v60 =	vor.u32 v20, v48;
	v56 =	vld.idx.msk [tilespmem:v63+s17+$0x0], $0xffff  }
0x23c: {  	v61 =	vor.u32 v49, v58;
	_ =	sdelay $0x3  }
0x23d: {  	[tilespmem:v60+s18+$0x0] =	vst.idx.msk $0xffff, v56  }
0x23e: {  	v62 =	vor.u32 v20, v50;
	v56 =	vld.idx.msk [tilespmem:v61+s17+$0x0], $0xffff  }
0x23f: {  	v63 =	vor.u32 v51, v58;
	_ =	sdelay $0x3  }
0x240: {  	[tilespmem:v62+s18+$0x0] =	vst.idx.msk $0xffff, v56  }
0x241: {  	v60 =	vor.u32 v20, v52;
	v56 =	vld.idx.msk [tilespmem:v63+s17+$0x0], $0xffff  }
0x242: {  	v61 =	vor.u32 v54, v58;
	_ =	sdelay $0x3  }
0x243: {  	[tilespmem:v60+s18+$0x0] =	vst.idx.msk $0xffff, v56  }
0x244: {  	v62 =	vor.u32 v20, v53;
	v56 =	vld.idx.msk [tilespmem:v61+s17+$0x0], $0xffff  }
0x245: {  	v58 =	vor.u32 v55, v58;
	_ =	sdelay $0x3  }
0x246: {  	[tilespmem:v62+s18+$0x0] =	vst.idx.msk $0xffff, v56  }
0x247: {  	v24 =	vadd.s32 v21, v24;
	v63 =	vor.u32 v20, v23;
	v56 =	vld.idx.msk [tilespmem:v58+s17+$0x0], $0xffff  }
0x248: {  	v25 =	vor.u32 v25, v24;
	_ =	sdelay $0x3  }
0x249: {  	[tilespmem:v63+s18+$0x0] =	vst.idx.msk $0xffff, v56  }
0x24a: {  	v26 =	vor.u32 v22, v26;
	v25 =	vld.idx.msk [tilespmem:v25+s17+$0x0], $0xffff  }
0x24b: {  	v27 =	vor.u32 v27, v24;
	_ =	sdelay $0x3  }
0x24c: {  	[tilespmem:v26+s18+$0x0] =	vst.idx.msk $0xffff, v25  }
0x24d: {  	v26 =	vor.u32 v22, v28;
	v25 =	vld.idx.msk [tilespmem:v27+s17+$0x0], $0xffff  }
0x24e: {  	v27 =	vor.u32 v29, v24;
	_ =	sdelay $0x3  }
0x24f: {  	[tilespmem:v26+s18+$0x0] =	vst.idx.msk $0xffff, v25  }
0x250: {  	v26 =	vor.u32 v22, v30;
	v25 =	vld.idx.msk [tilespmem:v27+s17+$0x0], $0xffff  }
0x251: {  	v27 =	vor.u32 v31, v24;
	_ =	sdelay $0x3  }
0x252: {  	[tilespmem:v26+s18+$0x0] =	vst.idx.msk $0xffff, v25  }
0x253: {  	v26 =	vor.u32 v22, v32;
	v25 =	vld.idx.msk [tilespmem:v27+s17+$0x0], $0xffff  }
0x254: {  	v27 =	vor.u32 v33, v24;
	_ =	sdelay $0x3  }
0x255: {  	[tilespmem:v26+s18+$0x0] =	vst.idx.msk $0xffff, v25  }
0x256: {  	v26 =	vor.u32 v22, v34;
	v25 =	vld.idx.msk [tilespmem:v27+s17+$0x0], $0xffff  }
0x257: {  	v27 =	vor.u32 v35, v24;
	_ =	sdelay $0x3  }
0x258: {  	[tilespmem:v26+s18+$0x0] =	vst.idx.msk $0xffff, v25  }
0x259: {  	v26 =	vor.u32 v22, v36;
	v25 =	vld.idx.msk [tilespmem:v27+s17+$0x0], $0xffff  }
0x25a: {  	v27 =	vor.u32 v37, v24;
	_ =	sdelay $0x3  }
0x25b: {  	[tilespmem:v26+s18+$0x0] =	vst.idx.msk $0xffff, v25  }
0x25c: {  	v26 =	vor.u32 v22, v38;
	v25 =	vld.idx.msk [tilespmem:v27+s17+$0x0], $0xffff  }
0x25d: {  	v27 =	vor.u32 v39, v24;
	_ =	sdelay $0x3  }
0x25e: {  	[tilespmem:v26+s18+$0x0] =	vst.idx.msk $0xffff, v25  }
0x25f: {  	v26 =	vor.u32 v22, v40;
	v25 =	vld.idx.msk [tilespmem:v27+s17+$0x0], $0xffff  }
0x260: {  	v27 =	vor.u32 v41, v24;
	_ =	sdelay $0x3  }
0x261: {  	[tilespmem:v26+s18+$0x0] =	vst.idx.msk $0xffff, v25  }
0x262: {  	v26 =	vor.u32 v22, v42;
	v25 =	vld.idx.msk [tilespmem:v27+s17+$0x0], $0xffff  }
0x263: {  	v27 =	vor.u32 v43, v24;
	_ =	sdelay $0x3  }
0x264: {  	[tilespmem:v26+s18+$0x0] =	vst.idx.msk $0xffff, v25  }
0x265: {  	v26 =	vor.u32 v22, v44;
	v25 =	vld.idx.msk [tilespmem:v27+s17+$0x0], $0xffff  }
0x266: {  	v27 =	vor.u32 v45, v24;
	_ =	sdelay $0x3  }
0x267: {  	[tilespmem:v26+s18+$0x0] =	vst.idx.msk $0xffff, v25  }
0x268: {  	v26 =	vor.u32 v22, v46;
	v25 =	vld.idx.msk [tilespmem:v27+s17+$0x0], $0xffff  }
0x269: {  	v27 =	vor.u32 v47, v24;
	_ =	sdelay $0x3  }
0x26a: {  	[tilespmem:v26+s18+$0x0] =	vst.idx.msk $0xffff, v25  }
0x26b: {  	v26 =	vor.u32 v22, v48;
	v25 =	vld.idx.msk [tilespmem:v27+s17+$0x0], $0xffff  }
0x26c: {  	v27 =	vor.u32 v49, v24;
	_ =	sdelay $0x3  }
0x26d: {  	[tilespmem:v26+s18+$0x0] =	vst.idx.msk $0xffff, v25  }
0x26e: {  	v26 =	vor.u32 v22, v50;
	v25 =	vld.idx.msk [tilespmem:v27+s17+$0x0], $0xffff  }
0x26f: {  	v27 =	vor.u32 v51, v24;
	_ =	sdelay $0x3  }
0x270: {  	[tilespmem:v26+s18+$0x0] =	vst.idx.msk $0xffff, v25  }
0x271: {  	v26 =	vor.u32 v22, v52;
	v25 =	vld.idx.msk [tilespmem:v27+s17+$0x0], $0xffff  }
0x272: {  	v27 =	vor.u32 v54, v24;
	_ =	sdelay $0x3  }
0x273: {  	[tilespmem:v26+s18+$0x0] =	vst.idx.msk $0xffff, v25  }
0x274: {  	v26 =	vld.idx.msk [tilespmem:v27+s17+$0x0], $0xffff;
	v27 =	vor.u32 v22, v53  }
0x275: {  	v25 =	vor.u32 v55, v24;
	_ =	sdelay $0x1  }
0x276: {  	s24 =	simm.s32 $0x10  }
0x277: {  	s26 =	simm.s32 $0x20;
	v24 =	vmov s24  }
.LBB2_7:
0x278: {  	p0 =	sne.s32 s26, $0x120;
	v24 =	vshll.u32 v24, $0x3;
	[tilespmem:v27+s18+$0x0] =	vst.idx.msk $0xffff, v26  }
0x279: {  	v26 =	vor.u32 s24, v0;
	v24 =	vand.u32 $0xC00, v24;
	v27 =	vld.idx.msk [tilespmem:v25+s17+$0x0], $0xffff  }
0x27a: {  	v23 =	vor.u32 v22, v23;
	v25 =	vand.u32 $0x7F, v26;
	v56 =	vadd.s32 v1, v24  }
0x27b: {  	v28 =	vor.u32 v25, v56;
	_ =	sdelay $0x3  }
0x27c: {  	[tilespmem:v23+s18+$0x0] =	vst.idx.msk $0xffff, v27  }
0x27d: {  	v26 =	vshll.u32 v26, $0x7;
	v23 =	vld.idx.msk [tilespmem:v28+s17+$0x0], $0xffff;
	v28 =	vor.u32 s24, v2  }
0x27e: {  	v29 =	vor.u32 v0, v26;
	v27 =	vand.u32 $0x7F, v28  }
0x27f: {  	v30 =	vor.u32 v27, v56;
	_ =	sdelay $0x3  }
0x280: {  	[tilespmem:v29+s18+$0x0] =	vst.idx.msk $0xffff, v23  }
0x281: {  	v28 =	vshll.u32 v28, $0x7;
	v23 =	vld.idx.msk [tilespmem:v30+s17+$0x0], $0xffff;
	v30 =	vor.u32 s24, v3  }
0x282: {  	v31 =	vor.u32 v0, v28;
	v29 =	vand.u32 $0x7F, v30  }
0x283: {  	v32 =	vor.u32 v29, v56;
	_ =	sdelay $0x3  }
0x284: {  	[tilespmem:v31+s18+$0x0] =	vst.idx.msk $0xffff, v23  }
0x285: {  	v30 =	vshll.u32 v30, $0x7;
	v23 =	vld.idx.msk [tilespmem:v32+s17+$0x0], $0xffff;
	v32 =	vor.u32 s24, v4  }
0x286: {  	v33 =	vor.u32 v0, v30;
	v31 =	vand.u32 $0x7F, v32  }
0x287: {  	v34 =	vor.u32 v31, v56;
	_ =	sdelay $0x3  }
0x288: {  	[tilespmem:v33+s18+$0x0] =	vst.idx.msk $0xffff, v23  }
0x289: {  	v32 =	vshll.u32 v32, $0x7;
	v23 =	vld.idx.msk [tilespmem:v34+s17+$0x0], $0xffff;
	v34 =	vor.u32 s24, v5  }
0x28a: {  	v35 =	vor.u32 v0, v32;
	v33 =	vand.u32 $0x7F, v34  }
0x28b: {  	v36 =	vor.u32 v33, v56;
	_ =	sdelay $0x3  }
0x28c: {  	[tilespmem:v35+s18+$0x0] =	vst.idx.msk $0xffff, v23  }
0x28d: {  	v34 =	vshll.u32 v34, $0x7;
	v23 =	vld.idx.msk [tilespmem:v36+s17+$0x0], $0xffff;
	v36 =	vor.u32 s24, v6  }
0x28e: {  	v37 =	vor.u32 v0, v34;
	v35 =	vand.u32 $0x7F, v36  }
0x28f: {  	v38 =	vor.u32 v35, v56;
	_ =	sdelay $0x3  }
0x290: {  	[tilespmem:v37+s18+$0x0] =	vst.idx.msk $0xffff, v23  }
0x291: {  	v36 =	vshll.u32 v36, $0x7;
	v23 =	vld.idx.msk [tilespmem:v38+s17+$0x0], $0xffff;
	v38 =	vor.u32 s24, v7  }
0x292: {  	v39 =	vor.u32 v0, v36;
	v37 =	vand.u32 $0x7F, v38  }
0x293: {  	v40 =	vor.u32 v37, v56;
	_ =	sdelay $0x3  }
0x294: {  	[tilespmem:v39+s18+$0x0] =	vst.idx.msk $0xffff, v23  }
0x295: {  	v38 =	vshll.u32 v38, $0x7;
	v23 =	vld.idx.msk [tilespmem:v40+s17+$0x0], $0xffff;
	v40 =	vor.u32 s24, v8  }
0x296: {  	v41 =	vor.u32 v0, v38;
	v39 =	vand.u32 $0x7F, v40  }
0x297: {  	v42 =	vor.u32 v39, v56;
	_ =	sdelay $0x3  }
0x298: {  	[tilespmem:v41+s18+$0x0] =	vst.idx.msk $0xffff, v23  }
0x299: {  	v40 =	vshll.u32 v40, $0x7;
	v23 =	vld.idx.msk [tilespmem:v42+s17+$0x0], $0xffff;
	v42 =	vor.u32 s24, v9  }
0x29a: {  	v43 =	vor.u32 v0, v40;
	v41 =	vand.u32 $0x7F, v42  }
0x29b: {  	v44 =	vor.u32 v41, v56;
	_ =	sdelay $0x3  }
0x29c: {  	[tilespmem:v43+s18+$0x0] =	vst.idx.msk $0xffff, v23  }
0x29d: {  	v42 =	vshll.u32 v42, $0x7;
	v23 =	vld.idx.msk [tilespmem:v44+s17+$0x0], $0xffff;
	v44 =	vor.u32 s24, v10  }
0x29e: {  	v45 =	vor.u32 v0, v42;
	v43 =	vand.u32 $0x7F, v44  }
0x29f: {  	v46 =	vor.u32 v43, v56;
	_ =	sdelay $0x3  }
0x2a0: {  	[tilespmem:v45+s18+$0x0] =	vst.idx.msk $0xffff, v23  }
0x2a1: {  	v44 =	vshll.u32 v44, $0x7;
	v23 =	vld.idx.msk [tilespmem:v46+s17+$0x0], $0xffff;
	v46 =	vor.u32 s24, v11  }
0x2a2: {  	v47 =	vor.u32 v0, v44;
	v45 =	vand.u32 $0x7F, v46  }
0x2a3: {  	v48 =	vor.u32 v45, v56;
	_ =	sdelay $0x3  }
0x2a4: {  	[tilespmem:v47+s18+$0x0] =	vst.idx.msk $0xffff, v23  }
0x2a5: {  	v46 =	vshll.u32 v46, $0x7;
	v23 =	vld.idx.msk [tilespmem:v48+s17+$0x0], $0xffff;
	v48 =	vor.u32 s24, v12  }
0x2a6: {  	v49 =	vor.u32 v0, v46;
	v47 =	vand.u32 $0x7F, v48  }
0x2a7: {  	v50 =	vor.u32 v47, v56;
	_ =	sdelay $0x3  }
0x2a8: {  	[tilespmem:v49+s18+$0x0] =	vst.idx.msk $0xffff, v23  }
0x2a9: {  	v48 =	vshll.u32 v48, $0x7;
	v23 =	vld.idx.msk [tilespmem:v50+s17+$0x0], $0xffff;
	v50 =	vor.u32 s24, v13  }
0x2aa: {  	v51 =	vor.u32 v0, v48;
	v49 =	vand.u32 $0x7F, v50  }
0x2ab: {  	v52 =	vor.u32 v49, v56;
	_ =	sdelay $0x3  }
0x2ac: {  	[tilespmem:v51+s18+$0x0] =	vst.idx.msk $0xffff, v23  }
0x2ad: {  	v50 =	vshll.u32 v50, $0x7;
	v23 =	vld.idx.msk [tilespmem:v52+s17+$0x0], $0xffff;
	v52 =	vor.u32 s24, v14  }
0x2ae: {  	v53 =	vor.u32 v0, v50;
	v51 =	vand.u32 $0x7F, v52  }
0x2af: {  	v54 =	vor.u32 v51, v56;
	_ =	sdelay $0x3  }
0x2b0: {  	[tilespmem:v53+s18+$0x0] =	vst.idx.msk $0xffff, v23  }
0x2b1: {  	v52 =	vshll.u32 v52, $0x7;
	v23 =	vld.idx.msk [tilespmem:v54+s17+$0x0], $0xffff;
	v54 =	vor.u32 s24, v15  }
0x2b2: {  	v55 =	vor.u32 v0, v52;
	v53 =	vand.u32 $0x7F, v54  }
0x2b3: {  	v57 =	vor.u32 v53, v56;
	_ =	sdelay $0x3  }
0x2b4: {  	[tilespmem:v55+s18+$0x0] =	vst.idx.msk $0xffff, v23  }
0x2b5: {  	v54 =	vshll.u32 v54, $0x7;
	v23 =	vld.idx.msk [tilespmem:v57+s17+$0x0], $0xffff;
	v57 =	vor.u32 s24, v16;
	s24 =	smov.u32 s26  }
0x2b6: {  	v58 =	vor.u32 v0, v54;
	v55 =	vand.u32 $0x7F, v57  }
0x2b7: {  	v56 =	vor.u32 v55, v56;
	_ =	sdelay $0x3  }
0x2b8: {  	[tilespmem:v58+s18+$0x0] =	vst.idx.msk $0xffff, v23  }
0x2b9: {  	v23 =	vshll.u32 v57, $0x7;
	v58 =	vld.idx.msk [tilespmem:v56+s17+$0x0], $0xffff  }
0x2ba: {  	v57 =	vor.u32 v0, v23;
	v56 =	vadd.s32 v17, v24  }
0x2bb: {  	v59 =	vor.u32 v25, v56;
	_ =	sdelay $0x3  }
0x2bc: {  	[tilespmem:v57+s18+$0x0] =	vst.idx.msk $0xffff, v58  }
0x2bd: {  	v57 =	vld.idx.msk [tilespmem:v59+s17+$0x0], $0xffff  }
0x2be: {  	v58 =	vor.u32 v18, v26  }
0x2bf: {  	v59 =	vor.u32 v27, v56;
	_ =	sdelay $0x3  }
0x2c0: {  	[tilespmem:v58+s18+$0x0] =	vst.idx.msk $0xffff, v57  }
0x2c1: {  	v57 =	vld.idx.msk [tilespmem:v59+s17+$0x0], $0xffff  }
0x2c2: {  	v58 =	vor.u32 v18, v28  }
0x2c3: {  	v59 =	vor.u32 v29, v56;
	_ =	sdelay $0x3  }
0x2c4: {  	[tilespmem:v58+s18+$0x0] =	vst.idx.msk $0xffff, v57  }
0x2c5: {  	v57 =	vld.idx.msk [tilespmem:v59+s17+$0x0], $0xffff  }
0x2c6: {  	v58 =	vor.u32 v18, v30  }
0x2c7: {  	v59 =	vor.u32 v31, v56;
	_ =	sdelay $0x3  }
0x2c8: {  	[tilespmem:v58+s18+$0x0] =	vst.idx.msk $0xffff, v57  }
0x2c9: {  	v57 =	vld.idx.msk [tilespmem:v59+s17+$0x0], $0xffff  }
0x2ca: {  	v58 =	vor.u32 v18, v32  }
0x2cb: {  	v59 =	vor.u32 v33, v56;
	_ =	sdelay $0x3  }
0x2cc: {  	[tilespmem:v58+s18+$0x0] =	vst.idx.msk $0xffff, v57  }
0x2cd: {  	v57 =	vld.idx.msk [tilespmem:v59+s17+$0x0], $0xffff  }
0x2ce: {  	v58 =	vor.u32 v18, v34  }
0x2cf: {  	v59 =	vor.u32 v35, v56;
	_ =	sdelay $0x3  }
0x2d0: {  	[tilespmem:v58+s18+$0x0] =	vst.idx.msk $0xffff, v57  }
0x2d1: {  	v57 =	vld.idx.msk [tilespmem:v59+s17+$0x0], $0xffff  }
0x2d2: {  	v58 =	vor.u32 v18, v36  }
0x2d3: {  	v59 =	vor.u32 v37, v56;
	_ =	sdelay $0x3  }
0x2d4: {  	[tilespmem:v58+s18+$0x0] =	vst.idx.msk $0xffff, v57  }
0x2d5: {  	v57 =	vld.idx.msk [tilespmem:v59+s17+$0x0], $0xffff  }
0x2d6: {  	v58 =	vor.u32 v18, v38  }
0x2d7: {  	v59 =	vor.u32 v39, v56;
	_ =	sdelay $0x3  }
0x2d8: {  	[tilespmem:v58+s18+$0x0] =	vst.idx.msk $0xffff, v57  }
0x2d9: {  	v57 =	vld.idx.msk [tilespmem:v59+s17+$0x0], $0xffff  }
0x2da: {  	v58 =	vor.u32 v18, v40  }
0x2db: {  	v59 =	vor.u32 v41, v56;
	_ =	sdelay $0x3  }
0x2dc: {  	[tilespmem:v58+s18+$0x0] =	vst.idx.msk $0xffff, v57  }
0x2dd: {  	v57 =	vld.idx.msk [tilespmem:v59+s17+$0x0], $0xffff  }
0x2de: {  	v58 =	vor.u32 v18, v42  }
0x2df: {  	v59 =	vor.u32 v43, v56;
	_ =	sdelay $0x3  }
0x2e0: {  	[tilespmem:v58+s18+$0x0] =	vst.idx.msk $0xffff, v57  }
0x2e1: {  	v57 =	vld.idx.msk [tilespmem:v59+s17+$0x0], $0xffff  }
0x2e2: {  	v58 =	vor.u32 v18, v44  }
0x2e3: {  	v59 =	vor.u32 v45, v56;
	_ =	sdelay $0x3  }
0x2e4: {  	[tilespmem:v58+s18+$0x0] =	vst.idx.msk $0xffff, v57  }
0x2e5: {  	v57 =	vld.idx.msk [tilespmem:v59+s17+$0x0], $0xffff  }
0x2e6: {  	v58 =	vor.u32 v18, v46  }
0x2e7: {  	v59 =	vor.u32 v47, v56;
	_ =	sdelay $0x3  }
0x2e8: {  	[tilespmem:v58+s18+$0x0] =	vst.idx.msk $0xffff, v57  }
0x2e9: {  	v57 =	vld.idx.msk [tilespmem:v59+s17+$0x0], $0xffff  }
0x2ea: {  	v58 =	vor.u32 v18, v48  }
0x2eb: {  	v59 =	vor.u32 v49, v56;
	_ =	sdelay $0x3  }
0x2ec: {  	[tilespmem:v58+s18+$0x0] =	vst.idx.msk $0xffff, v57  }
0x2ed: {  	v57 =	vld.idx.msk [tilespmem:v59+s17+$0x0], $0xffff  }
0x2ee: {  	v58 =	vor.u32 v18, v50  }
0x2ef: {  	v59 =	vor.u32 v51, v56;
	_ =	sdelay $0x3  }
0x2f0: {  	[tilespmem:v58+s18+$0x0] =	vst.idx.msk $0xffff, v57  }
0x2f1: {  	v57 =	vld.idx.msk [tilespmem:v59+s17+$0x0], $0xffff  }
0x2f2: {  	v58 =	vor.u32 v18, v52  }
0x2f3: {  	v59 =	vor.u32 v53, v56;
	_ =	sdelay $0x3  }
0x2f4: {  	[tilespmem:v58+s18+$0x0] =	vst.idx.msk $0xffff, v57  }
0x2f5: {  	v57 =	vld.idx.msk [tilespmem:v59+s17+$0x0], $0xffff  }
0x2f6: {  	v58 =	vor.u32 v18, v54  }
0x2f7: {  	v56 =	vor.u32 v55, v56;
	_ =	sdelay $0x3  }
0x2f8: {  	[tilespmem:v58+s18+$0x0] =	vst.idx.msk $0xffff, v57  }
0x2f9: {  	v57 =	vld.idx.msk [tilespmem:v56+s17+$0x0], $0xffff  }
0x2fa: {  	v58 =	vor.u32 v18, v23;
	v56 =	vadd.s32 v19, v24  }
0x2fb: {  	v59 =	vor.u32 v25, v56;
	_ =	sdelay $0x3  }
0x2fc: {  	[tilespmem:v58+s18+$0x0] =	vst.idx.msk $0xffff, v57  }
0x2fd: {  	v57 =	vld.idx.msk [tilespmem:v59+s17+$0x0], $0xffff  }
0x2fe: {  	v58 =	vor.u32 v20, v26  }
0x2ff: {  	v59 =	vor.u32 v27, v56;
	_ =	sdelay $0x3  }
0x300: {  	[tilespmem:v58+s18+$0x0] =	vst.idx.msk $0xffff, v57  }
0x301: {  	v57 =	vld.idx.msk [tilespmem:v59+s17+$0x0], $0xffff  }
0x302: {  	v58 =	vor.u32 v20, v28  }
0x303: {  	v59 =	vor.u32 v29, v56;
	_ =	sdelay $0x3  }
0x304: {  	[tilespmem:v58+s18+$0x0] =	vst.idx.msk $0xffff, v57  }
0x305: {  	v57 =	vld.idx.msk [tilespmem:v59+s17+$0x0], $0xffff  }
0x306: {  	v58 =	vor.u32 v20, v30  }
0x307: {  	v59 =	vor.u32 v31, v56;
	_ =	sdelay $0x3  }
0x308: {  	[tilespmem:v58+s18+$0x0] =	vst.idx.msk $0xffff, v57  }
0x309: {  	v57 =	vld.idx.msk [tilespmem:v59+s17+$0x0], $0xffff  }
0x30a: {  	v58 =	vor.u32 v20, v32  }
0x30b: {  	v59 =	vor.u32 v33, v56;
	_ =	sdelay $0x3  }
0x30c: {  	[tilespmem:v58+s18+$0x0] =	vst.idx.msk $0xffff, v57  }
0x30d: {  	v57 =	vld.idx.msk [tilespmem:v59+s17+$0x0], $0xffff  }
0x30e: {  	v58 =	vor.u32 v20, v34  }
0x30f: {  	v59 =	vor.u32 v35, v56;
	_ =	sdelay $0x3  }
0x310: {  	[tilespmem:v58+s18+$0x0] =	vst.idx.msk $0xffff, v57  }
0x311: {  	v57 =	vld.idx.msk [tilespmem:v59+s17+$0x0], $0xffff  }
0x312: {  	v58 =	vor.u32 v20, v36  }
0x313: {  	v59 =	vor.u32 v37, v56;
	_ =	sdelay $0x3  }
0x314: {  	[tilespmem:v58+s18+$0x0] =	vst.idx.msk $0xffff, v57  }
0x315: {  	v57 =	vld.idx.msk [tilespmem:v59+s17+$0x0], $0xffff  }
0x316: {  	v58 =	vor.u32 v20, v38  }
0x317: {  	v59 =	vor.u32 v39, v56;
	_ =	sdelay $0x3  }
0x318: {  	[tilespmem:v58+s18+$0x0] =	vst.idx.msk $0xffff, v57  }
0x319: {  	v57 =	vld.idx.msk [tilespmem:v59+s17+$0x0], $0xffff  }
0x31a: {  	v58 =	vor.u32 v20, v40  }
0x31b: {  	v59 =	vor.u32 v41, v56;
	_ =	sdelay $0x3  }
0x31c: {  	[tilespmem:v58+s18+$0x0] =	vst.idx.msk $0xffff, v57  }
0x31d: {  	v57 =	vld.idx.msk [tilespmem:v59+s17+$0x0], $0xffff  }
0x31e: {  	v58 =	vor.u32 v20, v42  }
0x31f: {  	v59 =	vor.u32 v43, v56;
	_ =	sdelay $0x3  }
0x320: {  	[tilespmem:v58+s18+$0x0] =	vst.idx.msk $0xffff, v57  }
0x321: {  	v57 =	vld.idx.msk [tilespmem:v59+s17+$0x0], $0xffff  }
0x322: {  	v58 =	vor.u32 v20, v44  }
0x323: {  	v59 =	vor.u32 v45, v56;
	_ =	sdelay $0x3  }
0x324: {  	[tilespmem:v58+s18+$0x0] =	vst.idx.msk $0xffff, v57  }
0x325: {  	v57 =	vld.idx.msk [tilespmem:v59+s17+$0x0], $0xffff  }
0x326: {  	v58 =	vor.u32 v20, v46  }
0x327: {  	v59 =	vor.u32 v47, v56;
	_ =	sdelay $0x3  }
0x328: {  	[tilespmem:v58+s18+$0x0] =	vst.idx.msk $0xffff, v57  }
0x329: {  	v57 =	vld.idx.msk [tilespmem:v59+s17+$0x0], $0xffff  }
0x32a: {  	v58 =	vor.u32 v20, v48  }
0x32b: {  	v59 =	vor.u32 v49, v56;
	_ =	sdelay $0x3  }
0x32c: {  	[tilespmem:v58+s18+$0x0] =	vst.idx.msk $0xffff, v57  }
0x32d: {  	v57 =	vld.idx.msk [tilespmem:v59+s17+$0x0], $0xffff  }
0x32e: {  	v58 =	vor.u32 v20, v50  }
0x32f: {  	v59 =	vor.u32 v51, v56;
	_ =	sdelay $0x3  }
0x330: {  	[tilespmem:v58+s18+$0x0] =	vst.idx.msk $0xffff, v57  }
0x331: {  	v57 =	vld.idx.msk [tilespmem:v59+s17+$0x0], $0xffff  }
0x332: {  	v58 =	vor.u32 v20, v52  }
0x333: {  	v59 =	vor.u32 v53, v56;
	_ =	sdelay $0x3  }
0x334: {  	[tilespmem:v58+s18+$0x0] =	vst.idx.msk $0xffff, v57  }
0x335: {  	v57 =	vld.idx.msk [tilespmem:v59+s17+$0x0], $0xffff  }
0x336: {  	v58 =	vor.u32 v20, v54  }
0x337: {  	v56 =	vor.u32 v55, v56;
	_ =	sdelay $0x3  }
0x338: {  	[tilespmem:v58+s18+$0x0] =	vst.idx.msk $0xffff, v57  }
0x339: {  	v56 =	vld.idx.msk [tilespmem:v56+s17+$0x0], $0xffff  }
0x33a: {  	v24 =	vadd.s32 v21, v24;
	v57 =	vor.u32 v20, v23  }
0x33b: {  	v25 =	vor.u32 v25, v24;
	_ =	sdelay $0x3  }
0x33c: {  	[tilespmem:v57+s18+$0x0] =	vst.idx.msk $0xffff, v56  }
0x33d: {  	v25 =	vld.idx.msk [tilespmem:v25+s17+$0x0], $0xffff  }
0x33e: {  	v26 =	vor.u32 v22, v26  }
0x33f: {  	v27 =	vor.u32 v27, v24;
	_ =	sdelay $0x3  }
0x340: {  	[tilespmem:v26+s18+$0x0] =	vst.idx.msk $0xffff, v25  }
0x341: {  	v25 =	vld.idx.msk [tilespmem:v27+s17+$0x0], $0xffff  }
0x342: {  	v26 =	vor.u32 v22, v28  }
0x343: {  	v27 =	vor.u32 v29, v24;
	_ =	sdelay $0x3  }
0x344: {  	[tilespmem:v26+s18+$0x0] =	vst.idx.msk $0xffff, v25  }
0x345: {  	v25 =	vld.idx.msk [tilespmem:v27+s17+$0x0], $0xffff  }
0x346: {  	v26 =	vor.u32 v22, v30  }
0x347: {  	v27 =	vor.u32 v31, v24;
	_ =	sdelay $0x3  }
0x348: {  	[tilespmem:v26+s18+$0x0] =	vst.idx.msk $0xffff, v25  }
0x349: {  	v25 =	vld.idx.msk [tilespmem:v27+s17+$0x0], $0xffff  }
0x34a: {  	v26 =	vor.u32 v22, v32  }
0x34b: {  	v27 =	vor.u32 v33, v24;
	_ =	sdelay $0x3  }
0x34c: {  	[tilespmem:v26+s18+$0x0] =	vst.idx.msk $0xffff, v25  }
0x34d: {  	v25 =	vld.idx.msk [tilespmem:v27+s17+$0x0], $0xffff  }
0x34e: {  	v26 =	vor.u32 v22, v34  }
0x34f: {  	v27 =	vor.u32 v35, v24;
	_ =	sdelay $0x3  }
0x350: {  	[tilespmem:v26+s18+$0x0] =	vst.idx.msk $0xffff, v25  }
0x351: {  	v25 =	vld.idx.msk [tilespmem:v27+s17+$0x0], $0xffff  }
0x352: {  	v26 =	vor.u32 v22, v36  }
0x353: {  	v27 =	vor.u32 v37, v24;
	_ =	sdelay $0x3  }
0x354: {  	[tilespmem:v26+s18+$0x0] =	vst.idx.msk $0xffff, v25  }
0x355: {  	v25 =	vld.idx.msk [tilespmem:v27+s17+$0x0], $0xffff  }
0x356: {  	v26 =	vor.u32 v22, v38  }
0x357: {  	v27 =	vor.u32 v39, v24;
	_ =	sdelay $0x3  }
0x358: {  	[tilespmem:v26+s18+$0x0] =	vst.idx.msk $0xffff, v25  }
0x359: {  	v25 =	vld.idx.msk [tilespmem:v27+s17+$0x0], $0xffff  }
0x35a: {  	v26 =	vor.u32 v22, v40  }
0x35b: {  	v27 =	vor.u32 v41, v24;
	_ =	sdelay $0x3  }
0x35c: {  	[tilespmem:v26+s18+$0x0] =	vst.idx.msk $0xffff, v25  }
0x35d: {  	v25 =	vld.idx.msk [tilespmem:v27+s17+$0x0], $0xffff  }
0x35e: {  	v26 =	vor.u32 v22, v42  }
0x35f: {  	v27 =	vor.u32 v43, v24;
	_ =	sdelay $0x3  }
0x360: {  	[tilespmem:v26+s18+$0x0] =	vst.idx.msk $0xffff, v25  }
0x361: {  	v25 =	vld.idx.msk [tilespmem:v27+s17+$0x0], $0xffff  }
0x362: {  	v26 =	vor.u32 v22, v44  }
0x363: {  	v27 =	vor.u32 v45, v24;
	_ =	sdelay $0x3  }
0x364: {  	[tilespmem:v26+s18+$0x0] =	vst.idx.msk $0xffff, v25  }
0x365: {  	v25 =	vld.idx.msk [tilespmem:v27+s17+$0x0], $0xffff  }
0x366: {  	v26 =	vor.u32 v22, v46  }
0x367: {  	v27 =	vor.u32 v47, v24;
	_ =	sdelay $0x3  }
0x368: {  	[tilespmem:v26+s18+$0x0] =	vst.idx.msk $0xffff, v25  }
0x369: {  	v25 =	vld.idx.msk [tilespmem:v27+s17+$0x0], $0xffff  }
0x36a: {  	v26 =	vor.u32 v22, v48  }
0x36b: {  	v27 =	vor.u32 v49, v24;
	_ =	sdelay $0x3  }
0x36c: {  	[tilespmem:v26+s18+$0x0] =	vst.idx.msk $0xffff, v25  }
0x36d: {  	v25 =	vld.idx.msk [tilespmem:v27+s17+$0x0], $0xffff  }
0x36e: {  	v26 =	vor.u32 v22, v50  }
0x36f: {  	v27 =	vor.u32 v51, v24;
	_ =	sdelay $0x3  }
0x370: {  	[tilespmem:v26+s18+$0x0] =	vst.idx.msk $0xffff, v25  }
0x371: {  	v25 =	vld.idx.msk [tilespmem:v27+s17+$0x0], $0xffff  }
0x372: {  	v26 =	vor.u32 v22, v52  }
0x373: {  	v27 =	vor.u32 v53, v24;
	_ =	sdelay $0x3  }
0x374: {  	[tilespmem:v26+s18+$0x0] =	vst.idx.msk $0xffff, v25  }
0x375: {  	v26 =	vld.idx.msk [tilespmem:v27+s17+$0x0], $0xffff  }
.Ltmp4:
0x376: {  	v27 =	vor.u32 v22, v54;
	(pc) =	sbr.rel @p0 .LBB2_7-.Ltmp4, $2  }
0x377: {  	v25 =	vor.u32 v55, v24;
	_ =	sdelay $0x2  }
0x378: {  	s26 =	sadd.s32 $0x10, s26;
	v24 =	vmov s24  }
0x379: {  	_ =	sdelay $0x2  }
0x37a: {  	v24 =	vshll.u32 v24, $0x3  }
0x37b: {  	[tilespmem:v27+s18+$0x0] =	vst.idx.msk $0xffff, v26;
	v46 =	vor.u32 s24, v0;
	v24 =	vand.u32 $0xC00, v24  }
0x37c: {  	v23 =	vor.u32 v22, v23;
	v27 =	vld.idx.msk [tilespmem:v25+s17+$0x0], $0xffff;
	v25 =	vand.u32 $0x7F, v46;
	v55 =	vadd.s32 v1, v24  }
0x37d: {  	v28 =	vor.u32 v25, v55;
	_ =	sdelay $0x3  }
0x37e: {  	v47 =	vor.u32 s24, v2;
	[tilespmem:v23+s18+$0x0] =	vst.idx.msk $0xffff, v27;
	v23 =	vshll.u32 v46, $0x7  }
0x37f: {  	v26 =	vand.u32 $0x7F, v47;
	v29 =	vor.u32 v0, v23;
	v28 =	vld.idx.msk [tilespmem:v28+s17+$0x0], $0xffff  }
0x380: {  	v30 =	vor.u32 v26, v55;
	_ =	sdelay $0x3  }
0x381: {  	v48 =	vor.u32 s24, v3;
	v27 =	vshll.u32 v47, $0x7;
	[tilespmem:v29+s18+$0x0] =	vst.idx.msk $0xffff, v28  }
0x382: {  	v31 =	vor.u32 v0, v27;
	v28 =	vand.u32 $0x7F, v48;
	v30 =	vld.idx.msk [tilespmem:v30+s17+$0x0], $0xffff  }
0x383: {  	v32 =	vor.u32 v28, v55;
	_ =	sdelay $0x3  }
0x384: {  	v49 =	vor.u32 s24, v4;
	v29 =	vshll.u32 v48, $0x7;
	[tilespmem:v31+s18+$0x0] =	vst.idx.msk $0xffff, v30  }
0x385: {  	v33 =	vor.u32 v0, v29;
	v30 =	vand.u32 $0x7F, v49;
	v32 =	vld.idx.msk [tilespmem:v32+s17+$0x0], $0xffff  }
0x386: {  	v34 =	vor.u32 v30, v55;
	_ =	sdelay $0x3  }
0x387: {  	v50 =	vor.u32 s24, v5;
	v31 =	vshll.u32 v49, $0x7;
	[tilespmem:v33+s18+$0x0] =	vst.idx.msk $0xffff, v32  }
0x388: {  	v35 =	vor.u32 v0, v31;
	v32 =	vand.u32 $0x7F, v50;
	v34 =	vld.idx.msk [tilespmem:v34+s17+$0x0], $0xffff  }
0x389: {  	v36 =	vor.u32 v32, v55;
	_ =	sdelay $0x3  }
0x38a: {  	v51 =	vor.u32 s24, v6;
	v33 =	vshll.u32 v50, $0x7;
	[tilespmem:v35+s18+$0x0] =	vst.idx.msk $0xffff, v34  }
0x38b: {  	v37 =	vor.u32 v0, v33;
	v34 =	vand.u32 $0x7F, v51;
	v36 =	vld.idx.msk [tilespmem:v36+s17+$0x0], $0xffff  }
0x38c: {  	v38 =	vor.u32 v34, v55;
	_ =	sdelay $0x3  }
0x38d: {  	v52 =	vor.u32 s24, v7;
	v35 =	vshll.u32 v51, $0x7;
	[tilespmem:v37+s18+$0x0] =	vst.idx.msk $0xffff, v36  }
0x38e: {  	v39 =	vor.u32 v0, v35;
	v36 =	vand.u32 $0x7F, v52;
	v38 =	vld.idx.msk [tilespmem:v38+s17+$0x0], $0xffff  }
0x38f: {  	v40 =	vor.u32 v36, v55;
	_ =	sdelay $0x3  }
0x390: {  	v53 =	vor.u32 s24, v8;
	v37 =	vshll.u32 v52, $0x7;
	[tilespmem:v39+s18+$0x0] =	vst.idx.msk $0xffff, v38  }
0x391: {  	v41 =	vor.u32 v0, v37;
	v38 =	vand.u32 $0x7F, v53;
	v40 =	vld.idx.msk [tilespmem:v40+s17+$0x0], $0xffff  }
0x392: {  	v42 =	vor.u32 v38, v55;
	_ =	sdelay $0x3  }
0x393: {  	v54 =	vor.u32 s24, v9;
	v39 =	vshll.u32 v53, $0x7;
	[tilespmem:v41+s18+$0x0] =	vst.idx.msk $0xffff, v40  }
0x394: {  	v43 =	vor.u32 v0, v39;
	v40 =	vand.u32 $0x7F, v54;
	v42 =	vld.idx.msk [tilespmem:v42+s17+$0x0], $0xffff  }
0x395: {  	v44 =	vor.u32 v40, v55;
	_ =	sdelay $0x3  }
0x396: {  	v56 =	vor.u32 s24, v10;
	v41 =	vshll.u32 v54, $0x7;
	[tilespmem:v43+s18+$0x0] =	vst.idx.msk $0xffff, v42  }
0x397: {  	v45 =	vor.u32 v0, v41;
	v42 =	vand.u32 $0x7F, v56;
	v44 =	vld.idx.msk [tilespmem:v44+s17+$0x0], $0xffff  }
0x398: {  	v46 =	vor.u32 v42, v55;
	_ =	sdelay $0x3  }
0x399: {  	v57 =	vor.u32 s24, v11;
	v43 =	vshll.u32 v56, $0x7;
	[tilespmem:v45+s18+$0x0] =	vst.idx.msk $0xffff, v44  }
0x39a: {  	v47 =	vor.u32 v0, v43;
	v44 =	vand.u32 $0x7F, v57;
	v46 =	vld.idx.msk [tilespmem:v46+s17+$0x0], $0xffff  }
0x39b: {  	v48 =	vor.u32 v44, v55;
	_ =	sdelay $0x3  }
0x39c: {  	v58 =	vor.u32 s24, v12;
	v45 =	vshll.u32 v57, $0x7;
	[tilespmem:v47+s18+$0x0] =	vst.idx.msk $0xffff, v46  }
0x39d: {  	v49 =	vor.u32 v0, v45;
	v46 =	vand.u32 $0x7F, v58;
	v48 =	vld.idx.msk [tilespmem:v48+s17+$0x0], $0xffff  }
0x39e: {  	v50 =	vor.u32 v46, v55;
	_ =	sdelay $0x3  }
0x39f: {  	v59 =	vor.u32 s24, v13;
	v47 =	vshll.u32 v58, $0x7;
	[tilespmem:v49+s18+$0x0] =	vst.idx.msk $0xffff, v48  }
0x3a0: {  	v51 =	vor.u32 v0, v47;
	v48 =	vand.u32 $0x7F, v59;
	v50 =	vld.idx.msk [tilespmem:v50+s17+$0x0], $0xffff  }
0x3a1: {  	v52 =	vor.u32 v48, v55;
	_ =	sdelay $0x3  }
0x3a2: {  	v60 =	vor.u32 s24, v14;
	v49 =	vshll.u32 v59, $0x7;
	[tilespmem:v51+s18+$0x0] =	vst.idx.msk $0xffff, v50  }
0x3a3: {  	v53 =	vor.u32 v0, v49;
	v50 =	vand.u32 $0x7F, v60;
	v52 =	vld.idx.msk [tilespmem:v52+s17+$0x0], $0xffff  }
0x3a4: {  	v54 =	vor.u32 v50, v55;
	_ =	sdelay $0x3  }
0x3a5: {  	v61 =	vor.u32 s24, v15;
	v51 =	vshll.u32 v60, $0x7;
	[tilespmem:v53+s18+$0x0] =	vst.idx.msk $0xffff, v52  }
0x3a6: {  	v56 =	vor.u32 v0, v51;
	v52 =	vand.u32 $0x7F, v61;
	v54 =	vld.idx.msk [tilespmem:v54+s17+$0x0], $0xffff  }
0x3a7: {  	v57 =	vor.u32 v52, v55;
	_ =	sdelay $0x3  }
0x3a8: {  	v62 =	vor.u32 s24, v16;
	v53 =	vshll.u32 v61, $0x7;
	[tilespmem:v56+s18+$0x0] =	vst.idx.msk $0xffff, v54  }
0x3a9: {  	v58 =	vor.u32 v0, v53;
	v54 =	vand.u32 $0x7F, v62;
	v57 =	vld.idx.msk [tilespmem:v57+s17+$0x0], $0xffff  }
0x3aa: {  	v59 =	vor.u32 v54, v55;
	_ =	sdelay $0x3  }
0x3ab: {  	v55 =	vshll.u32 v62, $0x7;
	[tilespmem:v58+s18+$0x0] =	vst.idx.msk $0xffff, v57  }
0x3ac: {  	v60 =	vor.u32 v0, v55;
	v58 =	vadd.s32 v17, v24;
	v63 =	vld.idx.msk [tilespmem:v59+s17+$0x0], $0xffff  }
0x3ad: {  	v61 =	vor.u32 v25, v58;
	_ =	sdelay $0x3  }
0x3ae: {  	[tilespmem:v60+s18+$0x0] =	vst.idx.msk $0xffff, v63  }
0x3af: {  	v62 =	vor.u32 v18, v23;
	v56 =	vld.idx.msk [tilespmem:v61+s17+$0x0], $0xffff  }
0x3b0: {  	v63 =	vor.u32 v26, v58;
	_ =	sdelay $0x3  }
0x3b1: {  	[tilespmem:v62+s18+$0x0] =	vst.idx.msk $0xffff, v56  }
0x3b2: {  	v60 =	vor.u32 v18, v27;
	v56 =	vld.idx.msk [tilespmem:v63+s17+$0x0], $0xffff  }
0x3b3: {  	v61 =	vor.u32 v28, v58;
	_ =	sdelay $0x3  }
0x3b4: {  	[tilespmem:v60+s18+$0x0] =	vst.idx.msk $0xffff, v56  }
0x3b5: {  	v62 =	vor.u32 v18, v29;
	v56 =	vld.idx.msk [tilespmem:v61+s17+$0x0], $0xffff  }
0x3b6: {  	v63 =	vor.u32 v30, v58;
	_ =	sdelay $0x3  }
0x3b7: {  	[tilespmem:v62+s18+$0x0] =	vst.idx.msk $0xffff, v56  }
0x3b8: {  	v60 =	vor.u32 v18, v31;
	v56 =	vld.idx.msk [tilespmem:v63+s17+$0x0], $0xffff  }
0x3b9: {  	v61 =	vor.u32 v32, v58;
	_ =	sdelay $0x3  }
0x3ba: {  	[tilespmem:v60+s18+$0x0] =	vst.idx.msk $0xffff, v56  }
0x3bb: {  	v62 =	vor.u32 v18, v33;
	v56 =	vld.idx.msk [tilespmem:v61+s17+$0x0], $0xffff  }
0x3bc: {  	v63 =	vor.u32 v34, v58;
	_ =	sdelay $0x3  }
0x3bd: {  	[tilespmem:v62+s18+$0x0] =	vst.idx.msk $0xffff, v56  }
0x3be: {  	v60 =	vor.u32 v18, v35;
	v56 =	vld.idx.msk [tilespmem:v63+s17+$0x0], $0xffff  }
0x3bf: {  	v61 =	vor.u32 v36, v58;
	_ =	sdelay $0x3  }
0x3c0: {  	[tilespmem:v60+s18+$0x0] =	vst.idx.msk $0xffff, v56  }
0x3c1: {  	v62 =	vor.u32 v18, v37;
	v56 =	vld.idx.msk [tilespmem:v61+s17+$0x0], $0xffff  }
0x3c2: {  	v63 =	vor.u32 v38, v58;
	_ =	sdelay $0x3  }
0x3c3: {  	[tilespmem:v62+s18+$0x0] =	vst.idx.msk $0xffff, v56  }
0x3c4: {  	v60 =	vor.u32 v18, v39;
	v56 =	vld.idx.msk [tilespmem:v63+s17+$0x0], $0xffff  }
0x3c5: {  	v61 =	vor.u32 v40, v58;
	_ =	sdelay $0x3  }
0x3c6: {  	[tilespmem:v60+s18+$0x0] =	vst.idx.msk $0xffff, v56  }
0x3c7: {  	v62 =	vor.u32 v18, v41;
	v56 =	vld.idx.msk [tilespmem:v61+s17+$0x0], $0xffff  }
0x3c8: {  	v63 =	vor.u32 v42, v58;
	_ =	sdelay $0x3  }
0x3c9: {  	[tilespmem:v62+s18+$0x0] =	vst.idx.msk $0xffff, v56  }
0x3ca: {  	v60 =	vor.u32 v18, v43;
	v56 =	vld.idx.msk [tilespmem:v63+s17+$0x0], $0xffff  }
0x3cb: {  	v61 =	vor.u32 v44, v58;
	_ =	sdelay $0x3  }
0x3cc: {  	[tilespmem:v60+s18+$0x0] =	vst.idx.msk $0xffff, v56  }
0x3cd: {  	v62 =	vor.u32 v18, v45;
	v56 =	vld.idx.msk [tilespmem:v61+s17+$0x0], $0xffff  }
0x3ce: {  	v63 =	vor.u32 v46, v58;
	_ =	sdelay $0x3  }
0x3cf: {  	[tilespmem:v62+s18+$0x0] =	vst.idx.msk $0xffff, v56  }
0x3d0: {  	v60 =	vor.u32 v18, v47;
	v56 =	vld.idx.msk [tilespmem:v63+s17+$0x0], $0xffff  }
0x3d1: {  	v61 =	vor.u32 v48, v58;
	_ =	sdelay $0x3  }
0x3d2: {  	[tilespmem:v60+s18+$0x0] =	vst.idx.msk $0xffff, v56  }
0x3d3: {  	v62 =	vor.u32 v18, v49;
	v56 =	vld.idx.msk [tilespmem:v61+s17+$0x0], $0xffff  }
0x3d4: {  	v63 =	vor.u32 v50, v58;
	_ =	sdelay $0x3  }
0x3d5: {  	[tilespmem:v62+s18+$0x0] =	vst.idx.msk $0xffff, v56  }
0x3d6: {  	v60 =	vor.u32 v18, v51;
	v56 =	vld.idx.msk [tilespmem:v63+s17+$0x0], $0xffff  }
0x3d7: {  	v61 =	vor.u32 v52, v58;
	_ =	sdelay $0x3  }
0x3d8: {  	[tilespmem:v60+s18+$0x0] =	vst.idx.msk $0xffff, v56  }
0x3d9: {  	v62 =	vor.u32 v18, v53;
	v56 =	vld.idx.msk [tilespmem:v61+s17+$0x0], $0xffff  }
0x3da: {  	v58 =	vor.u32 v54, v58;
	_ =	sdelay $0x3  }
0x3db: {  	[tilespmem:v62+s18+$0x0] =	vst.idx.msk $0xffff, v56  }
0x3dc: {  	v63 =	vor.u32 v18, v55;
	v56 =	vld.idx.msk [tilespmem:v58+s17+$0x0], $0xffff;
	v58 =	vadd.s32 v19, v24  }
0x3dd: {  	v60 =	vor.u32 v25, v58;
	_ =	sdelay $0x3  }
0x3de: {  	[tilespmem:v63+s18+$0x0] =	vst.idx.msk $0xffff, v56  }
0x3df: {  	v61 =	vor.u32 v20, v23;
	v56 =	vld.idx.msk [tilespmem:v60+s17+$0x0], $0xffff  }
0x3e0: {  	v62 =	vor.u32 v26, v58;
	_ =	sdelay $0x3  }
0x3e1: {  	[tilespmem:v61+s18+$0x0] =	vst.idx.msk $0xffff, v56  }
0x3e2: {  	v63 =	vor.u32 v20, v27;
	v56 =	vld.idx.msk [tilespmem:v62+s17+$0x0], $0xffff  }
0x3e3: {  	v60 =	vor.u32 v28, v58;
	_ =	sdelay $0x3  }
0x3e4: {  	[tilespmem:v63+s18+$0x0] =	vst.idx.msk $0xffff, v56  }
0x3e5: {  	v61 =	vor.u32 v20, v29;
	v56 =	vld.idx.msk [tilespmem:v60+s17+$0x0], $0xffff  }
0x3e6: {  	v62 =	vor.u32 v30, v58;
	_ =	sdelay $0x3  }
0x3e7: {  	[tilespmem:v61+s18+$0x0] =	vst.idx.msk $0xffff, v56  }
0x3e8: {  	v63 =	vor.u32 v20, v31;
	v56 =	vld.idx.msk [tilespmem:v62+s17+$0x0], $0xffff  }
0x3e9: {  	v60 =	vor.u32 v32, v58;
	_ =	sdelay $0x3  }
0x3ea: {  	[tilespmem:v63+s18+$0x0] =	vst.idx.msk $0xffff, v56  }
0x3eb: {  	v61 =	vor.u32 v20, v33;
	v56 =	vld.idx.msk [tilespmem:v60+s17+$0x0], $0xffff  }
0x3ec: {  	v62 =	vor.u32 v34, v58;
	_ =	sdelay $0x3  }
0x3ed: {  	[tilespmem:v61+s18+$0x0] =	vst.idx.msk $0xffff, v56  }
0x3ee: {  	v63 =	vor.u32 v20, v35;
	v56 =	vld.idx.msk [tilespmem:v62+s17+$0x0], $0xffff  }
0x3ef: {  	v60 =	vor.u32 v36, v58;
	_ =	sdelay $0x3  }
0x3f0: {  	[tilespmem:v63+s18+$0x0] =	vst.idx.msk $0xffff, v56  }
0x3f1: {  	v61 =	vor.u32 v20, v37;
	v56 =	vld.idx.msk [tilespmem:v60+s17+$0x0], $0xffff  }
0x3f2: {  	v62 =	vor.u32 v38, v58;
	_ =	sdelay $0x3  }
0x3f3: {  	[tilespmem:v61+s18+$0x0] =	vst.idx.msk $0xffff, v56  }
0x3f4: {  	v63 =	vor.u32 v20, v39;
	v56 =	vld.idx.msk [tilespmem:v62+s17+$0x0], $0xffff  }
0x3f5: {  	v60 =	vor.u32 v40, v58;
	_ =	sdelay $0x3  }
0x3f6: {  	[tilespmem:v63+s18+$0x0] =	vst.idx.msk $0xffff, v56  }
0x3f7: {  	v61 =	vor.u32 v20, v41;
	v56 =	vld.idx.msk [tilespmem:v60+s17+$0x0], $0xffff  }
0x3f8: {  	v62 =	vor.u32 v42, v58;
	_ =	sdelay $0x3  }
0x3f9: {  	[tilespmem:v61+s18+$0x0] =	vst.idx.msk $0xffff, v56  }
0x3fa: {  	v63 =	vor.u32 v20, v43;
	v56 =	vld.idx.msk [tilespmem:v62+s17+$0x0], $0xffff  }
0x3fb: {  	v60 =	vor.u32 v44, v58;
	_ =	sdelay $0x3  }
0x3fc: {  	[tilespmem:v63+s18+$0x0] =	vst.idx.msk $0xffff, v56  }
0x3fd: {  	v61 =	vor.u32 v20, v45;
	v56 =	vld.idx.msk [tilespmem:v60+s17+$0x0], $0xffff  }
0x3fe: {  	v62 =	vor.u32 v46, v58;
	_ =	sdelay $0x3  }
0x3ff: {  	[tilespmem:v61+s18+$0x0] =	vst.idx.msk $0xffff, v56  }
0x400: {  	v63 =	vor.u32 v20, v47;
	v56 =	vld.idx.msk [tilespmem:v62+s17+$0x0], $0xffff  }
0x401: {  	v60 =	vor.u32 v48, v58;
	_ =	sdelay $0x3  }
0x402: {  	[tilespmem:v63+s18+$0x0] =	vst.idx.msk $0xffff, v56  }
0x403: {  	v61 =	vor.u32 v20, v49;
	v56 =	vld.idx.msk [tilespmem:v60+s17+$0x0], $0xffff  }
0x404: {  	v62 =	vor.u32 v50, v58;
	_ =	sdelay $0x3  }
0x405: {  	[tilespmem:v61+s18+$0x0] =	vst.idx.msk $0xffff, v56  }
0x406: {  	v63 =	vor.u32 v20, v51;
	v56 =	vld.idx.msk [tilespmem:v62+s17+$0x0], $0xffff  }
0x407: {  	v60 =	vor.u32 v52, v58;
	_ =	sdelay $0x3  }
0x408: {  	[tilespmem:v63+s18+$0x0] =	vst.idx.msk $0xffff, v56  }
0x409: {  	v61 =	vor.u32 v20, v53;
	v56 =	vld.idx.msk [tilespmem:v60+s17+$0x0], $0xffff  }
0x40a: {  	v58 =	vor.u32 v54, v58;
	_ =	sdelay $0x3  }
0x40b: {  	[tilespmem:v61+s18+$0x0] =	vst.idx.msk $0xffff, v56  }
0x40c: {  	v24 =	vadd.s32 v21, v24;
	v62 =	vor.u32 v20, v55;
	v56 =	vld.idx.msk [tilespmem:v58+s17+$0x0], $0xffff  }
0x40d: {  	v25 =	vor.u32 v25, v24;
	_ =	sdelay $0x3  }
0x40e: {  	[tilespmem:v62+s18+$0x0] =	vst.idx.msk $0xffff, v56  }
0x40f: {  	v23 =	vor.u32 v22, v23;
	v25 =	vld.idx.msk [tilespmem:v25+s17+$0x0], $0xffff  }
0x410: {  	v26 =	vor.u32 v26, v24;
	_ =	sdelay $0x3  }
0x411: {  	[tilespmem:v23+s18+$0x0] =	vst.idx.msk $0xffff, v25  }
0x412: {  	v63 =	vor.u32 v22, v27;
	v23 =	vld.idx.msk [tilespmem:v26+s17+$0x0], $0xffff  }
0x413: {  	v28 =	vor.u32 v28, v24;
	_ =	sdelay $0x3  }
0x414: {  	[tilespmem:v63+s18+$0x0] =	vst.idx.msk $0xffff, v23  }
0x415: {  	v29 =	vor.u32 v22, v29;
	v23 =	vld.idx.msk [tilespmem:v28+s17+$0x0], $0xffff  }
0x416: {  	v30 =	vor.u32 v30, v24;
	_ =	sdelay $0x3  }
0x417: {  	[tilespmem:v29+s18+$0x0] =	vst.idx.msk $0xffff, v23  }
0x418: {  	v31 =	vor.u32 v22, v31;
	v23 =	vld.idx.msk [tilespmem:v30+s17+$0x0], $0xffff  }
0x419: {  	v32 =	vor.u32 v32, v24;
	_ =	sdelay $0x3  }
0x41a: {  	[tilespmem:v31+s18+$0x0] =	vst.idx.msk $0xffff, v23  }
0x41b: {  	v33 =	vor.u32 v22, v33;
	v23 =	vld.idx.msk [tilespmem:v32+s17+$0x0], $0xffff  }
0x41c: {  	v34 =	vor.u32 v34, v24;
	_ =	sdelay $0x3  }
0x41d: {  	[tilespmem:v33+s18+$0x0] =	vst.idx.msk $0xffff, v23  }
0x41e: {  	v35 =	vor.u32 v22, v35;
	v23 =	vld.idx.msk [tilespmem:v34+s17+$0x0], $0xffff  }
0x41f: {  	v36 =	vor.u32 v36, v24;
	_ =	sdelay $0x3  }
0x420: {  	[tilespmem:v35+s18+$0x0] =	vst.idx.msk $0xffff, v23  }
0x421: {  	v37 =	vor.u32 v22, v37;
	v23 =	vld.idx.msk [tilespmem:v36+s17+$0x0], $0xffff  }
0x422: {  	v38 =	vor.u32 v38, v24;
	_ =	sdelay $0x3  }
0x423: {  	[tilespmem:v37+s18+$0x0] =	vst.idx.msk $0xffff, v23  }
0x424: {  	v39 =	vor.u32 v22, v39;
	v23 =	vld.idx.msk [tilespmem:v38+s17+$0x0], $0xffff  }
0x425: {  	v40 =	vor.u32 v40, v24;
	_ =	sdelay $0x3  }
0x426: {  	[tilespmem:v39+s18+$0x0] =	vst.idx.msk $0xffff, v23  }
0x427: {  	v41 =	vor.u32 v22, v41;
	v23 =	vld.idx.msk [tilespmem:v40+s17+$0x0], $0xffff  }
0x428: {  	v42 =	vor.u32 v42, v24;
	_ =	sdelay $0x3  }
0x429: {  	[tilespmem:v41+s18+$0x0] =	vst.idx.msk $0xffff, v23  }
0x42a: {  	v43 =	vor.u32 v22, v43;
	v23 =	vld.idx.msk [tilespmem:v42+s17+$0x0], $0xffff  }
0x42b: {  	v44 =	vor.u32 v44, v24;
	_ =	sdelay $0x3  }
0x42c: {  	[tilespmem:v43+s18+$0x0] =	vst.idx.msk $0xffff, v23  }
0x42d: {  	v45 =	vor.u32 v22, v45;
	v23 =	vld.idx.msk [tilespmem:v44+s17+$0x0], $0xffff  }
0x42e: {  	v46 =	vor.u32 v46, v24;
	_ =	sdelay $0x3  }
0x42f: {  	[tilespmem:v45+s18+$0x0] =	vst.idx.msk $0xffff, v23  }
0x430: {  	v56 =	vor.u32 v22, v47;
	v23 =	vld.idx.msk [tilespmem:v46+s17+$0x0], $0xffff  }
0x431: {  	v57 =	vor.u32 v48, v24;
	_ =	sdelay $0x3  }
0x432: {  	[tilespmem:v56+s18+$0x0] =	vst.idx.msk $0xffff, v23  }
0x433: {  	v58 =	vor.u32 v22, v49;
	v23 =	vld.idx.msk [tilespmem:v57+s17+$0x0], $0xffff  }
0x434: {  	v59 =	vor.u32 v50, v24;
	_ =	sdelay $0x3  }
0x435: {  	[tilespmem:v58+s18+$0x0] =	vst.idx.msk $0xffff, v23  }
0x436: {  	v60 =	vor.u32 v22, v51;
	v23 =	vld.idx.msk [tilespmem:v59+s17+$0x0], $0xffff  }
0x437: {  	v61 =	vor.u32 v52, v24;
	_ =	sdelay $0x3  }
0x438: {  	[tilespmem:v60+s18+$0x0] =	vst.idx.msk $0xffff, v23  }
0x439: {  	v62 =	vor.u32 v22, v53;
	v23 =	vld.idx.msk [tilespmem:v61+s17+$0x0], $0xffff  }
0x43a: {  	v24 =	vor.u32 v54, v24;
	_ =	sdelay $0x3  }
0x43b: {  	[tilespmem:v62+s18+$0x0] =	vst.idx.msk $0xffff, v23  }
0x43c: {  	p0 =	seq.s32 s21, $0x31;
	v63 =	vor.u32 v22, v55;
	v23 =	vld.idx.msk [tilespmem:v24+s17+$0x0], $0xffff  }
.Ltmp5:
0x43d: {  	_ = 	snop;
	(pc) =	sbr.rel @p0 .LBB2_10-.Ltmp5, $2  }
0x43e: {  	_ =	sdelay $0x2  }
0x43f: {  	s24 =	simm.s32 $0x0;
	s26 =	smov.u32 s22;
	[tilespmem:v63+s18+$0x0] =	vst.idx.msk $0xffff, v23  }
.LBB2_9:
0x440: {  	v23 =	vld [tilespmem:s26+$0x0];
	_ =	sdelay $0x4  }
0x441: {  	(v2sf) =	vpush v23, $0x0;
	_ =	sdelay $0xb  }
0x442: {  	(v2sf) =	vpush v23, $0x1;
	_ =	sdelay $0x2  }
0x443: {  	s28 =	spop (v2sf)  }
0x444: {  	s29 =	sshrl.u32 s28, $0x3  }
0x445: {  	s28 =	sshll.u32 s28, $0x7;
	s29 =	smul.u32 $0xC00, s29  }
0x446: {  	s28 =	sand.u32 $0x380, s28  }
0x447: {  	s28 =	sor.u32 s28, s29  }
0x448: {  	s29 =	sshrl.u32 s28, $0x3;
	s28 =	sshra.s32 s24, $0x2  }
0x449: {  	s29 =	sadd.s32 s6, s29;
	s30 =	sadd.s32 $0x1C00, s28  }
0x44a: {  	[tilespmem:s30], [sflag:$0x1] =	stream.linear.gather [hbm4b:s29+s3], $0x80, $0x38;
	[tilespmem:$0x17400] =	vst v63  }
0x44b: {  	s31 =	sadd.s32 $0x2000, s28;
	s30 =	sadd.s32 $0x80, s29  }
0x44c: {  	(v2sf) =	vpush v23, $0x2;
	[tilespmem:s31], [sflag:$0x1] =	stream.linear.gather [hbm4b:s30+s3], $0x80, $0x38;
	[tilespmem:$0x17400] =	vst v63  }
0x44d: {  	s29 =	sadd.s32 $0x100, s29;
	s31 =	sadd.s32 $0x2400, s28  }
0x44e: {  	[tilespmem:s31], [sflag:$0x1] =	stream.linear.gather [hbm4b:s29+s3], $0x80, $0x38;
	[tilespmem:$0x17400] =	vst v63  }
0x44f: {  	s29 =	spop (v2sf)  }
0x450: {  	s31 =	sshrl.u32 s29, $0x3  }
0x451: {  	s29 =	sshll.u32 s29, $0x7;
	s30 =	smul.u32 $0xC00, s31  }
0x452: {  	s29 =	sand.u32 $0x380, s29  }
0x453: {  	s29 =	sor.u32 s29, s30  }
0x454: {  	s29 =	sshrl.u32 s29, $0x3  }
0x455: {  	s31 =	sadd.s32 $0x1C80, s28;
	s29 =	sadd.s32 s6, s29  }
0x456: {  	[tilespmem:s31], [sflag:$0x1] =	stream.linear.gather [hbm4b:s29+s3], $0x80, $0x38;
	[tilespmem:$0x17400] =	vst v63  }
0x457: {  	s30 =	sadd.s32 $0x80, s29;
	s31 =	sadd.s32 $0x2080, s28  }
0x458: {  	(v2sf) =	vpush v23, $0x3;
	[tilespmem:s31], [sflag:$0x1] =	stream.linear.gather [hbm4b:s30+s3], $0x80, $0x38;
	[tilespmem:$0x17400] =	vst v63  }
0x459: {  	s29 =	sadd.s32 $0x100, s29;
	s31 =	sadd.s32 $0x2480, s28  }
0x45a: {  	[tilespmem:s31], [sflag:$0x1] =	stream.linear.gather [hbm4b:s29+s3], $0x80, $0x38;
	[tilespmem:$0x17400] =	vst v63  }
0x45b: {  	s29 =	spop (v2sf)  }
0x45c: {  	s31 =	sshrl.u32 s29, $0x3  }
0x45d: {  	s29 =	sshll.u32 s29, $0x7;
	s30 =	smul.u32 $0xC00, s31  }
0x45e: {  	s29 =	sand.u32 $0x380, s29  }
0x45f: {  	s29 =	sor.u32 s29, s30  }
0x460: {  	s29 =	sshrl.u32 s29, $0x3  }
0x461: {  	s31 =	sadd.s32 $0x1D00, s28;
	s29 =	sadd.s32 s6, s29  }
0x462: {  	[tilespmem:s31], [sflag:$0x1] =	stream.linear.gather [hbm4b:s29+s3], $0x80, $0x38;
	[tilespmem:$0x17400] =	vst v63  }
0x463: {  	s30 =	sadd.s32 $0x80, s29;
	s31 =	sadd.s32 $0x2100, s28  }
0x464: {  	(v2sf) =	vpush v23, $0x4;
	[tilespmem:s31], [sflag:$0x1] =	stream.linear.gather [hbm4b:s30+s3], $0x80, $0x38;
	[tilespmem:$0x17400] =	vst v63  }
0x465: {  	s29 =	sadd.s32 $0x100, s29;
	s31 =	sadd.s32 $0x2500, s28  }
0x466: {  	[tilespmem:s31], [sflag:$0x1] =	stream.linear.gather [hbm4b:s29+s3], $0x80, $0x38;
	[tilespmem:$0x17400] =	vst v63  }
0x467: {  	s29 =	spop (v2sf)  }
0x468: {  	s31 =	sshrl.u32 s29, $0x3  }
0x469: {  	s29 =	sshll.u32 s29, $0x7;
	s30 =	smul.u32 $0xC00, s31  }
0x46a: {  	s29 =	sand.u32 $0x380, s29  }
0x46b: {  	s29 =	sor.u32 s29, s30  }
0x46c: {  	s29 =	sshrl.u32 s29, $0x3  }
0x46d: {  	s31 =	sadd.s32 $0x1D80, s28;
	s29 =	sadd.s32 s6, s29  }
0x46e: {  	[tilespmem:s31], [sflag:$0x1] =	stream.linear.gather [hbm4b:s29+s3], $0x80, $0x38;
	[tilespmem:$0x17400] =	vst v63  }
0x46f: {  	s30 =	sadd.s32 $0x80, s29;
	s31 =	sadd.s32 $0x2180, s28  }
0x470: {  	(v2sf) =	vpush v23, $0x5;
	[tilespmem:s31], [sflag:$0x1] =	stream.linear.gather [hbm4b:s30+s3], $0x80, $0x38;
	[tilespmem:$0x17400] =	vst v63  }
0x471: {  	s29 =	sadd.s32 $0x100, s29;
	s31 =	sadd.s32 $0x2580, s28  }
0x472: {  	[tilespmem:s31], [sflag:$0x1] =	stream.linear.gather [hbm4b:s29+s3], $0x80, $0x38;
	[tilespmem:$0x17400] =	vst v63  }
0x473: {  	s29 =	spop (v2sf)  }
0x474: {  	s31 =	sshrl.u32 s29, $0x3  }
0x475: {  	s29 =	sshll.u32 s29, $0x7;
	s30 =	smul.u32 $0xC00, s31  }
0x476: {  	s29 =	sand.u32 $0x380, s29  }
0x477: {  	s29 =	sor.u32 s29, s30  }
0x478: {  	s29 =	sshrl.u32 s29, $0x3  }
0x479: {  	s31 =	sadd.s32 $0x1E00, s28;
	s29 =	sadd.s32 s6, s29  }
0x47a: {  	[tilespmem:s31], [sflag:$0x1] =	stream.linear.gather [hbm4b:s29+s3], $0x80, $0x38;
	[tilespmem:$0x17400] =	vst v63  }
0x47b: {  	s30 =	sadd.s32 $0x80, s29;
	s31 =	sadd.s32 $0x2200, s28  }
0x47c: {  	(v2sf) =	vpush v23, $0x6;
	[tilespmem:s31], [sflag:$0x1] =	stream.linear.gather [hbm4b:s30+s3], $0x80, $0x38;
	[tilespmem:$0x17400] =	vst v63  }
0x47d: {  	s29 =	sadd.s32 $0x100, s29;
	s31 =	sadd.s32 $0x2600, s28  }
0x47e: {  	[tilespmem:s31], [sflag:$0x1] =	stream.linear.gather [hbm4b:s29+s3], $0x80, $0x38;
	[tilespmem:$0x17400] =	vst v63  }
0x47f: {  	s29 =	spop (v2sf)  }
0x480: {  	s31 =	sshrl.u32 s29, $0x3  }
0x481: {  	s29 =	sshll.u32 s29, $0x7;
	s30 =	smul.u32 $0xC00, s31  }
0x482: {  	s29 =	sand.u32 $0x380, s29  }
0x483: {  	s29 =	sor.u32 s29, s30  }
0x484: {  	s29 =	sshrl.u32 s29, $0x3  }
0x485: {  	s31 =	sadd.s32 $0x1E80, s28;
	s29 =	sadd.s32 s6, s29  }
0x486: {  	[tilespmem:s31], [sflag:$0x1] =	stream.linear.gather [hbm4b:s29+s3], $0x80, $0x38;
	[tilespmem:$0x17400] =	vst v63  }
0x487: {  	s30 =	sadd.s32 $0x80, s29;
	s31 =	sadd.s32 $0x2280, s28  }
0x488: {  	(v2sf) =	vpush v23, $0x7;
	[tilespmem:s31], [sflag:$0x1] =	stream.linear.gather [hbm4b:s30+s3], $0x80, $0x38;
	[tilespmem:$0x17400] =	vst v63  }
0x489: {  	s29 =	sadd.s32 $0x100, s29;
	s31 =	sadd.s32 $0x2680, s28  }
0x48a: {  	[tilespmem:s31], [sflag:$0x1] =	stream.linear.gather [hbm4b:s29+s3], $0x80, $0x38;
	[tilespmem:$0x17400] =	vst v63  }
0x48b: {  	s29 =	spop (v2sf)  }
0x48c: {  	s31 =	sshrl.u32 s29, $0x3  }
0x48d: {  	s29 =	sshll.u32 s29, $0x7;
	s30 =	smul.u32 $0xC00, s31  }
0x48e: {  	s29 =	sand.u32 $0x380, s29  }
0x48f: {  	s29 =	sor.u32 s29, s30  }
0x490: {  	s29 =	sshrl.u32 s29, $0x3  }
0x491: {  	s31 =	sadd.s32 $0x1F00, s28;
	s29 =	sadd.s32 s6, s29  }
0x492: {  	[tilespmem:s31], [sflag:$0x1] =	stream.linear.gather [hbm4b:s29+s3], $0x80, $0x38;
	[tilespmem:$0x17400] =	vst v63  }
0x493: {  	s30 =	sadd.s32 $0x80, s29;
	s31 =	sadd.s32 $0x2300, s28  }
0x494: {  	(v2sf) =	vpush v23, $0x8;
	[tilespmem:s31], [sflag:$0x1] =	stream.linear.gather [hbm4b:s30+s3], $0x80, $0x38;
	[tilespmem:$0x17400] =	vst v63  }
0x495: {  	s29 =	sadd.s32 $0x100, s29;
	s31 =	sadd.s32 $0x2700, s28  }
0x496: {  	[tilespmem:s31], [sflag:$0x1] =	stream.linear.gather [hbm4b:s29+s3], $0x80, $0x38;
	[tilespmem:$0x17400] =	vst v63  }
0x497: {  	s29 =	spop (v2sf)  }
0x498: {  	s31 =	sshrl.u32 s29, $0x3  }
0x499: {  	s29 =	sshll.u32 s29, $0x7;
	s30 =	smul.u32 $0xC00, s31  }
0x49a: {  	s29 =	sand.u32 $0x380, s29  }
0x49b: {  	s29 =	sor.u32 s29, s30  }
0x49c: {  	s29 =	sshrl.u32 s29, $0x3  }
0x49d: {  	s31 =	sadd.s32 $0x1F80, s28;
	s29 =	sadd.s32 s6, s29  }
0x49e: {  	[tilespmem:s31], [sflag:$0x1] =	stream.linear.gather [hbm4b:s29+s3], $0x80, $0x38;
	[tilespmem:$0x17400] =	vst v63  }
0x49f: {  	s30 =	sadd.s32 $0x80, s29;
	s31 =	sadd.s32 $0x2380, s28  }
0x4a0: {  	(v2sf) =	vpush v23, $0x9;
	[tilespmem:s31], [sflag:$0x1] =	stream.linear.gather [hbm4b:s30+s3], $0x80, $0x38;
	[tilespmem:$0x17400] =	vst v63  }
0x4a1: {  	s29 =	sadd.s32 $0x100, s29;
	s31 =	sadd.s32 $0x2780, s28  }
0x4a2: {  	[tilespmem:s31], [sflag:$0x1] =	stream.linear.gather [hbm4b:s29+s3], $0x80, $0x38;
	[tilespmem:$0x17400] =	vst v63  }
0x4a3: {  	s29 =	spop (v2sf)  }
0x4a4: {  	s31 =	sshrl.u32 s29, $0x3  }
0x4a5: {  	s29 =	sshll.u32 s29, $0x7;
	s30 =	smul.u32 $0xC00, s31  }
0x4a6: {  	s29 =	sand.u32 $0x380, s29  }
0x4a7: {  	s29 =	sor.u32 s29, s30  }
0x4a8: {  	s29 =	sshrl.u32 s29, $0x3  }
0x4a9: {  	s31 =	sadd.s32 $0x2800, s28;
	s29 =	sadd.s32 s6, s29  }
0x4aa: {  	[tilespmem:s31], [sflag:$0x1] =	stream.linear.gather [hbm4b:s29+s3], $0x80, $0x38;
	[tilespmem:$0x17400] =	vst v63  }
0x4ab: {  	s30 =	sadd.s32 $0x80, s29;
	s31 =	sadd.s32 $0x2C00, s28  }
0x4ac: {  	(v2sf) =	vpush v23, $0xA;
	[tilespmem:s31], [sflag:$0x1] =	stream.linear.gather [hbm4b:s30+s3], $0x80, $0x38;
	[tilespmem:$0x17400] =	vst v63  }
0x4ad: {  	s29 =	sadd.s32 $0x100, s29;
	s31 =	sadd.s32 $0x3000, s28  }
0x4ae: {  	[tilespmem:s31], [sflag:$0x1] =	stream.linear.gather [hbm4b:s29+s3], $0x80, $0x38;
	[tilespmem:$0x17400] =	vst v63  }
0x4af: {  	s29 =	spop (v2sf)  }
0x4b0: {  	s31 =	sshrl.u32 s29, $0x3  }
0x4b1: {  	s29 =	sshll.u32 s29, $0x7;
	s30 =	smul.u32 $0xC00, s31  }
0x4b2: {  	s29 =	sand.u32 $0x380, s29  }
0x4b3: {  	s29 =	sor.u32 s29, s30  }
0x4b4: {  	s29 =	sshrl.u32 s29, $0x3  }
0x4b5: {  	s31 =	sadd.s32 $0x2880, s28;
	s29 =	sadd.s32 s6, s29  }
0x4b6: {  	[tilespmem:s31], [sflag:$0x1] =	stream.linear.gather [hbm4b:s29+s3], $0x80, $0x38;
	[tilespmem:$0x17400] =	vst v63  }
0x4b7: {  	s30 =	sadd.s32 $0x80, s29;
	s31 =	sadd.s32 $0x2C80, s28  }
0x4b8: {  	(v2sf) =	vpush v23, $0xB;
	[tilespmem:s31], [sflag:$0x1] =	stream.linear.gather [hbm4b:s30+s3], $0x80, $0x38;
	[tilespmem:$0x17400] =	vst v63  }
0x4b9: {  	s29 =	sadd.s32 $0x100, s29;
	s31 =	sadd.s32 $0x3080, s28  }
0x4ba: {  	[tilespmem:s31], [sflag:$0x1] =	stream.linear.gather [hbm4b:s29+s3], $0x80, $0x38;
	[tilespmem:$0x17400] =	vst v63  }
0x4bb: {  	s29 =	spop (v2sf)  }
0x4bc: {  	s31 =	sshrl.u32 s29, $0x3  }
0x4bd: {  	s29 =	sshll.u32 s29, $0x7;
	s30 =	smul.u32 $0xC00, s31  }
0x4be: {  	s29 =	sand.u32 $0x380, s29  }
0x4bf: {  	s29 =	sor.u32 s29, s30  }
0x4c0: {  	s29 =	sshrl.u32 s29, $0x3  }
0x4c1: {  	s31 =	sadd.s32 $0x2900, s28;
	s29 =	sadd.s32 s6, s29  }
0x4c2: {  	[tilespmem:s31], [sflag:$0x1] =	stream.linear.gather [hbm4b:s29+s3], $0x80, $0x38;
	[tilespmem:$0x17400] =	vst v63  }
0x4c3: {  	s30 =	sadd.s32 $0x80, s29;
	s31 =	sadd.s32 $0x2D00, s28  }
0x4c4: {  	(v2sf) =	vpush v23, $0xC;
	[tilespmem:s31], [sflag:$0x1] =	stream.linear.gather [hbm4b:s30+s3], $0x80, $0x38;
	[tilespmem:$0x17400] =	vst v63  }
0x4c5: {  	s29 =	sadd.s32 $0x100, s29;
	s31 =	sadd.s32 $0x3100, s28  }
0x4c6: {  	[tilespmem:s31], [sflag:$0x1] =	stream.linear.gather [hbm4b:s29+s3], $0x80, $0x38;
	[tilespmem:$0x17400] =	vst v63  }
0x4c7: {  	s29 =	spop (v2sf)  }
0x4c8: {  	s31 =	sshrl.u32 s29, $0x3  }
0x4c9: {  	s29 =	sshll.u32 s29, $0x7;
	s30 =	smul.u32 $0xC00, s31  }
0x4ca: {  	s29 =	sand.u32 $0x380, s29  }
0x4cb: {  	s29 =	sor.u32 s29, s30  }
0x4cc: {  	s29 =	sshrl.u32 s29, $0x3  }
0x4cd: {  	s31 =	sadd.s32 $0x2980, s28;
	s29 =	sadd.s32 s6, s29  }
0x4ce: {  	[tilespmem:s31], [sflag:$0x1] =	stream.linear.gather [hbm4b:s29+s3], $0x80, $0x38;
	[tilespmem:$0x17400] =	vst v63  }
0x4cf: {  	s30 =	sadd.s32 $0x80, s29;
	s31 =	sadd.s32 $0x2D80, s28  }
0x4d0: {  	(v2sf) =	vpush v23, $0xD;
	[tilespmem:s31], [sflag:$0x1] =	stream.linear.gather [hbm4b:s30+s3], $0x80, $0x38;
	[tilespmem:$0x17400] =	vst v63  }
0x4d1: {  	s29 =	sadd.s32 $0x100, s29;
	s31 =	sadd.s32 $0x3180, s28  }
0x4d2: {  	[tilespmem:s31], [sflag:$0x1] =	stream.linear.gather [hbm4b:s29+s3], $0x80, $0x38;
	[tilespmem:$0x17400] =	vst v63  }
0x4d3: {  	s29 =	spop (v2sf)  }
0x4d4: {  	s31 =	sshrl.u32 s29, $0x3  }
0x4d5: {  	s29 =	sshll.u32 s29, $0x7;
	s30 =	smul.u32 $0xC00, s31  }
0x4d6: {  	s29 =	sand.u32 $0x380, s29  }
0x4d7: {  	s29 =	sor.u32 s29, s30  }
0x4d8: {  	s29 =	sshrl.u32 s29, $0x3  }
0x4d9: {  	s31 =	sadd.s32 $0x2A00, s28;
	s29 =	sadd.s32 s6, s29  }
0x4da: {  	(v2sf) =	vpush v23, $0xE;
	[tilespmem:s31], [sflag:$0x1] =	stream.linear.gather [hbm4b:s29+s3], $0x80, $0x38;
	[tilespmem:$0x17400] =	vst v63  }
0x4db: {  	s30 =	sadd.s32 $0x80, s29;
	s31 =	sadd.s32 $0x2E00, s28  }
0x4dc: {  	[tilespmem:s31], [sflag:$0x1] =	stream.linear.gather [hbm4b:s30+s3], $0x80, $0x38;
	[tilespmem:$0x17400] =	vst v63  }
0x4dd: {  	s29 =	sadd.s32 $0x100, s29;
	s31 =	sadd.s32 $0x3200, s28  }
0x4de: {  	[tilespmem:s31], [sflag:$0x1] =	stream.linear.gather [hbm4b:s29+s3], $0x80, $0x38;
	[tilespmem:$0x17400] =	vst v63  }
0x4df: {  	s29 =	spop (v2sf)  }
0x4e0: {  	s31 =	sshrl.u32 s29, $0x3  }
0x4e1: {  	s29 =	sshll.u32 s29, $0x7;
	s30 =	smul.u32 $0xC00, s31  }
0x4e2: {  	s29 =	sand.u32 $0x380, s29  }
0x4e3: {  	s29 =	sor.u32 s29, s30  }
0x4e4: {  	s29 =	sshrl.u32 s29, $0x3  }
0x4e5: {  	s31 =	sadd.s32 $0x2A80, s28;
	s29 =	sadd.s32 s6, s29  }
0x4e6: {  	[tilespmem:s31], [sflag:$0x1] =	stream.linear.gather [hbm4b:s29+s3], $0x80, $0x38;
	[tilespmem:$0x17400] =	vst v63  }
0x4e7: {  	(v2sf) =	vpush v23, $0xF;
	s30 =	sadd.s32 $0x80, s29;
	s31 =	sadd.s32 $0x2E80, s28  }
0x4e8: {  	[tilespmem:s31], [sflag:$0x1] =	stream.linear.gather [hbm4b:s30+s3], $0x80, $0x38;
	[tilespmem:$0x17400] =	vst v63  }
0x4e9: {  	s29 =	sadd.s32 $0x100, s29;
	s30 =	spop (v2sf);
	s31 =	sadd.s32 $0x3280, s28  }
0x4ea: {  	[tilespmem:s31], [sflag:$0x1] =	stream.linear.gather [hbm4b:s29+s3], $0x80, $0x38;
	[tilespmem:$0x17400] =	vst v63  }
0x4eb: {  	s31 =	sshrl.u32 s30, $0x3  }
0x4ec: {  	s30 =	sshll.u32 s30, $0x7;
	s29 =	smul.u32 $0xC00, s31  }
0x4ed: {  	s30 =	sand.u32 $0x380, s30  }
0x4ee: {  	s29 =	sor.u32 s30, s29  }
0x4ef: {  	s29 =	sshrl.u32 s29, $0x3  }
0x4f0: {  	s31 =	sadd.s32 $0x2B00, s28;
	s29 =	sadd.s32 s6, s29  }
0x4f1: {  	[tilespmem:s31], [sflag:$0x1] =	stream.linear.gather [hbm4b:s29+s3], $0x80, $0x38;
	[tilespmem:$0x17400] =	vst v63  }
0x4f2: {  	s30 =	sadd.s32 $0x80, s29;
	s31 =	sadd.s32 $0x2F00, s28  }
0x4f3: {  	[tilespmem:s31], [sflag:$0x1] =	stream.linear.gather [hbm4b:s30+s3], $0x80, $0x38;
	[tilespmem:$0x17400] =	vst v63  }
0x4f4: {  	s29 =	sadd.s32 $0x100, s29;
	s31 =	sadd.s32 $0x3300, s28  }
0x4f5: {  	[tilespmem:s31], [sflag:$0x1] =	stream.linear.gather [hbm4b:s29+s3], $0x80, $0x38;
	[tilespmem:$0x17400] =	vst v63  }
0x4f6: {  	s29 =	spop (v2sf)  }
0x4f7: {  	s31 =	sshrl.u32 s29, $0x3  }
0x4f8: {  	s29 =	sshll.u32 s29, $0x7;
	s30 =	smul.u32 $0xC00, s31  }
0x4f9: {  	s29 =	sand.u32 $0x380, s29  }
0x4fa: {  	s29 =	sor.u32 s29, s30  }
0x4fb: {  	s29 =	sshrl.u32 s29, $0x3  }
0x4fc: {  	p1 =	sne.s32 s24, $0x12000;
	s31 =	sadd.s32 $0x2B80, s28;
	s29 =	sadd.s32 s6, s29  }
0x4fd: {  	[tilespmem:s31], [sflag:$0x1] =	stream.linear.gather [hbm4b:s29+s3], $0x80, $0x38;
	[tilespmem:$0x17400] =	vst v63  }
.Ltmp6:
0x4fe: {  	_ = 	snop;
	(pc) =	sbr.rel @p1 .LBB2_9-.Ltmp6, $4  }
0x4ff: {  	s26 =	sadd.s32 $0x10, s26;
	s30 =	sadd.s32 $0x80, s29;
	s31 =	sadd.s32 $0x2F80, s28  }
0x500: {  	[tilespmem:s31], [sflag:$0x1] =	stream.linear.gather [hbm4b:s30+s3], $0x80, $0x38;
	[tilespmem:$0x17400] =	vst v63  }
0x501: {  	s24 =	sadd.s32 $0x6000, s24;
	s29 =	sadd.s32 $0x100, s29;
	s28 =	sadd.s32 $0x3380, s28  }
0x502: {  	[tilespmem:s28], [sflag:$0x1] =	stream.linear.gather [hbm4b:s29+s3], $0x80, $0x38;
	[tilespmem:$0x17400] =	vst v63  }
.LBB2_10:
0x503: {  	s24 =	simm.s32 $0x0  }
0x504: {  	v23 =	vmov s24  }
0x505: {  	v23 =	vshll.u32 v23, $0x3  }
0x506: {  	v24 =	vor.u32 s24, v0;
	v26 =	vand.u32 $0xC00, v23  }
0x507: {  	v28 =	vand.u32 $0x7F, v24;
	v25 =	vadd.s32 v1, v26  }
0x508: {  	v27 =	vor.u32 v28, v25;
	_ =	sdelay $0x1  }
0x509: {  	_ =	swait.ge [sflag:s19], $0x6000  }
0x50a: {  	[sflag:s19] =	ssyncset.done $0x0  }
0x50b: {  	[sflag:s19] =	ssyncadd.s32 $0xFFFFA000;
	v29 =	vshll.u32 v24, $0x7;
	v24 =	vor.u32 s24, v2;
	v23 =	vor.u32 $0x40, v0  }
0x50c: {  	v30 =	vand.u32 $0x7F, v24;
	v31 =	vor.u32 v23, v29;
	v27 =	vld.idx.msk [tilespmem:v27+s20+$0x0], $0xffff  }
0x50d: {  	v32 =	vor.u32 v30, v25;
	_ =	sdelay $0x3  }
0x50e: {  	[tilespmem:v31+s18+$0x0] =	vst.idx.msk $0xffff, v27;
	v31 =	vshll.u32 v24, $0x7;
	v24 =	vor.u32 s24, v3  }
0x50f: {  	v27 =	vld.idx.msk [tilespmem:v32+s20+$0x0], $0xffff;
	v33 =	vor.u32 v23, v31;
	v32 =	vand.u32 $0x7F, v24  }
0x510: {  	v34 =	vor.u32 v32, v25;
	_ =	sdelay $0x3  }
0x511: {  	[tilespmem:v33+s18+$0x0] =	vst.idx.msk $0xffff, v27;
	v33 =	vshll.u32 v24, $0x7;
	v24 =	vor.u32 s24, v4  }
0x512: {  	v27 =	vld.idx.msk [tilespmem:v34+s20+$0x0], $0xffff;
	v35 =	vor.u32 v23, v33;
	v34 =	vand.u32 $0x7F, v24  }
0x513: {  	v36 =	vor.u32 v34, v25;
	_ =	sdelay $0x3  }
0x514: {  	[tilespmem:v35+s18+$0x0] =	vst.idx.msk $0xffff, v27;
	v35 =	vshll.u32 v24, $0x7;
	v24 =	vor.u32 s24, v5  }
0x515: {  	v27 =	vld.idx.msk [tilespmem:v36+s20+$0x0], $0xffff;
	v37 =	vor.u32 v23, v35;
	v36 =	vand.u32 $0x7F, v24  }
0x516: {  	v38 =	vor.u32 v36, v25;
	_ =	sdelay $0x3  }
0x517: {  	[tilespmem:v37+s18+$0x0] =	vst.idx.msk $0xffff, v27;
	v37 =	vshll.u32 v24, $0x7;
	v24 =	vor.u32 s24, v6  }
0x518: {  	v27 =	vld.idx.msk [tilespmem:v38+s20+$0x0], $0xffff;
	v39 =	vor.u32 v23, v37;
	v38 =	vand.u32 $0x7F, v24  }
0x519: {  	v40 =	vor.u32 v38, v25;
	_ =	sdelay $0x3  }
0x51a: {  	[tilespmem:v39+s18+$0x0] =	vst.idx.msk $0xffff, v27;
	v39 =	vshll.u32 v24, $0x7;
	v24 =	vor.u32 s24, v7  }
0x51b: {  	v27 =	vld.idx.msk [tilespmem:v40+s20+$0x0], $0xffff;
	v41 =	vor.u32 v23, v39;
	v40 =	vand.u32 $0x7F, v24  }
0x51c: {  	v42 =	vor.u32 v40, v25;
	_ =	sdelay $0x3  }
0x51d: {  	[tilespmem:v41+s18+$0x0] =	vst.idx.msk $0xffff, v27;
	v41 =	vshll.u32 v24, $0x7;
	v24 =	vor.u32 s24, v8  }
0x51e: {  	v27 =	vld.idx.msk [tilespmem:v42+s20+$0x0], $0xffff;
	v43 =	vor.u32 v23, v41;
	v42 =	vand.u32 $0x7F, v24  }
0x51f: {  	v44 =	vor.u32 v42, v25;
	_ =	sdelay $0x3  }
0x520: {  	[tilespmem:v43+s18+$0x0] =	vst.idx.msk $0xffff, v27;
	v43 =	vshll.u32 v24, $0x7;
	v24 =	vor.u32 s24, v9  }
0x521: {  	v27 =	vld.idx.msk [tilespmem:v44+s20+$0x0], $0xffff;
	v45 =	vor.u32 v23, v43;
	v44 =	vand.u32 $0x7F, v24  }
0x522: {  	v46 =	vor.u32 v44, v25;
	_ =	sdelay $0x3  }
0x523: {  	[tilespmem:v45+s18+$0x0] =	vst.idx.msk $0xffff, v27;
	v45 =	vshll.u32 v24, $0x7;
	v24 =	vor.u32 s24, v10  }
0x524: {  	v27 =	vld.idx.msk [tilespmem:v46+s20+$0x0], $0xffff;
	v47 =	vor.u32 v23, v45;
	v46 =	vand.u32 $0x7F, v24  }
0x525: {  	v48 =	vor.u32 v46, v25;
	_ =	sdelay $0x3  }
0x526: {  	[tilespmem:v47+s18+$0x0] =	vst.idx.msk $0xffff, v27;
	v47 =	vshll.u32 v24, $0x7;
	v24 =	vor.u32 s24, v11  }
0x527: {  	v27 =	vld.idx.msk [tilespmem:v48+s20+$0x0], $0xffff;
	v49 =	vor.u32 v23, v47;
	v48 =	vand.u32 $0x7F, v24  }
0x528: {  	v50 =	vor.u32 v48, v25;
	_ =	sdelay $0x3  }
0x529: {  	[tilespmem:v49+s18+$0x0] =	vst.idx.msk $0xffff, v27;
	v49 =	vshll.u32 v24, $0x7;
	v24 =	vor.u32 s24, v12  }
0x52a: {  	v27 =	vld.idx.msk [tilespmem:v50+s20+$0x0], $0xffff;
	v51 =	vor.u32 v23, v49;
	v50 =	vand.u32 $0x7F, v24  }
0x52b: {  	v52 =	vor.u32 v50, v25;
	_ =	sdelay $0x3  }
0x52c: {  	[tilespmem:v51+s18+$0x0] =	vst.idx.msk $0xffff, v27;
	v51 =	vshll.u32 v24, $0x7;
	v24 =	vor.u32 s24, v13  }
0x52d: {  	v27 =	vld.idx.msk [tilespmem:v52+s20+$0x0], $0xffff;
	v53 =	vor.u32 v23, v51;
	v52 =	vand.u32 $0x7F, v24  }
0x52e: {  	v54 =	vor.u32 v52, v25;
	_ =	sdelay $0x3  }
0x52f: {  	[tilespmem:v53+s18+$0x0] =	vst.idx.msk $0xffff, v27;
	v53 =	vshll.u32 v24, $0x7;
	v24 =	vor.u32 s24, v14  }
0x530: {  	v27 =	vld.idx.msk [tilespmem:v54+s20+$0x0], $0xffff;
	v55 =	vor.u32 v23, v53;
	v54 =	vand.u32 $0x7F, v24  }
0x531: {  	v56 =	vor.u32 v54, v25;
	_ =	sdelay $0x3  }
0x532: {  	[tilespmem:v55+s18+$0x0] =	vst.idx.msk $0xffff, v27;
	v55 =	vshll.u32 v24, $0x7;
	v24 =	vor.u32 s24, v15  }
0x533: {  	v27 =	vld.idx.msk [tilespmem:v56+s20+$0x0], $0xffff;
	v63 =	vor.u32 v23, v55;
	v57 =	vand.u32 $0x7F, v24  }
0x534: {  	v58 =	vor.u32 v57, v25;
	_ =	sdelay $0x3  }
0x535: {  	v56 =	vshll.u32 v24, $0x7;
	v24 =	vor.u32 s24, v16;
	[tilespmem:v63+s18+$0x0] =	vst.idx.msk $0xffff, v27  }
0x536: {  	v59 =	vor.u32 v23, v56;
	v27 =	vld.idx.msk [tilespmem:v58+s20+$0x0], $0xffff;
	v58 =	vand.u32 $0x7F, v24  }
0x537: {  	v25 =	vor.u32 v58, v25;
	_ =	sdelay $0x3  }
0x538: {  	[tilespmem:v59+s18+$0x0] =	vst.idx.msk $0xffff, v27;
	v27 =	vshll.u32 v24, $0x7  }
0x539: {  	v59 =	vadd.s32 v17, v26;
	v24 =	vld.idx.msk [tilespmem:v25+s20+$0x0], $0xffff;
	v25 =	vor.u32 v23, v27  }
0x53a: {  	v60 =	vor.u32 v28, v59;
	_ =	sdelay $0x3  }
0x53b: {  	[tilespmem:v25+s18+$0x0] =	vst.idx.msk $0xffff, v24;
	v24 =	vor.u32 $0x50, v0  }
0x53c: {  	v25 =	vld.idx.msk [tilespmem:v60+s20+$0x0], $0xffff;
	v60 =	vor.u32 v24, v29  }
0x53d: {  	v61 =	vor.u32 v30, v59;
	_ =	sdelay $0x3  }
0x53e: {  	[tilespmem:v60+s18+$0x0] =	vst.idx.msk $0xffff, v25  }
0x53f: {  	v60 =	vor.u32 v24, v31;
	v25 =	vld.idx.msk [tilespmem:v61+s20+$0x0], $0xffff  }
0x540: {  	v61 =	vor.u32 v32, v59;
	_ =	sdelay $0x3  }
0x541: {  	[tilespmem:v60+s18+$0x0] =	vst.idx.msk $0xffff, v25  }
0x542: {  	v60 =	vor.u32 v24, v33;
	v25 =	vld.idx.msk [tilespmem:v61+s20+$0x0], $0xffff  }
0x543: {  	v61 =	vor.u32 v34, v59;
	_ =	sdelay $0x3  }
0x544: {  	[tilespmem:v60+s18+$0x0] =	vst.idx.msk $0xffff, v25  }
0x545: {  	v60 =	vor.u32 v24, v35;
	v25 =	vld.idx.msk [tilespmem:v61+s20+$0x0], $0xffff  }
0x546: {  	v61 =	vor.u32 v36, v59;
	_ =	sdelay $0x3  }
0x547: {  	[tilespmem:v60+s18+$0x0] =	vst.idx.msk $0xffff, v25  }
0x548: {  	v60 =	vor.u32 v24, v37;
	v25 =	vld.idx.msk [tilespmem:v61+s20+$0x0], $0xffff  }
0x549: {  	v61 =	vor.u32 v38, v59;
	_ =	sdelay $0x3  }
0x54a: {  	[tilespmem:v60+s18+$0x0] =	vst.idx.msk $0xffff, v25  }
0x54b: {  	v60 =	vor.u32 v24, v39;
	v25 =	vld.idx.msk [tilespmem:v61+s20+$0x0], $0xffff  }
0x54c: {  	v61 =	vor.u32 v40, v59;
	_ =	sdelay $0x3  }
0x54d: {  	[tilespmem:v60+s18+$0x0] =	vst.idx.msk $0xffff, v25  }
0x54e: {  	v60 =	vor.u32 v24, v41;
	v25 =	vld.idx.msk [tilespmem:v61+s20+$0x0], $0xffff  }
0x54f: {  	v61 =	vor.u32 v42, v59;
	_ =	sdelay $0x3  }
0x550: {  	[tilespmem:v60+s18+$0x0] =	vst.idx.msk $0xffff, v25  }
0x551: {  	v60 =	vor.u32 v24, v43;
	v25 =	vld.idx.msk [tilespmem:v61+s20+$0x0], $0xffff  }
0x552: {  	v61 =	vor.u32 v44, v59;
	_ =	sdelay $0x3  }
0x553: {  	[tilespmem:v60+s18+$0x0] =	vst.idx.msk $0xffff, v25  }
0x554: {  	v60 =	vor.u32 v24, v45;
	v25 =	vld.idx.msk [tilespmem:v61+s20+$0x0], $0xffff  }
0x555: {  	v61 =	vor.u32 v46, v59;
	_ =	sdelay $0x3  }
0x556: {  	[tilespmem:v60+s18+$0x0] =	vst.idx.msk $0xffff, v25  }
0x557: {  	v60 =	vor.u32 v24, v47;
	v25 =	vld.idx.msk [tilespmem:v61+s20+$0x0], $0xffff  }
0x558: {  	v61 =	vor.u32 v48, v59;
	_ =	sdelay $0x3  }
0x559: {  	[tilespmem:v60+s18+$0x0] =	vst.idx.msk $0xffff, v25  }
0x55a: {  	v60 =	vor.u32 v24, v49;
	v25 =	vld.idx.msk [tilespmem:v61+s20+$0x0], $0xffff  }
0x55b: {  	v61 =	vor.u32 v50, v59;
	_ =	sdelay $0x3  }
0x55c: {  	[tilespmem:v60+s18+$0x0] =	vst.idx.msk $0xffff, v25  }
0x55d: {  	v60 =	vor.u32 v24, v51;
	v25 =	vld.idx.msk [tilespmem:v61+s20+$0x0], $0xffff  }
0x55e: {  	v61 =	vor.u32 v52, v59;
	_ =	sdelay $0x3  }
0x55f: {  	[tilespmem:v60+s18+$0x0] =	vst.idx.msk $0xffff, v25  }
0x560: {  	v60 =	vor.u32 v24, v53;
	v25 =	vld.idx.msk [tilespmem:v61+s20+$0x0], $0xffff  }
0x561: {  	v61 =	vor.u32 v54, v59;
	_ =	sdelay $0x3  }
0x562: {  	[tilespmem:v60+s18+$0x0] =	vst.idx.msk $0xffff, v25  }
0x563: {  	v60 =	vor.u32 v24, v55;
	v25 =	vld.idx.msk [tilespmem:v61+s20+$0x0], $0xffff  }
0x564: {  	v61 =	vor.u32 v57, v59;
	_ =	sdelay $0x3  }
0x565: {  	[tilespmem:v60+s18+$0x0] =	vst.idx.msk $0xffff, v25  }
0x566: {  	v60 =	vor.u32 v24, v56;
	v25 =	vld.idx.msk [tilespmem:v61+s20+$0x0], $0xffff  }
0x567: {  	v59 =	vor.u32 v58, v59;
	_ =	sdelay $0x3  }
0x568: {  	[tilespmem:v60+s18+$0x0] =	vst.idx.msk $0xffff, v25  }
0x569: {  	v60 =	vadd.s32 v19, v26;
	v25 =	vld.idx.msk [tilespmem:v59+s20+$0x0], $0xffff;
	v59 =	vor.u32 v24, v27  }
0x56a: {  	v61 =	vor.u32 v28, v60;
	_ =	sdelay $0x3  }
0x56b: {  	[tilespmem:v59+s18+$0x0] =	vst.idx.msk $0xffff, v25;
	v25 =	vor.u32 $0x60, v0  }
0x56c: {  	v59 =	vld.idx.msk [tilespmem:v61+s20+$0x0], $0xffff;
	v61 =	vor.u32 v25, v29  }
0x56d: {  	v62 =	vor.u32 v30, v60;
	_ =	sdelay $0x3  }
0x56e: {  	[tilespmem:v61+s18+$0x0] =	vst.idx.msk $0xffff, v59  }
0x56f: {  	v61 =	vor.u32 v25, v31;
	v59 =	vld.idx.msk [tilespmem:v62+s20+$0x0], $0xffff  }
0x570: {  	v62 =	vor.u32 v32, v60;
	_ =	sdelay $0x3  }
0x571: {  	[tilespmem:v61+s18+$0x0] =	vst.idx.msk $0xffff, v59  }
0x572: {  	v61 =	vor.u32 v25, v33;
	v59 =	vld.idx.msk [tilespmem:v62+s20+$0x0], $0xffff  }
0x573: {  	v62 =	vor.u32 v34, v60;
	_ =	sdelay $0x3  }
0x574: {  	[tilespmem:v61+s18+$0x0] =	vst.idx.msk $0xffff, v59  }
0x575: {  	v61 =	vor.u32 v25, v35;
	v59 =	vld.idx.msk [tilespmem:v62+s20+$0x0], $0xffff  }
0x576: {  	v62 =	vor.u32 v36, v60;
	_ =	sdelay $0x3  }
0x577: {  	[tilespmem:v61+s18+$0x0] =	vst.idx.msk $0xffff, v59  }
0x578: {  	v61 =	vor.u32 v25, v37;
	v59 =	vld.idx.msk [tilespmem:v62+s20+$0x0], $0xffff  }
0x579: {  	v62 =	vor.u32 v38, v60;
	_ =	sdelay $0x3  }
0x57a: {  	[tilespmem:v61+s18+$0x0] =	vst.idx.msk $0xffff, v59  }
0x57b: {  	v61 =	vor.u32 v25, v39;
	v59 =	vld.idx.msk [tilespmem:v62+s20+$0x0], $0xffff  }
0x57c: {  	v62 =	vor.u32 v40, v60;
	_ =	sdelay $0x3  }
0x57d: {  	[tilespmem:v61+s18+$0x0] =	vst.idx.msk $0xffff, v59  }
0x57e: {  	v61 =	vor.u32 v25, v41;
	v59 =	vld.idx.msk [tilespmem:v62+s20+$0x0], $0xffff  }
0x57f: {  	v62 =	vor.u32 v42, v60;
	_ =	sdelay $0x3  }
0x580: {  	[tilespmem:v61+s18+$0x0] =	vst.idx.msk $0xffff, v59  }
0x581: {  	v61 =	vor.u32 v25, v43;
	v59 =	vld.idx.msk [tilespmem:v62+s20+$0x0], $0xffff  }
0x582: {  	v62 =	vor.u32 v44, v60;
	_ =	sdelay $0x3  }
0x583: {  	[tilespmem:v61+s18+$0x0] =	vst.idx.msk $0xffff, v59  }
0x584: {  	v61 =	vor.u32 v25, v45;
	v59 =	vld.idx.msk [tilespmem:v62+s20+$0x0], $0xffff  }
0x585: {  	v62 =	vor.u32 v46, v60;
	_ =	sdelay $0x3  }
0x586: {  	[tilespmem:v61+s18+$0x0] =	vst.idx.msk $0xffff, v59  }
0x587: {  	v61 =	vor.u32 v25, v47;
	v59 =	vld.idx.msk [tilespmem:v62+s20+$0x0], $0xffff  }
0x588: {  	v62 =	vor.u32 v48, v60;
	_ =	sdelay $0x3  }
0x589: {  	[tilespmem:v61+s18+$0x0] =	vst.idx.msk $0xffff, v59  }
0x58a: {  	v61 =	vor.u32 v25, v49;
	v59 =	vld.idx.msk [tilespmem:v62+s20+$0x0], $0xffff  }
0x58b: {  	v62 =	vor.u32 v50, v60;
	_ =	sdelay $0x3  }
0x58c: {  	[tilespmem:v61+s18+$0x0] =	vst.idx.msk $0xffff, v59  }
0x58d: {  	v61 =	vor.u32 v25, v51;
	v59 =	vld.idx.msk [tilespmem:v62+s20+$0x0], $0xffff  }
0x58e: {  	v62 =	vor.u32 v52, v60;
	_ =	sdelay $0x3  }
0x58f: {  	[tilespmem:v61+s18+$0x0] =	vst.idx.msk $0xffff, v59  }
0x590: {  	v61 =	vor.u32 v25, v53;
	v59 =	vld.idx.msk [tilespmem:v62+s20+$0x0], $0xffff  }
0x591: {  	v62 =	vor.u32 v54, v60;
	_ =	sdelay $0x3  }
0x592: {  	[tilespmem:v61+s18+$0x0] =	vst.idx.msk $0xffff, v59  }
0x593: {  	v61 =	vor.u32 v25, v55;
	v59 =	vld.idx.msk [tilespmem:v62+s20+$0x0], $0xffff  }
0x594: {  	v62 =	vor.u32 v57, v60;
	_ =	sdelay $0x3  }
0x595: {  	[tilespmem:v61+s18+$0x0] =	vst.idx.msk $0xffff, v59  }
0x596: {  	v61 =	vor.u32 v25, v56;
	v59 =	vld.idx.msk [tilespmem:v62+s20+$0x0], $0xffff  }
0x597: {  	v60 =	vor.u32 v58, v60;
	_ =	sdelay $0x3  }
0x598: {  	[tilespmem:v61+s18+$0x0] =	vst.idx.msk $0xffff, v59  }
0x599: {  	v61 =	vadd.s32 v21, v26;
	v59 =	vld.idx.msk [tilespmem:v60+s20+$0x0], $0xffff;
	v60 =	vor.u32 v25, v27  }
0x59a: {  	v28 =	vor.u32 v28, v61;
	_ =	sdelay $0x3  }
0x59b: {  	v26 =	vor.u32 $0x70, v0;
	[tilespmem:v60+s18+$0x0] =	vst.idx.msk $0xffff, v59  }
0x59c: {  	v29 =	vor.u32 v26, v29;
	v28 =	vld.idx.msk [tilespmem:v28+s20+$0x0], $0xffff  }
0x59d: {  	v30 =	vor.u32 v30, v61;
	_ =	sdelay $0x3  }
0x59e: {  	[tilespmem:v29+s18+$0x0] =	vst.idx.msk $0xffff, v28  }
0x59f: {  	v29 =	vor.u32 v26, v31;
	v28 =	vld.idx.msk [tilespmem:v30+s20+$0x0], $0xffff  }
0x5a0: {  	v30 =	vor.u32 v32, v61;
	_ =	sdelay $0x3  }
0x5a1: {  	[tilespmem:v29+s18+$0x0] =	vst.idx.msk $0xffff, v28  }
0x5a2: {  	v29 =	vor.u32 v26, v33;
	v28 =	vld.idx.msk [tilespmem:v30+s20+$0x0], $0xffff  }
0x5a3: {  	v30 =	vor.u32 v34, v61;
	_ =	sdelay $0x3  }
0x5a4: {  	[tilespmem:v29+s18+$0x0] =	vst.idx.msk $0xffff, v28  }
0x5a5: {  	v29 =	vor.u32 v26, v35;
	v28 =	vld.idx.msk [tilespmem:v30+s20+$0x0], $0xffff  }
0x5a6: {  	v30 =	vor.u32 v36, v61;
	_ =	sdelay $0x3  }
0x5a7: {  	[tilespmem:v29+s18+$0x0] =	vst.idx.msk $0xffff, v28  }
0x5a8: {  	v29 =	vor.u32 v26, v37;
	v28 =	vld.idx.msk [tilespmem:v30+s20+$0x0], $0xffff  }
0x5a9: {  	v30 =	vor.u32 v38, v61;
	_ =	sdelay $0x3  }
0x5aa: {  	[tilespmem:v29+s18+$0x0] =	vst.idx.msk $0xffff, v28  }
0x5ab: {  	v29 =	vor.u32 v26, v39;
	v28 =	vld.idx.msk [tilespmem:v30+s20+$0x0], $0xffff  }
0x5ac: {  	v30 =	vor.u32 v40, v61;
	_ =	sdelay $0x3  }
0x5ad: {  	[tilespmem:v29+s18+$0x0] =	vst.idx.msk $0xffff, v28  }
0x5ae: {  	v29 =	vor.u32 v26, v41;
	v28 =	vld.idx.msk [tilespmem:v30+s20+$0x0], $0xffff  }
0x5af: {  	v30 =	vor.u32 v42, v61;
	_ =	sdelay $0x3  }
0x5b0: {  	[tilespmem:v29+s18+$0x0] =	vst.idx.msk $0xffff, v28  }
0x5b1: {  	v29 =	vor.u32 v26, v43;
	v28 =	vld.idx.msk [tilespmem:v30+s20+$0x0], $0xffff  }
0x5b2: {  	v30 =	vor.u32 v44, v61;
	_ =	sdelay $0x3  }
0x5b3: {  	[tilespmem:v29+s18+$0x0] =	vst.idx.msk $0xffff, v28  }
0x5b4: {  	v29 =	vor.u32 v26, v45;
	v28 =	vld.idx.msk [tilespmem:v30+s20+$0x0], $0xffff  }
0x5b5: {  	v30 =	vor.u32 v46, v61;
	_ =	sdelay $0x3  }
0x5b6: {  	[tilespmem:v29+s18+$0x0] =	vst.idx.msk $0xffff, v28  }
0x5b7: {  	v29 =	vor.u32 v26, v47;
	v28 =	vld.idx.msk [tilespmem:v30+s20+$0x0], $0xffff  }
0x5b8: {  	v30 =	vor.u32 v48, v61;
	_ =	sdelay $0x3  }
0x5b9: {  	[tilespmem:v29+s18+$0x0] =	vst.idx.msk $0xffff, v28  }
0x5ba: {  	v29 =	vor.u32 v26, v49;
	v28 =	vld.idx.msk [tilespmem:v30+s20+$0x0], $0xffff  }
0x5bb: {  	v30 =	vor.u32 v50, v61;
	_ =	sdelay $0x3  }
0x5bc: {  	[tilespmem:v29+s18+$0x0] =	vst.idx.msk $0xffff, v28  }
0x5bd: {  	v29 =	vor.u32 v26, v51;
	v28 =	vld.idx.msk [tilespmem:v30+s20+$0x0], $0xffff  }
0x5be: {  	v30 =	vor.u32 v52, v61;
	_ =	sdelay $0x3  }
0x5bf: {  	[tilespmem:v29+s18+$0x0] =	vst.idx.msk $0xffff, v28  }
0x5c0: {  	v29 =	vor.u32 v26, v53;
	v28 =	vld.idx.msk [tilespmem:v30+s20+$0x0], $0xffff  }
0x5c1: {  	v30 =	vor.u32 v54, v61;
	_ =	sdelay $0x3  }
0x5c2: {  	[tilespmem:v29+s18+$0x0] =	vst.idx.msk $0xffff, v28  }
0x5c3: {  	v29 =	vor.u32 v26, v55;
	v28 =	vld.idx.msk [tilespmem:v30+s20+$0x0], $0xffff  }
0x5c4: {  	v30 =	vor.u32 v57, v61;
	_ =	sdelay $0x3  }
0x5c5: {  	[tilespmem:v29+s18+$0x0] =	vst.idx.msk $0xffff, v28  }
0x5c6: {  	v31 =	vor.u32 v26, v56;
	v30 =	vld.idx.msk [tilespmem:v30+s20+$0x0], $0xffff  }
0x5c7: {  	v29 =	vor.u32 v58, v61;
	_ =	sdelay $0x1  }
0x5c8: {  	s24 =	simm.s32 $0x10  }
0x5c9: {  	s26 =	simm.s32 $0x20;
	v28 =	vmov s24  }
.LBB2_11:
0x5ca: {  	p1 =	sne.s32 s26, $0x120;
	v28 =	vshll.u32 v28, $0x3;
	[tilespmem:v31+s18+$0x0] =	vst.idx.msk $0xffff, v30  }
0x5cb: {  	v30 =	vor.u32 s24, v0;
	v28 =	vand.u32 $0xC00, v28;
	v31 =	vld.idx.msk [tilespmem:v29+s20+$0x0], $0xffff  }
0x5cc: {  	v27 =	vor.u32 v26, v27;
	v29 =	vand.u32 $0x7F, v30;
	v60 =	vadd.s32 v1, v28  }
0x5cd: {  	v32 =	vor.u32 v29, v60;
	_ =	sdelay $0x3  }
0x5ce: {  	[tilespmem:v27+s18+$0x0] =	vst.idx.msk $0xffff, v31  }
0x5cf: {  	v30 =	vshll.u32 v30, $0x7;
	v27 =	vld.idx.msk [tilespmem:v32+s20+$0x0], $0xffff;
	v32 =	vor.u32 s24, v2  }
0x5d0: {  	v33 =	vor.u32 v23, v30;
	v31 =	vand.u32 $0x7F, v32  }
0x5d1: {  	v34 =	vor.u32 v31, v60;
	_ =	sdelay $0x3  }
0x5d2: {  	[tilespmem:v33+s18+$0x0] =	vst.idx.msk $0xffff, v27  }
0x5d3: {  	v32 =	vshll.u32 v32, $0x7;
	v27 =	vld.idx.msk [tilespmem:v34+s20+$0x0], $0xffff;
	v34 =	vor.u32 s24, v3  }
0x5d4: {  	v35 =	vor.u32 v23, v32;
	v33 =	vand.u32 $0x7F, v34  }
0x5d5: {  	v36 =	vor.u32 v33, v60;
	_ =	sdelay $0x3  }
0x5d6: {  	[tilespmem:v35+s18+$0x0] =	vst.idx.msk $0xffff, v27  }
0x5d7: {  	v34 =	vshll.u32 v34, $0x7;
	v27 =	vld.idx.msk [tilespmem:v36+s20+$0x0], $0xffff;
	v36 =	vor.u32 s24, v4  }
0x5d8: {  	v37 =	vor.u32 v23, v34;
	v35 =	vand.u32 $0x7F, v36  }
0x5d9: {  	v38 =	vor.u32 v35, v60;
	_ =	sdelay $0x3  }
0x5da: {  	[tilespmem:v37+s18+$0x0] =	vst.idx.msk $0xffff, v27  }
0x5db: {  	v36 =	vshll.u32 v36, $0x7;
	v27 =	vld.idx.msk [tilespmem:v38+s20+$0x0], $0xffff;
	v38 =	vor.u32 s24, v5  }
0x5dc: {  	v39 =	vor.u32 v23, v36;
	v37 =	vand.u32 $0x7F, v38  }
0x5dd: {  	v40 =	vor.u32 v37, v60;
	_ =	sdelay $0x3  }
0x5de: {  	[tilespmem:v39+s18+$0x0] =	vst.idx.msk $0xffff, v27  }
0x5df: {  	v38 =	vshll.u32 v38, $0x7;
	v27 =	vld.idx.msk [tilespmem:v40+s20+$0x0], $0xffff;
	v40 =	vor.u32 s24, v6  }
0x5e0: {  	v41 =	vor.u32 v23, v38;
	v39 =	vand.u32 $0x7F, v40  }
0x5e1: {  	v42 =	vor.u32 v39, v60;
	_ =	sdelay $0x3  }
0x5e2: {  	[tilespmem:v41+s18+$0x0] =	vst.idx.msk $0xffff, v27  }
0x5e3: {  	v40 =	vshll.u32 v40, $0x7;
	v27 =	vld.idx.msk [tilespmem:v42+s20+$0x0], $0xffff;
	v42 =	vor.u32 s24, v7  }
0x5e4: {  	v43 =	vor.u32 v23, v40;
	v41 =	vand.u32 $0x7F, v42  }
0x5e5: {  	v44 =	vor.u32 v41, v60;
	_ =	sdelay $0x3  }
0x5e6: {  	[tilespmem:v43+s18+$0x0] =	vst.idx.msk $0xffff, v27  }
0x5e7: {  	v42 =	vshll.u32 v42, $0x7;
	v27 =	vld.idx.msk [tilespmem:v44+s20+$0x0], $0xffff;
	v44 =	vor.u32 s24, v8  }
0x5e8: {  	v45 =	vor.u32 v23, v42;
	v43 =	vand.u32 $0x7F, v44  }
0x5e9: {  	v46 =	vor.u32 v43, v60;
	_ =	sdelay $0x3  }
0x5ea: {  	[tilespmem:v45+s18+$0x0] =	vst.idx.msk $0xffff, v27  }
0x5eb: {  	v44 =	vshll.u32 v44, $0x7;
	v27 =	vld.idx.msk [tilespmem:v46+s20+$0x0], $0xffff;
	v46 =	vor.u32 s24, v9  }
0x5ec: {  	v47 =	vor.u32 v23, v44;
	v45 =	vand.u32 $0x7F, v46  }
0x5ed: {  	v48 =	vor.u32 v45, v60;
	_ =	sdelay $0x3  }
0x5ee: {  	[tilespmem:v47+s18+$0x0] =	vst.idx.msk $0xffff, v27  }
0x5ef: {  	v46 =	vshll.u32 v46, $0x7;
	v27 =	vld.idx.msk [tilespmem:v48+s20+$0x0], $0xffff;
	v48 =	vor.u32 s24, v10  }
0x5f0: {  	v49 =	vor.u32 v23, v46;
	v47 =	vand.u32 $0x7F, v48  }
0x5f1: {  	v50 =	vor.u32 v47, v60;
	_ =	sdelay $0x3  }
0x5f2: {  	[tilespmem:v49+s18+$0x0] =	vst.idx.msk $0xffff, v27  }
0x5f3: {  	v48 =	vshll.u32 v48, $0x7;
	v27 =	vld.idx.msk [tilespmem:v50+s20+$0x0], $0xffff;
	v50 =	vor.u32 s24, v11  }
0x5f4: {  	v51 =	vor.u32 v23, v48;
	v49 =	vand.u32 $0x7F, v50  }
0x5f5: {  	v52 =	vor.u32 v49, v60;
	_ =	sdelay $0x3  }
0x5f6: {  	[tilespmem:v51+s18+$0x0] =	vst.idx.msk $0xffff, v27  }
0x5f7: {  	v50 =	vshll.u32 v50, $0x7;
	v27 =	vld.idx.msk [tilespmem:v52+s20+$0x0], $0xffff;
	v52 =	vor.u32 s24, v12  }
0x5f8: {  	v53 =	vor.u32 v23, v50;
	v51 =	vand.u32 $0x7F, v52  }
0x5f9: {  	v54 =	vor.u32 v51, v60;
	_ =	sdelay $0x3  }
0x5fa: {  	[tilespmem:v53+s18+$0x0] =	vst.idx.msk $0xffff, v27  }
0x5fb: {  	v52 =	vshll.u32 v52, $0x7;
	v27 =	vld.idx.msk [tilespmem:v54+s20+$0x0], $0xffff;
	v54 =	vor.u32 s24, v13  }
0x5fc: {  	v55 =	vor.u32 v23, v52;
	v53 =	vand.u32 $0x7F, v54  }
0x5fd: {  	v56 =	vor.u32 v53, v60;
	_ =	sdelay $0x3  }
0x5fe: {  	[tilespmem:v55+s18+$0x0] =	vst.idx.msk $0xffff, v27  }
0x5ff: {  	v54 =	vshll.u32 v54, $0x7;
	v27 =	vld.idx.msk [tilespmem:v56+s20+$0x0], $0xffff;
	v56 =	vor.u32 s24, v14  }
0x600: {  	v57 =	vor.u32 v23, v54;
	v55 =	vand.u32 $0x7F, v56  }
0x601: {  	v58 =	vor.u32 v55, v60;
	_ =	sdelay $0x3  }
0x602: {  	[tilespmem:v57+s18+$0x0] =	vst.idx.msk $0xffff, v27  }
0x603: {  	v56 =	vshll.u32 v56, $0x7;
	v27 =	vld.idx.msk [tilespmem:v58+s20+$0x0], $0xffff;
	v58 =	vor.u32 s24, v15  }
0x604: {  	v59 =	vor.u32 v23, v56;
	v57 =	vand.u32 $0x7F, v58  }
0x605: {  	v61 =	vor.u32 v57, v60;
	_ =	sdelay $0x3  }
0x606: {  	[tilespmem:v59+s18+$0x0] =	vst.idx.msk $0xffff, v27  }
0x607: {  	v58 =	vshll.u32 v58, $0x7;
	v27 =	vld.idx.msk [tilespmem:v61+s20+$0x0], $0xffff;
	v61 =	vor.u32 s24, v16;
	s24 =	smov.u32 s26  }
0x608: {  	v62 =	vor.u32 v23, v58;
	v59 =	vand.u32 $0x7F, v61  }
0x609: {  	v60 =	vor.u32 v59, v60;
	_ =	sdelay $0x3  }
0x60a: {  	[tilespmem:v62+s18+$0x0] =	vst.idx.msk $0xffff, v27  }
0x60b: {  	v27 =	vshll.u32 v61, $0x7;
	v62 =	vld.idx.msk [tilespmem:v60+s20+$0x0], $0xffff  }
0x60c: {  	v61 =	vor.u32 v23, v27;
	v60 =	vadd.s32 v17, v28  }
0x60d: {  	v63 =	vor.u32 v29, v60;
	_ =	sdelay $0x3  }
0x60e: {  	[tilespmem:v61+s18+$0x0] =	vst.idx.msk $0xffff, v62  }
0x60f: {  	v61 =	vld.idx.msk [tilespmem:v63+s20+$0x0], $0xffff  }
0x610: {  	v62 =	vor.u32 v24, v30  }
0x611: {  	v63 =	vor.u32 v31, v60;
	_ =	sdelay $0x3  }
0x612: {  	[tilespmem:v62+s18+$0x0] =	vst.idx.msk $0xffff, v61  }
0x613: {  	v61 =	vld.idx.msk [tilespmem:v63+s20+$0x0], $0xffff  }
0x614: {  	v62 =	vor.u32 v24, v32  }
0x615: {  	v63 =	vor.u32 v33, v60;
	_ =	sdelay $0x3  }
0x616: {  	[tilespmem:v62+s18+$0x0] =	vst.idx.msk $0xffff, v61  }
0x617: {  	v61 =	vld.idx.msk [tilespmem:v63+s20+$0x0], $0xffff  }
0x618: {  	v62 =	vor.u32 v24, v34  }
0x619: {  	v63 =	vor.u32 v35, v60;
	_ =	sdelay $0x3  }
0x61a: {  	[tilespmem:v62+s18+$0x0] =	vst.idx.msk $0xffff, v61  }
0x61b: {  	v61 =	vld.idx.msk [tilespmem:v63+s20+$0x0], $0xffff  }
0x61c: {  	v62 =	vor.u32 v24, v36  }
0x61d: {  	v63 =	vor.u32 v37, v60;
	_ =	sdelay $0x3  }
0x61e: {  	[tilespmem:v62+s18+$0x0] =	vst.idx.msk $0xffff, v61  }
0x61f: {  	v61 =	vld.idx.msk [tilespmem:v63+s20+$0x0], $0xffff  }
0x620: {  	v62 =	vor.u32 v24, v38  }
0x621: {  	v63 =	vor.u32 v39, v60;
	_ =	sdelay $0x3  }
0x622: {  	[tilespmem:v62+s18+$0x0] =	vst.idx.msk $0xffff, v61  }
0x623: {  	v61 =	vld.idx.msk [tilespmem:v63+s20+$0x0], $0xffff  }
0x624: {  	v62 =	vor.u32 v24, v40  }
0x625: {  	v63 =	vor.u32 v41, v60;
	_ =	sdelay $0x3  }
0x626: {  	[tilespmem:v62+s18+$0x0] =	vst.idx.msk $0xffff, v61  }
0x627: {  	v61 =	vld.idx.msk [tilespmem:v63+s20+$0x0], $0xffff  }
0x628: {  	v62 =	vor.u32 v24, v42  }
0x629: {  	v63 =	vor.u32 v43, v60;
	_ =	sdelay $0x3  }
0x62a: {  	[tilespmem:v62+s18+$0x0] =	vst.idx.msk $0xffff, v61  }
0x62b: {  	v61 =	vld.idx.msk [tilespmem:v63+s20+$0x0], $0xffff  }
0x62c: {  	v62 =	vor.u32 v24, v44  }
0x62d: {  	v63 =	vor.u32 v45, v60;
	_ =	sdelay $0x3  }
0x62e: {  	[tilespmem:v62+s18+$0x0] =	vst.idx.msk $0xffff, v61  }
0x62f: {  	v61 =	vld.idx.msk [tilespmem:v63+s20+$0x0], $0xffff  }
0x630: {  	v62 =	vor.u32 v24, v46  }
0x631: {  	v63 =	vor.u32 v47, v60;
	_ =	sdelay $0x3  }
0x632: {  	[tilespmem:v62+s18+$0x0] =	vst.idx.msk $0xffff, v61  }
0x633: {  	v61 =	vld.idx.msk [tilespmem:v63+s20+$0x0], $0xffff  }
0x634: {  	v62 =	vor.u32 v24, v48  }
0x635: {  	v63 =	vor.u32 v49, v60;
	_ =	sdelay $0x3  }
0x636: {  	[tilespmem:v62+s18+$0x0] =	vst.idx.msk $0xffff, v61  }
0x637: {  	v61 =	vld.idx.msk [tilespmem:v63+s20+$0x0], $0xffff  }
0x638: {  	v62 =	vor.u32 v24, v50  }
0x639: {  	v63 =	vor.u32 v51, v60;
	_ =	sdelay $0x3  }
0x63a: {  	[tilespmem:v62+s18+$0x0] =	vst.idx.msk $0xffff, v61  }
0x63b: {  	v61 =	vld.idx.msk [tilespmem:v63+s20+$0x0], $0xffff  }
0x63c: {  	v62 =	vor.u32 v24, v52  }
0x63d: {  	v63 =	vor.u32 v53, v60;
	_ =	sdelay $0x3  }
0x63e: {  	[tilespmem:v62+s18+$0x0] =	vst.idx.msk $0xffff, v61  }
0x63f: {  	v61 =	vld.idx.msk [tilespmem:v63+s20+$0x0], $0xffff  }
0x640: {  	v62 =	vor.u32 v24, v54  }
0x641: {  	v63 =	vor.u32 v55, v60;
	_ =	sdelay $0x3  }
0x642: {  	[tilespmem:v62+s18+$0x0] =	vst.idx.msk $0xffff, v61  }
0x643: {  	v61 =	vld.idx.msk [tilespmem:v63+s20+$0x0], $0xffff  }
0x644: {  	v62 =	vor.u32 v24, v56  }
0x645: {  	v63 =	vor.u32 v57, v60;
	_ =	sdelay $0x3  }
0x646: {  	[tilespmem:v62+s18+$0x0] =	vst.idx.msk $0xffff, v61  }
0x647: {  	v61 =	vld.idx.msk [tilespmem:v63+s20+$0x0], $0xffff  }
0x648: {  	v62 =	vor.u32 v24, v58  }
0x649: {  	v60 =	vor.u32 v59, v60;
	_ =	sdelay $0x3  }
0x64a: {  	[tilespmem:v62+s18+$0x0] =	vst.idx.msk $0xffff, v61  }
0x64b: {  	v61 =	vld.idx.msk [tilespmem:v60+s20+$0x0], $0xffff  }
0x64c: {  	v62 =	vor.u32 v24, v27;
	v60 =	vadd.s32 v19, v28  }
0x64d: {  	v63 =	vor.u32 v29, v60;
	_ =	sdelay $0x3  }
0x64e: {  	[tilespmem:v62+s18+$0x0] =	vst.idx.msk $0xffff, v61  }
0x64f: {  	v61 =	vld.idx.msk [tilespmem:v63+s20+$0x0], $0xffff  }
0x650: {  	v62 =	vor.u32 v25, v30  }
0x651: {  	v63 =	vor.u32 v31, v60;
	_ =	sdelay $0x3  }
0x652: {  	[tilespmem:v62+s18+$0x0] =	vst.idx.msk $0xffff, v61  }
0x653: {  	v61 =	vld.idx.msk [tilespmem:v63+s20+$0x0], $0xffff  }
0x654: {  	v62 =	vor.u32 v25, v32  }
0x655: {  	v63 =	vor.u32 v33, v60;
	_ =	sdelay $0x3  }
0x656: {  	[tilespmem:v62+s18+$0x0] =	vst.idx.msk $0xffff, v61  }
0x657: {  	v61 =	vld.idx.msk [tilespmem:v63+s20+$0x0], $0xffff  }
0x658: {  	v62 =	vor.u32 v25, v34  }
0x659: {  	v63 =	vor.u32 v35, v60;
	_ =	sdelay $0x3  }
0x65a: {  	[tilespmem:v62+s18+$0x0] =	vst.idx.msk $0xffff, v61  }
0x65b: {  	v61 =	vld.idx.msk [tilespmem:v63+s20+$0x0], $0xffff  }
0x65c: {  	v62 =	vor.u32 v25, v36  }
0x65d: {  	v63 =	vor.u32 v37, v60;
	_ =	sdelay $0x3  }
0x65e: {  	[tilespmem:v62+s18+$0x0] =	vst.idx.msk $0xffff, v61  }
0x65f: {  	v61 =	vld.idx.msk [tilespmem:v63+s20+$0x0], $0xffff  }
0x660: {  	v62 =	vor.u32 v25, v38  }
0x661: {  	v63 =	vor.u32 v39, v60;
	_ =	sdelay $0x3  }
0x662: {  	[tilespmem:v62+s18+$0x0] =	vst.idx.msk $0xffff, v61  }
0x663: {  	v61 =	vld.idx.msk [tilespmem:v63+s20+$0x0], $0xffff  }
0x664: {  	v62 =	vor.u32 v25, v40  }
0x665: {  	v63 =	vor.u32 v41, v60;
	_ =	sdelay $0x3  }
0x666: {  	[tilespmem:v62+s18+$0x0] =	vst.idx.msk $0xffff, v61  }
0x667: {  	v61 =	vld.idx.msk [tilespmem:v63+s20+$0x0], $0xffff  }
0x668: {  	v62 =	vor.u32 v25, v42  }
0x669: {  	v63 =	vor.u32 v43, v60;
	_ =	sdelay $0x3  }
0x66a: {  	[tilespmem:v62+s18+$0x0] =	vst.idx.msk $0xffff, v61  }
0x66b: {  	v61 =	vld.idx.msk [tilespmem:v63+s20+$0x0], $0xffff  }
0x66c: {  	v62 =	vor.u32 v25, v44  }
0x66d: {  	v63 =	vor.u32 v45, v60;
	_ =	sdelay $0x3  }
0x66e: {  	[tilespmem:v62+s18+$0x0] =	vst.idx.msk $0xffff, v61  }
0x66f: {  	v61 =	vld.idx.msk [tilespmem:v63+s20+$0x0], $0xffff  }
0x670: {  	v62 =	vor.u32 v25, v46  }
0x671: {  	v63 =	vor.u32 v47, v60;
	_ =	sdelay $0x3  }
0x672: {  	[tilespmem:v62+s18+$0x0] =	vst.idx.msk $0xffff, v61  }
0x673: {  	v61 =	vld.idx.msk [tilespmem:v63+s20+$0x0], $0xffff  }
0x674: {  	v62 =	vor.u32 v25, v48  }
0x675: {  	v63 =	vor.u32 v49, v60;
	_ =	sdelay $0x3  }
0x676: {  	[tilespmem:v62+s18+$0x0] =	vst.idx.msk $0xffff, v61  }
0x677: {  	v61 =	vld.idx.msk [tilespmem:v63+s20+$0x0], $0xffff  }
0x678: {  	v62 =	vor.u32 v25, v50  }
0x679: {  	v63 =	vor.u32 v51, v60;
	_ =	sdelay $0x3  }
0x67a: {  	[tilespmem:v62+s18+$0x0] =	vst.idx.msk $0xffff, v61  }
0x67b: {  	v61 =	vld.idx.msk [tilespmem:v63+s20+$0x0], $0xffff  }
0x67c: {  	v62 =	vor.u32 v25, v52  }
0x67d: {  	v63 =	vor.u32 v53, v60;
	_ =	sdelay $0x3  }
0x67e: {  	[tilespmem:v62+s18+$0x0] =	vst.idx.msk $0xffff, v61  }
0x67f: {  	v61 =	vld.idx.msk [tilespmem:v63+s20+$0x0], $0xffff  }
0x680: {  	v62 =	vor.u32 v25, v54  }
0x681: {  	v63 =	vor.u32 v55, v60;
	_ =	sdelay $0x3  }
0x682: {  	[tilespmem:v62+s18+$0x0] =	vst.idx.msk $0xffff, v61  }
0x683: {  	v61 =	vld.idx.msk [tilespmem:v63+s20+$0x0], $0xffff  }
0x684: {  	v62 =	vor.u32 v25, v56  }
0x685: {  	v63 =	vor.u32 v57, v60;
	_ =	sdelay $0x3  }
0x686: {  	[tilespmem:v62+s18+$0x0] =	vst.idx.msk $0xffff, v61  }
0x687: {  	v61 =	vld.idx.msk [tilespmem:v63+s20+$0x0], $0xffff  }
0x688: {  	v62 =	vor.u32 v25, v58  }
0x689: {  	v60 =	vor.u32 v59, v60;
	_ =	sdelay $0x3  }
0x68a: {  	[tilespmem:v62+s18+$0x0] =	vst.idx.msk $0xffff, v61  }
0x68b: {  	v60 =	vld.idx.msk [tilespmem:v60+s20+$0x0], $0xffff  }
0x68c: {  	v28 =	vadd.s32 v21, v28;
	v61 =	vor.u32 v25, v27  }
0x68d: {  	v29 =	vor.u32 v29, v28;
	_ =	sdelay $0x3  }
0x68e: {  	[tilespmem:v61+s18+$0x0] =	vst.idx.msk $0xffff, v60  }
0x68f: {  	v29 =	vld.idx.msk [tilespmem:v29+s20+$0x0], $0xffff  }
0x690: {  	v30 =	vor.u32 v26, v30  }
0x691: {  	v31 =	vor.u32 v31, v28;
	_ =	sdelay $0x3  }
0x692: {  	[tilespmem:v30+s18+$0x0] =	vst.idx.msk $0xffff, v29  }
0x693: {  	v29 =	vld.idx.msk [tilespmem:v31+s20+$0x0], $0xffff  }
0x694: {  	v30 =	vor.u32 v26, v32  }
0x695: {  	v31 =	vor.u32 v33, v28;
	_ =	sdelay $0x3  }
0x696: {  	[tilespmem:v30+s18+$0x0] =	vst.idx.msk $0xffff, v29  }
0x697: {  	v29 =	vld.idx.msk [tilespmem:v31+s20+$0x0], $0xffff  }
0x698: {  	v30 =	vor.u32 v26, v34  }
0x699: {  	v31 =	vor.u32 v35, v28;
	_ =	sdelay $0x3  }
0x69a: {  	[tilespmem:v30+s18+$0x0] =	vst.idx.msk $0xffff, v29  }
0x69b: {  	v29 =	vld.idx.msk [tilespmem:v31+s20+$0x0], $0xffff  }
0x69c: {  	v30 =	vor.u32 v26, v36  }
0x69d: {  	v31 =	vor.u32 v37, v28;
	_ =	sdelay $0x3  }
0x69e: {  	[tilespmem:v30+s18+$0x0] =	vst.idx.msk $0xffff, v29  }
0x69f: {  	v29 =	vld.idx.msk [tilespmem:v31+s20+$0x0], $0xffff  }
0x6a0: {  	v30 =	vor.u32 v26, v38  }
0x6a1: {  	v31 =	vor.u32 v39, v28;
	_ =	sdelay $0x3  }
0x6a2: {  	[tilespmem:v30+s18+$0x0] =	vst.idx.msk $0xffff, v29  }
0x6a3: {  	v29 =	vld.idx.msk [tilespmem:v31+s20+$0x0], $0xffff  }
0x6a4: {  	v30 =	vor.u32 v26, v40  }
0x6a5: {  	v31 =	vor.u32 v41, v28;
	_ =	sdelay $0x3  }
0x6a6: {  	[tilespmem:v30+s18+$0x0] =	vst.idx.msk $0xffff, v29  }
0x6a7: {  	v29 =	vld.idx.msk [tilespmem:v31+s20+$0x0], $0xffff  }
0x6a8: {  	v30 =	vor.u32 v26, v42  }
0x6a9: {  	v31 =	vor.u32 v43, v28;
	_ =	sdelay $0x3  }
0x6aa: {  	[tilespmem:v30+s18+$0x0] =	vst.idx.msk $0xffff, v29  }
0x6ab: {  	v29 =	vld.idx.msk [tilespmem:v31+s20+$0x0], $0xffff  }
0x6ac: {  	v30 =	vor.u32 v26, v44  }
0x6ad: {  	v31 =	vor.u32 v45, v28;
	_ =	sdelay $0x3  }
0x6ae: {  	[tilespmem:v30+s18+$0x0] =	vst.idx.msk $0xffff, v29  }
0x6af: {  	v29 =	vld.idx.msk [tilespmem:v31+s20+$0x0], $0xffff  }
0x6b0: {  	v30 =	vor.u32 v26, v46  }
0x6b1: {  	v31 =	vor.u32 v47, v28;
	_ =	sdelay $0x3  }
0x6b2: {  	[tilespmem:v30+s18+$0x0] =	vst.idx.msk $0xffff, v29  }
0x6b3: {  	v29 =	vld.idx.msk [tilespmem:v31+s20+$0x0], $0xffff  }
0x6b4: {  	v30 =	vor.u32 v26, v48  }
0x6b5: {  	v31 =	vor.u32 v49, v28;
	_ =	sdelay $0x3  }
0x6b6: {  	[tilespmem:v30+s18+$0x0] =	vst.idx.msk $0xffff, v29  }
0x6b7: {  	v29 =	vld.idx.msk [tilespmem:v31+s20+$0x0], $0xffff  }
0x6b8: {  	v30 =	vor.u32 v26, v50  }
0x6b9: {  	v31 =	vor.u32 v51, v28;
	_ =	sdelay $0x3  }
0x6ba: {  	[tilespmem:v30+s18+$0x0] =	vst.idx.msk $0xffff, v29  }
0x6bb: {  	v29 =	vld.idx.msk [tilespmem:v31+s20+$0x0], $0xffff  }
0x6bc: {  	v30 =	vor.u32 v26, v52  }
0x6bd: {  	v31 =	vor.u32 v53, v28;
	_ =	sdelay $0x3  }
0x6be: {  	[tilespmem:v30+s18+$0x0] =	vst.idx.msk $0xffff, v29  }
0x6bf: {  	v29 =	vld.idx.msk [tilespmem:v31+s20+$0x0], $0xffff  }
0x6c0: {  	v30 =	vor.u32 v26, v54  }
0x6c1: {  	v31 =	vor.u32 v55, v28;
	_ =	sdelay $0x3  }
0x6c2: {  	[tilespmem:v30+s18+$0x0] =	vst.idx.msk $0xffff, v29  }
0x6c3: {  	v29 =	vld.idx.msk [tilespmem:v31+s20+$0x0], $0xffff  }
0x6c4: {  	v30 =	vor.u32 v26, v56  }
0x6c5: {  	v31 =	vor.u32 v57, v28;
	_ =	sdelay $0x3  }
0x6c6: {  	[tilespmem:v30+s18+$0x0] =	vst.idx.msk $0xffff, v29  }
0x6c7: {  	v30 =	vld.idx.msk [tilespmem:v31+s20+$0x0], $0xffff  }
.Ltmp7:
0x6c8: {  	v31 =	vor.u32 v26, v58;
	(pc) =	sbr.rel @p1 .LBB2_11-.Ltmp7, $2  }
0x6c9: {  	v29 =	vor.u32 v59, v28;
	_ =	sdelay $0x2  }
0x6ca: {  	s26 =	sadd.s32 $0x10, s26;
	v28 =	vmov s24  }
0x6cb: {  	_ =	sdelay $0x2  }
0x6cc: {  	v28 =	vshll.u32 v28, $0x3  }
0x6cd: {  	[tilespmem:v31+s18+$0x0] =	vst.idx.msk $0xffff, v30;
	v47 =	vor.u32 s24, v0;
	v28 =	vand.u32 $0xC00, v28  }
0x6ce: {  	v27 =	vor.u32 v26, v27;
	v31 =	vld.idx.msk [tilespmem:v29+s20+$0x0], $0xffff;
	v29 =	vand.u32 $0x7F, v47;
	v59 =	vadd.s32 v1, v28  }
0x6cf: {  	v32 =	vor.u32 v29, v59;
	_ =	sdelay $0x3  }
0x6d0: {  	v48 =	vor.u32 s24, v2;
	[tilespmem:v27+s18+$0x0] =	vst.idx.msk $0xffff, v31;
	v27 =	vshll.u32 v47, $0x7  }
0x6d1: {  	v30 =	vand.u32 $0x7F, v48;
	v33 =	vor.u32 v23, v27;
	v32 =	vld.idx.msk [tilespmem:v32+s20+$0x0], $0xffff  }
0x6d2: {  	v34 =	vor.u32 v30, v59;
	_ =	sdelay $0x3  }
0x6d3: {  	v49 =	vor.u32 s24, v3;
	v31 =	vshll.u32 v48, $0x7;
	[tilespmem:v33+s18+$0x0] =	vst.idx.msk $0xffff, v32  }
0x6d4: {  	v35 =	vor.u32 v23, v31;
	v32 =	vand.u32 $0x7F, v49;
	v34 =	vld.idx.msk [tilespmem:v34+s20+$0x0], $0xffff  }
0x6d5: {  	v36 =	vor.u32 v32, v59;
	_ =	sdelay $0x3  }
0x6d6: {  	v50 =	vor.u32 s24, v4;
	v33 =	vshll.u32 v49, $0x7;
	[tilespmem:v35+s18+$0x0] =	vst.idx.msk $0xffff, v34  }
0x6d7: {  	v37 =	vor.u32 v23, v33;
	v34 =	vand.u32 $0x7F, v50;
	v36 =	vld.idx.msk [tilespmem:v36+s20+$0x0], $0xffff  }
0x6d8: {  	v38 =	vor.u32 v34, v59;
	_ =	sdelay $0x3  }
0x6d9: {  	v51 =	vor.u32 s24, v5;
	v35 =	vshll.u32 v50, $0x7;
	[tilespmem:v37+s18+$0x0] =	vst.idx.msk $0xffff, v36  }
0x6da: {  	v39 =	vor.u32 v23, v35;
	v36 =	vand.u32 $0x7F, v51;
	v38 =	vld.idx.msk [tilespmem:v38+s20+$0x0], $0xffff  }
0x6db: {  	v40 =	vor.u32 v36, v59;
	_ =	sdelay $0x3  }
0x6dc: {  	v52 =	vor.u32 s24, v6;
	v37 =	vshll.u32 v51, $0x7;
	[tilespmem:v39+s18+$0x0] =	vst.idx.msk $0xffff, v38  }
0x6dd: {  	v41 =	vor.u32 v23, v37;
	v38 =	vand.u32 $0x7F, v52;
	v40 =	vld.idx.msk [tilespmem:v40+s20+$0x0], $0xffff  }
0x6de: {  	v42 =	vor.u32 v38, v59;
	_ =	sdelay $0x3  }
0x6df: {  	v53 =	vor.u32 s24, v7;
	v39 =	vshll.u32 v52, $0x7;
	[tilespmem:v41+s18+$0x0] =	vst.idx.msk $0xffff, v40  }
0x6e0: {  	v43 =	vor.u32 v23, v39;
	v40 =	vand.u32 $0x7F, v53;
	v42 =	vld.idx.msk [tilespmem:v42+s20+$0x0], $0xffff  }
0x6e1: {  	v44 =	vor.u32 v40, v59;
	_ =	sdelay $0x3  }
0x6e2: {  	v54 =	vor.u32 s24, v8;
	v41 =	vshll.u32 v53, $0x7;
	[tilespmem:v43+s18+$0x0] =	vst.idx.msk $0xffff, v42  }
0x6e3: {  	v45 =	vor.u32 v23, v41;
	v42 =	vand.u32 $0x7F, v54;
	v44 =	vld.idx.msk [tilespmem:v44+s20+$0x0], $0xffff  }
0x6e4: {  	v46 =	vor.u32 v42, v59;
	_ =	sdelay $0x3  }
0x6e5: {  	v55 =	vor.u32 s24, v9;
	v43 =	vshll.u32 v54, $0x7;
	[tilespmem:v45+s18+$0x0] =	vst.idx.msk $0xffff, v44  }
0x6e6: {  	v47 =	vor.u32 v23, v43;
	v44 =	vand.u32 $0x7F, v55;
	v46 =	vld.idx.msk [tilespmem:v46+s20+$0x0], $0xffff  }
0x6e7: {  	v48 =	vor.u32 v44, v59;
	_ =	sdelay $0x3  }
0x6e8: {  	v56 =	vor.u32 s24, v10;
	v45 =	vshll.u32 v55, $0x7;
	[tilespmem:v47+s18+$0x0] =	vst.idx.msk $0xffff, v46  }
0x6e9: {  	v49 =	vor.u32 v23, v45;
	v46 =	vand.u32 $0x7F, v56;
	v48 =	vld.idx.msk [tilespmem:v48+s20+$0x0], $0xffff  }
0x6ea: {  	v50 =	vor.u32 v46, v59;
	_ =	sdelay $0x3  }
0x6eb: {  	v57 =	vor.u32 s24, v11;
	v47 =	vshll.u32 v56, $0x7;
	[tilespmem:v49+s18+$0x0] =	vst.idx.msk $0xffff, v48  }
0x6ec: {  	v51 =	vor.u32 v23, v47;
	v48 =	vand.u32 $0x7F, v57;
	v50 =	vld.idx.msk [tilespmem:v50+s20+$0x0], $0xffff  }
0x6ed: {  	v52 =	vor.u32 v48, v59;
	_ =	sdelay $0x3  }
0x6ee: {  	v58 =	vor.u32 s24, v12;
	v49 =	vshll.u32 v57, $0x7;
	[tilespmem:v51+s18+$0x0] =	vst.idx.msk $0xffff, v50  }
0x6ef: {  	v53 =	vor.u32 v23, v49;
	v50 =	vand.u32 $0x7F, v58;
	v52 =	vld.idx.msk [tilespmem:v52+s20+$0x0], $0xffff  }
0x6f0: {  	v54 =	vor.u32 v50, v59;
	_ =	sdelay $0x3  }
0x6f1: {  	v60 =	vor.u32 s24, v13;
	v51 =	vshll.u32 v58, $0x7;
	[tilespmem:v53+s18+$0x0] =	vst.idx.msk $0xffff, v52  }
0x6f2: {  	v55 =	vor.u32 v23, v51;
	v52 =	vand.u32 $0x7F, v60;
	v54 =	vld.idx.msk [tilespmem:v54+s20+$0x0], $0xffff  }
0x6f3: {  	v56 =	vor.u32 v52, v59;
	_ =	sdelay $0x3  }
0x6f4: {  	v61 =	vor.u32 s24, v14;
	v53 =	vshll.u32 v60, $0x7;
	[tilespmem:v55+s18+$0x0] =	vst.idx.msk $0xffff, v54  }
0x6f5: {  	v57 =	vor.u32 v23, v53;
	v54 =	vand.u32 $0x7F, v61;
	v56 =	vld.idx.msk [tilespmem:v56+s20+$0x0], $0xffff  }
0x6f6: {  	v58 =	vor.u32 v54, v59;
	_ =	sdelay $0x3  }
0x6f7: {  	v55 =	vshll.u32 v61, $0x7;
	[tilespmem:v57+s18+$0x0] =	vst.idx.msk $0xffff, v56;
	v57 =	vor.u32 s24, v15  }
0x6f8: {  	v60 =	vor.u32 v23, v55;
	v58 =	vld.idx.msk [tilespmem:v58+s20+$0x0], $0xffff;
	v56 =	vand.u32 $0x7F, v57  }
0x6f9: {  	v61 =	vor.u32 v56, v59;
	_ =	sdelay $0x3  }
0x6fa: {  	v57 =	vshll.u32 v57, $0x7;
	[tilespmem:v60+s18+$0x0] =	vst.idx.msk $0xffff, v58;
	v60 =	vor.u32 s24, v16  }
0x6fb: {  	v62 =	vor.u32 v23, v57;
	v61 =	vld.idx.msk [tilespmem:v61+s20+$0x0], $0xffff;
	v58 =	vand.u32 $0x7F, v60  }
0x6fc: {  	v63 =	vor.u32 v58, v59;
	_ =	sdelay $0x3  }
0x6fd: {  	v59 =	vshll.u32 v60, $0x7;
	[tilespmem:v62+s18+$0x0] =	vst.idx.msk $0xffff, v61  }
0x6fe: {  	v23 =	vor.u32 v23, v59;
	v61 =	vadd.s32 v17, v28;
	v60 =	vld.idx.msk [tilespmem:v63+s20+$0x0], $0xffff  }
0x6ff: {  	v62 =	vor.u32 v29, v61;
	_ =	sdelay $0x3  }
0x700: {  	[tilespmem:v23+s18+$0x0] =	vst.idx.msk $0xffff, v60  }
0x701: {  	v60 =	vor.u32 v24, v27;
	v23 =	vld.idx.msk [tilespmem:v62+s20+$0x0], $0xffff  }
0x702: {  	v62 =	vor.u32 v30, v61;
	_ =	sdelay $0x3  }
0x703: {  	[tilespmem:v60+s18+$0x0] =	vst.idx.msk $0xffff, v23  }
0x704: {  	v60 =	vor.u32 v24, v31;
	v23 =	vld.idx.msk [tilespmem:v62+s20+$0x0], $0xffff  }
0x705: {  	v62 =	vor.u32 v32, v61;
	_ =	sdelay $0x3  }
0x706: {  	[tilespmem:v60+s18+$0x0] =	vst.idx.msk $0xffff, v23  }
0x707: {  	v60 =	vor.u32 v24, v33;
	v23 =	vld.idx.msk [tilespmem:v62+s20+$0x0], $0xffff  }
0x708: {  	v62 =	vor.u32 v34, v61;
	_ =	sdelay $0x3  }
0x709: {  	[tilespmem:v60+s18+$0x0] =	vst.idx.msk $0xffff, v23  }
0x70a: {  	v60 =	vor.u32 v24, v35;
	v23 =	vld.idx.msk [tilespmem:v62+s20+$0x0], $0xffff  }
0x70b: {  	v62 =	vor.u32 v36, v61;
	_ =	sdelay $0x3  }
0x70c: {  	[tilespmem:v60+s18+$0x0] =	vst.idx.msk $0xffff, v23  }
0x70d: {  	v60 =	vor.u32 v24, v37;
	v23 =	vld.idx.msk [tilespmem:v62+s20+$0x0], $0xffff  }
0x70e: {  	v62 =	vor.u32 v38, v61;
	_ =	sdelay $0x3  }
0x70f: {  	[tilespmem:v60+s18+$0x0] =	vst.idx.msk $0xffff, v23  }
0x710: {  	v60 =	vor.u32 v24, v39;
	v23 =	vld.idx.msk [tilespmem:v62+s20+$0x0], $0xffff  }
0x711: {  	v62 =	vor.u32 v40, v61;
	_ =	sdelay $0x3  }
0x712: {  	[tilespmem:v60+s18+$0x0] =	vst.idx.msk $0xffff, v23  }
0x713: {  	v60 =	vor.u32 v24, v41;
	v23 =	vld.idx.msk [tilespmem:v62+s20+$0x0], $0xffff  }
0x714: {  	v62 =	vor.u32 v42, v61;
	_ =	sdelay $0x3  }
0x715: {  	[tilespmem:v60+s18+$0x0] =	vst.idx.msk $0xffff, v23  }
0x716: {  	v60 =	vor.u32 v24, v43;
	v23 =	vld.idx.msk [tilespmem:v62+s20+$0x0], $0xffff  }
0x717: {  	v62 =	vor.u32 v44, v61;
	_ =	sdelay $0x3  }
0x718: {  	[tilespmem:v60+s18+$0x0] =	vst.idx.msk $0xffff, v23  }
0x719: {  	v60 =	vor.u32 v24, v45;
	v23 =	vld.idx.msk [tilespmem:v62+s20+$0x0], $0xffff  }
0x71a: {  	v62 =	vor.u32 v46, v61;
	_ =	sdelay $0x3  }
0x71b: {  	[tilespmem:v60+s18+$0x0] =	vst.idx.msk $0xffff, v23  }
0x71c: {  	v60 =	vor.u32 v24, v47;
	v23 =	vld.idx.msk [tilespmem:v62+s20+$0x0], $0xffff  }
0x71d: {  	v62 =	vor.u32 v48, v61;
	_ =	sdelay $0x3  }
0x71e: {  	[tilespmem:v60+s18+$0x0] =	vst.idx.msk $0xffff, v23  }
0x71f: {  	v60 =	vor.u32 v24, v49;
	v23 =	vld.idx.msk [tilespmem:v62+s20+$0x0], $0xffff  }
0x720: {  	v62 =	vor.u32 v50, v61;
	_ =	sdelay $0x3  }
0x721: {  	[tilespmem:v60+s18+$0x0] =	vst.idx.msk $0xffff, v23  }
0x722: {  	v60 =	vor.u32 v24, v51;
	v23 =	vld.idx.msk [tilespmem:v62+s20+$0x0], $0xffff  }
0x723: {  	v62 =	vor.u32 v52, v61;
	_ =	sdelay $0x3  }
0x724: {  	[tilespmem:v60+s18+$0x0] =	vst.idx.msk $0xffff, v23  }
0x725: {  	v60 =	vor.u32 v24, v53;
	v23 =	vld.idx.msk [tilespmem:v62+s20+$0x0], $0xffff  }
0x726: {  	v62 =	vor.u32 v54, v61;
	_ =	sdelay $0x3  }
0x727: {  	[tilespmem:v60+s18+$0x0] =	vst.idx.msk $0xffff, v23  }
0x728: {  	v60 =	vor.u32 v24, v55;
	v23 =	vld.idx.msk [tilespmem:v62+s20+$0x0], $0xffff  }
0x729: {  	v62 =	vor.u32 v56, v61;
	_ =	sdelay $0x3  }
0x72a: {  	[tilespmem:v60+s18+$0x0] =	vst.idx.msk $0xffff, v23  }
0x72b: {  	v60 =	vor.u32 v24, v57;
	v23 =	vld.idx.msk [tilespmem:v62+s20+$0x0], $0xffff  }
0x72c: {  	v61 =	vor.u32 v58, v61;
	_ =	sdelay $0x3  }
0x72d: {  	[tilespmem:v60+s18+$0x0] =	vst.idx.msk $0xffff, v23  }
0x72e: {  	v24 =	vor.u32 v24, v59;
	v60 =	vadd.s32 v19, v28;
	v23 =	vld.idx.msk [tilespmem:v61+s20+$0x0], $0xffff  }
0x72f: {  	v61 =	vor.u32 v29, v60;
	_ =	sdelay $0x3  }
0x730: {  	[tilespmem:v24+s18+$0x0] =	vst.idx.msk $0xffff, v23  }
0x731: {  	v24 =	vor.u32 v25, v27;
	v23 =	vld.idx.msk [tilespmem:v61+s20+$0x0], $0xffff  }
0x732: {  	v61 =	vor.u32 v30, v60;
	_ =	sdelay $0x3  }
0x733: {  	[tilespmem:v24+s18+$0x0] =	vst.idx.msk $0xffff, v23  }
0x734: {  	v24 =	vor.u32 v25, v31;
	v23 =	vld.idx.msk [tilespmem:v61+s20+$0x0], $0xffff  }
0x735: {  	v61 =	vor.u32 v32, v60;
	_ =	sdelay $0x3  }
0x736: {  	[tilespmem:v24+s18+$0x0] =	vst.idx.msk $0xffff, v23  }
0x737: {  	v24 =	vor.u32 v25, v33;
	v23 =	vld.idx.msk [tilespmem:v61+s20+$0x0], $0xffff  }
0x738: {  	v61 =	vor.u32 v34, v60;
	_ =	sdelay $0x3  }
0x739: {  	[tilespmem:v24+s18+$0x0] =	vst.idx.msk $0xffff, v23  }
0x73a: {  	v24 =	vor.u32 v25, v35;
	v23 =	vld.idx.msk [tilespmem:v61+s20+$0x0], $0xffff  }
0x73b: {  	v61 =	vor.u32 v36, v60;
	_ =	sdelay $0x3  }
0x73c: {  	[tilespmem:v24+s18+$0x0] =	vst.idx.msk $0xffff, v23  }
0x73d: {  	v24 =	vor.u32 v25, v37;
	v23 =	vld.idx.msk [tilespmem:v61+s20+$0x0], $0xffff  }
0x73e: {  	v61 =	vor.u32 v38, v60;
	_ =	sdelay $0x3  }
0x73f: {  	[tilespmem:v24+s18+$0x0] =	vst.idx.msk $0xffff, v23  }
0x740: {  	v24 =	vor.u32 v25, v39;
	v23 =	vld.idx.msk [tilespmem:v61+s20+$0x0], $0xffff  }
0x741: {  	v61 =	vor.u32 v40, v60;
	_ =	sdelay $0x3  }
0x742: {  	[tilespmem:v24+s18+$0x0] =	vst.idx.msk $0xffff, v23  }
0x743: {  	v24 =	vor.u32 v25, v41;
	v23 =	vld.idx.msk [tilespmem:v61+s20+$0x0], $0xffff  }
0x744: {  	v61 =	vor.u32 v42, v60;
	_ =	sdelay $0x3  }
0x745: {  	[tilespmem:v24+s18+$0x0] =	vst.idx.msk $0xffff, v23  }
0x746: {  	v24 =	vor.u32 v25, v43;
	v23 =	vld.idx.msk [tilespmem:v61+s20+$0x0], $0xffff  }
0x747: {  	v61 =	vor.u32 v44, v60;
	_ =	sdelay $0x3  }
0x748: {  	[tilespmem:v24+s18+$0x0] =	vst.idx.msk $0xffff, v23  }
0x749: {  	v24 =	vor.u32 v25, v45;
	v23 =	vld.idx.msk [tilespmem:v61+s20+$0x0], $0xffff  }
0x74a: {  	v61 =	vor.u32 v46, v60;
	_ =	sdelay $0x3  }
0x74b: {  	[tilespmem:v24+s18+$0x0] =	vst.idx.msk $0xffff, v23  }
0x74c: {  	v24 =	vor.u32 v25, v47;
	v23 =	vld.idx.msk [tilespmem:v61+s20+$0x0], $0xffff  }
0x74d: {  	v61 =	vor.u32 v48, v60;
	_ =	sdelay $0x3  }
0x74e: {  	[tilespmem:v24+s18+$0x0] =	vst.idx.msk $0xffff, v23  }
0x74f: {  	v24 =	vor.u32 v25, v49;
	v23 =	vld.idx.msk [tilespmem:v61+s20+$0x0], $0xffff  }
0x750: {  	v61 =	vor.u32 v50, v60;
	_ =	sdelay $0x3  }
0x751: {  	[tilespmem:v24+s18+$0x0] =	vst.idx.msk $0xffff, v23  }
0x752: {  	v24 =	vor.u32 v25, v51;
	v23 =	vld.idx.msk [tilespmem:v61+s20+$0x0], $0xffff  }
0x753: {  	v61 =	vor.u32 v52, v60;
	_ =	sdelay $0x3  }
0x754: {  	[tilespmem:v24+s18+$0x0] =	vst.idx.msk $0xffff, v23  }
0x755: {  	v24 =	vor.u32 v25, v53;
	v23 =	vld.idx.msk [tilespmem:v61+s20+$0x0], $0xffff  }
0x756: {  	v61 =	vor.u32 v54, v60;
	_ =	sdelay $0x3  }
0x757: {  	[tilespmem:v24+s18+$0x0] =	vst.idx.msk $0xffff, v23  }
0x758: {  	v24 =	vor.u32 v25, v55;
	v23 =	vld.idx.msk [tilespmem:v61+s20+$0x0], $0xffff  }
0x759: {  	v61 =	vor.u32 v56, v60;
	_ =	sdelay $0x3  }
0x75a: {  	[tilespmem:v24+s18+$0x0] =	vst.idx.msk $0xffff, v23  }
0x75b: {  	v24 =	vor.u32 v25, v57;
	v23 =	vld.idx.msk [tilespmem:v61+s20+$0x0], $0xffff  }
0x75c: {  	v60 =	vor.u32 v58, v60;
	_ =	sdelay $0x3  }
0x75d: {  	[tilespmem:v24+s18+$0x0] =	vst.idx.msk $0xffff, v23  }
0x75e: {  	v62 =	vor.u32 v25, v59;
	v25 =	vadd.s32 v21, v28;
	v23 =	vld.idx.msk [tilespmem:v60+s20+$0x0], $0xffff  }
0x75f: {  	v28 =	vor.u32 v29, v25;
	_ =	sdelay $0x3  }
0x760: {  	[tilespmem:v62+s18+$0x0] =	vst.idx.msk $0xffff, v23  }
0x761: {  	v63 =	vor.u32 v26, v27;
	v23 =	vld.idx.msk [tilespmem:v28+s20+$0x0], $0xffff  }
0x762: {  	v30 =	vor.u32 v30, v25;
	_ =	sdelay $0x3  }
0x763: {  	[tilespmem:v63+s18+$0x0] =	vst.idx.msk $0xffff, v23  }
0x764: {  	v31 =	vor.u32 v26, v31;
	v23 =	vld.idx.msk [tilespmem:v30+s20+$0x0], $0xffff  }
0x765: {  	v32 =	vor.u32 v32, v25;
	_ =	sdelay $0x3  }
0x766: {  	[tilespmem:v31+s18+$0x0] =	vst.idx.msk $0xffff, v23  }
0x767: {  	v33 =	vor.u32 v26, v33;
	v23 =	vld.idx.msk [tilespmem:v32+s20+$0x0], $0xffff  }
0x768: {  	v34 =	vor.u32 v34, v25;
	_ =	sdelay $0x3  }
0x769: {  	[tilespmem:v33+s18+$0x0] =	vst.idx.msk $0xffff, v23  }
0x76a: {  	v35 =	vor.u32 v26, v35;
	v23 =	vld.idx.msk [tilespmem:v34+s20+$0x0], $0xffff  }
0x76b: {  	v36 =	vor.u32 v36, v25;
	_ =	sdelay $0x3  }
0x76c: {  	[tilespmem:v35+s18+$0x0] =	vst.idx.msk $0xffff, v23  }
0x76d: {  	v37 =	vor.u32 v26, v37;
	v23 =	vld.idx.msk [tilespmem:v36+s20+$0x0], $0xffff  }
0x76e: {  	v38 =	vor.u32 v38, v25;
	_ =	sdelay $0x3  }
0x76f: {  	[tilespmem:v37+s18+$0x0] =	vst.idx.msk $0xffff, v23  }
0x770: {  	v39 =	vor.u32 v26, v39;
	v23 =	vld.idx.msk [tilespmem:v38+s20+$0x0], $0xffff  }
0x771: {  	v40 =	vor.u32 v40, v25;
	_ =	sdelay $0x3  }
0x772: {  	[tilespmem:v39+s18+$0x0] =	vst.idx.msk $0xffff, v23  }
0x773: {  	v41 =	vor.u32 v26, v41;
	v23 =	vld.idx.msk [tilespmem:v40+s20+$0x0], $0xffff  }
0x774: {  	v42 =	vor.u32 v42, v25;
	_ =	sdelay $0x3  }
0x775: {  	[tilespmem:v41+s18+$0x0] =	vst.idx.msk $0xffff, v23  }
0x776: {  	v43 =	vor.u32 v26, v43;
	v23 =	vld.idx.msk [tilespmem:v42+s20+$0x0], $0xffff  }
0x777: {  	v44 =	vor.u32 v44, v25;
	_ =	sdelay $0x3  }
0x778: {  	[tilespmem:v43+s18+$0x0] =	vst.idx.msk $0xffff, v23  }
0x779: {  	v45 =	vor.u32 v26, v45;
	v23 =	vld.idx.msk [tilespmem:v44+s20+$0x0], $0xffff  }
0x77a: {  	v46 =	vor.u32 v46, v25;
	_ =	sdelay $0x3  }
0x77b: {  	[tilespmem:v45+s18+$0x0] =	vst.idx.msk $0xffff, v23  }
0x77c: {  	v47 =	vor.u32 v26, v47;
	v23 =	vld.idx.msk [tilespmem:v46+s20+$0x0], $0xffff  }
0x77d: {  	v48 =	vor.u32 v48, v25;
	_ =	sdelay $0x3  }
0x77e: {  	[tilespmem:v47+s18+$0x0] =	vst.idx.msk $0xffff, v23  }
0x77f: {  	v49 =	vor.u32 v26, v49;
	v23 =	vld.idx.msk [tilespmem:v48+s20+$0x0], $0xffff  }
0x780: {  	v50 =	vor.u32 v50, v25;
	_ =	sdelay $0x3  }
0x781: {  	[tilespmem:v49+s18+$0x0] =	vst.idx.msk $0xffff, v23  }
0x782: {  	v51 =	vor.u32 v26, v51;
	v23 =	vld.idx.msk [tilespmem:v50+s20+$0x0], $0xffff  }
0x783: {  	v52 =	vor.u32 v52, v25;
	_ =	sdelay $0x3  }
0x784: {  	[tilespmem:v51+s18+$0x0] =	vst.idx.msk $0xffff, v23  }
0x785: {  	v53 =	vor.u32 v26, v53;
	v23 =	vld.idx.msk [tilespmem:v52+s20+$0x0], $0xffff  }
0x786: {  	v54 =	vor.u32 v54, v25;
	_ =	sdelay $0x3  }
0x787: {  	[tilespmem:v53+s18+$0x0] =	vst.idx.msk $0xffff, v23  }
0x788: {  	v60 =	vor.u32 v26, v55;
	v23 =	vld.idx.msk [tilespmem:v54+s20+$0x0], $0xffff  }
0x789: {  	v61 =	vor.u32 v56, v25;
	_ =	sdelay $0x3  }
0x78a: {  	[tilespmem:v60+s18+$0x0] =	vst.idx.msk $0xffff, v23  }
0x78b: {  	v62 =	vor.u32 v26, v57;
	v23 =	vld.idx.msk [tilespmem:v61+s20+$0x0], $0xffff  }
0x78c: {  	v25 =	vor.u32 v58, v25;
	_ =	sdelay $0x3  }
0x78d: {  	[tilespmem:v62+s18+$0x0] =	vst.idx.msk $0xffff, v23  }
0x78e: {  	v63 =	vor.u32 v26, v59;
	v23 =	vld.idx.msk [tilespmem:v25+s20+$0x0], $0xffff;
	_ =	sdelay $0x1  }
0x78f: {  	s31 =	smul.u32 $0x26000, s21  }
0x790: {  	s26 =	rddreg [dreg:$0x4]  }
0x791: {  	s28 =	rddreg [dreg:$0x2];
	s26 =	sor.u32 s26, s31  }
0x792: {  	s29 =	rddreg [dreg:$0x7];
	s28 =	sadd.s32 s28, s26;
	s24 =	simm.s32 $0x0;
	[tilespmem:v63+s18+$0x0] =	vst.idx.msk $0xffff, v23  }
0x793: {  	[hbm4b:s28+s24] =	stream.linear.scatter [tilespmem:s18], [sflag:$0x3], $0x400, $0x38;
	[tilespmem:$0x17400] =	vst v63  }
0x794: {  	s30 =	rddreg [dreg:$0x8];
	s28 =	sadd.s32 s26, s29;
	s29 =	simm.s32 $0xE000  }
0x795: {  	[hbm4b:s28+s24] =	stream.linear.scatter [tilespmem:s29], [sflag:$0x3], $0x400, $0x38;
	[tilespmem:$0x17400] =	vst v63  }
0x796: {  	s31 =	simm.s32 $0xE400;
	s28 =	sadd.s32 s26, s30;
	s30 =	rddreg [dreg:$0x9]  }
0x797: {  	[hbm4b:s28+s24] =	stream.linear.scatter [tilespmem:s31], [sflag:$0x3], $0x400, $0x38;
	[tilespmem:$0x17400] =	vst v63  }
0x798: {  	s28 =	sadd.s32 s26, s30;
	s31 =	simm.s32 $0xE800;
	s30 =	rddreg [dreg:$0xa]  }
0x799: {  	[hbm4b:s28+s24] =	stream.linear.scatter [tilespmem:s31], [sflag:$0x3], $0x400, $0x38;
	[tilespmem:$0x17400] =	vst v63  }
0x79a: {  	s28 =	sadd.s32 s26, s30;
	s31 =	simm.s32 $0xEC00;
	s30 =	rddreg [dreg:$0xb]  }
0x79b: {  	[hbm4b:s28+s24] =	stream.linear.scatter [tilespmem:s31], [sflag:$0x3], $0x400, $0x38;
	[tilespmem:$0x17400] =	vst v63  }
0x79c: {  	s28 =	sadd.s32 s26, s30;
	s31 =	simm.s32 $0xF000;
	s30 =	rddreg [dreg:$0xc]  }
0x79d: {  	[hbm4b:s28+s24] =	stream.linear.scatter [tilespmem:s31], [sflag:$0x3], $0x400, $0x38;
	[tilespmem:$0x17400] =	vst v63  }
0x79e: {  	s28 =	sadd.s32 s26, s30;
	s31 =	simm.s32 $0xF400;
	s30 =	rddreg [dreg:$0xd]  }
0x79f: {  	[hbm4b:s28+s24] =	stream.linear.scatter [tilespmem:s31], [sflag:$0x3], $0x400, $0x38;
	[tilespmem:$0x17400] =	vst v63  }
0x7a0: {  	s28 =	sadd.s32 s26, s30;
	s31 =	simm.s32 $0xF800;
	s30 =	rddreg [dreg:$0xe]  }
0x7a1: {  	[hbm4b:s28+s24] =	stream.linear.scatter [tilespmem:s31], [sflag:$0x3], $0x400, $0x38;
	[tilespmem:$0x17400] =	vst v63  }
0x7a2: {  	s28 =	sadd.s32 s26, s30;
	s31 =	simm.s32 $0xFC00;
	s30 =	rddreg [dreg:$0xf]  }
0x7a3: {  	[hbm4b:s28+s24] =	stream.linear.scatter [tilespmem:s31], [sflag:$0x3], $0x400, $0x38;
	[tilespmem:$0x17400] =	vst v63  }
0x7a4: {  	s28 =	sadd.s32 s26, s30;
	s31 =	simm.s32 $0x10000;
	s30 =	rddreg [dreg:$0x10]  }
0x7a5: {  	[hbm4b:s28+s24] =	stream.linear.scatter [tilespmem:s31], [sflag:$0x3], $0x400, $0x38;
	[tilespmem:$0x17400] =	vst v63  }
0x7a6: {  	s28 =	sadd.s32 s26, s30;
	s31 =	simm.s32 $0x10400;
	s30 =	rddreg [dreg:$0x11]  }
0x7a7: {  	[hbm4b:s28+s24] =	stream.linear.scatter [tilespmem:s31], [sflag:$0x3], $0x400, $0x38;
	[tilespmem:$0x17400] =	vst v63  }
0x7a8: {  	s28 =	sadd.s32 s26, s30;
	s31 =	simm.s32 $0x10800;
	s30 =	rddreg [dreg:$0x12]  }
0x7a9: {  	[hbm4b:s28+s24] =	stream.linear.scatter [tilespmem:s31], [sflag:$0x3], $0x400, $0x38;
	[tilespmem:$0x17400] =	vst v63  }
0x7aa: {  	s28 =	sadd.s32 s26, s30;
	s31 =	simm.s32 $0x10C00;
	s30 =	rddreg [dreg:$0x13]  }
0x7ab: {  	[hbm4b:s28+s24] =	stream.linear.scatter [tilespmem:s31], [sflag:$0x3], $0x400, $0x38;
	[tilespmem:$0x17400] =	vst v63  }
0x7ac: {  	s28 =	sadd.s32 s26, s30;
	s31 =	simm.s32 $0x11000;
	s30 =	rddreg [dreg:$0x14]  }
0x7ad: {  	[hbm4b:s28+s24] =	stream.linear.scatter [tilespmem:s31], [sflag:$0x3], $0x400, $0x38;
	[tilespmem:$0x17400] =	vst v63  }
0x7ae: {  	s28 =	sadd.s32 s26, s30;
	s31 =	simm.s32 $0x11400;
	s30 =	rddreg [dreg:$0x15]  }
0x7af: {  	[hbm4b:s28+s24] =	stream.linear.scatter [tilespmem:s31], [sflag:$0x3], $0x400, $0x38;
	[tilespmem:$0x17400] =	vst v63  }
0x7b0: {  	s28 =	sadd.s32 s26, s30;
	s31 =	simm.s32 $0x11800;
	s30 =	rddreg [dreg:$0x16]  }
0x7b1: {  	[hbm4b:s28+s24] =	stream.linear.scatter [tilespmem:s31], [sflag:$0x3], $0x400, $0x38;
	[tilespmem:$0x17400] =	vst v63  }
0x7b2: {  	s28 =	sadd.s32 s26, s30;
	s31 =	simm.s32 $0x11C00;
	s30 =	rddreg [dreg:$0x17]  }
0x7b3: {  	[hbm4b:s28+s24] =	stream.linear.scatter [tilespmem:s31], [sflag:$0x3], $0x400, $0x38;
	[tilespmem:$0x17400] =	vst v63  }
0x7b4: {  	s28 =	sadd.s32 s26, s30;
	s31 =	simm.s32 $0x12000;
	s30 =	rddreg [dreg:$0x19]  }
0x7b5: {  	[hbm4b:s28+s24] =	stream.linear.scatter [tilespmem:s31], [sflag:$0x3], $0x400, $0x38;
	[tilespmem:$0x17400] =	vst v63  }
0x7b6: {  	s28 =	sadd.s32 s26, s30;
	s31 =	simm.s32 $0x12400;
	s30 =	rddreg [dreg:$0x1a]  }
0x7b7: {  	[hbm4b:s28+s24] =	stream.linear.scatter [tilespmem:s31], [sflag:$0x3], $0x400, $0x38;
	[tilespmem:$0x17400] =	vst v63  }
0x7b8: {  	s28 =	sadd.s32 s26, s30;
	s31 =	simm.s32 $0x12800;
	s30 =	rddreg [dreg:$0x1b]  }
0x7b9: {  	[hbm4b:s28+s24] =	stream.linear.scatter [tilespmem:s31], [sflag:$0x3], $0x400, $0x38;
	[tilespmem:$0x17400] =	vst v63  }
0x7ba: {  	s28 =	sadd.s32 s26, s30;
	s31 =	simm.s32 $0x12C00;
	s30 =	rddreg [dreg:$0x1c]  }
0x7bb: {  	[hbm4b:s28+s24] =	stream.linear.scatter [tilespmem:s31], [sflag:$0x3], $0x400, $0x38;
	[tilespmem:$0x17400] =	vst v63  }
0x7bc: {  	s29 =	rddreg [dreg:$0x1d];
	s28 =	sadd.s32 s26, s30;
	s31 =	simm.s32 $0x13000  }
0x7bd: {  	[hbm4b:s28+s24] =	stream.linear.scatter [tilespmem:s31], [sflag:$0x3], $0x400, $0x38;
	[tilespmem:$0x17400] =	vst v63  }
0x7be: {  	s30 =	simm.s32 $0x13400;
	s28 =	sadd.s32 s26, s29  }
0x7bf: {  	[hbm4b:s28+s24] =	stream.linear.scatter [tilespmem:s30], [sflag:$0x3], $0x400, $0x38;
	[tilespmem:$0x17400] =	vst v63  }
0x7c0: {  	s31 =	sadd.s32 s26, s0;
	s30 =	simm.s32 $0x13800  }
0x7c1: {  	[hbm4b:s31+s24] =	stream.linear.scatter [tilespmem:s30], [sflag:$0x3], $0x400, $0x38;
	[tilespmem:$0x17400] =	vst v63  }
0x7c2: {  	s31 =	sadd.s32 s26, s2;
	s30 =	simm.s32 $0x13C00  }
0x7c3: {  	[hbm4b:s31+s24] =	stream.linear.scatter [tilespmem:s30], [sflag:$0x3], $0x400, $0x38;
	[tilespmem:$0x17400] =	vst v63  }
0x7c4: {  	s31 =	sadd.s32 s26, s7;
	s30 =	simm.s32 $0x14000  }
0x7c5: {  	[hbm4b:s31+s24] =	stream.linear.scatter [tilespmem:s30], [sflag:$0x3], $0x400, $0x38;
	[tilespmem:$0x17400] =	vst v63  }
0x7c6: {  	s31 =	sadd.s32 s26, s25;
	s30 =	simm.s32 $0x14400  }
0x7c7: {  	[hbm4b:s31+s24] =	stream.linear.scatter [tilespmem:s30], [sflag:$0x3], $0x400, $0x38;
	[tilespmem:$0x17400] =	vst v63  }
0x7c8: {  	s31 =	sadd.s32 s26, s5;
	s30 =	simm.s32 $0x14800  }
0x7c9: {  	[hbm4b:s31+s24] =	stream.linear.scatter [tilespmem:s30], [sflag:$0x3], $0x400, $0x38;
	[tilespmem:$0x17400] =	vst v63  }
0x7ca: {  	s31 =	sadd.s32 s26, s1;
	s30 =	simm.s32 $0x14C00  }
0x7cb: {  	[hbm4b:s31+s24] =	stream.linear.scatter [tilespmem:s30], [sflag:$0x3], $0x400, $0x38;
	[tilespmem:$0x17400] =	vst v63  }
0x7cc: {  	s31 =	sadd.s32 s26, s4;
	s30 =	simm.s32 $0x15000  }
0x7cd: {  	[hbm4b:s31+s24] =	stream.linear.scatter [tilespmem:s30], [sflag:$0x3], $0x400, $0x38;
	[tilespmem:$0x17400] =	vst v63  }
0x7ce: {  	s31 =	sadd.s32 s26, s8;
	s30 =	simm.s32 $0x15400  }
0x7cf: {  	[hbm4b:s31+s24] =	stream.linear.scatter [tilespmem:s30], [sflag:$0x3], $0x400, $0x38;
	[tilespmem:$0x17400] =	vst v63  }
0x7d0: {  	s31 =	sadd.s32 s26, s9;
	s30 =	simm.s32 $0x15800  }
0x7d1: {  	[hbm4b:s31+s24] =	stream.linear.scatter [tilespmem:s30], [sflag:$0x3], $0x400, $0x38;
	[tilespmem:$0x17400] =	vst v63  }
0x7d2: {  	s31 =	sadd.s32 s26, s10;
	s30 =	simm.s32 $0x15C00  }
0x7d3: {  	[hbm4b:s31+s24] =	stream.linear.scatter [tilespmem:s30], [sflag:$0x3], $0x400, $0x38;
	[tilespmem:$0x17400] =	vst v63  }
0x7d4: {  	s31 =	sadd.s32 s26, s11;
	s30 =	simm.s32 $0x16000  }
0x7d5: {  	[hbm4b:s31+s24] =	stream.linear.scatter [tilespmem:s30], [sflag:$0x3], $0x400, $0x38;
	[tilespmem:$0x17400] =	vst v63  }
0x7d6: {  	s31 =	sadd.s32 s26, s12;
	s30 =	simm.s32 $0x16400  }
0x7d7: {  	[hbm4b:s31+s24] =	stream.linear.scatter [tilespmem:s30], [sflag:$0x3], $0x400, $0x38;
	[tilespmem:$0x17400] =	vst v63  }
0x7d8: {  	s31 =	sadd.s32 s26, s13;
	s30 =	simm.s32 $0x16800  }
0x7d9: {  	[hbm4b:s31+s24] =	stream.linear.scatter [tilespmem:s30], [sflag:$0x3], $0x400, $0x38;
	[tilespmem:$0x17400] =	vst v63  }
.Ltmp8:
0x7da: {  	s31 =	sadd.s32 s26, s14;
	s30 =	simm.s32 $0x16C00;
	(pc) =	sbr.rel @p0 .LBB2_15-.Ltmp8, $4  }
0x7db: {  	[hbm4b:s31+s24] =	stream.linear.scatter [tilespmem:s30], [sflag:$0x3], $0x400, $0x38;
	[tilespmem:$0x17400] =	vst v63  }
0x7dc: {  	s26 =	sadd.s32 s26, s15;
	s31 =	simm.s32 $0x17000  }
0x7dd: {  	[hbm4b:s26+s24] =	stream.linear.scatter [tilespmem:s31], [sflag:$0x3], $0x400, $0x38;
	[tilespmem:$0x17400] =	vst v63  }
0x7de: {  	s26 =	smov.u32 s23  }
.LBB2_13:
0x7df: {  	v23 =	vld [tilespmem:s26+$0x0];
	_ =	sdelay $0x4  }
0x7e0: {  	(v2sf) =	vpush v23, $0x0;
	_ =	sdelay $0xb  }
0x7e1: {  	(v2sf) =	vpush v23, $0x1;
	_ =	sdelay $0x2  }
0x7e2: {  	s28 =	spop (v2sf)  }
0x7e3: {  	s29 =	sshrl.u32 s28, $0x3  }
0x7e4: {  	s28 =	sshll.u32 s28, $0x7;
	s29 =	smul.u32 $0xC00, s29  }
0x7e5: {  	s28 =	sand.u32 $0x380, s28  }
0x7e6: {  	s28 =	sor.u32 s28, s29  }
0x7e7: {  	s29 =	sshrl.u32 s28, $0x3;
	s28 =	sshra.s32 s24, $0x2  }
0x7e8: {  	s29 =	sadd.s32 s6, s29;
	s30 =	sadd.s32 $0x7C00, s28  }
0x7e9: {  	[tilespmem:s30], [sflag:$0x2] =	stream.linear.gather [hbm4b:s29+s3], $0x80, $0x38;
	[tilespmem:$0x17400] =	vst v63  }
0x7ea: {  	s31 =	sadd.s32 $0x8000, s28;
	s30 =	sadd.s32 $0x80, s29  }
0x7eb: {  	(v2sf) =	vpush v23, $0x2;
	[tilespmem:s31], [sflag:$0x2] =	stream.linear.gather [hbm4b:s30+s3], $0x80, $0x38;
	[tilespmem:$0x17400] =	vst v63  }
0x7ec: {  	s29 =	sadd.s32 $0x100, s29;
	s31 =	sadd.s32 $0x8400, s28  }
0x7ed: {  	[tilespmem:s31], [sflag:$0x2] =	stream.linear.gather [hbm4b:s29+s3], $0x80, $0x38;
	[tilespmem:$0x17400] =	vst v63  }
0x7ee: {  	s29 =	spop (v2sf)  }
0x7ef: {  	s31 =	sshrl.u32 s29, $0x3  }
0x7f0: {  	s29 =	sshll.u32 s29, $0x7;
	s30 =	smul.u32 $0xC00, s31  }
0x7f1: {  	s29 =	sand.u32 $0x380, s29  }
0x7f2: {  	s29 =	sor.u32 s29, s30  }
0x7f3: {  	s29 =	sshrl.u32 s29, $0x3  }
0x7f4: {  	s31 =	sadd.s32 $0x7C80, s28;
	s29 =	sadd.s32 s6, s29  }
0x7f5: {  	[tilespmem:s31], [sflag:$0x2] =	stream.linear.gather [hbm4b:s29+s3], $0x80, $0x38;
	[tilespmem:$0x17400] =	vst v63  }
0x7f6: {  	s30 =	sadd.s32 $0x80, s29;
	s31 =	sadd.s32 $0x8080, s28  }
0x7f7: {  	(v2sf) =	vpush v23, $0x3;
	[tilespmem:s31], [sflag:$0x2] =	stream.linear.gather [hbm4b:s30+s3], $0x80, $0x38;
	[tilespmem:$0x17400] =	vst v63  }
0x7f8: {  	s29 =	sadd.s32 $0x100, s29;
	s31 =	sadd.s32 $0x8480, s28  }
0x7f9: {  	[tilespmem:s31], [sflag:$0x2] =	stream.linear.gather [hbm4b:s29+s3], $0x80, $0x38;
	[tilespmem:$0x17400] =	vst v63  }
0x7fa: {  	s29 =	spop (v2sf)  }
0x7fb: {  	s31 =	sshrl.u32 s29, $0x3  }
0x7fc: {  	s29 =	sshll.u32 s29, $0x7;
	s30 =	smul.u32 $0xC00, s31  }
0x7fd: {  	s29 =	sand.u32 $0x380, s29  }
0x7fe: {  	s29 =	sor.u32 s29, s30  }
0x7ff: {  	s29 =	sshrl.u32 s29, $0x3  }
0x800: {  	s31 =	sadd.s32 $0x7D00, s28;
	s29 =	sadd.s32 s6, s29  }
0x801: {  	[tilespmem:s31], [sflag:$0x2] =	stream.linear.gather [hbm4b:s29+s3], $0x80, $0x38;
	[tilespmem:$0x17400] =	vst v63  }
0x802: {  	s30 =	sadd.s32 $0x80, s29;
	s31 =	sadd.s32 $0x8100, s28  }
0x803: {  	(v2sf) =	vpush v23, $0x4;
	[tilespmem:s31], [sflag:$0x2] =	stream.linear.gather [hbm4b:s30+s3], $0x80, $0x38;
	[tilespmem:$0x17400] =	vst v63  }
0x804: {  	s29 =	sadd.s32 $0x100, s29;
	s31 =	sadd.s32 $0x8500, s28  }
0x805: {  	[tilespmem:s31], [sflag:$0x2] =	stream.linear.gather [hbm4b:s29+s3], $0x80, $0x38;
	[tilespmem:$0x17400] =	vst v63  }
0x806: {  	s29 =	spop (v2sf)  }
0x807: {  	s31 =	sshrl.u32 s29, $0x3  }
0x808: {  	s29 =	sshll.u32 s29, $0x7;
	s30 =	smul.u32 $0xC00, s31  }
0x809: {  	s29 =	sand.u32 $0x380, s29  }
0x80a: {  	s29 =	sor.u32 s29, s30  }
0x80b: {  	s29 =	sshrl.u32 s29, $0x3  }
0x80c: {  	s31 =	sadd.s32 $0x7D80, s28;
	s29 =	sadd.s32 s6, s29  }
0x80d: {  	[tilespmem:s31], [sflag:$0x2] =	stream.linear.gather [hbm4b:s29+s3], $0x80, $0x38;
	[tilespmem:$0x17400] =	vst v63  }
0x80e: {  	s30 =	sadd.s32 $0x80, s29;
	s31 =	sadd.s32 $0x8180, s28  }
0x80f: {  	(v2sf) =	vpush v23, $0x5;
	[tilespmem:s31], [sflag:$0x2] =	stream.linear.gather [hbm4b:s30+s3], $0x80, $0x38;
	[tilespmem:$0x17400] =	vst v63  }
0x810: {  	s29 =	sadd.s32 $0x100, s29;
	s31 =	sadd.s32 $0x8580, s28  }
0x811: {  	[tilespmem:s31], [sflag:$0x2] =	stream.linear.gather [hbm4b:s29+s3], $0x80, $0x38;
	[tilespmem:$0x17400] =	vst v63  }
0x812: {  	s29 =	spop (v2sf)  }
0x813: {  	s31 =	sshrl.u32 s29, $0x3  }
0x814: {  	s29 =	sshll.u32 s29, $0x7;
	s30 =	smul.u32 $0xC00, s31  }
0x815: {  	s29 =	sand.u32 $0x380, s29  }
0x816: {  	s29 =	sor.u32 s29, s30  }
0x817: {  	s29 =	sshrl.u32 s29, $0x3  }
0x818: {  	s31 =	sadd.s32 $0x7E00, s28;
	s29 =	sadd.s32 s6, s29  }
0x819: {  	[tilespmem:s31], [sflag:$0x2] =	stream.linear.gather [hbm4b:s29+s3], $0x80, $0x38;
	[tilespmem:$0x17400] =	vst v63  }
0x81a: {  	s30 =	sadd.s32 $0x80, s29;
	s31 =	sadd.s32 $0x8200, s28  }
0x81b: {  	(v2sf) =	vpush v23, $0x6;
	[tilespmem:s31], [sflag:$0x2] =	stream.linear.gather [hbm4b:s30+s3], $0x80, $0x38;
	[tilespmem:$0x17400] =	vst v63  }
0x81c: {  	s29 =	sadd.s32 $0x100, s29;
	s31 =	sadd.s32 $0x8600, s28  }
0x81d: {  	[tilespmem:s31], [sflag:$0x2] =	stream.linear.gather [hbm4b:s29+s3], $0x80, $0x38;
	[tilespmem:$0x17400] =	vst v63  }
0x81e: {  	s29 =	spop (v2sf)  }
0x81f: {  	s31 =	sshrl.u32 s29, $0x3  }
0x820: {  	s29 =	sshll.u32 s29, $0x7;
	s30 =	smul.u32 $0xC00, s31  }
0x821: {  	s29 =	sand.u32 $0x380, s29  }
0x822: {  	s29 =	sor.u32 s29, s30  }
0x823: {  	s29 =	sshrl.u32 s29, $0x3  }
0x824: {  	s31 =	sadd.s32 $0x7E80, s28;
	s29 =	sadd.s32 s6, s29  }
0x825: {  	[tilespmem:s31], [sflag:$0x2] =	stream.linear.gather [hbm4b:s29+s3], $0x80, $0x38;
	[tilespmem:$0x17400] =	vst v63  }
0x826: {  	s30 =	sadd.s32 $0x80, s29;
	s31 =	sadd.s32 $0x8280, s28  }
0x827: {  	(v2sf) =	vpush v23, $0x7;
	[tilespmem:s31], [sflag:$0x2] =	stream.linear.gather [hbm4b:s30+s3], $0x80, $0x38;
	[tilespmem:$0x17400] =	vst v63  }
0x828: {  	s29 =	sadd.s32 $0x100, s29;
	s31 =	sadd.s32 $0x8680, s28  }
0x829: {  	[tilespmem:s31], [sflag:$0x2] =	stream.linear.gather [hbm4b:s29+s3], $0x80, $0x38;
	[tilespmem:$0x17400] =	vst v63  }
0x82a: {  	s29 =	spop (v2sf)  }
0x82b: {  	s31 =	sshrl.u32 s29, $0x3  }
0x82c: {  	s29 =	sshll.u32 s29, $0x7;
	s30 =	smul.u32 $0xC00, s31  }
0x82d: {  	s29 =	sand.u32 $0x380, s29  }
0x82e: {  	s29 =	sor.u32 s29, s30  }
0x82f: {  	s29 =	sshrl.u32 s29, $0x3  }
0x830: {  	s31 =	sadd.s32 $0x7F00, s28;
	s29 =	sadd.s32 s6, s29  }
0x831: {  	[tilespmem:s31], [sflag:$0x2] =	stream.linear.gather [hbm4b:s29+s3], $0x80, $0x38;
	[tilespmem:$0x17400] =	vst v63  }
0x832: {  	s30 =	sadd.s32 $0x80, s29;
	s31 =	sadd.s32 $0x8300, s28  }
0x833: {  	(v2sf) =	vpush v23, $0x8;
	[tilespmem:s31], [sflag:$0x2] =	stream.linear.gather [hbm4b:s30+s3], $0x80, $0x38;
	[tilespmem:$0x17400] =	vst v63  }
0x834: {  	s29 =	sadd.s32 $0x100, s29;
	s31 =	sadd.s32 $0x8700, s28  }
0x835: {  	[tilespmem:s31], [sflag:$0x2] =	stream.linear.gather [hbm4b:s29+s3], $0x80, $0x38;
	[tilespmem:$0x17400] =	vst v63  }
0x836: {  	s29 =	spop (v2sf)  }
0x837: {  	s31 =	sshrl.u32 s29, $0x3  }
0x838: {  	s29 =	sshll.u32 s29, $0x7;
	s30 =	smul.u32 $0xC00, s31  }
0x839: {  	s29 =	sand.u32 $0x380, s29  }
0x83a: {  	s29 =	sor.u32 s29, s30  }
0x83b: {  	s29 =	sshrl.u32 s29, $0x3  }
0x83c: {  	s31 =	sadd.s32 $0x7F80, s28;
	s29 =	sadd.s32 s6, s29  }
0x83d: {  	[tilespmem:s31], [sflag:$0x2] =	stream.linear.gather [hbm4b:s29+s3], $0x80, $0x38;
	[tilespmem:$0x17400] =	vst v63  }
0x83e: {  	s30 =	sadd.s32 $0x80, s29;
	s31 =	sadd.s32 $0x8380, s28  }
0x83f: {  	(v2sf) =	vpush v23, $0x9;
	[tilespmem:s31], [sflag:$0x2] =	stream.linear.gather [hbm4b:s30+s3], $0x80, $0x38;
	[tilespmem:$0x17400] =	vst v63  }
0x840: {  	s29 =	sadd.s32 $0x100, s29;
	s31 =	sadd.s32 $0x8780, s28  }
0x841: {  	[tilespmem:s31], [sflag:$0x2] =	stream.linear.gather [hbm4b:s29+s3], $0x80, $0x38;
	[tilespmem:$0x17400] =	vst v63  }
0x842: {  	s29 =	spop (v2sf)  }
0x843: {  	s31 =	sshrl.u32 s29, $0x3  }
0x844: {  	s29 =	sshll.u32 s29, $0x7;
	s30 =	smul.u32 $0xC00, s31  }
0x845: {  	s29 =	sand.u32 $0x380, s29  }
0x846: {  	s29 =	sor.u32 s29, s30  }
0x847: {  	s29 =	sshrl.u32 s29, $0x3  }
0x848: {  	s31 =	sadd.s32 $0x8800, s28;
	s29 =	sadd.s32 s6, s29  }
0x849: {  	[tilespmem:s31], [sflag:$0x2] =	stream.linear.gather [hbm4b:s29+s3], $0x80, $0x38;
	[tilespmem:$0x17400] =	vst v63  }
0x84a: {  	s30 =	sadd.s32 $0x80, s29;
	s31 =	sadd.s32 $0x8C00, s28  }
0x84b: {  	(v2sf) =	vpush v23, $0xA;
	[tilespmem:s31], [sflag:$0x2] =	stream.linear.gather [hbm4b:s30+s3], $0x80, $0x38;
	[tilespmem:$0x17400] =	vst v63  }
0x84c: {  	s29 =	sadd.s32 $0x100, s29;
	s31 =	sadd.s32 $0x9000, s28  }
0x84d: {  	[tilespmem:s31], [sflag:$0x2] =	stream.linear.gather [hbm4b:s29+s3], $0x80, $0x38;
	[tilespmem:$0x17400] =	vst v63  }
0x84e: {  	s29 =	spop (v2sf)  }
0x84f: {  	s31 =	sshrl.u32 s29, $0x3  }
0x850: {  	s29 =	sshll.u32 s29, $0x7;
	s30 =	smul.u32 $0xC00, s31  }
0x851: {  	s29 =	sand.u32 $0x380, s29  }
0x852: {  	s29 =	sor.u32 s29, s30  }
0x853: {  	s29 =	sshrl.u32 s29, $0x3  }
0x854: {  	s31 =	sadd.s32 $0x8880, s28;
	s29 =	sadd.s32 s6, s29  }
0x855: {  	[tilespmem:s31], [sflag:$0x2] =	stream.linear.gather [hbm4b:s29+s3], $0x80, $0x38;
	[tilespmem:$0x17400] =	vst v63  }
0x856: {  	s30 =	sadd.s32 $0x80, s29;
	s31 =	sadd.s32 $0x8C80, s28  }
0x857: {  	(v2sf) =	vpush v23, $0xB;
	[tilespmem:s31], [sflag:$0x2] =	stream.linear.gather [hbm4b:s30+s3], $0x80, $0x38;
	[tilespmem:$0x17400] =	vst v63  }
0x858: {  	s29 =	sadd.s32 $0x100, s29;
	s31 =	sadd.s32 $0x9080, s28  }
0x859: {  	[tilespmem:s31], [sflag:$0x2] =	stream.linear.gather [hbm4b:s29+s3], $0x80, $0x38;
	[tilespmem:$0x17400] =	vst v63  }
0x85a: {  	s29 =	spop (v2sf)  }
0x85b: {  	s31 =	sshrl.u32 s29, $0x3  }
0x85c: {  	s29 =	sshll.u32 s29, $0x7;
	s30 =	smul.u32 $0xC00, s31  }
0x85d: {  	s29 =	sand.u32 $0x380, s29  }
0x85e: {  	s29 =	sor.u32 s29, s30  }
0x85f: {  	s29 =	sshrl.u32 s29, $0x3  }
0x860: {  	s31 =	sadd.s32 $0x8900, s28;
	s29 =	sadd.s32 s6, s29  }
0x861: {  	[tilespmem:s31], [sflag:$0x2] =	stream.linear.gather [hbm4b:s29+s3], $0x80, $0x38;
	[tilespmem:$0x17400] =	vst v63  }
0x862: {  	s30 =	sadd.s32 $0x80, s29;
	s31 =	sadd.s32 $0x8D00, s28  }
0x863: {  	(v2sf) =	vpush v23, $0xC;
	[tilespmem:s31], [sflag:$0x2] =	stream.linear.gather [hbm4b:s30+s3], $0x80, $0x38;
	[tilespmem:$0x17400] =	vst v63  }
0x864: {  	s29 =	sadd.s32 $0x100, s29;
	s31 =	sadd.s32 $0x9100, s28  }
0x865: {  	[tilespmem:s31], [sflag:$0x2] =	stream.linear.gather [hbm4b:s29+s3], $0x80, $0x38;
	[tilespmem:$0x17400] =	vst v63  }
0x866: {  	s29 =	spop (v2sf)  }
0x867: {  	s31 =	sshrl.u32 s29, $0x3  }
0x868: {  	s29 =	sshll.u32 s29, $0x7;
	s30 =	smul.u32 $0xC00, s31  }
0x869: {  	s29 =	sand.u32 $0x380, s29  }
0x86a: {  	s29 =	sor.u32 s29, s30  }
0x86b: {  	s29 =	sshrl.u32 s29, $0x3  }
0x86c: {  	s31 =	sadd.s32 $0x8980, s28;
	s29 =	sadd.s32 s6, s29  }
0x86d: {  	[tilespmem:s31], [sflag:$0x2] =	stream.linear.gather [hbm4b:s29+s3], $0x80, $0x38;
	[tilespmem:$0x17400] =	vst v63  }
0x86e: {  	s30 =	sadd.s32 $0x80, s29;
	s31 =	sadd.s32 $0x8D80, s28  }
0x86f: {  	(v2sf) =	vpush v23, $0xD;
	[tilespmem:s31], [sflag:$0x2] =	stream.linear.gather [hbm4b:s30+s3], $0x80, $0x38;
	[tilespmem:$0x17400] =	vst v63  }
0x870: {  	s29 =	sadd.s32 $0x100, s29;
	s31 =	sadd.s32 $0x9180, s28  }
0x871: {  	[tilespmem:s31], [sflag:$0x2] =	stream.linear.gather [hbm4b:s29+s3], $0x80, $0x38;
	[tilespmem:$0x17400] =	vst v63  }
0x872: {  	s29 =	spop (v2sf)  }
0x873: {  	s31 =	sshrl.u32 s29, $0x3  }
0x874: {  	s29 =	sshll.u32 s29, $0x7;
	s30 =	smul.u32 $0xC00, s31  }
0x875: {  	s29 =	sand.u32 $0x380, s29  }
0x876: {  	s29 =	sor.u32 s29, s30  }
0x877: {  	s29 =	sshrl.u32 s29, $0x3  }
0x878: {  	s31 =	sadd.s32 $0x8A00, s28;
	s29 =	sadd.s32 s6, s29  }
0x879: {  	(v2sf) =	vpush v23, $0xE;
	[tilespmem:s31], [sflag:$0x2] =	stream.linear.gather [hbm4b:s29+s3], $0x80, $0x38;
	[tilespmem:$0x17400] =	vst v63  }
0x87a: {  	s30 =	sadd.s32 $0x80, s29;
	s31 =	sadd.s32 $0x8E00, s28  }
0x87b: {  	[tilespmem:s31], [sflag:$0x2] =	stream.linear.gather [hbm4b:s30+s3], $0x80, $0x38;
	[tilespmem:$0x17400] =	vst v63  }
0x87c: {  	s29 =	sadd.s32 $0x100, s29;
	s31 =	sadd.s32 $0x9200, s28  }
0x87d: {  	[tilespmem:s31], [sflag:$0x2] =	stream.linear.gather [hbm4b:s29+s3], $0x80, $0x38;
	[tilespmem:$0x17400] =	vst v63  }
0x87e: {  	s29 =	spop (v2sf)  }
0x87f: {  	s31 =	sshrl.u32 s29, $0x3  }
0x880: {  	s29 =	sshll.u32 s29, $0x7;
	s30 =	smul.u32 $0xC00, s31  }
0x881: {  	s29 =	sand.u32 $0x380, s29  }
0x882: {  	s29 =	sor.u32 s29, s30  }
0x883: {  	s29 =	sshrl.u32 s29, $0x3  }
0x884: {  	s31 =	sadd.s32 $0x8A80, s28;
	s29 =	sadd.s32 s6, s29  }
0x885: {  	[tilespmem:s31], [sflag:$0x2] =	stream.linear.gather [hbm4b:s29+s3], $0x80, $0x38;
	[tilespmem:$0x17400] =	vst v63  }
0x886: {  	(v2sf) =	vpush v23, $0xF;
	s30 =	sadd.s32 $0x80, s29;
	s31 =	sadd.s32 $0x8E80, s28  }
0x887: {  	[tilespmem:s31], [sflag:$0x2] =	stream.linear.gather [hbm4b:s30+s3], $0x80, $0x38;
	[tilespmem:$0x17400] =	vst v63  }
0x888: {  	s29 =	sadd.s32 $0x100, s29;
	s30 =	spop (v2sf);
	s31 =	sadd.s32 $0x9280, s28  }
0x889: {  	[tilespmem:s31], [sflag:$0x2] =	stream.linear.gather [hbm4b:s29+s3], $0x80, $0x38;
	[tilespmem:$0x17400] =	vst v63  }
0x88a: {  	s31 =	sshrl.u32 s30, $0x3  }
0x88b: {  	s30 =	sshll.u32 s30, $0x7;
	s29 =	smul.u32 $0xC00, s31  }
0x88c: {  	s30 =	sand.u32 $0x380, s30  }
0x88d: {  	s29 =	sor.u32 s30, s29  }
0x88e: {  	s29 =	sshrl.u32 s29, $0x3  }
0x88f: {  	s31 =	sadd.s32 $0x8B00, s28;
	s29 =	sadd.s32 s6, s29  }
0x890: {  	[tilespmem:s31], [sflag:$0x2] =	stream.linear.gather [hbm4b:s29+s3], $0x80, $0x38;
	[tilespmem:$0x17400] =	vst v63  }
0x891: {  	s30 =	sadd.s32 $0x80, s29;
	s31 =	sadd.s32 $0x8F00, s28  }
0x892: {  	[tilespmem:s31], [sflag:$0x2] =	stream.linear.gather [hbm4b:s30+s3], $0x80, $0x38;
	[tilespmem:$0x17400] =	vst v63  }
0x893: {  	s29 =	sadd.s32 $0x100, s29;
	s31 =	sadd.s32 $0x9300, s28  }
0x894: {  	[tilespmem:s31], [sflag:$0x2] =	stream.linear.gather [hbm4b:s29+s3], $0x80, $0x38;
	[tilespmem:$0x17400] =	vst v63  }
0x895: {  	s29 =	spop (v2sf)  }
0x896: {  	s31 =	sshrl.u32 s29, $0x3  }
0x897: {  	s29 =	sshll.u32 s29, $0x7;
	s30 =	smul.u32 $0xC00, s31  }
0x898: {  	s29 =	sand.u32 $0x380, s29  }
0x899: {  	s29 =	sor.u32 s29, s30  }
0x89a: {  	s29 =	sshrl.u32 s29, $0x3  }
0x89b: {  	p0 =	sne.s32 s24, $0x12000;
	s31 =	sadd.s32 $0x8B80, s28;
	s29 =	sadd.s32 s6, s29  }
0x89c: {  	[tilespmem:s31], [sflag:$0x2] =	stream.linear.gather [hbm4b:s29+s3], $0x80, $0x38;
	[tilespmem:$0x17400] =	vst v63  }
.Ltmp9:
0x89d: {  	_ = 	snop;
	(pc) =	sbr.rel @p0 .LBB2_13-.Ltmp9, $4  }
0x89e: {  	s26 =	sadd.s32 $0x10, s26;
	s30 =	sadd.s32 $0x80, s29;
	s31 =	sadd.s32 $0x8F80, s28  }
0x89f: {  	[tilespmem:s31], [sflag:$0x2] =	stream.linear.gather [hbm4b:s30+s3], $0x80, $0x38;
	[tilespmem:$0x17400] =	vst v63  }
0x8a0: {  	s24 =	sadd.s32 $0x6000, s24;
	s29 =	sadd.s32 $0x100, s29;
	s28 =	sadd.s32 $0x9380, s28  }
0x8a1: {  	[tilespmem:s28], [sflag:$0x2] =	stream.linear.gather [hbm4b:s29+s3], $0x80, $0x38;
	[tilespmem:$0x17400] =	vst v63  }
.Ltmp10:
0x8a2: {  	(pc) =	sbr.rel .LBB2_6-.Ltmp10, $2  }
0x8a3: {  	_ =	sdelay $0x2  }
0x8a4: {  	s21 =	sadd.s32 $0x1, s21;
	s22 =	sadd.s32 $0x80, s22;
	s23 =	sadd.s32 $0x80, s23  }
.LBB2_16:
0x8a5: {  	_ =	sfence.sel $0x180000  }
0x8a6: {  	[bflag:$0x0] =	sbarrier.arrive $0xFFFF  }
0x8a7: {  	_ =	strace $0x90000047  }
0x8a8: {  	s0 =	stileid.u32;
	[bflag:$0x2] =	sbarrier.arrive $0xFFFF  }
0x8a9: {  	p0 =	sne.s32 s0, $0x0;
	s0 =	rddreg [dreg:$0x3]  }
0x8aa: {  	s0 =	sadd.s32 @!p0 $0x100000, s0  }
0x8ab: {  	[sflag:s0] =	ssyncadd.tile.s32 @!p0 $0x1;
	_ =	shalt  }
.Lfunc_end2:
_tile_overlayer_lowered:
.L_overlay_start_2:
0x8ac: {  	(tag) =	ssettag $0x2  }
0x8ad: {  	s0 =	rddreg [dreg:$0x0];
	s2 =	stileid.u32  }
0x8ae: {  	s1 =	rddreg [dreg:$0x1];
	p0 =	sne.s32 s2, $0x0  }
0x8af: {  	s3 =	rddreg [dreg:$0x2];
	[bflag:$0x3] =	sbarrier.arrive $0xFFFF;
	s2 =	simm.s32 @!p0 $0x1C04  }
0x8b0: {  	[timem:s3], [sflag:s2] =	dma.local @!p0 [hbm:s0], s1  }
0x8b1: {  	s0 =	simm.s32 @!p0 $0x4  }
0x8b2: {  	_ =	swait.ge @!p0 [sflag:s0], s1  }
0x8b3: {  	s1 =	ssub.s32 @!p0 $0x0, s1;
	[sflag:s0] =	ssyncset.done @!p0 $0x0  }
0x8b4: {  	[sflag:s0] =	ssyncadd.s32 @!p0 s1  }
0x8b5: {  	[bflag:$0x3] =	sbarrier.arrive $0xFFFF  }
0x8b6: {  	_ =	shalt  }

</sc_bundles>
